<compile_context>
chip_gen: v7x
topology: tpu7x:2x2x1
jax: 0.10.2.dev20260603
libtpu: 0.0.44.dev20260713+nightly
codegen_flags: <defaults>
</compile_context>

<pallas_src>
import functools

import jax
import jax.numpy as jnp
from jax import lax
from jax.experimental import pallas as pl
from jax.experimental.pallas import tpu as pltpu
from jax.experimental.pallas import tpu_sc as plsc

N = 10000
NP = 10240
E = 320000
K_IT = 10
ALPHA = 0.1
D1 = 64
D2 = 40
D2P = 48
RT = NP // 16
ET = E // 16
CH = 128
NCH = ET // CH
TAIL = ET - NCH * CH
ETD = E // 32
NCHD = ETD // CH
TAILD = ETD - NCHD * CH

_SC_PARAMS = pltpu.CompilerParams(use_tc_tiling_on_sc=False)


@functools.cache
def _mesh():
    return plsc.VectorSubcoreMesh(core_axis_name="c", subcore_axis_name="s")


def _zero_vmem(buf, n):
    z = jnp.zeros((16,), jnp.float32)

    def body(i, _):
        buf[pl.ds(i * 16, 16)] = z
        return 0

    lax.fori_loop(0, n // 16, body, 0)


def _deg_body(dst_hbm, out_hbm, dd0, dd1, dd2, idx_t, ones_v, ones_t,
              si0, si1, si2, sc0, sc1, sc2, acc, zbuf):
    c = lax.axis_index("c")
    s = lax.axis_index("s")
    dd = [dd0, dd1, dd2]
    semid = [si0, si1, si2]
    sems = [sc0, sc1, sc2]

    _zero_vmem(zbuf, RT)
    o = jnp.ones((16,), jnp.float32)

    def fill(i, _):
        ones_v[pl.ds(i * 16, 16)] = o
        return 0

    lax.fori_loop(0, CH // 16, fill, 0)

    def fill_t(i, _):
        ones_t[pl.ds(i * 16, 16)] = o
        return 0

    lax.fori_loop(0, TAILD // 16, fill_t, 0)

    pltpu.sync_copy(zbuf, acc.at[pl.ds(s * RT, RT)])
    plsc.subcore_barrier()

    ebase = (s * 2 + c) * ETD
    ntri = NCHD // 3

    for k in range(3):
        pltpu.async_copy(dst_hbm.at[pl.ds(ebase + k * CH, CH)], dd[k],
                         semid[k])

    def tri(u, _):
        c0 = ebase + (3 * u) * CH
        for k in range(3):
            pltpu.make_async_copy(dst_hbm.at[pl.ds(c0, CH)], dd[k],
                                  semid[k]).wait()
            pltpu.async_copy(ones_v, acc.at[dd[k]], sems[k], add=True)
        for k in range(3):
            pltpu.make_async_copy(ones_v, acc.at[dd[k]], sems[k]).wait()

            @pl.when(u < ntri - 1)
            def _():
                pltpu.async_copy(dst_hbm.at[pl.ds(c0 + (3 + k) * CH, CH)],
                                 dd[k], semid[k])

        return 0

    lax.fori_loop(0, ntri, tri, 0)
    pltpu.sync_copy(dst_hbm.at[pl.ds(ebase + NCHD * CH, TAILD)], idx_t)
    pltpu.sync_copy(ones_t, acc.at[idx_t], add=True)
    plsc.subcore_barrier()

    pltpu.sync_copy(acc.at[pl.ds(s * RT, RT)], out_hbm.at[c, pl.ds(s * RT, RT)])


@functools.cache
def _deg_partials():
    return pl.kernel(
    _deg_body,
    out_type=jax.ShapeDtypeStruct((2, NP), jnp.float32),
    mesh=_mesh(),
    scratch_types=[
        pltpu.VMEM((CH,), jnp.int32),
        pltpu.VMEM((CH,), jnp.int32),
        pltpu.VMEM((CH,), jnp.int32),
        pltpu.VMEM((TAILD,), jnp.int32),
        pltpu.VMEM((CH,), jnp.float32),
        pltpu.VMEM((TAILD,), jnp.float32),
        pltpu.SemaphoreType.DMA,
        pltpu.SemaphoreType.DMA,
        pltpu.SemaphoreType.DMA,
        pltpu.SemaphoreType.DMA,
        pltpu.SemaphoreType.DMA,
        pltpu.SemaphoreType.DMA,
        pltpu.VMEM_SHARED((NP,), jnp.float32),
        pltpu.VMEM((RT,), jnp.float32),
    ],
    compiler_params=_SC_PARAMS,
    )


_BLK = 640


def _mlp_body(x_ref, w1_ref, b1_ref, w2_ref, b2_ref, degp_ref,
              z01_ref, z02_ref, g1_ref, g2_ref, d16_ref):
    xb = x_ref[...]
    h = lax.dot_general(xb, w1_ref[...], (((1,), (1,)), ((), ())),
                        preferred_element_type=jnp.float32)
    h = jnp.maximum(h + b1_ref[...], 0.0)
    h2 = lax.dot_general(h, w2_ref[...], (((1,), (1,)), ((), ())),
                         preferred_element_type=jnp.float32)
    h2 = h2 + b2_ref[...]
    h2p = jnp.concatenate(
        [h2, jnp.zeros((_BLK, D2P - D2), jnp.float32)], axis=1)
    h2w = jnp.concatenate(
        [h2, jnp.zeros((_BLK, D1 - D2), jnp.float32)], axis=1)
    deg = 1.0 + degp_ref[0, :] + degp_ref[1, :]
    dis = lax.rsqrt(deg).reshape(_BLK, 1)
    z01_ref[...] = ALPHA * h
    z02_ref[...] = ALPHA * h2w
    g1_ref[...] = dis * h
    g2_ref[...] = dis * h2p
    d16_ref[...] = jnp.broadcast_to(dis, (_BLK, 16))


def _mlp(x, W1, b1, W2, b2, degp):
    n_blk = NP // _BLK
    return pl.pallas_call(
        _mlp_body,
        grid=(n_blk,),
        in_specs=[
            pl.BlockSpec((_BLK, 128), lambda i: (i, 0)),
            pl.BlockSpec((D1, 128), lambda i: (0, 0)),
            pl.BlockSpec((1, D1), lambda i: (0, 0)),
            pl.BlockSpec((D2, D1), lambda i: (0, 0)),
            pl.BlockSpec((1, D2), lambda i: (0, 0)),
            pl.BlockSpec((2, _BLK), lambda i: (0, i)),
        ],
        out_specs=[
            pl.BlockSpec((_BLK, D1), lambda i: (i, 0)),
            pl.BlockSpec((_BLK, D1), lambda i: (i, 0)),
            pl.BlockSpec((_BLK, D1), lambda i: (i, 0)),
            pl.BlockSpec((_BLK, D2P), lambda i: (i, 0)),
            pl.BlockSpec((_BLK, 16), lambda i: (i, 0)),
        ],
        out_shape=[
            jax.ShapeDtypeStruct((NP, D1), jnp.float32),
            jax.ShapeDtypeStruct((NP, D1), jnp.float32),
            jax.ShapeDtypeStruct((NP, D1), jnp.float32),
            jax.ShapeDtypeStruct((NP, D2P), jnp.float32),
            jax.ShapeDtypeStruct((NP, 16), jnp.float32),
        ],
    )(x, W1, b1, W2, b2, degp)


def _scatter_phase(src_hbm, dst_hbm, g_hbm, acc,
                   ss, dd, rr, semg, sems, semis, semid, semt,
                   sbuf_t, dbuf_t, rows_t, ebase):
    ntri = NCH // 3
    toff = ebase + NCH * CH

    pltpu.async_copy(src_hbm.at[pl.ds(toff, TAIL)], sbuf_t, semt)
    pltpu.async_copy(dst_hbm.at[pl.ds(toff, TAIL)], dbuf_t, semt)
    for k in range(3):
        off = ebase + k * CH
        pltpu.async_copy(src_hbm.at[pl.ds(off, CH)], ss[k], semis[k])
        pltpu.async_copy(dst_hbm.at[pl.ds(off, CH)], dd[k], semid[k])
    for k in range(3):
        off = ebase + k * CH
        pltpu.make_async_copy(src_hbm.at[pl.ds(off, CH)], ss[k],
                              semis[k]).wait()
        pltpu.async_copy(g_hbm.at[ss[k]], rr[k], semg[k])
    pltpu.make_async_copy(src_hbm.at[pl.ds(toff, TAIL)], sbuf_t, semt).wait()
    pltpu.make_async_copy(dst_hbm.at[pl.ds(toff, TAIL)], dbuf_t, semt).wait()
    pltpu.async_copy(g_hbm.at[sbuf_t], rows_t, semt)

    def tri(u, _):
        c0 = ebase + (3 * u) * CH

        for k in range(3):
            pltpu.make_async_copy(g_hbm.at[ss[k]], rr[k], semg[k]).wait()

            @pl.when(u < ntri - 1)
            def _():
                pltpu.async_copy(src_hbm.at[pl.ds(c0 + (3 + k) * CH, CH)],
                                 ss[k], semis[k])

            pltpu.make_async_copy(dst_hbm.at[pl.ds(c0, CH)], dd[k],
                                  semid[k]).wait()
            pltpu.async_copy(rr[k], acc.at[dd[k]], sems[k], add=True)

        for k in range(3):
            pltpu.make_async_copy(rr[k], acc.at[dd[k]], sems[k]).wait()

            @pl.when(u < ntri - 1)
            def _():
                off = c0 + (3 + k) * CH
                pltpu.async_copy(dst_hbm.at[pl.ds(off, CH)], dd[k], semid[k])
                pltpu.make_async_copy(src_hbm.at[pl.ds(off, CH)], ss[k],
                                      semis[k]).wait()
                pltpu.async_copy(g_hbm.at[ss[k]], rr[k], semg[k])

        return 0

    lax.fori_loop(0, ntri, tri, 0)
    pltpu.make_async_copy(g_hbm.at[sbuf_t], rows_t, semt).wait()
    pltpu.sync_copy(rows_t, acc.at[dbuf_t], add=True)


def _combine_rows(a, z, d16c, d, is_last):
    def row(r, _):
        vdis = d16c[r, :]
        for cc in range(d // 16):
            va = a[r, pl.ds(cc * 16, 16)]
            vz = z[r, pl.ds(cc * 16, 16)]
            vh = (1.0 - ALPHA) * (vdis * va) + vz
            vg = vdis * vh
            a[r, pl.ds(cc * 16, 16)] = jnp.where(is_last, vh, vg)
        return 0

    lax.fori_loop(0, CH, row, 0)


def _combine_phase(acc, z0_hbm, d16_hbm, g_hbm, ab, zb, d16c,
                   semz, semst, semse, rbase, is_last, d):
    nc = RT // CH
    pltpu.async_copy(z0_hbm.at[pl.ds(rbase, CH)], zb[0], semz[0])
    for j in range(nc):
        a = ab[j % 2]
        z = zb[j % 2]
        ro = rbase + j * CH
        if j >= 2:
            po = ro - 2 * CH
            pltpu.make_async_copy(a, g_hbm.at[pl.ds(po, CH)],
                                  semst[j % 2]).wait()
            pltpu.make_async_copy(a, acc.at[pl.ds(po, CH)],
                                  semse[j % 2]).wait()
        pltpu.sync_copy(acc.at[pl.ds(ro, CH)], a)
        if j < nc - 1:
            pltpu.async_copy(z0_hbm.at[pl.ds(ro + CH, CH)],
                             zb[(j + 1) % 2], semz[(j + 1) % 2])
        pltpu.sync_copy(d16_hbm.at[pl.ds(ro, CH)], d16c)
        pltpu.make_async_copy(z0_hbm.at[pl.ds(ro, CH)], z, semz[j % 2]).wait()
        _combine_rows(a, z, d16c, d, is_last)
        pltpu.async_copy(a, g_hbm.at[pl.ds(ro, CH)], semst[j % 2])
        pltpu.async_copy(a, acc.at[pl.ds(ro, CH)], semse[j % 2])
    for j in (nc - 2, nc - 1):
        ro = rbase + j * CH
        pltpu.make_async_copy(ab[j % 2], g_hbm.at[pl.ds(ro, CH)],
                              semst[j % 2]).wait()
        pltpu.make_async_copy(ab[j % 2], acc.at[pl.ds(ro, CH)],
                              semse[j % 2]).wait()


def _appnp_body(src_hbm, dst_hbm, z01_hbm, z02_hbm, g1_hbm, g2_hbm, d16_hbm,
                out1_hbm, out2_hbm,
                ss0, ss1, ss2, dd0, dd1, dd2,
                rA0, rA1, rA2, rB0, rB1, rB2, bufC,
                sbuf_t, dbuf_t, rows1_t, rows2_t, d16c,
                sg0, sg1, sg2, sc0, sc1, sc2,
                sis0, sis1, sis2, sid0, sid1, sid2, semt,
                sz0, sz1, sst0, sst1, sse0, sse1,
                acc1, acc2):
    ss = [ss0, ss1, ss2]
    dd = [dd0, dd1, dd2]
    rA = [rA0, rA1, rA2]
    rB = [rB0, rB1, rB2]
    semg = [sg0, sg1, sg2]
    sems = [sc0, sc1, sc2]
    semis = [sis0, sis1, sis2]
    semid = [sid0, sid1, sid2]
    semz = [sz0, sz1]
    semst = [sst0, sst1]
    semse = [sse0, sse1]
    zb = [rA2, bufC]
    c = lax.axis_index("c")
    s = lax.axis_index("s")
    rbase = s * RT
    ebase = s * ET
    on0 = c == 0
    on1 = c == 1

    @pl.when(on0)
    def _():
        def rchunk(j, _):
            ro = rbase + j * CH
            pltpu.sync_copy(g1_hbm.at[pl.ds(ro, CH)], rA0)
            pltpu.sync_copy(rA0, out1_hbm.at[pl.ds(ro, CH)])
            pltpu.sync_copy(rA0, acc1.at[pl.ds(ro, CH)])
            return 0

        lax.fori_loop(0, RT // CH, rchunk, 0)

    @pl.when(on1)
    def _():
        def rchunk(j, _):
            ro = rbase + j * CH
            pltpu.sync_copy(g2_hbm.at[pl.ds(ro, CH)], rB0)
            pltpu.sync_copy(rB0, out2_hbm.at[pl.ds(ro, CH)])
            pltpu.sync_copy(rB0, acc2.at[pl.ds(ro, CH)])
            return 0

        lax.fori_loop(0, RT // CH, rchunk, 0)

    def iteration(it, _):
        is_last = it == (K_IT - 1)
        plsc.subcore_barrier()

        @pl.when(on0)
        def _():
            _scatter_phase(src_hbm, dst_hbm, out1_hbm, acc1,
                           ss, dd, rA, semg, sems, semis, semid, semt,
                           sbuf_t, dbuf_t, rows1_t, ebase)

        @pl.when(on1)
        def _():
            _scatter_phase(src_hbm, dst_hbm, out2_hbm, acc2,
                           ss, dd, rB, semg, sems, semis, semid, semt,
                           sbuf_t, dbuf_t, rows2_t, ebase)

        plsc.subcore_barrier()

        @pl.when(on0)
        def _():
            _combine_phase(acc1, z01_hbm, d16_hbm, out1_hbm, [rA0, rA1],
                           zb, d16c, semz, semst, semse, rbase, is_last, D1)

        @pl.when(on1)
        def _():
            _combine_phase(acc2, z02_hbm, d16_hbm, out2_hbm, [rB0, rB1],
                           zb, d16c, semz, semst, semse, rbase, is_last, D2P)

        return 0

    lax.fori_loop(0, K_IT, iteration, 0)


@functools.cache
def _appnp():
    return pl.kernel(
    _appnp_body,
    out_type=(
        jax.ShapeDtypeStruct((NP, D1), jnp.float32),
        jax.ShapeDtypeStruct((NP, D2P), jnp.float32),
    ),
    mesh=_mesh(),
    scratch_types=(
        [pltpu.VMEM((CH,), jnp.int32)] * 6
        + [pltpu.VMEM((CH, D1), jnp.float32)] * 3
        + [pltpu.VMEM((CH, D2P), jnp.float32)] * 3
        + [pltpu.VMEM((CH, D1), jnp.float32)]
        + [
            pltpu.VMEM((TAIL,), jnp.int32),
            pltpu.VMEM((TAIL,), jnp.int32),
            pltpu.VMEM((TAIL, D1), jnp.float32),
            pltpu.VMEM((TAIL, D2P), jnp.float32),
            pltpu.VMEM((CH, 16), jnp.float32),
        ]
        + [pltpu.SemaphoreType.DMA] * 19
        + [
            pltpu.VMEM_SHARED((NP, D1), jnp.float32),
            pltpu.VMEM_SHARED((NP, D2P), jnp.float32),
        ]
    ),
    compiler_params=_SC_PARAMS,
    )


def kernel(x, edge_index, W1, b1, W2, b2):
    src = edge_index[0].astype(jnp.int32)
    dst = edge_index[1].astype(jnp.int32)
    xp = jnp.pad(x, ((0, NP - N), (0, 0)))
    degp = _deg_partials()(dst)
    z01, z02, g1, g2, d16 = _mlp(xp, W1, b1.reshape(1, D1), W2,
                                 b2.reshape(1, D2), degp)
    out1p, out2p = _appnp()(src, dst, z01, z02, g1, g2, d16)
    return (x, out1p[:N], out2p[:N, :D2])

# --- scband reference (transcript-rebuilt; emitter-appended) ---
"""Pipeline reference for scband-appnp-52209622450205 (READ-ONLY COPY).

The authoritative reference and input builder live on the scoring server;
editing this copy changes nothing except your own understanding.
"""

import jax, jax.numpy as jnp
import numpy as np

N_NODES = 10000
K_ITERS = 10
ALPHA = 0.1


def setup_inputs(seed: int = 0) -> dict:
    key = jax.random.key(seed)
    k1, k2, k3, k4, k5, k6 = jax.random.split(key, 6)
    x = jax.random.normal(k1, (N_NODES, 128), dtype=jnp.float32)
    edge_index = jax.random.randint(k2, (2, 320000), 0, N_NODES, dtype=jnp.int64)
    # Linear layer weights, torch convention: weight[out, in]
    W1 = jax.random.normal(k3, (64, 128), dtype=jnp.float32) * 0.05
    b1 = jnp.zeros((64,), dtype=jnp.float32)
    W2 = jax.random.normal(k4, (40, 64), dtype=jnp.float32) * 0.05
    b2 = jnp.zeros((40,), dtype=jnp.float32)
    return {"x": x, "edge_index": edge_index, "W1": W1, "b1": b1, "W2": W2, "b2": b2}


def _appnp_propagate(x, src, dst, n_nodes, k_iters, alpha):
    # add self loops
    loop = jnp.arange(n_nodes, dtype=src.dtype)
    src_sl = jnp.concatenate([src, loop])
    dst_sl = jnp.concatenate([dst, loop])
    # symmetric normalization: D^-1/2 A_hat D^-1/2
    ones = jnp.ones_like(src_sl, dtype=x.dtype)
    deg = jax.ops.segment_sum(ones, dst_sl, num_segments=n_nodes)
    deg_inv_sqrt = jnp.where(deg > 0, jax.lax.rsqrt(deg), 0.0)
    norm = deg_inv_sqrt[src_sl] * deg_inv_sqrt[dst_sl]
    h = x
    for _ in range(k_iters):
        msgs = norm[:, None] * h[src_sl]
        agg = jax.ops.segment_sum(msgs, dst_sl, num_segments=n_nodes)
        h = (1.0 - alpha) * agg + alpha * x
    return h


def reference(x, edge_index, W1, b1, W2, b2):
    src = edge_index[0]
    dst = edge_index[1]
    embeddings = [x]
    # conv 1 (linear with spectral norm -> plain linear for reference) + activation
    h = jax.nn.relu(x @ W1.T + b1)
    # store_diffused_features=True: diffuse intermediate embedding
    embeddings.append(_appnp_propagate(h, src, dst, N_NODES, K_ITERS, ALPHA))
    # conv 2 (output layer, no activation)
    h2 = h @ W2.T + b2
    # final APPNP diffusion
    out = _appnp_propagate(h2, src, dst, N_NODES, K_ITERS, ALPHA)
    embeddings.append(out)
    return tuple(embeddings)

if __name__ == "__main__":
    import jax
    _d = setup_inputs()
    print(jax.jit(kernel)(*tuple(_d.values())))

</pallas_src>

<mosaic_0001>
#map = affine_map<(d0, d1) -> (0)>
#map1 = affine_map<(d0, d1) -> (0, 0)>
module attributes {stable_mosaic.version = 14 : i64} {
  func.func @_deg_body(%arg0: i32, %arg1: i32, %arg2: memref<320000xi32, #tpu.memory_space<hbm>>, %arg3: memref<2x10240xf32, #tpu.memory_space<hbm>>, %arg4: memref<128xi32, #tpu.memory_space<vmem>>, %arg5: memref<128xi32, #tpu.memory_space<vmem>>, %arg6: memref<128xi32, #tpu.memory_space<vmem>>, %arg7: memref<16xi32, #tpu.memory_space<vmem>>, %arg8: memref<128xf32, #tpu.memory_space<vmem>>, %arg9: memref<16xf32, #tpu.memory_space<vmem>>, %arg10: memref<!tpu.dma_semaphore, #tpu.memory_space<semaphore_mem>>, %arg11: memref<!tpu.dma_semaphore, #tpu.memory_space<semaphore_mem>>, %arg12: memref<!tpu.dma_semaphore, #tpu.memory_space<semaphore_mem>>, %arg13: memref<!tpu.dma_semaphore, #tpu.memory_space<semaphore_mem>>, %arg14: memref<!tpu.dma_semaphore, #tpu.memory_space<semaphore_mem>>, %arg15: memref<!tpu.dma_semaphore, #tpu.memory_space<semaphore_mem>>, %arg16: memref<10240xf32, #tpu.memory_space<vmem_shared>>, %arg17: memref<640xf32, #tpu.memory_space<vmem>>) attributes {dimension_semantics = [#tpu.dimension_semantics<core_parallel>, #tpu.dimension_semantics<subcore_parallel>], iteration_bounds = array<i64: 2, 16>, scalar_prefetch = 0 : i64, scratch_operands = 14 : i64, tpu.core_type = #tpu.core_type<sc_vector_subcore>, window_params = [{transform_indices = #map}, {transform_indices = #map1}]} {
    %broadcast_in_dim3A = arith.constant 0.000000e+00 : f32
    %broadcast_in_dim3A_0 = vector.broadcast %broadcast_in_dim3A : f32 to vector<16xf32>
    %scan3A = arith.constant 0 : i32
    %scan3A_1 = arith.constant 0 : i32
    %scan3A_2 = arith.constant 40 : i32
    %scan3A_3 = arith.addi %scan3A_1, %scan3A_2 : i32
    %scan3A_4 = arith.constant 1 : i32
    %scan3A_5 = scf.for %scan3A_55 = %scan3A_1 to %scan3A_3 step %scan3A_4 iter_args(%scan3A_56 = %scan3A) -> (i32)  : i32 {
      %mul3A_57 = arith.constant 16 : i32
      %mul3A_58 = arith.muli %scan3A_55, %mul3A_57 : i32
      %swap3A_59 = arith.index_cast %mul3A_58 : i32 to index
      %swap3A_60 = tpu.vector_load %arg17[%swap3A_59] {strides = array<i32>} : memref<640xf32, #tpu.memory_space<vmem>>, vector<16xf32>,
      %swap3A_61 = vector.shape_cast %swap3A_60 : vector<16xf32> to vector<16xf32>
      %swap3A_62 = vector.shape_cast %broadcast_in_dim3A_0 : vector<16xf32> to vector<16xf32>
      tpu.vector_store %arg17[%swap3A_59], %swap3A_62 {strides = array<i32>} : memref<640xf32, #tpu.memory_space<vmem>>, vector<16xf32>,
      %scan3A_63 = arith.constant 0 : i32
      scf.yield %scan3A_63 : i32
    }
    %scan3A_6 = arith.constant 40 : i32
    %broadcast_in_dim3A_7 = arith.constant 1.000000e+00 : f32
    %broadcast_in_dim3A_8 = vector.broadcast %broadcast_in_dim3A_7 : f32 to vector<16xf32>
    %scan3A_9 = arith.constant 0 : i32
    %scan3A_10 = arith.constant 0 : i32
    %scan3A_11 = arith.constant 8 : i32
    %scan3A_12 = arith.addi %scan3A_10, %scan3A_11 : i32
    %scan3A_13 = arith.constant 1 : i32
    %scan3A_14 = scf.for %scan3A_55 = %scan3A_10 to %scan3A_12 step %scan3A_13 iter_args(%scan3A_56 = %scan3A_9) -> (i32)  : i32 {
      %mul3A_57 = arith.constant 16 : i32
      %mul3A_58 = arith.muli %scan3A_55, %mul3A_57 : i32
      %swap3A_59 = arith.index_cast %mul3A_58 : i32 to index
      %swap3A_60 = tpu.vector_load %arg8[%swap3A_59] {strides = array<i32>} : memref<128xf32, #tpu.memory_space<vmem>>, vector<16xf32>,
      %swap3A_61 = vector.shape_cast %swap3A_60 : vector<16xf32> to vector<16xf32>
      %swap3A_62 = vector.shape_cast %broadcast_in_dim3A_8 : vector<16xf32> to vector<16xf32>
      tpu.vector_store %arg8[%swap3A_59], %swap3A_62 {strides = array<i32>} : memref<128xf32, #tpu.memory_space<vmem>>, vector<16xf32>,
      %scan3A_63 = arith.constant 0 : i32
      scf.yield %scan3A_63 : i32
    }
    %scan3A_15 = arith.constant 8 : i32
    %scan3A_16 = arith.constant 0 : i32
    %scan3A_17 = arith.constant 0 : i32
    %mul3A = arith.constant 16 : i32
    %mul3A_18 = arith.muli %scan3A_17, %mul3A : i32
    %swap3A = arith.index_cast %mul3A_18 : i32 to index
    %swap3A_19 = tpu.vector_load %arg9[%swap3A] {strides = array<i32>} : memref<16xf32, #tpu.memory_space<vmem>>, vector<16xf32>,
    %swap3A_20 = vector.shape_cast %swap3A_19 : vector<16xf32> to vector<16xf32>
    %swap3A_21 = vector.shape_cast %broadcast_in_dim3A_8 : vector<16xf32> to vector<16xf32>
    tpu.vector_store %arg9[%swap3A], %swap3A_21 {strides = array<i32>} : memref<16xf32, #tpu.memory_space<vmem>>, vector<16xf32>,
    %scan3A_22 = arith.constant 0 : i32
    %scan3A_23 = arith.constant 1 : i32
    %mul3A_24 = arith.constant 640 : i32
    %mul3A_25 = arith.muli %arg1, %mul3A_24 : i32
    "tpu.region"() ({
      %run_scoped3A = tpu.sem_alloc : memref<!tpu.dma_semaphore, #tpu.memory_space<semaphore_mem>>
      %dma_start3A_55 = tpu.memref_slice %arg16[%mul3A_25] : memref<10240xf32, #tpu.memory_space<vmem_shared>> -> memref<640xf32, #tpu.memory_space<vmem_shared>>
      %dma_start3A_56 = tpu.memref_slice %arg16[%mul3A_25] : memref<10240xf32, #tpu.memory_space<vmem_shared>> -> memref<640xf32, #tpu.memory_space<vmem_shared>>
      tpu.enqueue_dma source(%arg17 : memref<640xf32, #tpu.memory_space<vmem>>) target(%dma_start3A_56 : memref<640xf32, #tpu.memory_space<vmem_shared>>) target_semaphore(%run_scoped3A : memref<!tpu.dma_semaphore, #tpu.memory_space<semaphore_mem>>)
      %dma_wait3A = tpu.memref_slice %arg16[%mul3A_25] : memref<10240xf32, #tpu.memory_space<vmem_shared>> -> memref<640xf32, #tpu.memory_space<vmem_shared>>
      %dma_wait3A_57 = tpu.memref_slice %arg16[%mul3A_25] : memref<10240xf32, #tpu.memory_space<vmem_shared>> -> memref<640xf32, #tpu.memory_space<vmem_shared>>
      tpu.wait_dma2 semaphore(%run_scoped3A : memref<!tpu.dma_semaphore, #tpu.memory_space<semaphore_mem>>) src(%arg17 : memref<640xf32, #tpu.memory_space<vmem>>) dst(%dma_wait3A_57 : memref<640xf32, #tpu.memory_space<vmem_shared>>)
      tpu.yield
    }) : () -> ()
    %barrier3A = arith.constant 0 : index
    tpu.barrier barrier_id(%barrier3A)
    %mul3A_26 = arith.constant 2 : i32
    %mul3A_27 = arith.muli %arg1, %mul3A_26 : i32
    %add3A = arith.addi %mul3A_27, %arg0 : i32
    %mul3A_28 = arith.constant 10000 : i32
    %mul3A_29 = arith.muli %add3A, %mul3A_28 : i32
    %add3A_30 = arith.constant 0 : i32
    %add3A_31 = arith.addi %mul3A_29, %add3A_30 : i32
    %dma_start3A = tpu.memref_slice %arg2[%add3A_31] : memref<320000xi32, #tpu.memory_space<hbm>> -> memref<128xi32, #tpu.memory_space<hbm>>
    %dma_start3A_32 = tpu.memref_slice %arg2[%add3A_31] : memref<320000xi32, #tpu.memory_space<hbm>> -> memref<128xi32, #tpu.memory_space<hbm>>
    tpu.enqueue_dma source(%dma_start3A_32 : memref<128xi32, #tpu.memory_space<hbm>>) target(%arg4 : memref<128xi32, #tpu.memory_space<vmem>>) target_semaphore(%arg10 : memref<!tpu.dma_semaphore, #tpu.memory_space<semaphore_mem>>)
    %add3A_33 = arith.constant 128 : i32
    %add3A_34 = arith.addi %mul3A_29, %add3A_33 : i32
    %dma_start3A_35 = tpu.memref_slice %arg2[%add3A_34] : memref<320000xi32, #tpu.memory_space<hbm>> -> memref<128xi32, #tpu.memory_space<hbm>>
    %dma_start3A_36 = tpu.memref_slice %arg2[%add3A_34] : memref<320000xi32, #tpu.memory_space<hbm>> -> memref<128xi32, #tpu.memory_space<hbm>>
    tpu.enqueue_dma source(%dma_start3A_36 : memref<128xi32, #tpu.memory_space<hbm>>) target(%arg5 : memref<128xi32, #tpu.memory_space<vmem>>) target_semaphore(%arg11 : memref<!tpu.dma_semaphore, #tpu.memory_space<semaphore_mem>>)
    %add3A_37 = arith.constant 256 : i32
    %add3A_38 = arith.addi %mul3A_29, %add3A_37 : i32
    %dma_start3A_39 = tpu.memref_slice %arg2[%add3A_38] : memref<320000xi32, #tpu.memory_space<hbm>> -> memref<128xi32, #tpu.memory_space<hbm>>
    %dma_start3A_40 = tpu.memref_slice %arg2[%add3A_38] : memref<320000xi32, #tpu.memory_space<hbm>> -> memref<128xi32, #tpu.memory_space<hbm>>
    tpu.enqueue_dma source(%dma_start3A_40 : memref<128xi32, #tpu.memory_space<hbm>>) target(%arg6 : memref<128xi32, #tpu.memory_space<vmem>>) target_semaphore(%arg12 : memref<!tpu.dma_semaphore, #tpu.memory_space<semaphore_mem>>)
    %scan3A_41 = arith.constant 0 : i32
    %scan3A_42 = arith.constant 0 : i32
    %scan3A_43 = arith.constant 26 : i32
    %scan3A_44 = arith.addi %scan3A_42, %scan3A_43 : i32
    %scan3A_45 = arith.constant 1 : i32
    %scan3A_46 = scf.for %scan3A_55 = %scan3A_42 to %scan3A_44 step %scan3A_45 iter_args(%scan3A_56 = %scan3A_41) -> (i32)  : i32 {
      %mul3A_57 = arith.constant 3 : i32
      %mul3A_58 = arith.muli %mul3A_57, %scan3A_55 : i32
      %mul3A_59 = arith.constant 128 : i32
      %mul3A_60 = arith.muli %mul3A_58, %mul3A_59 : i32
      %add3A_61 = arith.addi %mul3A_29, %mul3A_60 : i32
      %dma_wait3A = tpu.memref_slice %arg2[%add3A_61] : memref<320000xi32, #tpu.memory_space<hbm>> -> memref<128xi32, #tpu.memory_space<hbm>>
      %dma_wait3A_62 = tpu.memref_slice %arg2[%add3A_61] : memref<320000xi32, #tpu.memory_space<hbm>> -> memref<128xi32, #tpu.memory_space<hbm>>
      tpu.wait_dma2 semaphore(%arg10 : memref<!tpu.dma_semaphore, #tpu.memory_space<semaphore_mem>>) src(%dma_wait3A_62 : memref<128xi32, #tpu.memory_space<hbm>>) dst(%arg4 : memref<128xi32, #tpu.memory_space<vmem>>)
      %dma_start3A_63 = arith.constant 0 : i32
      %dma_start3A_64 = tpu.memref_slice %arg16[%dma_start3A_63] : memref<10240xf32, #tpu.memory_space<vmem_shared>> -> memref<10240xf32, #tpu.memory_space<vmem_shared>>
      tpu.enqueue_indirect_dma source(%arg8 : memref<128xf32, #tpu.memory_space<vmem>>) target(%dma_start3A_64 : memref<10240xf32, #tpu.memory_space<vmem_shared>>) offsets(%arg4 : memref<128xi32, #tpu.memory_space<vmem>>) semaphore(%arg13 : memref<!tpu.dma_semaphore, #tpu.memory_space<semaphore_mem>>) {add = true}
      %dma_wait3A_65 = tpu.memref_slice %arg2[%add3A_61] : memref<320000xi32, #tpu.memory_space<hbm>> -> memref<128xi32, #tpu.memory_space<hbm>>
      %dma_wait3A_66 = tpu.memref_slice %arg2[%add3A_61] : memref<320000xi32, #tpu.memory_space<hbm>> -> memref<128xi32, #tpu.memory_space<hbm>>
      tpu.wait_dma2 semaphore(%arg11 : memref<!tpu.dma_semaphore, #tpu.memory_space<semaphore_mem>>) src(%dma_wait3A_66 : memref<128xi32, #tpu.memory_space<hbm>>) dst(%arg5 : memref<128xi32, #tpu.memory_space<vmem>>)
      %dma_start3A_67 = arith.constant 0 : i32
      %dma_start3A_68 = tpu.memref_slice %arg16[%dma_start3A_67] : memref<10240xf32, #tpu.memory_space<vmem_shared>> -> memref<10240xf32, #tpu.memory_space<vmem_shared>>
      tpu.enqueue_indirect_dma source(%arg8 : memref<128xf32, #tpu.memory_space<vmem>>) target(%dma_start3A_68 : memref<10240xf32, #tpu.memory_space<vmem_shared>>) offsets(%arg5 : memref<128xi32, #tpu.memory_space<vmem>>) semaphore(%arg14 : memref<!tpu.dma_semaphore, #tpu.memory_space<semaphore_mem>>) {add = true}
      %dma_wait3A_69 = tpu.memref_slice %arg2[%add3A_61] : memref<320000xi32, #tpu.memory_space<hbm>> -> memref<128xi32, #tpu.memory_space<hbm>>
      %dma_wait3A_70 = tpu.memref_slice %arg2[%add3A_61] : memref<320000xi32, #tpu.memory_space<hbm>> -> memref<128xi32, #tpu.memory_space<hbm>>
      tpu.wait_dma2 semaphore(%arg12 : memref<!tpu.dma_semaphore, #tpu.memory_space<semaphore_mem>>) src(%dma_wait3A_70 : memref<128xi32, #tpu.memory_space<hbm>>) dst(%arg6 : memref<128xi32, #tpu.memory_space<vmem>>)
      %dma_start3A_71 = arith.constant 0 : i32
      %dma_start3A_72 = tpu.memref_slice %arg16[%dma_start3A_71] : memref<10240xf32, #tpu.memory_space<vmem_shared>> -> memref<10240xf32, #tpu.memory_space<vmem_shared>>
      tpu.enqueue_indirect_dma source(%arg8 : memref<128xf32, #tpu.memory_space<vmem>>) target(%dma_start3A_72 : memref<10240xf32, #tpu.memory_space<vmem_shared>>) offsets(%arg6 : memref<128xi32, #tpu.memory_space<vmem>>) semaphore(%arg15 : memref<!tpu.dma_semaphore, #tpu.memory_space<semaphore_mem>>) {add = true}
      %dma_wait3A_73 = arith.constant 0 : i32
      %dma_wait3A_74 = tpu.memref_slice %arg16[%dma_wait3A_73] : memref<10240xf32, #tpu.memory_space<vmem_shared>> -> memref<10240xf32, #tpu.memory_space<vmem_shared>>
      tpu.wait_indirect_dma semaphore(%arg13 : memref<!tpu.dma_semaphore, #tpu.memory_space<semaphore_mem>>) src(%arg8 : memref<128xf32, #tpu.memory_space<vmem>>) dst(%dma_wait3A_74 : memref<10240xf32, #tpu.memory_space<vmem_shared>>)
      %lt3A = arith.constant 25 : i32
      %lt3A_75 = arith.cmpi slt, %scan3A_55, %lt3A : i32
      %convert_element_type3A = arith.extui %lt3A_75 : i1 to i32
      %cond3A = arith.constant 0 : i32
      %cond3A_76 = arith.cmpi ne, %convert_element_type3A, %cond3A : i32
      scf.if %cond3A_76 {
        %add3A_92 = arith.constant 384 : i32
        %add3A_93 = arith.addi %add3A_61, %add3A_92 : i32
        %dma_start3A_94 = tpu.memref_slice %arg2[%add3A_93] : memref<320000xi32, #tpu.memory_space<hbm>> -> memref<128xi32, #tpu.memory_space<hbm>>
        %dma_start3A_95 = tpu.memref_slice %arg2[%add3A_93] : memref<320000xi32, #tpu.memory_space<hbm>> -> memref<128xi32, #tpu.memory_space<hbm>>
        tpu.enqueue_dma source(%dma_start3A_95 : memref<128xi32, #tpu.memory_space<hbm>>) target(%arg4 : memref<128xi32, #tpu.memory_space<vmem>>) target_semaphore(%arg10 : memref<!tpu.dma_semaphore, #tpu.memory_space<semaphore_mem>>)
      } else {
      }
      %dma_wait3A_77 = arith.constant 0 : i32
      %dma_wait3A_78 = tpu.memref_slice %arg16[%dma_wait3A_77] : memref<10240xf32, #tpu.memory_space<vmem_shared>> -> memref<10240xf32, #tpu.memory_space<vmem_shared>>
      tpu.wait_indirect_dma semaphore(%arg14 : memref<!tpu.dma_semaphore, #tpu.memory_space<semaphore_mem>>) src(%arg8 : memref<128xf32, #tpu.memory_space<vmem>>) dst(%dma_wait3A_78 : memref<10240xf32, #tpu.memory_space<vmem_shared>>)
      %lt3A_79 = arith.constant 25 : i32
      %lt3A_80 = arith.cmpi slt, %scan3A_55, %lt3A_79 : i32
      %convert_element_type3A_81 = arith.extui %lt3A_80 : i1 to i32
      %cond3A_82 = arith.constant 0 : i32
      %cond3A_83 = arith.cmpi ne, %convert_element_type3A_81, %cond3A_82 : i32
      scf.if %cond3A_83 {
        %add3A_92 = arith.constant 512 : i32
        %add3A_93 = arith.addi %add3A_61, %add3A_92 : i32
        %dma_start3A_94 = tpu.memref_slice %arg2[%add3A_93] : memref<320000xi32, #tpu.memory_space<hbm>> -> memref<128xi32, #tpu.memory_space<hbm>>
        %dma_start3A_95 = tpu.memref_slice %arg2[%add3A_93] : memref<320000xi32, #tpu.memory_space<hbm>> -> memref<128xi32, #tpu.memory_space<hbm>>
        tpu.enqueue_dma source(%dma_start3A_95 : memref<128xi32, #tpu.memory_space<hbm>>) target(%arg5 : memref<128xi32, #tpu.memory_space<vmem>>) target_semaphore(%arg11 : memref<!tpu.dma_semaphore, #tpu.memory_space<semaphore_mem>>)
      } else {
      }
      %dma_wait3A_84 = arith.constant 0 : i32
      %dma_wait3A_85 = tpu.memref_slice %arg16[%dma_wait3A_84] : memref<10240xf32, #tpu.memory_space<vmem_shared>> -> memref<10240xf32, #tpu.memory_space<vmem_shared>>
      tpu.wait_indirect_dma semaphore(%arg15 : memref<!tpu.dma_semaphore, #tpu.memory_space<semaphore_mem>>) src(%arg8 : memref<128xf32, #tpu.memory_space<vmem>>) dst(%dma_wait3A_85 : memref<10240xf32, #tpu.memory_space<vmem_shared>>)
      %lt3A_86 = arith.constant 25 : i32
      %lt3A_87 = arith.cmpi slt, %scan3A_55, %lt3A_86 : i32
      %convert_element_type3A_88 = arith.extui %lt3A_87 : i1 to i32
      %cond3A_89 = arith.constant 0 : i32
      %cond3A_90 = arith.cmpi ne, %convert_element_type3A_88, %cond3A_89 : i32
      scf.if %cond3A_90 {
        %add3A_92 = arith.constant 640 : i32
        %add3A_93 = arith.addi %add3A_61, %add3A_92 : i32
        %dma_start3A_94 = tpu.memref_slice %arg2[%add3A_93] : memref<320000xi32, #tpu.memory_space<hbm>> -> memref<128xi32, #tpu.memory_space<hbm>>
        %dma_start3A_95 = tpu.memref_slice %arg2[%add3A_93] : memref<320000xi32, #tpu.memory_space<hbm>> -> memref<128xi32, #tpu.memory_space<hbm>>
        tpu.enqueue_dma source(%dma_start3A_95 : memref<128xi32, #tpu.memory_space<hbm>>) target(%arg6 : memref<128xi32, #tpu.memory_space<vmem>>) target_semaphore(%arg12 : memref<!tpu.dma_semaphore, #tpu.memory_space<semaphore_mem>>)
      } else {
      }
      %scan3A_91 = arith.constant 0 : i32
      scf.yield %scan3A_91 : i32
    }
    %scan3A_47 = arith.constant 26 : i32
    %add3A_48 = arith.constant 9984 : i32
    %add3A_49 = arith.addi %mul3A_29, %add3A_48 : i32
    "tpu.region"() ({
      %run_scoped3A = tpu.sem_alloc : memref<!tpu.dma_semaphore, #tpu.memory_space<semaphore_mem>>
      %dma_start3A_55 = tpu.memref_slice %arg2[%add3A_49] : memref<320000xi32, #tpu.memory_space<hbm>> -> memref<16xi32, #tpu.memory_space<hbm>>
      %dma_start3A_56 = tpu.memref_slice %arg2[%add3A_49] : memref<320000xi32, #tpu.memory_space<hbm>> -> memref<16xi32, #tpu.memory_space<hbm>>
      tpu.enqueue_dma source(%dma_start3A_56 : memref<16xi32, #tpu.memory_space<hbm>>) target(%arg7 : memref<16xi32, #tpu.memory_space<vmem>>) target_semaphore(%run_scoped3A : memref<!tpu.dma_semaphore, #tpu.memory_space<semaphore_mem>>)
      %dma_wait3A = tpu.memref_slice %arg2[%add3A_49] : memref<320000xi32, #tpu.memory_space<hbm>> -> memref<16xi32, #tpu.memory_space<hbm>>
      %dma_wait3A_57 = tpu.memref_slice %arg2[%add3A_49] : memref<320000xi32, #tpu.memory_space<hbm>> -> memref<16xi32, #tpu.memory_space<hbm>>
      tpu.wait_dma2 semaphore(%run_scoped3A : memref<!tpu.dma_semaphore, #tpu.memory_space<semaphore_mem>>) src(%dma_wait3A_57 : memref<16xi32, #tpu.memory_space<hbm>>) dst(%arg7 : memref<16xi32, #tpu.memory_space<vmem>>)
      tpu.yield
    }) : () -> ()
    "tpu.region"() ({
      %run_scoped3A = tpu.sem_alloc : memref<!tpu.dma_semaphore, #tpu.memory_space<semaphore_mem>>
      %dma_start3A_55 = arith.constant 0 : i32
      %dma_start3A_56 = tpu.memref_slice %arg16[%dma_start3A_55] : memref<10240xf32, #tpu.memory_space<vmem_shared>> -> memref<10240xf32, #tpu.memory_space<vmem_shared>>
      tpu.enqueue_indirect_dma source(%arg9 : memref<16xf32, #tpu.memory_space<vmem>>) target(%dma_start3A_56 : memref<10240xf32, #tpu.memory_space<vmem_shared>>) offsets(%arg7 : memref<16xi32, #tpu.memory_space<vmem>>) semaphore(%run_scoped3A : memref<!tpu.dma_semaphore, #tpu.memory_space<semaphore_mem>>) {add = true}
      %dma_wait3A = arith.constant 0 : i32
      %dma_wait3A_57 = tpu.memref_slice %arg16[%dma_wait3A] : memref<10240xf32, #tpu.memory_space<vmem_shared>> -> memref<10240xf32, #tpu.memory_space<vmem_shared>>
      tpu.wait_indirect_dma semaphore(%run_scoped3A : memref<!tpu.dma_semaphore, #tpu.memory_space<semaphore_mem>>) src(%arg9 : memref<16xf32, #tpu.memory_space<vmem>>) dst(%dma_wait3A_57 : memref<10240xf32, #tpu.memory_space<vmem_shared>>)
      tpu.yield
    }) : () -> ()
    %barrier3A_50 = arith.constant 0 : index
    tpu.barrier barrier_id(%barrier3A_50)
    %mul3A_51 = arith.constant 640 : i32
    %mul3A_52 = arith.muli %arg1, %mul3A_51 : i32
    %mul3A_53 = arith.constant 640 : i32
    %mul3A_54 = arith.muli %arg1, %mul3A_53 : i32
    "tpu.region"() ({
      %run_scoped3A = tpu.sem_alloc : memref<!tpu.dma_semaphore, #tpu.memory_space<semaphore_mem>>
      %dma_start3A_55 = tpu.memref_slice %arg3[%arg0, %mul3A_54] : memref<2x10240xf32, #tpu.memory_space<hbm>> -> memref<1x640xf32, #tpu.memory_space<hbm>>
      %dma_start3A_56 = tpu.memref_squeeze %dma_start3A_55 : memref<1x640xf32, #tpu.memory_space<hbm>> -> memref<640xf32, #tpu.memory_space<hbm>>
      %dma_start3A_57 = tpu.memref_slice %arg16[%mul3A_52] : memref<10240xf32, #tpu.memory_space<vmem_shared>> -> memref<640xf32, #tpu.memory_space<vmem_shared>>
      tpu.enqueue_dma source(%dma_start3A_57 : memref<640xf32, #tpu.memory_space<vmem_shared>>) target(%dma_start3A_56 : memref<640xf32, #tpu.memory_space<hbm>>) target_semaphore(%run_scoped3A : memref<!tpu.dma_semaphore, #tpu.memory_space<semaphore_mem>>)
      %dma_wait3A = tpu.memref_slice %arg3[%arg0, %mul3A_54] : memref<2x10240xf32, #tpu.memory_space<hbm>> -> memref<1x640xf32, #tpu.memory_space<hbm>>
      %dma_wait3A_58 = tpu.memref_squeeze %dma_wait3A : memref<1x640xf32, #tpu.memory_space<hbm>> -> memref<640xf32, #tpu.memory_space<hbm>>
      %dma_wait3A_59 = tpu.memref_slice %arg16[%mul3A_52] : memref<10240xf32, #tpu.memory_space<vmem_shared>> -> memref<640xf32, #tpu.memory_space<vmem_shared>>
      tpu.wait_dma2 semaphore(%run_scoped3A : memref<!tpu.dma_semaphore, #tpu.memory_space<semaphore_mem>>) src(%dma_wait3A_59 : memref<640xf32, #tpu.memory_space<vmem_shared>>) dst(%dma_wait3A_58 : memref<640xf32, #tpu.memory_space<hbm>>)
      tpu.yield
    }) : () -> ()
    return
  }
}

#map = affine_map<(d0, d1) -> (0)>
#map1 = affine_map<(d0, d1) -> (0, 0)>
module attributes {stable_mosaic.version = 14 : i64} {
  func.func @_appnp_body(%arg0: i32, %arg1: i32, %arg2: memref<320000xi32, #tpu.memory_space<hbm>>, %arg3: memref<320000xi32, #tpu.memory_space<hbm>>, %arg4: memref<10240x64xf32, #tpu.memory_space<hbm>>, %arg5: memref<10240x64xf32, #tpu.memory_space<hbm>>, %arg6: memref<10240x64xf32, #tpu.memory_space<hbm>>, %arg7: memref<10240x48xf32, #tpu.memory_space<hbm>>, %arg8: memref<10240x16xf32, #tpu.memory_space<hbm>>, %arg9: memref<10240x64xf32, #tpu.memory_space<hbm>>, %arg10: memref<10240x48xf32, #tpu.memory_space<hbm>>, %arg11: memref<128xi32, #tpu.memory_space<vmem>>, %arg12: memref<128xi32, #tpu.memory_space<vmem>>, %arg13: memref<128xi32, #tpu.memory_space<vmem>>, %arg14: memref<128xi32, #tpu.memory_space<vmem>>, %arg15: memref<128xi32, #tpu.memory_space<vmem>>, %arg16: memref<128xi32, #tpu.memory_space<vmem>>, %arg17: memref<128x64xf32, #tpu.memory_space<vmem>>, %arg18: memref<128x64xf32, #tpu.memory_space<vmem>>, %arg19: memref<128x64xf32, #tpu.memory_space<vmem>>, %arg20: memref<128x48xf32, #tpu.memory_space<vmem>>, %arg21: memref<128x48xf32, #tpu.memory_space<vmem>>, %arg22: memref<128x48xf32, #tpu.memory_space<vmem>>, %arg23: memref<128x64xf32, #tpu.memory_space<vmem>>, %arg24: memref<32xi32, #tpu.memory_space<vmem>>, %arg25: memref<32xi32, #tpu.memory_space<vmem>>, %arg26: memref<32x64xf32, #tpu.memory_space<vmem>>, %arg27: memref<32x48xf32, #tpu.memory_space<vmem>>, %arg28: memref<128x16xf32, #tpu.memory_space<vmem>>, %arg29: memref<!tpu.dma_semaphore, #tpu.memory_space<semaphore_mem>>, %arg30: memref<!tpu.dma_semaphore, #tpu.memory_space<semaphore_mem>>, %arg31: memref<!tpu.dma_semaphore, #tpu.memory_space<semaphore_mem>>, %arg32: memref<!tpu.dma_semaphore, #tpu.memory_space<semaphore_mem>>, %arg33: memref<!tpu.dma_semaphore, #tpu.memory_space<semaphore_mem>>, %arg34: memref<!tpu.dma_semaphore, #tpu.memory_space<semaphore_mem>>, %arg35: memref<!tpu.dma_semaphore, #tpu.memory_space<semaphore_mem>>, %arg36: memref<!tpu.dma_semaphore, #tpu.memory_space<semaphore_mem>>, %arg37: memref<!tpu.dma_semaphore, #tpu.memory_space<semaphore_mem>>, %arg38: memref<!tpu.dma_semaphore, #tpu.memory_space<semaphore_mem>>, %arg39: memref<!tpu.dma_semaphore, #tpu.memory_space<semaphore_mem>>, %arg40: memref<!tpu.dma_semaphore, #tpu.memory_space<semaphore_mem>>, %arg41: memref<!tpu.dma_semaphore, #tpu.memory_space<semaphore_mem>>, %arg42: memref<!tpu.dma_semaphore, #tpu.memory_space<semaphore_mem>>, %arg43: memref<!tpu.dma_semaphore, #tpu.memory_space<semaphore_mem>>, %arg44: memref<!tpu.dma_semaphore, #tpu.memory_space<semaphore_mem>>, %arg45: memref<!tpu.dma_semaphore, #tpu.memory_space<semaphore_mem>>, %arg46: memref<!tpu.dma_semaphore, #tpu.memory_space<semaphore_mem>>, %arg47: memref<!tpu.dma_semaphore, #tpu.memory_space<semaphore_mem>>, %arg48: memref<10240x64xf32, #tpu.memory_space<vmem_shared>>, %arg49: memref<10240x48xf32, #tpu.memory_space<vmem_shared>>) attributes {dimension_semantics = [#tpu.dimension_semantics<core_parallel>, #tpu.dimension_semantics<subcore_parallel>], iteration_bounds = array<i64: 2, 16>, scalar_prefetch = 0 : i64, scratch_operands = 39 : i64, tpu.core_type = #tpu.core_type<sc_vector_subcore>, window_params = [{transform_indices = #map}, {transform_indices = #map}, {transform_indices = #map1}, {transform_indices = #map1}, {transform_indices = #map1}, {transform_indices = #map1}, {transform_indices = #map1}, {transform_indices = #map1}, {transform_indices = #map1}]} {
    %mul3A = arith.constant 640 : i32
    %mul3A_0 = arith.muli %arg1, %mul3A : i32
    %mul3A_1 = arith.constant 20000 : i32
    %mul3A_2 = arith.muli %arg1, %mul3A_1 : i32
    %eq3A = arith.constant 0 : i32
    %eq3A_3 = arith.cmpi eq, %arg0, %eq3A : i32
    %eq3A_4 = arith.constant 1 : i32
    %eq3A_5 = arith.cmpi eq, %arg0, %eq3A_4 : i32
    %convert_element_type3A = arith.extui %eq3A_3 : i1 to i32
    %cond3A = arith.constant 0 : i32
    %cond3A_6 = arith.cmpi ne, %convert_element_type3A, %cond3A : i32
    scf.if %cond3A_6 {
      %scan3A_16 = arith.constant 0 : i32
      %scan3A_17 = arith.constant 0 : i32
      %scan3A_18 = arith.constant 5 : i32
      %scan3A_19 = arith.addi %scan3A_17, %scan3A_18 : i32
      %scan3A_20 = arith.constant 1 : i32
      %scan3A_21 = scf.for %scan3A_23 = %scan3A_17 to %scan3A_19 step %scan3A_20 iter_args(%scan3A_24 = %scan3A_16) -> (i32)  : i32 {
        %mul3A_25 = arith.constant 128 : i32
        %mul3A_26 = arith.muli %scan3A_23, %mul3A_25 : i32
        %add3A = arith.addi %mul3A_0, %mul3A_26 : i32
        "tpu.region"() ({
          %run_scoped3A = tpu.sem_alloc : memref<!tpu.dma_semaphore, #tpu.memory_space<semaphore_mem>>
          %dma_start3A = arith.constant 0 : i32
          %dma_start3A_28 = tpu.memref_slice %arg6[%add3A, %dma_start3A] : memref<10240x64xf32, #tpu.memory_space<hbm>> -> memref<128x64xf32, #tpu.memory_space<hbm>>
          %dma_start3A_29 = arith.constant 0 : i32
          %dma_start3A_30 = tpu.memref_slice %arg6[%add3A, %dma_start3A_29] : memref<10240x64xf32, #tpu.memory_space<hbm>> -> memref<128x64xf32, #tpu.memory_space<hbm>>
          tpu.enqueue_dma source(%dma_start3A_30 : memref<128x64xf32, #tpu.memory_space<hbm>>) target(%arg17 : memref<128x64xf32, #tpu.memory_space<vmem>>) target_semaphore(%run_scoped3A : memref<!tpu.dma_semaphore, #tpu.memory_space<semaphore_mem>>)
          %dma_wait3A = arith.constant 0 : i32
          %dma_wait3A_31 = tpu.memref_slice %arg6[%add3A, %dma_wait3A] : memref<10240x64xf32, #tpu.memory_space<hbm>> -> memref<128x64xf32, #tpu.memory_space<hbm>>
          %dma_wait3A_32 = arith.constant 0 : i32
          %dma_wait3A_33 = tpu.memref_slice %arg6[%add3A, %dma_wait3A_32] : memref<10240x64xf32, #tpu.memory_space<hbm>> -> memref<128x64xf32, #tpu.memory_space<hbm>>
          tpu.wait_dma2 semaphore(%run_scoped3A : memref<!tpu.dma_semaphore, #tpu.memory_space<semaphore_mem>>) src(%dma_wait3A_33 : memref<128x64xf32, #tpu.memory_space<hbm>>) dst(%arg17 : memref<128x64xf32, #tpu.memory_space<vmem>>)
          tpu.yield
        }) : () -> ()
        "tpu.region"() ({
          %run_scoped3A = tpu.sem_alloc : memref<!tpu.dma_semaphore, #tpu.memory_space<semaphore_mem>>
          %dma_start3A = arith.constant 0 : i32
          %dma_start3A_28 = tpu.memref_slice %arg9[%add3A, %dma_start3A] : memref<10240x64xf32, #tpu.memory_space<hbm>> -> memref<128x64xf32, #tpu.memory_space<hbm>>
          %dma_start3A_29 = arith.constant 0 : i32
          %dma_start3A_30 = tpu.memref_slice %arg9[%add3A, %dma_start3A_29] : memref<10240x64xf32, #tpu.memory_space<hbm>> -> memref<128x64xf32, #tpu.memory_space<hbm>>
          tpu.enqueue_dma source(%arg17 : memref<128x64xf32, #tpu.memory_space<vmem>>) target(%dma_start3A_30 : memref<128x64xf32, #tpu.memory_space<hbm>>) target_semaphore(%run_scoped3A : memref<!tpu.dma_semaphore, #tpu.memory_space<semaphore_mem>>)
          %dma_wait3A = arith.constant 0 : i32
          %dma_wait3A_31 = tpu.memref_slice %arg9[%add3A, %dma_wait3A] : memref<10240x64xf32, #tpu.memory_space<hbm>> -> memref<128x64xf32, #tpu.memory_space<hbm>>
          %dma_wait3A_32 = arith.constant 0 : i32
          %dma_wait3A_33 = tpu.memref_slice %arg9[%add3A, %dma_wait3A_32] : memref<10240x64xf32, #tpu.memory_space<hbm>> -> memref<128x64xf32, #tpu.memory_space<hbm>>
          tpu.wait_dma2 semaphore(%run_scoped3A : memref<!tpu.dma_semaphore, #tpu.memory_space<semaphore_mem>>) src(%arg17 : memref<128x64xf32, #tpu.memory_space<vmem>>) dst(%dma_wait3A_33 : memref<128x64xf32, #tpu.memory_space<hbm>>)
          tpu.yield
        }) : () -> ()
        "tpu.region"() ({
          %run_scoped3A = tpu.sem_alloc : memref<!tpu.dma_semaphore, #tpu.memory_space<semaphore_mem>>
          %dma_start3A = arith.constant 0 : i32
          %dma_start3A_28 = tpu.memref_slice %arg48[%add3A, %dma_start3A] : memref<10240x64xf32, #tpu.memory_space<vmem_shared>> -> memref<128x64xf32, #tpu.memory_space<vmem_shared>>
          %dma_start3A_29 = arith.constant 0 : i32
          %dma_start3A_30 = tpu.memref_slice %arg48[%add3A, %dma_start3A_29] : memref<10240x64xf32, #tpu.memory_space<vmem_shared>> -> memref<128x64xf32, #tpu.memory_space<vmem_shared>>
          tpu.enqueue_dma source(%arg17 : memref<128x64xf32, #tpu.memory_space<vmem>>) target(%dma_start3A_30 : memref<128x64xf32, #tpu.memory_space<vmem_shared>>) target_semaphore(%run_scoped3A : memref<!tpu.dma_semaphore, #tpu.memory_space<semaphore_mem>>)
          %dma_wait3A = arith.constant 0 : i32
          %dma_wait3A_31 = tpu.memref_slice %arg48[%add3A, %dma_wait3A] : memref<10240x64xf32, #tpu.memory_space<vmem_shared>> -> memref<128x64xf32, #tpu.memory_space<vmem_shared>>
          %dma_wait3A_32 = arith.constant 0 : i32
          %dma_wait3A_33 = tpu.memref_slice %arg48[%add3A, %dma_wait3A_32] : memref<10240x64xf32, #tpu.memory_space<vmem_shared>> -> memref<128x64xf32, #tpu.memory_space<vmem_shared>>
          tpu.wait_dma2 semaphore(%run_scoped3A : memref<!tpu.dma_semaphore, #tpu.memory_space<semaphore_mem>>) src(%arg17 : memref<128x64xf32, #tpu.memory_space<vmem>>) dst(%dma_wait3A_33 : memref<128x64xf32, #tpu.memory_space<vmem_shared>>)
          tpu.yield
        }) : () -> ()
        %scan3A_27 = arith.constant 0 : i32
        scf.yield %scan3A_27 : i32
      }
      %scan3A_22 = arith.constant 5 : i32
    } else {
    }
    %convert_element_type3A_7 = arith.extui %eq3A_5 : i1 to i32
    %cond3A_8 = arith.constant 0 : i32
    %cond3A_9 = arith.cmpi ne, %convert_element_type3A_7, %cond3A_8 : i32
    scf.if %cond3A_9 {
      %scan3A_16 = arith.constant 0 : i32
      %scan3A_17 = arith.constant 0 : i32
      %scan3A_18 = arith.constant 5 : i32
      %scan3A_19 = arith.addi %scan3A_17, %scan3A_18 : i32
      %scan3A_20 = arith.constant 1 : i32
      %scan3A_21 = scf.for %scan3A_23 = %scan3A_17 to %scan3A_19 step %scan3A_20 iter_args(%scan3A_24 = %scan3A_16) -> (i32)  : i32 {
        %mul3A_25 = arith.constant 128 : i32
        %mul3A_26 = arith.muli %scan3A_23, %mul3A_25 : i32
        %add3A = arith.addi %mul3A_0, %mul3A_26 : i32
        "tpu.region"() ({
          %run_scoped3A = tpu.sem_alloc : memref<!tpu.dma_semaphore, #tpu.memory_space<semaphore_mem>>
          %dma_start3A = arith.constant 0 : i32
          %dma_start3A_28 = tpu.memref_slice %arg7[%add3A, %dma_start3A] : memref<10240x48xf32, #tpu.memory_space<hbm>> -> memref<128x48xf32, #tpu.memory_space<hbm>>
          %dma_start3A_29 = arith.constant 0 : i32
          %dma_start3A_30 = tpu.memref_slice %arg7[%add3A, %dma_start3A_29] : memref<10240x48xf32, #tpu.memory_space<hbm>> -> memref<128x48xf32, #tpu.memory_space<hbm>>
          tpu.enqueue_dma source(%dma_start3A_30 : memref<128x48xf32, #tpu.memory_space<hbm>>) target(%arg20 : memref<128x48xf32, #tpu.memory_space<vmem>>) target_semaphore(%run_scoped3A : memref<!tpu.dma_semaphore, #tpu.memory_space<semaphore_mem>>)
          %dma_wait3A = arith.constant 0 : i32
          %dma_wait3A_31 = tpu.memref_slice %arg7[%add3A, %dma_wait3A] : memref<10240x48xf32, #tpu.memory_space<hbm>> -> memref<128x48xf32, #tpu.memory_space<hbm>>
          %dma_wait3A_32 = arith.constant 0 : i32
          %dma_wait3A_33 = tpu.memref_slice %arg7[%add3A, %dma_wait3A_32] : memref<10240x48xf32, #tpu.memory_space<hbm>> -> memref<128x48xf32, #tpu.memory_space<hbm>>
          tpu.wait_dma2 semaphore(%run_scoped3A : memref<!tpu.dma_semaphore, #tpu.memory_space<semaphore_mem>>) src(%dma_wait3A_33 : memref<128x48xf32, #tpu.memory_space<hbm>>) dst(%arg20 : memref<128x48xf32, #tpu.memory_space<vmem>>)
          tpu.yield
        }) : () -> ()
        "tpu.region"() ({
          %run_scoped3A = tpu.sem_alloc : memref<!tpu.dma_semaphore, #tpu.memory_space<semaphore_mem>>
          %dma_start3A = arith.constant 0 : i32
          %dma_start3A_28 = tpu.memref_slice %arg10[%add3A, %dma_start3A] : memref<10240x48xf32, #tpu.memory_space<hbm>> -> memref<128x48xf32, #tpu.memory_space<hbm>>
          %dma_start3A_29 = arith.constant 0 : i32
          %dma_start3A_30 = tpu.memref_slice %arg10[%add3A, %dma_start3A_29] : memref<10240x48xf32, #tpu.memory_space<hbm>> -> memref<128x48xf32, #tpu.memory_space<hbm>>
          tpu.enqueue_dma source(%arg20 : memref<128x48xf32, #tpu.memory_space<vmem>>) target(%dma_start3A_30 : memref<128x48xf32, #tpu.memory_space<hbm>>) target_semaphore(%run_scoped3A : memref<!tpu.dma_semaphore, #tpu.memory_space<semaphore_mem>>)
          %dma_wait3A = arith.constant 0 : i32
          %dma_wait3A_31 = tpu.memref_slice %arg10[%add3A, %dma_wait3A] : memref<10240x48xf32, #tpu.memory_space<hbm>> -> memref<128x48xf32, #tpu.memory_space<hbm>>
          %dma_wait3A_32 = arith.constant 0 : i32
          %dma_wait3A_33 = tpu.memref_slice %arg10[%add3A, %dma_wait3A_32] : memref<10240x48xf32, #tpu.memory_space<hbm>> -> memref<128x48xf32, #tpu.memory_space<hbm>>
          tpu.wait_dma2 semaphore(%run_scoped3A : memref<!tpu.dma_semaphore, #tpu.memory_space<semaphore_mem>>) src(%arg20 : memref<128x48xf32, #tpu.memory_space<vmem>>) dst(%dma_wait3A_33 : memref<128x48xf32, #tpu.memory_space<hbm>>)
          tpu.yield
        }) : () -> ()
        "tpu.region"() ({
          %run_scoped3A = tpu.sem_alloc : memref<!tpu.dma_semaphore, #tpu.memory_space<semaphore_mem>>
          %dma_start3A = arith.constant 0 : i32
          %dma_start3A_28 = tpu.memref_slice %arg49[%add3A, %dma_start3A] : memref<10240x48xf32, #tpu.memory_space<vmem_shared>> -> memref<128x48xf32, #tpu.memory_space<vmem_shared>>
          %dma_start3A_29 = arith.constant 0 : i32
          %dma_start3A_30 = tpu.memref_slice %arg49[%add3A, %dma_start3A_29] : memref<10240x48xf32, #tpu.memory_space<vmem_shared>> -> memref<128x48xf32, #tpu.memory_space<vmem_shared>>
          tpu.enqueue_dma source(%arg20 : memref<128x48xf32, #tpu.memory_space<vmem>>) target(%dma_start3A_30 : memref<128x48xf32, #tpu.memory_space<vmem_shared>>) target_semaphore(%run_scoped3A : memref<!tpu.dma_semaphore, #tpu.memory_space<semaphore_mem>>)
          %dma_wait3A = arith.constant 0 : i32
          %dma_wait3A_31 = tpu.memref_slice %arg49[%add3A, %dma_wait3A] : memref<10240x48xf32, #tpu.memory_space<vmem_shared>> -> memref<128x48xf32, #tpu.memory_space<vmem_shared>>
          %dma_wait3A_32 = arith.constant 0 : i32
          %dma_wait3A_33 = tpu.memref_slice %arg49[%add3A, %dma_wait3A_32] : memref<10240x48xf32, #tpu.memory_space<vmem_shared>> -> memref<128x48xf32, #tpu.memory_space<vmem_shared>>
          tpu.wait_dma2 semaphore(%run_scoped3A : memref<!tpu.dma_semaphore, #tpu.memory_space<semaphore_mem>>) src(%arg20 : memref<128x48xf32, #tpu.memory_space<vmem>>) dst(%dma_wait3A_33 : memref<128x48xf32, #tpu.memory_space<vmem_shared>>)
          tpu.yield
        }) : () -> ()
        %scan3A_27 = arith.constant 0 : i32
        scf.yield %scan3A_27 : i32
      }
      %scan3A_22 = arith.constant 5 : i32
    } else {
    }
    %scan3A = arith.constant 0 : i32
    %scan3A_10 = arith.constant 0 : i32
    %scan3A_11 = arith.constant 10 : i32
    %scan3A_12 = arith.addi %scan3A_10, %scan3A_11 : i32
    %scan3A_13 = arith.constant 1 : i32
    %scan3A_14 = scf.for %scan3A_16 = %scan3A_10 to %scan3A_12 step %scan3A_13 iter_args(%scan3A_17 = %scan3A) -> (i32)  : i32 {
      %eq3A_18 = arith.constant 9 : i32
      %eq3A_19 = arith.cmpi eq, %scan3A_16, %eq3A_18 : i32
      %barrier3A = arith.constant 0 : index
      tpu.barrier barrier_id(%barrier3A)
      %convert_element_type3A_20 = arith.extui %eq3A_3 : i1 to i32
      %cond3A_21 = arith.constant 0 : i32
      %cond3A_22 = arith.cmpi ne, %convert_element_type3A_20, %cond3A_21 : i32
      scf.if %cond3A_22 {
        %add3A = arith.constant 19968 : i32
        %add3A_34 = arith.addi %mul3A_2, %add3A : i32
        %dma_start3A = tpu.memref_slice %arg2[%add3A_34] : memref<320000xi32, #tpu.memory_space<hbm>> -> memref<32xi32, #tpu.memory_space<hbm>>
        %dma_start3A_35 = tpu.memref_slice %arg2[%add3A_34] : memref<320000xi32, #tpu.memory_space<hbm>> -> memref<32xi32, #tpu.memory_space<hbm>>
        tpu.enqueue_dma source(%dma_start3A_35 : memref<32xi32, #tpu.memory_space<hbm>>) target(%arg24 : memref<32xi32, #tpu.memory_space<vmem>>) target_semaphore(%arg41 : memref<!tpu.dma_semaphore, #tpu.memory_space<semaphore_mem>>)
        %dma_start3A_36 = tpu.memref_slice %arg3[%add3A_34] : memref<320000xi32, #tpu.memory_space<hbm>> -> memref<32xi32, #tpu.memory_space<hbm>>
        %dma_start3A_37 = tpu.memref_slice %arg3[%add3A_34] : memref<320000xi32, #tpu.memory_space<hbm>> -> memref<32xi32, #tpu.memory_space<hbm>>
        tpu.enqueue_dma source(%dma_start3A_37 : memref<32xi32, #tpu.memory_space<hbm>>) target(%arg25 : memref<32xi32, #tpu.memory_space<vmem>>) target_semaphore(%arg41 : memref<!tpu.dma_semaphore, #tpu.memory_space<semaphore_mem>>)
        %add3A_38 = arith.constant 0 : i32
        %add3A_39 = arith.addi %mul3A_2, %add3A_38 : i32
        %dma_start3A_40 = tpu.memref_slice %arg2[%add3A_39] : memref<320000xi32, #tpu.memory_space<hbm>> -> memref<128xi32, #tpu.memory_space<hbm>>
        %dma_start3A_41 = tpu.memref_slice %arg2[%add3A_39] : memref<320000xi32, #tpu.memory_space<hbm>> -> memref<128xi32, #tpu.memory_space<hbm>>
        tpu.enqueue_dma source(%dma_start3A_41 : memref<128xi32, #tpu.memory_space<hbm>>) target(%arg11 : memref<128xi32, #tpu.memory_space<vmem>>) target_semaphore(%arg35 : memref<!tpu.dma_semaphore, #tpu.memory_space<semaphore_mem>>)
        %dma_start3A_42 = tpu.memref_slice %arg3[%add3A_39] : memref<320000xi32, #tpu.memory_space<hbm>> -> memref<128xi32, #tpu.memory_space<hbm>>
        %dma_start3A_43 = tpu.memref_slice %arg3[%add3A_39] : memref<320000xi32, #tpu.memory_space<hbm>> -> memref<128xi32, #tpu.memory_space<hbm>>
        tpu.enqueue_dma source(%dma_start3A_43 : memref<128xi32, #tpu.memory_space<hbm>>) target(%arg14 : memref<128xi32, #tpu.memory_space<vmem>>) target_semaphore(%arg38 : memref<!tpu.dma_semaphore, #tpu.memory_space<semaphore_mem>>)
        %add3A_44 = arith.constant 128 : i32
        %add3A_45 = arith.addi %mul3A_2, %add3A_44 : i32
        %dma_start3A_46 = tpu.memref_slice %arg2[%add3A_45] : memref<320000xi32, #tpu.memory_space<hbm>> -> memref<128xi32, #tpu.memory_space<hbm>>
        %dma_start3A_47 = tpu.memref_slice %arg2[%add3A_45] : memref<320000xi32, #tpu.memory_space<hbm>> -> memref<128xi32, #tpu.memory_space<hbm>>
        tpu.enqueue_dma source(%dma_start3A_47 : memref<128xi32, #tpu.memory_space<hbm>>) target(%arg12 : memref<128xi32, #tpu.memory_space<vmem>>) target_semaphore(%arg36 : memref<!tpu.dma_semaphore, #tpu.memory_space<semaphore_mem>>)
        %dma_start3A_48 = tpu.memref_slice %arg3[%add3A_45] : memref<320000xi32, #tpu.memory_space<hbm>> -> memref<128xi32, #tpu.memory_space<hbm>>
        %dma_start3A_49 = tpu.memref_slice %arg3[%add3A_45] : memref<320000xi32, #tpu.memory_space<hbm>> -> memref<128xi32, #tpu.memory_space<hbm>>
        tpu.enqueue_dma source(%dma_start3A_49 : memref<128xi32, #tpu.memory_space<hbm>>) target(%arg15 : memref<128xi32, #tpu.memory_space<vmem>>) target_semaphore(%arg39 : memref<!tpu.dma_semaphore, #tpu.memory_space<semaphore_mem>>)
        %add3A_50 = arith.constant 256 : i32
        %add3A_51 = arith.addi %mul3A_2, %add3A_50 : i32
        %dma_start3A_52 = tpu.memref_slice %arg2[%add3A_51] : memref<320000xi32, #tpu.memory_space<hbm>> -> memref<128xi32, #tpu.memory_space<hbm>>
        %dma_start3A_53 = tpu.memref_slice %arg2[%add3A_51] : memref<320000xi32, #tpu.memory_space<hbm>> -> memref<128xi32, #tpu.memory_space<hbm>>
        tpu.enqueue_dma source(%dma_start3A_53 : memref<128xi32, #tpu.memory_space<hbm>>) target(%arg13 : memref<128xi32, #tpu.memory_space<vmem>>) target_semaphore(%arg37 : memref<!tpu.dma_semaphore, #tpu.memory_space<semaphore_mem>>)
        %dma_start3A_54 = tpu.memref_slice %arg3[%add3A_51] : memref<320000xi32, #tpu.memory_space<hbm>> -> memref<128xi32, #tpu.memory_space<hbm>>
        %dma_start3A_55 = tpu.memref_slice %arg3[%add3A_51] : memref<320000xi32, #tpu.memory_space<hbm>> -> memref<128xi32, #tpu.memory_space<hbm>>
        tpu.enqueue_dma source(%dma_start3A_55 : memref<128xi32, #tpu.memory_space<hbm>>) target(%arg16 : memref<128xi32, #tpu.memory_space<vmem>>) target_semaphore(%arg40 : memref<!tpu.dma_semaphore, #tpu.memory_space<semaphore_mem>>)
        %add3A_56 = arith.constant 0 : i32
        %add3A_57 = arith.addi %mul3A_2, %add3A_56 : i32
        %dma_wait3A = tpu.memref_slice %arg2[%add3A_57] : memref<320000xi32, #tpu.memory_space<hbm>> -> memref<128xi32, #tpu.memory_space<hbm>>
        %dma_wait3A_58 = tpu.memref_slice %arg2[%add3A_57] : memref<320000xi32, #tpu.memory_space<hbm>> -> memref<128xi32, #tpu.memory_space<hbm>>
        tpu.wait_dma2 semaphore(%arg35 : memref<!tpu.dma_semaphore, #tpu.memory_space<semaphore_mem>>) src(%dma_wait3A_58 : memref<128xi32, #tpu.memory_space<hbm>>) dst(%arg11 : memref<128xi32, #tpu.memory_space<vmem>>)
        %dma_start3A_59 = arith.constant 0 : i32
        %dma_start3A_60 = arith.constant 0 : i32
        %dma_start3A_61 = tpu.memref_slice %arg9[%dma_start3A_59, %dma_start3A_60] : memref<10240x64xf32, #tpu.memory_space<hbm>> -> memref<10240x64xf32, #tpu.memory_space<hbm>>
        tpu.enqueue_indirect_dma source(%dma_start3A_61 : memref<10240x64xf32, #tpu.memory_space<hbm>>) target(%arg17 : memref<128x64xf32, #tpu.memory_space<vmem>>) offsets(%arg11 : memref<128xi32, #tpu.memory_space<vmem>>) semaphore(%arg29 : memref<!tpu.dma_semaphore, #tpu.memory_space<semaphore_mem>>)
        %add3A_62 = arith.constant 128 : i32
        %add3A_63 = arith.addi %mul3A_2, %add3A_62 : i32
        %dma_wait3A_64 = tpu.memref_slice %arg2[%add3A_63] : memref<320000xi32, #tpu.memory_space<hbm>> -> memref<128xi32, #tpu.memory_space<hbm>>
        %dma_wait3A_65 = tpu.memref_slice %arg2[%add3A_63] : memref<320000xi32, #tpu.memory_space<hbm>> -> memref<128xi32, #tpu.memory_space<hbm>>
        tpu.wait_dma2 semaphore(%arg36 : memref<!tpu.dma_semaphore, #tpu.memory_space<semaphore_mem>>) src(%dma_wait3A_65 : memref<128xi32, #tpu.memory_space<hbm>>) dst(%arg12 : memref<128xi32, #tpu.memory_space<vmem>>)
        %dma_start3A_66 = arith.constant 0 : i32
        %dma_start3A_67 = arith.constant 0 : i32
        %dma_start3A_68 = tpu.memref_slice %arg9[%dma_start3A_66, %dma_start3A_67] : memref<10240x64xf32, #tpu.memory_space<hbm>> -> memref<10240x64xf32, #tpu.memory_space<hbm>>
        tpu.enqueue_indirect_dma source(%dma_start3A_68 : memref<10240x64xf32, #tpu.memory_space<hbm>>) target(%arg18 : memref<128x64xf32, #tpu.memory_space<vmem>>) offsets(%arg12 : memref<128xi32, #tpu.memory_space<vmem>>) semaphore(%arg30 : memref<!tpu.dma_semaphore, #tpu.memory_space<semaphore_mem>>)
        %add3A_69 = arith.constant 256 : i32
        %add3A_70 = arith.addi %mul3A_2, %add3A_69 : i32
        %dma_wait3A_71 = tpu.memref_slice %arg2[%add3A_70] : memref<320000xi32, #tpu.memory_space<hbm>> -> memref<128xi32, #tpu.memory_space<hbm>>
        %dma_wait3A_72 = tpu.memref_slice %arg2[%add3A_70] : memref<320000xi32, #tpu.memory_space<hbm>> -> memref<128xi32, #tpu.memory_space<hbm>>
        tpu.wait_dma2 semaphore(%arg37 : memref<!tpu.dma_semaphore, #tpu.memory_space<semaphore_mem>>) src(%dma_wait3A_72 : memref<128xi32, #tpu.memory_space<hbm>>) dst(%arg13 : memref<128xi32, #tpu.memory_space<vmem>>)
        %dma_start3A_73 = arith.constant 0 : i32
        %dma_start3A_74 = arith.constant 0 : i32
        %dma_start3A_75 = tpu.memref_slice %arg9[%dma_start3A_73, %dma_start3A_74] : memref<10240x64xf32, #tpu.memory_space<hbm>> -> memref<10240x64xf32, #tpu.memory_space<hbm>>
        tpu.enqueue_indirect_dma source(%dma_start3A_75 : memref<10240x64xf32, #tpu.memory_space<hbm>>) target(%arg19 : memref<128x64xf32, #tpu.memory_space<vmem>>) offsets(%arg13 : memref<128xi32, #tpu.memory_space<vmem>>) semaphore(%arg31 : memref<!tpu.dma_semaphore, #tpu.memory_space<semaphore_mem>>)
        %dma_wait3A_76 = tpu.memref_slice %arg2[%add3A_34] : memref<320000xi32, #tpu.memory_space<hbm>> -> memref<32xi32, #tpu.memory_space<hbm>>
        %dma_wait3A_77 = tpu.memref_slice %arg2[%add3A_34] : memref<320000xi32, #tpu.memory_space<hbm>> -> memref<32xi32, #tpu.memory_space<hbm>>
        tpu.wait_dma2 semaphore(%arg41 : memref<!tpu.dma_semaphore, #tpu.memory_space<semaphore_mem>>) src(%dma_wait3A_77 : memref<32xi32, #tpu.memory_space<hbm>>) dst(%arg24 : memref<32xi32, #tpu.memory_space<vmem>>)
        %dma_wait3A_78 = tpu.memref_slice %arg3[%add3A_34] : memref<320000xi32, #tpu.memory_space<hbm>> -> memref<32xi32, #tpu.memory_space<hbm>>
        %dma_wait3A_79 = tpu.memref_slice %arg3[%add3A_34] : memref<320000xi32, #tpu.memory_space<hbm>> -> memref<32xi32, #tpu.memory_space<hbm>>
        tpu.wait_dma2 semaphore(%arg41 : memref<!tpu.dma_semaphore, #tpu.memory_space<semaphore_mem>>) src(%dma_wait3A_79 : memref<32xi32, #tpu.memory_space<hbm>>) dst(%arg25 : memref<32xi32, #tpu.memory_space<vmem>>)
        %dma_start3A_80 = arith.constant 0 : i32
        %dma_start3A_81 = arith.constant 0 : i32
        %dma_start3A_82 = tpu.memref_slice %arg9[%dma_start3A_80, %dma_start3A_81] : memref<10240x64xf32, #tpu.memory_space<hbm>> -> memref<10240x64xf32, #tpu.memory_space<hbm>>
        tpu.enqueue_indirect_dma source(%dma_start3A_82 : memref<10240x64xf32, #tpu.memory_space<hbm>>) target(%arg26 : memref<32x64xf32, #tpu.memory_space<vmem>>) offsets(%arg24 : memref<32xi32, #tpu.memory_space<vmem>>) semaphore(%arg41 : memref<!tpu.dma_semaphore, #tpu.memory_space<semaphore_mem>>)
        %scan3A_83 = arith.constant 0 : i32
        %scan3A_84 = arith.constant 0 : i32
        %scan3A_85 = arith.constant 52 : i32
        %scan3A_86 = arith.addi %scan3A_84, %scan3A_85 : i32
        %scan3A_87 = arith.constant 1 : i32
        %scan3A_88 = scf.for %scan3A_93 = %scan3A_84 to %scan3A_86 step %scan3A_87 iter_args(%scan3A_94 = %scan3A_83) -> (i32)  : i32 {
          %mul3A_95 = arith.constant 3 : i32
          %mul3A_96 = arith.muli %mul3A_95, %scan3A_93 : i32
          %mul3A_97 = arith.constant 128 : i32
          %mul3A_98 = arith.muli %mul3A_96, %mul3A_97 : i32
          %add3A_99 = arith.addi %mul3A_2, %mul3A_98 : i32
          %dma_wait3A_100 = arith.constant 0 : i32
          %dma_wait3A_101 = arith.constant 0 : i32
          %dma_wait3A_102 = tpu.memref_slice %arg9[%dma_wait3A_100, %dma_wait3A_101] : memref<10240x64xf32, #tpu.memory_space<hbm>> -> memref<10240x64xf32, #tpu.memory_space<hbm>>
          tpu.wait_indirect_dma semaphore(%arg29 : memref<!tpu.dma_semaphore, #tpu.memory_space<semaphore_mem>>) src(%dma_wait3A_102 : memref<10240x64xf32, #tpu.memory_space<hbm>>) dst(%arg17 : memref<128x64xf32, #tpu.memory_space<vmem>>)
          %lt3A = arith.constant 51 : i32
          %lt3A_103 = arith.cmpi slt, %scan3A_93, %lt3A : i32
          %convert_element_type3A_104 = arith.extui %lt3A_103 : i1 to i32
          %cond3A_105 = arith.constant 0 : i32
          %cond3A_106 = arith.cmpi ne, %convert_element_type3A_104, %cond3A_105 : i32
          scf.if %cond3A_106 {
            %add3A_163 = arith.constant 384 : i32
            %add3A_164 = arith.addi %add3A_99, %add3A_163 : i32
            %dma_start3A_165 = tpu.memref_slice %arg2[%add3A_164] : memref<320000xi32, #tpu.memory_space<hbm>> -> memref<128xi32, #tpu.memory_space<hbm>>
            %dma_start3A_166 = tpu.memref_slice %arg2[%add3A_164] : memref<320000xi32, #tpu.memory_space<hbm>> -> memref<128xi32, #tpu.memory_space<hbm>>
            tpu.enqueue_dma source(%dma_start3A_166 : memref<128xi32, #tpu.memory_space<hbm>>) target(%arg11 : memref<128xi32, #tpu.memory_space<vmem>>) target_semaphore(%arg35 : memref<!tpu.dma_semaphore, #tpu.memory_space<semaphore_mem>>)
          } else {
          }
          %dma_wait3A_107 = tpu.memref_slice %arg3[%add3A_99] : memref<320000xi32, #tpu.memory_space<hbm>> -> memref<128xi32, #tpu.memory_space<hbm>>
          %dma_wait3A_108 = tpu.memref_slice %arg3[%add3A_99] : memref<320000xi32, #tpu.memory_space<hbm>> -> memref<128xi32, #tpu.memory_space<hbm>>
          tpu.wait_dma2 semaphore(%arg38 : memref<!tpu.dma_semaphore, #tpu.memory_space<semaphore_mem>>) src(%dma_wait3A_108 : memref<128xi32, #tpu.memory_space<hbm>>) dst(%arg14 : memref<128xi32, #tpu.memory_space<vmem>>)
          %dma_start3A_109 = arith.constant 0 : i32
          %dma_start3A_110 = arith.constant 0 : i32
          %dma_start3A_111 = tpu.memref_slice %arg48[%dma_start3A_109, %dma_start3A_110] : memref<10240x64xf32, #tpu.memory_space<vmem_shared>> -> memref<10240x64xf32, #tpu.memory_space<vmem_shared>>
          tpu.enqueue_indirect_dma source(%arg17 : memref<128x64xf32, #tpu.memory_space<vmem>>) target(%dma_start3A_111 : memref<10240x64xf32, #tpu.memory_space<vmem_shared>>) offsets(%arg14 : memref<128xi32, #tpu.memory_space<vmem>>) semaphore(%arg32 : memref<!tpu.dma_semaphore, #tpu.memory_space<semaphore_mem>>) {add = true}
          %dma_wait3A_112 = arith.constant 0 : i32
          %dma_wait3A_113 = arith.constant 0 : i32
          %dma_wait3A_114 = tpu.memref_slice %arg9[%dma_wait3A_112, %dma_wait3A_113] : memref<10240x64xf32, #tpu.memory_space<hbm>> -> memref<10240x64xf32, #tpu.memory_space<hbm>>
          tpu.wait_indirect_dma semaphore(%arg30 : memref<!tpu.dma_semaphore, #tpu.memory_space<semaphore_mem>>) src(%dma_wait3A_114 : memref<10240x64xf32, #tpu.memory_space<hbm>>) dst(%arg18 : memref<128x64xf32, #tpu.memory_space<vmem>>)
          %lt3A_115 = arith.constant 51 : i32
          %lt3A_116 = arith.cmpi slt, %scan3A_93, %lt3A_115 : i32
          %convert_element_type3A_117 = arith.extui %lt3A_116 : i1 to i32
          %cond3A_118 = arith.constant 0 : i32
          %cond3A_119 = arith.cmpi ne, %convert_element_type3A_117, %cond3A_118 : i32
          scf.if %cond3A_119 {
            %add3A_163 = arith.constant 512 : i32
            %add3A_164 = arith.addi %add3A_99, %add3A_163 : i32
            %dma_start3A_165 = tpu.memref_slice %arg2[%add3A_164] : memref<320000xi32, #tpu.memory_space<hbm>> -> memref<128xi32, #tpu.memory_space<hbm>>
            %dma_start3A_166 = tpu.memref_slice %arg2[%add3A_164] : memref<320000xi32, #tpu.memory_space<hbm>> -> memref<128xi32, #tpu.memory_space<hbm>>
            tpu.enqueue_dma source(%dma_start3A_166 : memref<128xi32, #tpu.memory_space<hbm>>) target(%arg12 : memref<128xi32, #tpu.memory_space<vmem>>) target_semaphore(%arg36 : memref<!tpu.dma_semaphore, #tpu.memory_space<semaphore_mem>>)
          } else {
          }
          %dma_wait3A_120 = tpu.memref_slice %arg3[%add3A_99] : memref<320000xi32, #tpu.memory_space<hbm>> -> memref<128xi32, #tpu.memory_space<hbm>>
          %dma_wait3A_121 = tpu.memref_slice %arg3[%add3A_99] : memref<320000xi32, #tpu.memory_space<hbm>> -> memref<128xi32, #tpu.memory_space<hbm>>
          tpu.wait_dma2 semaphore(%arg39 : memref<!tpu.dma_semaphore, #tpu.memory_space<semaphore_mem>>) src(%dma_wait3A_121 : memref<128xi32, #tpu.memory_space<hbm>>) dst(%arg15 : memref<128xi32, #tpu.memory_space<vmem>>)
          %dma_start3A_122 = arith.constant 0 : i32
          %dma_start3A_123 = arith.constant 0 : i32
          %dma_start3A_124 = tpu.memref_slice %arg48[%dma_start3A_122, %dma_start3A_123] : memref<10240x64xf32, #tpu.memory_space<vmem_shared>> -> memref<10240x64xf32, #tpu.memory_space<vmem_shared>>
          tpu.enqueue_indirect_dma source(%arg18 : memref<128x64xf32, #tpu.memory_space<vmem>>) target(%dma_start3A_124 : memref<10240x64xf32, #tpu.memory_space<vmem_shared>>) offsets(%arg15 : memref<128xi32, #tpu.memory_space<vmem>>) semaphore(%arg33 : memref<!tpu.dma_semaphore, #tpu.memory_space<semaphore_mem>>) {add = true}
          %dma_wait3A_125 = arith.constant 0 : i32
          %dma_wait3A_126 = arith.constant 0 : i32
          %dma_wait3A_127 = tpu.memref_slice %arg9[%dma_wait3A_125, %dma_wait3A_126] : memref<10240x64xf32, #tpu.memory_space<hbm>> -> memref<10240x64xf32, #tpu.memory_space<hbm>>
          tpu.wait_indirect_dma semaphore(%arg31 : memref<!tpu.dma_semaphore, #tpu.memory_space<semaphore_mem>>) src(%dma_wait3A_127 : memref<10240x64xf32, #tpu.memory_space<hbm>>) dst(%arg19 : memref<128x64xf32, #tpu.memory_space<vmem>>)
          %lt3A_128 = arith.constant 51 : i32
          %lt3A_129 = arith.cmpi slt, %scan3A_93, %lt3A_128 : i32
          %convert_element_type3A_130 = arith.extui %lt3A_129 : i1 to i32
          %cond3A_131 = arith.constant 0 : i32
          %cond3A_132 = arith.cmpi ne, %convert_element_type3A_130, %cond3A_131 : i32
          scf.if %cond3A_132 {
            %add3A_163 = arith.constant 640 : i32
            %add3A_164 = arith.addi %add3A_99, %add3A_163 : i32
            %dma_start3A_165 = tpu.memref_slice %arg2[%add3A_164] : memref<320000xi32, #tpu.memory_space<hbm>> -> memref<128xi32, #tpu.memory_space<hbm>>
            %dma_start3A_166 = tpu.memref_slice %arg2[%add3A_164] : memref<320000xi32, #tpu.memory_space<hbm>> -> memref<128xi32, #tpu.memory_space<hbm>>
            tpu.enqueue_dma source(%dma_start3A_166 : memref<128xi32, #tpu.memory_space<hbm>>) target(%arg13 : memref<128xi32, #tpu.memory_space<vmem>>) target_semaphore(%arg37 : memref<!tpu.dma_semaphore, #tpu.memory_space<semaphore_mem>>)
          } else {
          }
          %dma_wait3A_133 = tpu.memref_slice %arg3[%add3A_99] : memref<320000xi32, #tpu.memory_space<hbm>> -> memref<128xi32, #tpu.memory_space<hbm>>
          %dma_wait3A_134 = tpu.memref_slice %arg3[%add3A_99] : memref<320000xi32, #tpu.memory_space<hbm>> -> memref<128xi32, #tpu.memory_space<hbm>>
          tpu.wait_dma2 semaphore(%arg40 : memref<!tpu.dma_semaphore, #tpu.memory_space<semaphore_mem>>) src(%dma_wait3A_134 : memref<128xi32, #tpu.memory_space<hbm>>) dst(%arg16 : memref<128xi32, #tpu.memory_space<vmem>>)
          %dma_start3A_135 = arith.constant 0 : i32
          %dma_start3A_136 = arith.constant 0 : i32
          %dma_start3A_137 = tpu.memref_slice %arg48[%dma_start3A_135, %dma_start3A_136] : memref<10240x64xf32, #tpu.memory_space<vmem_shared>> -> memref<10240x64xf32, #tpu.memory_space<vmem_shared>>
          tpu.enqueue_indirect_dma source(%arg19 : memref<128x64xf32, #tpu.memory_space<vmem>>) target(%dma_start3A_137 : memref<10240x64xf32, #tpu.memory_space<vmem_shared>>) offsets(%arg16 : memref<128xi32, #tpu.memory_space<vmem>>) semaphore(%arg34 : memref<!tpu.dma_semaphore, #tpu.memory_space<semaphore_mem>>) {add = true}
          %dma_wait3A_138 = arith.constant 0 : i32
          %dma_wait3A_139 = arith.constant 0 : i32
          %dma_wait3A_140 = tpu.memref_slice %arg48[%dma_wait3A_138, %dma_wait3A_139] : memref<10240x64xf32, #tpu.memory_space<vmem_shared>> -> memref<10240x64xf32, #tpu.memory_space<vmem_shared>>
          tpu.wait_indirect_dma semaphore(%arg32 : memref<!tpu.dma_semaphore, #tpu.memory_space<semaphore_mem>>) src(%arg17 : memref<128x64xf32, #tpu.memory_space<vmem>>) dst(%dma_wait3A_140 : memref<10240x64xf32, #tpu.memory_space<vmem_shared>>)
          %lt3A_141 = arith.constant 51 : i32
          %lt3A_142 = arith.cmpi slt, %scan3A_93, %lt3A_141 : i32
          %convert_element_type3A_143 = arith.extui %lt3A_142 : i1 to i32
          %cond3A_144 = arith.constant 0 : i32
          %cond3A_145 = arith.cmpi ne, %convert_element_type3A_143, %cond3A_144 : i32
          scf.if %cond3A_145 {
            %add3A_163 = arith.constant 384 : i32
            %add3A_164 = arith.addi %add3A_99, %add3A_163 : i32
            %dma_start3A_165 = tpu.memref_slice %arg3[%add3A_164] : memref<320000xi32, #tpu.memory_space<hbm>> -> memref<128xi32, #tpu.memory_space<hbm>>
            %dma_start3A_166 = tpu.memref_slice %arg3[%add3A_164] : memref<320000xi32, #tpu.memory_space<hbm>> -> memref<128xi32, #tpu.memory_space<hbm>>
            tpu.enqueue_dma source(%dma_start3A_166 : memref<128xi32, #tpu.memory_space<hbm>>) target(%arg14 : memref<128xi32, #tpu.memory_space<vmem>>) target_semaphore(%arg38 : memref<!tpu.dma_semaphore, #tpu.memory_space<semaphore_mem>>)
            %dma_wait3A_167 = tpu.memref_slice %arg2[%add3A_164] : memref<320000xi32, #tpu.memory_space<hbm>> -> memref<128xi32, #tpu.memory_space<hbm>>
            %dma_wait3A_168 = tpu.memref_slice %arg2[%add3A_164] : memref<320000xi32, #tpu.memory_space<hbm>> -> memref<128xi32, #tpu.memory_space<hbm>>
            tpu.wait_dma2 semaphore(%arg35 : memref<!tpu.dma_semaphore, #tpu.memory_space<semaphore_mem>>) src(%dma_wait3A_168 : memref<128xi32, #tpu.memory_space<hbm>>) dst(%arg11 : memref<128xi32, #tpu.memory_space<vmem>>)
            %dma_start3A_169 = arith.constant 0 : i32
            %dma_start3A_170 = arith.constant 0 : i32
            %dma_start3A_171 = tpu.memref_slice %arg9[%dma_start3A_169, %dma_start3A_170] : memref<10240x64xf32, #tpu.memory_space<hbm>> -> memref<10240x64xf32, #tpu.memory_space<hbm>>
            tpu.enqueue_indirect_dma source(%dma_start3A_171 : memref<10240x64xf32, #tpu.memory_space<hbm>>) target(%arg17 : memref<128x64xf32, #tpu.memory_space<vmem>>) offsets(%arg11 : memref<128xi32, #tpu.memory_space<vmem>>) semaphore(%arg29 : memref<!tpu.dma_semaphore, #tpu.memory_space<semaphore_mem>>)
          } else {
          }
          %dma_wait3A_146 = arith.constant 0 : i32
          %dma_wait3A_147 = arith.constant 0 : i32
          %dma_wait3A_148 = tpu.memref_slice %arg48[%dma_wait3A_146, %dma_wait3A_147] : memref<10240x64xf32, #tpu.memory_space<vmem_shared>> -> memref<10240x64xf32, #tpu.memory_space<vmem_shared>>
          tpu.wait_indirect_dma semaphore(%arg33 : memref<!tpu.dma_semaphore, #tpu.memory_space<semaphore_mem>>) src(%arg18 : memref<128x64xf32, #tpu.memory_space<vmem>>) dst(%dma_wait3A_148 : memref<10240x64xf32, #tpu.memory_space<vmem_shared>>)
          %lt3A_149 = arith.constant 51 : i32
          %lt3A_150 = arith.cmpi slt, %scan3A_93, %lt3A_149 : i32
          %convert_element_type3A_151 = arith.extui %lt3A_150 : i1 to i32
          %cond3A_152 = arith.constant 0 : i32
          %cond3A_153 = arith.cmpi ne, %convert_element_type3A_151, %cond3A_152 : i32
          scf.if %cond3A_153 {
            %add3A_163 = arith.constant 512 : i32
            %add3A_164 = arith.addi %add3A_99, %add3A_163 : i32
            %dma_start3A_165 = tpu.memref_slice %arg3[%add3A_164] : memref<320000xi32, #tpu.memory_space<hbm>> -> memref<128xi32, #tpu.memory_space<hbm>>
            %dma_start3A_166 = tpu.memref_slice %arg3[%add3A_164] : memref<320000xi32, #tpu.memory_space<hbm>> -> memref<128xi32, #tpu.memory_space<hbm>>
            tpu.enqueue_dma source(%dma_start3A_166 : memref<128xi32, #tpu.memory_space<hbm>>) target(%arg15 : memref<128xi32, #tpu.memory_space<vmem>>) target_semaphore(%arg39 : memref<!tpu.dma_semaphore, #tpu.memory_space<semaphore_mem>>)
            %dma_wait3A_167 = tpu.memref_slice %arg2[%add3A_164] : memref<320000xi32, #tpu.memory_space<hbm>> -> memref<128xi32, #tpu.memory_space<hbm>>
            %dma_wait3A_168 = tpu.memref_slice %arg2[%add3A_164] : memref<320000xi32, #tpu.memory_space<hbm>> -> memref<128xi32, #tpu.memory_space<hbm>>
            tpu.wait_dma2 semaphore(%arg36 : memref<!tpu.dma_semaphore, #tpu.memory_space<semaphore_mem>>) src(%dma_wait3A_168 : memref<128xi32, #tpu.memory_space<hbm>>) dst(%arg12 : memref<128xi32, #tpu.memory_space<vmem>>)
            %dma_start3A_169 = arith.constant 0 : i32
            %dma_start3A_170 = arith.constant 0 : i32
            %dma_start3A_171 = tpu.memref_slice %arg9[%dma_start3A_169, %dma_start3A_170] : memref<10240x64xf32, #tpu.memory_space<hbm>> -> memref<10240x64xf32, #tpu.memory_space<hbm>>
            tpu.enqueue_indirect_dma source(%dma_start3A_171 : memref<10240x64xf32, #tpu.memory_space<hbm>>) target(%arg18 : memref<128x64xf32, #tpu.memory_space<vmem>>) offsets(%arg12 : memref<128xi32, #tpu.memory_space<vmem>>) semaphore(%arg30 : memref<!tpu.dma_semaphore, #tpu.memory_space<semaphore_mem>>)
          } else {
          }
          %dma_wait3A_154 = arith.constant 0 : i32
          %dma_wait3A_155 = arith.constant 0 : i32
          %dma_wait3A_156 = tpu.memref_slice %arg48[%dma_wait3A_154, %dma_wait3A_155] : memref<10240x64xf32, #tpu.memory_space<vmem_shared>> -> memref<10240x64xf32, #tpu.memory_space<vmem_shared>>
          tpu.wait_indirect_dma semaphore(%arg34 : memref<!tpu.dma_semaphore, #tpu.memory_space<semaphore_mem>>) src(%arg19 : memref<128x64xf32, #tpu.memory_space<vmem>>) dst(%dma_wait3A_156 : memref<10240x64xf32, #tpu.memory_space<vmem_shared>>)
          %lt3A_157 = arith.constant 51 : i32
          %lt3A_158 = arith.cmpi slt, %scan3A_93, %lt3A_157 : i32
          %convert_element_type3A_159 = arith.extui %lt3A_158 : i1 to i32
          %cond3A_160 = arith.constant 0 : i32
          %cond3A_161 = arith.cmpi ne, %convert_element_type3A_159, %cond3A_160 : i32
          scf.if %cond3A_161 {
            %add3A_163 = arith.constant 640 : i32
            %add3A_164 = arith.addi %add3A_99, %add3A_163 : i32
            %dma_start3A_165 = tpu.memref_slice %arg3[%add3A_164] : memref<320000xi32, #tpu.memory_space<hbm>> -> memref<128xi32, #tpu.memory_space<hbm>>
            %dma_start3A_166 = tpu.memref_slice %arg3[%add3A_164] : memref<320000xi32, #tpu.memory_space<hbm>> -> memref<128xi32, #tpu.memory_space<hbm>>
            tpu.enqueue_dma source(%dma_start3A_166 : memref<128xi32, #tpu.memory_space<hbm>>) target(%arg16 : memref<128xi32, #tpu.memory_space<vmem>>) target_semaphore(%arg40 : memref<!tpu.dma_semaphore, #tpu.memory_space<semaphore_mem>>)
            %dma_wait3A_167 = tpu.memref_slice %arg2[%add3A_164] : memref<320000xi32, #tpu.memory_space<hbm>> -> memref<128xi32, #tpu.memory_space<hbm>>
            %dma_wait3A_168 = tpu.memref_slice %arg2[%add3A_164] : memref<320000xi32, #tpu.memory_space<hbm>> -> memref<128xi32, #tpu.memory_space<hbm>>
            tpu.wait_dma2 semaphore(%arg37 : memref<!tpu.dma_semaphore, #tpu.memory_space<semaphore_mem>>) src(%dma_wait3A_168 : memref<128xi32, #tpu.memory_space<hbm>>) dst(%arg13 : memref<128xi32, #tpu.memory_space<vmem>>)
            %dma_start3A_169 = arith.constant 0 : i32
            %dma_start3A_170 = arith.constant 0 : i32
            %dma_start3A_171 = tpu.memref_slice %arg9[%dma_start3A_169, %dma_start3A_170] : memref<10240x64xf32, #tpu.memory_space<hbm>> -> memref<10240x64xf32, #tpu.memory_space<hbm>>
            tpu.enqueue_indirect_dma source(%dma_start3A_171 : memref<10240x64xf32, #tpu.memory_space<hbm>>) target(%arg19 : memref<128x64xf32, #tpu.memory_space<vmem>>) offsets(%arg13 : memref<128xi32, #tpu.memory_space<vmem>>) semaphore(%arg31 : memref<!tpu.dma_semaphore, #tpu.memory_space<semaphore_mem>>)
          } else {
          }
          %scan3A_162 = arith.constant 0 : i32
          scf.yield %scan3A_162 : i32
        }
        %scan3A_89 = arith.constant 52 : i32
        %dma_wait3A_90 = arith.constant 0 : i32
        %dma_wait3A_91 = arith.constant 0 : i32
        %dma_wait3A_92 = tpu.memref_slice %arg9[%dma_wait3A_90, %dma_wait3A_91] : memref<10240x64xf32, #tpu.memory_space<hbm>> -> memref<10240x64xf32, #tpu.memory_space<hbm>>
        tpu.wait_indirect_dma semaphore(%arg41 : memref<!tpu.dma_semaphore, #tpu.memory_space<semaphore_mem>>) src(%dma_wait3A_92 : memref<10240x64xf32, #tpu.memory_space<hbm>>) dst(%arg26 : memref<32x64xf32, #tpu.memory_space<vmem>>)
        "tpu.region"() ({
          %run_scoped3A = tpu.sem_alloc : memref<!tpu.dma_semaphore, #tpu.memory_space<semaphore_mem>>
          %dma_start3A_93 = arith.constant 0 : i32
          %dma_start3A_94 = arith.constant 0 : i32
          %dma_start3A_95 = tpu.memref_slice %arg48[%dma_start3A_93, %dma_start3A_94] : memref<10240x64xf32, #tpu.memory_space<vmem_shared>> -> memref<10240x64xf32, #tpu.memory_space<vmem_shared>>
          tpu.enqueue_indirect_dma source(%arg26 : memref<32x64xf32, #tpu.memory_space<vmem>>) target(%dma_start3A_95 : memref<10240x64xf32, #tpu.memory_space<vmem_shared>>) offsets(%arg25 : memref<32xi32, #tpu.memory_space<vmem>>) semaphore(%run_scoped3A : memref<!tpu.dma_semaphore, #tpu.memory_space<semaphore_mem>>) {add = true}
          %dma_wait3A_96 = arith.constant 0 : i32
          %dma_wait3A_97 = arith.constant 0 : i32
          %dma_wait3A_98 = tpu.memref_slice %arg48[%dma_wait3A_96, %dma_wait3A_97] : memref<10240x64xf32, #tpu.memory_space<vmem_shared>> -> memref<10240x64xf32, #tpu.memory_space<vmem_shared>>
          tpu.wait_indirect_dma semaphore(%run_scoped3A : memref<!tpu.dma_semaphore, #tpu.memory_space<semaphore_mem>>) src(%arg26 : memref<32x64xf32, #tpu.memory_space<vmem>>) dst(%dma_wait3A_98 : memref<10240x64xf32, #tpu.memory_space<vmem_shared>>)
          tpu.yield
        }) : () -> ()
      } else {
      }
      %convert_element_type3A_23 = arith.extui %eq3A_5 : i1 to i32
      %cond3A_24 = arith.constant 0 : i32
      %cond3A_25 = arith.cmpi ne, %convert_element_type3A_23, %cond3A_24 : i32
      scf.if %cond3A_25 {
        %add3A = arith.constant 19968 : i32
        %add3A_34 = arith.addi %mul3A_2, %add3A : i32
        %dma_start3A = tpu.memref_slice %arg2[%add3A_34] : memref<320000xi32, #tpu.memory_space<hbm>> -> memref<32xi32, #tpu.memory_space<hbm>>
        %dma_start3A_35 = tpu.memref_slice %arg2[%add3A_34] : memref<320000xi32, #tpu.memory_space<hbm>> -> memref<32xi32, #tpu.memory_space<hbm>>
        tpu.enqueue_dma source(%dma_start3A_35 : memref<32xi32, #tpu.memory_space<hbm>>) target(%arg24 : memref<32xi32, #tpu.memory_space<vmem>>) target_semaphore(%arg41 : memref<!tpu.dma_semaphore, #tpu.memory_space<semaphore_mem>>)
        %dma_start3A_36 = tpu.memref_slice %arg3[%add3A_34] : memref<320000xi32, #tpu.memory_space<hbm>> -> memref<32xi32, #tpu.memory_space<hbm>>
        %dma_start3A_37 = tpu.memref_slice %arg3[%add3A_34] : memref<320000xi32, #tpu.memory_space<hbm>> -> memref<32xi32, #tpu.memory_space<hbm>>
        tpu.enqueue_dma source(%dma_start3A_37 : memref<32xi32, #tpu.memory_space<hbm>>) target(%arg25 : memref<32xi32, #tpu.memory_space<vmem>>) target_semaphore(%arg41 : memref<!tpu.dma_semaphore, #tpu.memory_space<semaphore_mem>>)
        %add3A_38 = arith.constant 0 : i32
        %add3A_39 = arith.addi %mul3A_2, %add3A_38 : i32
        %dma_start3A_40 = tpu.memref_slice %arg2[%add3A_39] : memref<320000xi32, #tpu.memory_space<hbm>> -> memref<128xi32, #tpu.memory_space<hbm>>
        %dma_start3A_41 = tpu.memref_slice %arg2[%add3A_39] : memref<320000xi32, #tpu.memory_space<hbm>> -> memref<128xi32, #tpu.memory_space<hbm>>
        tpu.enqueue_dma source(%dma_start3A_41 : memref<128xi32, #tpu.memory_space<hbm>>) target(%arg11 : memref<128xi32, #tpu.memory_space<vmem>>) target_semaphore(%arg35 : memref<!tpu.dma_semaphore, #tpu.memory_space<semaphore_mem>>)
        %dma_start3A_42 = tpu.memref_slice %arg3[%add3A_39] : memref<320000xi32, #tpu.memory_space<hbm>> -> memref<128xi32, #tpu.memory_space<hbm>>
        %dma_start3A_43 = tpu.memref_slice %arg3[%add3A_39] : memref<320000xi32, #tpu.memory_space<hbm>> -> memref<128xi32, #tpu.memory_space<hbm>>
        tpu.enqueue_dma source(%dma_start3A_43 : memref<128xi32, #tpu.memory_space<hbm>>) target(%arg14 : memref<128xi32, #tpu.memory_space<vmem>>) target_semaphore(%arg38 : memref<!tpu.dma_semaphore, #tpu.memory_space<semaphore_mem>>)
        %add3A_44 = arith.constant 128 : i32
        %add3A_45 = arith.addi %mul3A_2, %add3A_44 : i32
        %dma_start3A_46 = tpu.memref_slice %arg2[%add3A_45] : memref<320000xi32, #tpu.memory_space<hbm>> -> memref<128xi32, #tpu.memory_space<hbm>>
        %dma_start3A_47 = tpu.memref_slice %arg2[%add3A_45] : memref<320000xi32, #tpu.memory_space<hbm>> -> memref<128xi32, #tpu.memory_space<hbm>>
        tpu.enqueue_dma source(%dma_start3A_47 : memref<128xi32, #tpu.memory_space<hbm>>) target(%arg12 : memref<128xi32, #tpu.memory_space<vmem>>) target_semaphore(%arg36 : memref<!tpu.dma_semaphore, #tpu.memory_space<semaphore_mem>>)
        %dma_start3A_48 = tpu.memref_slice %arg3[%add3A_45] : memref<320000xi32, #tpu.memory_space<hbm>> -> memref<128xi32, #tpu.memory_space<hbm>>
        %dma_start3A_49 = tpu.memref_slice %arg3[%add3A_45] : memref<320000xi32, #tpu.memory_space<hbm>> -> memref<128xi32, #tpu.memory_space<hbm>>
        tpu.enqueue_dma source(%dma_start3A_49 : memref<128xi32, #tpu.memory_space<hbm>>) target(%arg15 : memref<128xi32, #tpu.memory_space<vmem>>) target_semaphore(%arg39 : memref<!tpu.dma_semaphore, #tpu.memory_space<semaphore_mem>>)
        %add3A_50 = arith.constant 256 : i32
        %add3A_51 = arith.addi %mul3A_2, %add3A_50 : i32
        %dma_start3A_52 = tpu.memref_slice %arg2[%add3A_51] : memref<320000xi32, #tpu.memory_space<hbm>> -> memref<128xi32, #tpu.memory_space<hbm>>
        %dma_start3A_53 = tpu.memref_slice %arg2[%add3A_51] : memref<320000xi32, #tpu.memory_space<hbm>> -> memref<128xi32, #tpu.memory_space<hbm>>
        tpu.enqueue_dma source(%dma_start3A_53 : memref<128xi32, #tpu.memory_space<hbm>>) target(%arg13 : memref<128xi32, #tpu.memory_space<vmem>>) target_semaphore(%arg37 : memref<!tpu.dma_semaphore, #tpu.memory_space<semaphore_mem>>)
        %dma_start3A_54 = tpu.memref_slice %arg3[%add3A_51] : memref<320000xi32, #tpu.memory_space<hbm>> -> memref<128xi32, #tpu.memory_space<hbm>>
        %dma_start3A_55 = tpu.memref_slice %arg3[%add3A_51] : memref<320000xi32, #tpu.memory_space<hbm>> -> memref<128xi32, #tpu.memory_space<hbm>>
        tpu.enqueue_dma source(%dma_start3A_55 : memref<128xi32, #tpu.memory_space<hbm>>) target(%arg16 : memref<128xi32, #tpu.memory_space<vmem>>) target_semaphore(%arg40 : memref<!tpu.dma_semaphore, #tpu.memory_space<semaphore_mem>>)
        %add3A_56 = arith.constant 0 : i32
        %add3A_57 = arith.addi %mul3A_2, %add3A_56 : i32
        %dma_wait3A = tpu.memref_slice %arg2[%add3A_57] : memref<320000xi32, #tpu.memory_space<hbm>> -> memref<128xi32, #tpu.memory_space<hbm>>
        %dma_wait3A_58 = tpu.memref_slice %arg2[%add3A_57] : memref<320000xi32, #tpu.memory_space<hbm>> -> memref<128xi32, #tpu.memory_space<hbm>>
        tpu.wait_dma2 semaphore(%arg35 : memref<!tpu.dma_semaphore, #tpu.memory_space<semaphore_mem>>) src(%dma_wait3A_58 : memref<128xi32, #tpu.memory_space<hbm>>) dst(%arg11 : memref<128xi32, #tpu.memory_space<vmem>>)
        %dma_start3A_59 = arith.constant 0 : i32
        %dma_start3A_60 = arith.constant 0 : i32
        %dma_start3A_61 = tpu.memref_slice %arg10[%dma_start3A_59, %dma_start3A_60] : memref<10240x48xf32, #tpu.memory_space<hbm>> -> memref<10240x48xf32, #tpu.memory_space<hbm>>
        tpu.enqueue_indirect_dma source(%dma_start3A_61 : memref<10240x48xf32, #tpu.memory_space<hbm>>) target(%arg20 : memref<128x48xf32, #tpu.memory_space<vmem>>) offsets(%arg11 : memref<128xi32, #tpu.memory_space<vmem>>) semaphore(%arg29 : memref<!tpu.dma_semaphore, #tpu.memory_space<semaphore_mem>>)
        %add3A_62 = arith.constant 128 : i32
        %add3A_63 = arith.addi %mul3A_2, %add3A_62 : i32
        %dma_wait3A_64 = tpu.memref_slice %arg2[%add3A_63] : memref<320000xi32, #tpu.memory_space<hbm>> -> memref<128xi32, #tpu.memory_space<hbm>>
        %dma_wait3A_65 = tpu.memref_slice %arg2[%add3A_63] : memref<320000xi32, #tpu.memory_space<hbm>> -> memref<128xi32, #tpu.memory_space<hbm>>
        tpu.wait_dma2 semaphore(%arg36 : memref<!tpu.dma_semaphore, #tpu.memory_space<semaphore_mem>>) src(%dma_wait3A_65 : memref<128xi32, #tpu.memory_space<hbm>>) dst(%arg12 : memref<128xi32, #tpu.memory_space<vmem>>)
        %dma_start3A_66 = arith.constant 0 : i32
        %dma_start3A_67 = arith.constant 0 : i32
        %dma_start3A_68 = tpu.memref_slice %arg10[%dma_start3A_66, %dma_start3A_67] : memref<10240x48xf32, #tpu.memory_space<hbm>> -> memref<10240x48xf32, #tpu.memory_space<hbm>>
        tpu.enqueue_indirect_dma source(%dma_start3A_68 : memref<10240x48xf32, #tpu.memory_space<hbm>>) target(%arg21 : memref<128x48xf32, #tpu.memory_space<vmem>>) offsets(%arg12 : memref<128xi32, #tpu.memory_space<vmem>>) semaphore(%arg30 : memref<!tpu.dma_semaphore, #tpu.memory_space<semaphore_mem>>)
        %add3A_69 = arith.constant 256 : i32
        %add3A_70 = arith.addi %mul3A_2, %add3A_69 : i32
        %dma_wait3A_71 = tpu.memref_slice %arg2[%add3A_70] : memref<320000xi32, #tpu.memory_space<hbm>> -> memref<128xi32, #tpu.memory_space<hbm>>
        %dma_wait3A_72 = tpu.memref_slice %arg2[%add3A_70] : memref<320000xi32, #tpu.memory_space<hbm>> -> memref<128xi32, #tpu.memory_space<hbm>>
        tpu.wait_dma2 semaphore(%arg37 : memref<!tpu.dma_semaphore, #tpu.memory_space<semaphore_mem>>) src(%dma_wait3A_72 : memref<128xi32, #tpu.memory_space<hbm>>) dst(%arg13 : memref<128xi32, #tpu.memory_space<vmem>>)
        %dma_start3A_73 = arith.constant 0 : i32
        %dma_start3A_74 = arith.constant 0 : i32
        %dma_start3A_75 = tpu.memref_slice %arg10[%dma_start3A_73, %dma_start3A_74] : memref<10240x48xf32, #tpu.memory_space<hbm>> -> memref<10240x48xf32, #tpu.memory_space<hbm>>
        tpu.enqueue_indirect_dma source(%dma_start3A_75 : memref<10240x48xf32, #tpu.memory_space<hbm>>) target(%arg22 : memref<128x48xf32, #tpu.memory_space<vmem>>) offsets(%arg13 : memref<128xi32, #tpu.memory_space<vmem>>) semaphore(%arg31 : memref<!tpu.dma_semaphore, #tpu.memory_space<semaphore_mem>>)
        %dma_wait3A_76 = tpu.memref_slice %arg2[%add3A_34] : memref<320000xi32, #tpu.memory_space<hbm>> -> memref<32xi32, #tpu.memory_space<hbm>>
        %dma_wait3A_77 = tpu.memref_slice %arg2[%add3A_34] : memref<320000xi32, #tpu.memory_space<hbm>> -> memref<32xi32, #tpu.memory_space<hbm>>
        tpu.wait_dma2 semaphore(%arg41 : memref<!tpu.dma_semaphore, #tpu.memory_space<semaphore_mem>>) src(%dma_wait3A_77 : memref<32xi32, #tpu.memory_space<hbm>>) dst(%arg24 : memref<32xi32, #tpu.memory_space<vmem>>)
        %dma_wait3A_78 = tpu.memref_slice %arg3[%add3A_34] : memref<320000xi32, #tpu.memory_space<hbm>> -> memref<32xi32, #tpu.memory_space<hbm>>
        %dma_wait3A_79 = tpu.memref_slice %arg3[%add3A_34] : memref<320000xi32, #tpu.memory_space<hbm>> -> memref<32xi32, #tpu.memory_space<hbm>>
        tpu.wait_dma2 semaphore(%arg41 : memref<!tpu.dma_semaphore, #tpu.memory_space<semaphore_mem>>) src(%dma_wait3A_79 : memref<32xi32, #tpu.memory_space<hbm>>) dst(%arg25 : memref<32xi32, #tpu.memory_space<vmem>>)
        %dma_start3A_80 = arith.constant 0 : i32
        %dma_start3A_81 = arith.constant 0 : i32
        %dma_start3A_82 = tpu.memref_slice %arg10[%dma_start3A_80, %dma_start3A_81] : memref<10240x48xf32, #tpu.memory_space<hbm>> -> memref<10240x48xf32, #tpu.memory_space<hbm>>
        tpu.enqueue_indirect_dma source(%dma_start3A_82 : memref<10240x48xf32, #tpu.memory_space<hbm>>) target(%arg27 : memref<32x48xf32, #tpu.memory_space<vmem>>) offsets(%arg24 : memref<32xi32, #tpu.memory_space<vmem>>) semaphore(%arg41 : memref<!tpu.dma_semaphore, #tpu.memory_space<semaphore_mem>>)
        %scan3A_83 = arith.constant 0 : i32
        %scan3A_84 = arith.constant 0 : i32
        %scan3A_85 = arith.constant 52 : i32
        %scan3A_86 = arith.addi %scan3A_84, %scan3A_85 : i32
        %scan3A_87 = arith.constant 1 : i32
        %scan3A_88 = scf.for %scan3A_93 = %scan3A_84 to %scan3A_86 step %scan3A_87 iter_args(%scan3A_94 = %scan3A_83) -> (i32)  : i32 {
          %mul3A_95 = arith.constant 3 : i32
          %mul3A_96 = arith.muli %mul3A_95, %scan3A_93 : i32
          %mul3A_97 = arith.constant 128 : i32
          %mul3A_98 = arith.muli %mul3A_96, %mul3A_97 : i32
          %add3A_99 = arith.addi %mul3A_2, %mul3A_98 : i32
          %dma_wait3A_100 = arith.constant 0 : i32
          %dma_wait3A_101 = arith.constant 0 : i32
          %dma_wait3A_102 = tpu.memref_slice %arg10[%dma_wait3A_100, %dma_wait3A_101] : memref<10240x48xf32, #tpu.memory_space<hbm>> -> memref<10240x48xf32, #tpu.memory_space<hbm>>
          tpu.wait_indirect_dma semaphore(%arg29 : memref<!tpu.dma_semaphore, #tpu.memory_space<semaphore_mem>>) src(%dma_wait3A_102 : memref<10240x48xf32, #tpu.memory_space<hbm>>) dst(%arg20 : memref<128x48xf32, #tpu.memory_space<vmem>>)
          %lt3A = arith.constant 51 : i32
          %lt3A_103 = arith.cmpi slt, %scan3A_93, %lt3A : i32
          %convert_element_type3A_104 = arith.extui %lt3A_103 : i1 to i32
          %cond3A_105 = arith.constant 0 : i32
          %cond3A_106 = arith.cmpi ne, %convert_element_type3A_104, %cond3A_105 : i32
          scf.if %cond3A_106 {
            %add3A_163 = arith.constant 384 : i32
            %add3A_164 = arith.addi %add3A_99, %add3A_163 : i32
            %dma_start3A_165 = tpu.memref_slice %arg2[%add3A_164] : memref<320000xi32, #tpu.memory_space<hbm>> -> memref<128xi32, #tpu.memory_space<hbm>>
            %dma_start3A_166 = tpu.memref_slice %arg2[%add3A_164] : memref<320000xi32, #tpu.memory_space<hbm>> -> memref<128xi32, #tpu.memory_space<hbm>>
            tpu.enqueue_dma source(%dma_start3A_166 : memref<128xi32, #tpu.memory_space<hbm>>) target(%arg11 : memref<128xi32, #tpu.memory_space<vmem>>) target_semaphore(%arg35 : memref<!tpu.dma_semaphore, #tpu.memory_space<semaphore_mem>>)
          } else {
          }
          %dma_wait3A_107 = tpu.memref_slice %arg3[%add3A_99] : memref<320000xi32, #tpu.memory_space<hbm>> -> memref<128xi32, #tpu.memory_space<hbm>>
          %dma_wait3A_108 = tpu.memref_slice %arg3[%add3A_99] : memref<320000xi32, #tpu.memory_space<hbm>> -> memref<128xi32, #tpu.memory_space<hbm>>
          tpu.wait_dma2 semaphore(%arg38 : memref<!tpu.dma_semaphore, #tpu.memory_space<semaphore_mem>>) src(%dma_wait3A_108 : memref<128xi32, #tpu.memory_space<hbm>>) dst(%arg14 : memref<128xi32, #tpu.memory_space<vmem>>)
          %dma_start3A_109 = arith.constant 0 : i32
          %dma_start3A_110 = arith.constant 0 : i32
          %dma_start3A_111 = tpu.memref_slice %arg49[%dma_start3A_109, %dma_start3A_110] : memref<10240x48xf32, #tpu.memory_space<vmem_shared>> -> memref<10240x48xf32, #tpu.memory_space<vmem_shared>>
          tpu.enqueue_indirect_dma source(%arg20 : memref<128x48xf32, #tpu.memory_space<vmem>>) target(%dma_start3A_111 : memref<10240x48xf32, #tpu.memory_space<vmem_shared>>) offsets(%arg14 : memref<128xi32, #tpu.memory_space<vmem>>) semaphore(%arg32 : memref<!tpu.dma_semaphore, #tpu.memory_space<semaphore_mem>>) {add = true}
          %dma_wait3A_112 = arith.constant 0 : i32
          %dma_wait3A_113 = arith.constant 0 : i32
          %dma_wait3A_114 = tpu.memref_slice %arg10[%dma_wait3A_112, %dma_wait3A_113] : memref<10240x48xf32, #tpu.memory_space<hbm>> -> memref<10240x48xf32, #tpu.memory_space<hbm>>
          tpu.wait_indirect_dma semaphore(%arg30 : memref<!tpu.dma_semaphore, #tpu.memory_space<semaphore_mem>>) src(%dma_wait3A_114 : memref<10240x48xf32, #tpu.memory_space<hbm>>) dst(%arg21 : memref<128x48xf32, #tpu.memory_space<vmem>>)
          %lt3A_115 = arith.constant 51 : i32
          %lt3A_116 = arith.cmpi slt, %scan3A_93, %lt3A_115 : i32
          %convert_element_type3A_117 = arith.extui %lt3A_116 : i1 to i32
          %cond3A_118 = arith.constant 0 : i32
          %cond3A_119 = arith.cmpi ne, %convert_element_type3A_117, %cond3A_118 : i32
          scf.if %cond3A_119 {
            %add3A_163 = arith.constant 512 : i32
            %add3A_164 = arith.addi %add3A_99, %add3A_163 : i32
            %dma_start3A_165 = tpu.memref_slice %arg2[%add3A_164] : memref<320000xi32, #tpu.memory_space<hbm>> -> memref<128xi32, #tpu.memory_space<hbm>>
            %dma_start3A_166 = tpu.memref_slice %arg2[%add3A_164] : memref<320000xi32, #tpu.memory_space<hbm>> -> memref<128xi32, #tpu.memory_space<hbm>>
            tpu.enqueue_dma source(%dma_start3A_166 : memref<128xi32, #tpu.memory_space<hbm>>) target(%arg12 : memref<128xi32, #tpu.memory_space<vmem>>) target_semaphore(%arg36 : memref<!tpu.dma_semaphore, #tpu.memory_space<semaphore_mem>>)
          } else {
          }
          %dma_wait3A_120 = tpu.memref_slice %arg3[%add3A_99] : memref<320000xi32, #tpu.memory_space<hbm>> -> memref<128xi32, #tpu.memory_space<hbm>>
          %dma_wait3A_121 = tpu.memref_slice %arg3[%add3A_99] : memref<320000xi32, #tpu.memory_space<hbm>> -> memref<128xi32, #tpu.memory_space<hbm>>
          tpu.wait_dma2 semaphore(%arg39 : memref<!tpu.dma_semaphore, #tpu.memory_space<semaphore_mem>>) src(%dma_wait3A_121 : memref<128xi32, #tpu.memory_space<hbm>>) dst(%arg15 : memref<128xi32, #tpu.memory_space<vmem>>)
          %dma_start3A_122 = arith.constant 0 : i32
          %dma_start3A_123 = arith.constant 0 : i32
          %dma_start3A_124 = tpu.memref_slice %arg49[%dma_start3A_122, %dma_start3A_123] : memref<10240x48xf32, #tpu.memory_space<vmem_shared>> -> memref<10240x48xf32, #tpu.memory_space<vmem_shared>>
          tpu.enqueue_indirect_dma source(%arg21 : memref<128x48xf32, #tpu.memory_space<vmem>>) target(%dma_start3A_124 : memref<10240x48xf32, #tpu.memory_space<vmem_shared>>) offsets(%arg15 : memref<128xi32, #tpu.memory_space<vmem>>) semaphore(%arg33 : memref<!tpu.dma_semaphore, #tpu.memory_space<semaphore_mem>>) {add = true}
          %dma_wait3A_125 = arith.constant 0 : i32
          %dma_wait3A_126 = arith.constant 0 : i32
          %dma_wait3A_127 = tpu.memref_slice %arg10[%dma_wait3A_125, %dma_wait3A_126] : memref<10240x48xf32, #tpu.memory_space<hbm>> -> memref<10240x48xf32, #tpu.memory_space<hbm>>
          tpu.wait_indirect_dma semaphore(%arg31 : memref<!tpu.dma_semaphore, #tpu.memory_space<semaphore_mem>>) src(%dma_wait3A_127 : memref<10240x48xf32, #tpu.memory_space<hbm>>) dst(%arg22 : memref<128x48xf32, #tpu.memory_space<vmem>>)
          %lt3A_128 = arith.constant 51 : i32
          %lt3A_129 = arith.cmpi slt, %scan3A_93, %lt3A_128 : i32
          %convert_element_type3A_130 = arith.extui %lt3A_129 : i1 to i32
          %cond3A_131 = arith.constant 0 : i32
          %cond3A_132 = arith.cmpi ne, %convert_element_type3A_130, %cond3A_131 : i32
          scf.if %cond3A_132 {
            %add3A_163 = arith.constant 640 : i32
            %add3A_164 = arith.addi %add3A_99, %add3A_163 : i32
            %dma_start3A_165 = tpu.memref_slice %arg2[%add3A_164] : memref<320000xi32, #tpu.memory_space<hbm>> -> memref<128xi32, #tpu.memory_space<hbm>>
            %dma_start3A_166 = tpu.memref_slice %arg2[%add3A_164] : memref<320000xi32, #tpu.memory_space<hbm>> -> memref<128xi32, #tpu.memory_space<hbm>>
            tpu.enqueue_dma source(%dma_start3A_166 : memref<128xi32, #tpu.memory_space<hbm>>) target(%arg13 : memref<128xi32, #tpu.memory_space<vmem>>) target_semaphore(%arg37 : memref<!tpu.dma_semaphore, #tpu.memory_space<semaphore_mem>>)
          } else {
          }
          %dma_wait3A_133 = tpu.memref_slice %arg3[%add3A_99] : memref<320000xi32, #tpu.memory_space<hbm>> -> memref<128xi32, #tpu.memory_space<hbm>>
          %dma_wait3A_134 = tpu.memref_slice %arg3[%add3A_99] : memref<320000xi32, #tpu.memory_space<hbm>> -> memref<128xi32, #tpu.memory_space<hbm>>
          tpu.wait_dma2 semaphore(%arg40 : memref<!tpu.dma_semaphore, #tpu.memory_space<semaphore_mem>>) src(%dma_wait3A_134 : memref<128xi32, #tpu.memory_space<hbm>>) dst(%arg16 : memref<128xi32, #tpu.memory_space<vmem>>)
          %dma_start3A_135 = arith.constant 0 : i32
          %dma_start3A_136 = arith.constant 0 : i32
          %dma_start3A_137 = tpu.memref_slice %arg49[%dma_start3A_135, %dma_start3A_136] : memref<10240x48xf32, #tpu.memory_space<vmem_shared>> -> memref<10240x48xf32, #tpu.memory_space<vmem_shared>>
          tpu.enqueue_indirect_dma source(%arg22 : memref<128x48xf32, #tpu.memory_space<vmem>>) target(%dma_start3A_137 : memref<10240x48xf32, #tpu.memory_space<vmem_shared>>) offsets(%arg16 : memref<128xi32, #tpu.memory_space<vmem>>) semaphore(%arg34 : memref<!tpu.dma_semaphore, #tpu.memory_space<semaphore_mem>>) {add = true}
          %dma_wait3A_138 = arith.constant 0 : i32
          %dma_wait3A_139 = arith.constant 0 : i32
          %dma_wait3A_140 = tpu.memref_slice %arg49[%dma_wait3A_138, %dma_wait3A_139] : memref<10240x48xf32, #tpu.memory_space<vmem_shared>> -> memref<10240x48xf32, #tpu.memory_space<vmem_shared>>
          tpu.wait_indirect_dma semaphore(%arg32 : memref<!tpu.dma_semaphore, #tpu.memory_space<semaphore_mem>>) src(%arg20 : memref<128x48xf32, #tpu.memory_space<vmem>>) dst(%dma_wait3A_140 : memref<10240x48xf32, #tpu.memory_space<vmem_shared>>)
          %lt3A_141 = arith.constant 51 : i32
          %lt3A_142 = arith.cmpi slt, %scan3A_93, %lt3A_141 : i32
          %convert_element_type3A_143 = arith.extui %lt3A_142 : i1 to i32
          %cond3A_144 = arith.constant 0 : i32
          %cond3A_145 = arith.cmpi ne, %convert_element_type3A_143, %cond3A_144 : i32
          scf.if %cond3A_145 {
            %add3A_163 = arith.constant 384 : i32
            %add3A_164 = arith.addi %add3A_99, %add3A_163 : i32
            %dma_start3A_165 = tpu.memref_slice %arg3[%add3A_164] : memref<320000xi32, #tpu.memory_space<hbm>> -> memref<128xi32, #tpu.memory_space<hbm>>
            %dma_start3A_166 = tpu.memref_slice %arg3[%add3A_164] : memref<320000xi32, #tpu.memory_space<hbm>> -> memref<128xi32, #tpu.memory_space<hbm>>
            tpu.enqueue_dma source(%dma_start3A_166 : memref<128xi32, #tpu.memory_space<hbm>>) target(%arg14 : memref<128xi32, #tpu.memory_space<vmem>>) target_semaphore(%arg38 : memref<!tpu.dma_semaphore, #tpu.memory_space<semaphore_mem>>)
            %dma_wait3A_167 = tpu.memref_slice %arg2[%add3A_164] : memref<320000xi32, #tpu.memory_space<hbm>> -> memref<128xi32, #tpu.memory_space<hbm>>
            %dma_wait3A_168 = tpu.memref_slice %arg2[%add3A_164] : memref<320000xi32, #tpu.memory_space<hbm>> -> memref<128xi32, #tpu.memory_space<hbm>>
            tpu.wait_dma2 semaphore(%arg35 : memref<!tpu.dma_semaphore, #tpu.memory_space<semaphore_mem>>) src(%dma_wait3A_168 : memref<128xi32, #tpu.memory_space<hbm>>) dst(%arg11 : memref<128xi32, #tpu.memory_space<vmem>>)
            %dma_start3A_169 = arith.constant 0 : i32
            %dma_start3A_170 = arith.constant 0 : i32
            %dma_start3A_171 = tpu.memref_slice %arg10[%dma_start3A_169, %dma_start3A_170] : memref<10240x48xf32, #tpu.memory_space<hbm>> -> memref<10240x48xf32, #tpu.memory_space<hbm>>
            tpu.enqueue_indirect_dma source(%dma_start3A_171 : memref<10240x48xf32, #tpu.memory_space<hbm>>) target(%arg20 : memref<128x48xf32, #tpu.memory_space<vmem>>) offsets(%arg11 : memref<128xi32, #tpu.memory_space<vmem>>) semaphore(%arg29 : memref<!tpu.dma_semaphore, #tpu.memory_space<semaphore_mem>>)
          } else {
          }
          %dma_wait3A_146 = arith.constant 0 : i32
          %dma_wait3A_147 = arith.constant 0 : i32
          %dma_wait3A_148 = tpu.memref_slice %arg49[%dma_wait3A_146, %dma_wait3A_147] : memref<10240x48xf32, #tpu.memory_space<vmem_shared>> -> memref<10240x48xf32, #tpu.memory_space<vmem_shared>>
          tpu.wait_indirect_dma semaphore(%arg33 : memref<!tpu.dma_semaphore, #tpu.memory_space<semaphore_mem>>) src(%arg21 : memref<128x48xf32, #tpu.memory_space<vmem>>) dst(%dma_wait3A_148 : memref<10240x48xf32, #tpu.memory_space<vmem_shared>>)
          %lt3A_149 = arith.constant 51 : i32
          %lt3A_150 = arith.cmpi slt, %scan3A_93, %lt3A_149 : i32
          %convert_element_type3A_151 = arith.extui %lt3A_150 : i1 to i32
          %cond3A_152 = arith.constant 0 : i32
          %cond3A_153 = arith.cmpi ne, %convert_element_type3A_151, %cond3A_152 : i32
          scf.if %cond3A_153 {
            %add3A_163 = arith.constant 512 : i32
            %add3A_164 = arith.addi %add3A_99, %add3A_163 : i32
            %dma_start3A_165 = tpu.memref_slice %arg3[%add3A_164] : memref<320000xi32, #tpu.memory_space<hbm>> -> memref<128xi32, #tpu.memory_space<hbm>>
            %dma_start3A_166 = tpu.memref_slice %arg3[%add3A_164] : memref<320000xi32, #tpu.memory_space<hbm>> -> memref<128xi32, #tpu.memory_space<hbm>>
            tpu.enqueue_dma source(%dma_start3A_166 : memref<128xi32, #tpu.memory_space<hbm>>) target(%arg15 : memref<128xi32, #tpu.memory_space<vmem>>) target_semaphore(%arg39 : memref<!tpu.dma_semaphore, #tpu.memory_space<semaphore_mem>>)
            %dma_wait3A_167 = tpu.memref_slice %arg2[%add3A_164] : memref<320000xi32, #tpu.memory_space<hbm>> -> memref<128xi32, #tpu.memory_space<hbm>>
            %dma_wait3A_168 = tpu.memref_slice %arg2[%add3A_164] : memref<320000xi32, #tpu.memory_space<hbm>> -> memref<128xi32, #tpu.memory_space<hbm>>
            tpu.wait_dma2 semaphore(%arg36 : memref<!tpu.dma_semaphore, #tpu.memory_space<semaphore_mem>>) src(%dma_wait3A_168 : memref<128xi32, #tpu.memory_space<hbm>>) dst(%arg12 : memref<128xi32, #tpu.memory_space<vmem>>)
            %dma_start3A_169 = arith.constant 0 : i32
            %dma_start3A_170 = arith.constant 0 : i32
            %dma_start3A_171 = tpu.memref_slice %arg10[%dma_start3A_169, %dma_start3A_170] : memref<10240x48xf32, #tpu.memory_space<hbm>> -> memref<10240x48xf32, #tpu.memory_space<hbm>>
            tpu.enqueue_indirect_dma source(%dma_start3A_171 : memref<10240x48xf32, #tpu.memory_space<hbm>>) target(%arg21 : memref<128x48xf32, #tpu.memory_space<vmem>>) offsets(%arg12 : memref<128xi32, #tpu.memory_space<vmem>>) semaphore(%arg30 : memref<!tpu.dma_semaphore, #tpu.memory_space<semaphore_mem>>)
          } else {
          }
          %dma_wait3A_154 = arith.constant 0 : i32
          %dma_wait3A_155 = arith.constant 0 : i32
          %dma_wait3A_156 = tpu.memref_slice %arg49[%dma_wait3A_154, %dma_wait3A_155] : memref<10240x48xf32, #tpu.memory_space<vmem_shared>> -> memref<10240x48xf32, #tpu.memory_space<vmem_shared>>
          tpu.wait_indirect_dma semaphore(%arg34 : memref<!tpu.dma_semaphore, #tpu.memory_space<semaphore_mem>>) src(%arg22 : memref<128x48xf32, #tpu.memory_space<vmem>>) dst(%dma_wait3A_156 : memref<10240x48xf32, #tpu.memory_space<vmem_shared>>)
          %lt3A_157 = arith.constant 51 : i32
          %lt3A_158 = arith.cmpi slt, %scan3A_93, %lt3A_157 : i32
          %convert_element_type3A_159 = arith.extui %lt3A_158 : i1 to i32
          %cond3A_160 = arith.constant 0 : i32
          %cond3A_161 = arith.cmpi ne, %convert_element_type3A_159, %cond3A_160 : i32
          scf.if %cond3A_161 {
            %add3A_163 = arith.constant 640 : i32
            %add3A_164 = arith.addi %add3A_99, %add3A_163 : i32
            %dma_start3A_165 = tpu.memref_slice %arg3[%add3A_164] : memref<320000xi32, #tpu.memory_space<hbm>> -> memref<128xi32, #tpu.memory_space<hbm>>
            %dma_start3A_166 = tpu.memref_slice %arg3[%add3A_164] : memref<320000xi32, #tpu.memory_space<hbm>> -> memref<128xi32, #tpu.memory_space<hbm>>
            tpu.enqueue_dma source(%dma_start3A_166 : memref<128xi32, #tpu.memory_space<hbm>>) target(%arg16 : memref<128xi32, #tpu.memory_space<vmem>>) target_semaphore(%arg40 : memref<!tpu.dma_semaphore, #tpu.memory_space<semaphore_mem>>)
            %dma_wait3A_167 = tpu.memref_slice %arg2[%add3A_164] : memref<320000xi32, #tpu.memory_space<hbm>> -> memref<128xi32, #tpu.memory_space<hbm>>
            %dma_wait3A_168 = tpu.memref_slice %arg2[%add3A_164] : memref<320000xi32, #tpu.memory_space<hbm>> -> memref<128xi32, #tpu.memory_space<hbm>>
            tpu.wait_dma2 semaphore(%arg37 : memref<!tpu.dma_semaphore, #tpu.memory_space<semaphore_mem>>) src(%dma_wait3A_168 : memref<128xi32, #tpu.memory_space<hbm>>) dst(%arg13 : memref<128xi32, #tpu.memory_space<vmem>>)
            %dma_start3A_169 = arith.constant 0 : i32
            %dma_start3A_170 = arith.constant 0 : i32
            %dma_start3A_171 = tpu.memref_slice %arg10[%dma_start3A_169, %dma_start3A_170] : memref<10240x48xf32, #tpu.memory_space<hbm>> -> memref<10240x48xf32, #tpu.memory_space<hbm>>
            tpu.enqueue_indirect_dma source(%dma_start3A_171 : memref<10240x48xf32, #tpu.memory_space<hbm>>) target(%arg22 : memref<128x48xf32, #tpu.memory_space<vmem>>) offsets(%arg13 : memref<128xi32, #tpu.memory_space<vmem>>) semaphore(%arg31 : memref<!tpu.dma_semaphore, #tpu.memory_space<semaphore_mem>>)
          } else {
          }
          %scan3A_162 = arith.constant 0 : i32
          scf.yield %scan3A_162 : i32
        }
        %scan3A_89 = arith.constant 52 : i32
        %dma_wait3A_90 = arith.constant 0 : i32
        %dma_wait3A_91 = arith.constant 0 : i32
        %dma_wait3A_92 = tpu.memref_slice %arg10[%dma_wait3A_90, %dma_wait3A_91] : memref<10240x48xf32, #tpu.memory_space<hbm>> -> memref<10240x48xf32, #tpu.memory_space<hbm>>
        tpu.wait_indirect_dma semaphore(%arg41 : memref<!tpu.dma_semaphore, #tpu.memory_space<semaphore_mem>>) src(%dma_wait3A_92 : memref<10240x48xf32, #tpu.memory_space<hbm>>) dst(%arg27 : memref<32x48xf32, #tpu.memory_space<vmem>>)
        "tpu.region"() ({
          %run_scoped3A = tpu.sem_alloc : memref<!tpu.dma_semaphore, #tpu.memory_space<semaphore_mem>>
          %dma_start3A_93 = arith.constant 0 : i32
          %dma_start3A_94 = arith.constant 0 : i32
          %dma_start3A_95 = tpu.memref_slice %arg49[%dma_start3A_93, %dma_start3A_94] : memref<10240x48xf32, #tpu.memory_space<vmem_shared>> -> memref<10240x48xf32, #tpu.memory_space<vmem_shared>>
          tpu.enqueue_indirect_dma source(%arg27 : memref<32x48xf32, #tpu.memory_space<vmem>>) target(%dma_start3A_95 : memref<10240x48xf32, #tpu.memory_space<vmem_shared>>) offsets(%arg25 : memref<32xi32, #tpu.memory_space<vmem>>) semaphore(%run_scoped3A : memref<!tpu.dma_semaphore, #tpu.memory_space<semaphore_mem>>) {add = true}
          %dma_wait3A_96 = arith.constant 0 : i32
          %dma_wait3A_97 = arith.constant 0 : i32
          %dma_wait3A_98 = tpu.memref_slice %arg49[%dma_wait3A_96, %dma_wait3A_97] : memref<10240x48xf32, #tpu.memory_space<vmem_shared>> -> memref<10240x48xf32, #tpu.memory_space<vmem_shared>>
          tpu.wait_indirect_dma semaphore(%run_scoped3A : memref<!tpu.dma_semaphore, #tpu.memory_space<semaphore_mem>>) src(%arg27 : memref<32x48xf32, #tpu.memory_space<vmem>>) dst(%dma_wait3A_98 : memref<10240x48xf32, #tpu.memory_space<vmem_shared>>)
          tpu.yield
        }) : () -> ()
      } else {
      }
      %barrier3A_26 = arith.constant 0 : index
      tpu.barrier barrier_id(%barrier3A_26)
      %convert_element_type3A_27 = arith.extui %eq3A_3 : i1 to i32
      %cond3A_28 = arith.constant 0 : i32
      %cond3A_29 = arith.cmpi ne, %convert_element_type3A_27, %cond3A_28 : i32
      scf.if %cond3A_29 {
        %dma_start3A = arith.constant 0 : i32
        %dma_start3A_34 = tpu.memref_slice %arg4[%mul3A_0, %dma_start3A] : memref<10240x64xf32, #tpu.memory_space<hbm>> -> memref<128x64xf32, #tpu.memory_space<hbm>>
        %dma_start3A_35 = arith.constant 0 : i32
        %dma_start3A_36 = tpu.memref_slice %arg4[%mul3A_0, %dma_start3A_35] : memref<10240x64xf32, #tpu.memory_space<hbm>> -> memref<128x64xf32, #tpu.memory_space<hbm>>
        tpu.enqueue_dma source(%dma_start3A_36 : memref<128x64xf32, #tpu.memory_space<hbm>>) target(%arg19 : memref<128x64xf32, #tpu.memory_space<vmem>>) target_semaphore(%arg42 : memref<!tpu.dma_semaphore, #tpu.memory_space<semaphore_mem>>)
        %add3A = arith.constant 0 : i32
        %add3A_37 = arith.addi %mul3A_0, %add3A : i32
        "tpu.region"() ({
          %run_scoped3A = tpu.sem_alloc : memref<!tpu.dma_semaphore, #tpu.memory_space<semaphore_mem>>
          %dma_start3A_213 = arith.constant 0 : i32
          %dma_start3A_214 = tpu.memref_slice %arg48[%add3A_37, %dma_start3A_213] : memref<10240x64xf32, #tpu.memory_space<vmem_shared>> -> memref<128x64xf32, #tpu.memory_space<vmem_shared>>
          %dma_start3A_215 = arith.constant 0 : i32
          %dma_start3A_216 = tpu.memref_slice %arg48[%add3A_37, %dma_start3A_215] : memref<10240x64xf32, #tpu.memory_space<vmem_shared>> -> memref<128x64xf32, #tpu.memory_space<vmem_shared>>
          tpu.enqueue_dma source(%dma_start3A_216 : memref<128x64xf32, #tpu.memory_space<vmem_shared>>) target(%arg17 : memref<128x64xf32, #tpu.memory_space<vmem>>) target_semaphore(%run_scoped3A : memref<!tpu.dma_semaphore, #tpu.memory_space<semaphore_mem>>)
          %dma_wait3A_217 = arith.constant 0 : i32
          %dma_wait3A_218 = tpu.memref_slice %arg48[%add3A_37, %dma_wait3A_217] : memref<10240x64xf32, #tpu.memory_space<vmem_shared>> -> memref<128x64xf32, #tpu.memory_space<vmem_shared>>
          %dma_wait3A_219 = arith.constant 0 : i32
          %dma_wait3A_220 = tpu.memref_slice %arg48[%add3A_37, %dma_wait3A_219] : memref<10240x64xf32, #tpu.memory_space<vmem_shared>> -> memref<128x64xf32, #tpu.memory_space<vmem_shared>>
          tpu.wait_dma2 semaphore(%run_scoped3A : memref<!tpu.dma_semaphore, #tpu.memory_space<semaphore_mem>>) src(%dma_wait3A_220 : memref<128x64xf32, #tpu.memory_space<vmem_shared>>) dst(%arg17 : memref<128x64xf32, #tpu.memory_space<vmem>>)
          tpu.yield
        }) : () -> ()
        %add3A_38 = arith.constant 128 : i32
        %add3A_39 = arith.addi %add3A_37, %add3A_38 : i32
        %dma_start3A_40 = arith.constant 0 : i32
        %dma_start3A_41 = tpu.memref_slice %arg4[%add3A_39, %dma_start3A_40] : memref<10240x64xf32, #tpu.memory_space<hbm>> -> memref<128x64xf32, #tpu.memory_space<hbm>>
        %dma_start3A_42 = arith.constant 0 : i32
        %dma_start3A_43 = tpu.memref_slice %arg4[%add3A_39, %dma_start3A_42] : memref<10240x64xf32, #tpu.memory_space<hbm>> -> memref<128x64xf32, #tpu.memory_space<hbm>>
        tpu.enqueue_dma source(%dma_start3A_43 : memref<128x64xf32, #tpu.memory_space<hbm>>) target(%arg23 : memref<128x64xf32, #tpu.memory_space<vmem>>) target_semaphore(%arg43 : memref<!tpu.dma_semaphore, #tpu.memory_space<semaphore_mem>>)
        "tpu.region"() ({
          %run_scoped3A = tpu.sem_alloc : memref<!tpu.dma_semaphore, #tpu.memory_space<semaphore_mem>>
          %dma_start3A_213 = arith.constant 0 : i32
          %dma_start3A_214 = tpu.memref_slice %arg8[%add3A_37, %dma_start3A_213] : memref<10240x16xf32, #tpu.memory_space<hbm>> -> memref<128x16xf32, #tpu.memory_space<hbm>>
          %dma_start3A_215 = arith.constant 0 : i32
          %dma_start3A_216 = tpu.memref_slice %arg8[%add3A_37, %dma_start3A_215] : memref<10240x16xf32, #tpu.memory_space<hbm>> -> memref<128x16xf32, #tpu.memory_space<hbm>>
          tpu.enqueue_dma source(%dma_start3A_216 : memref<128x16xf32, #tpu.memory_space<hbm>>) target(%arg28 : memref<128x16xf32, #tpu.memory_space<vmem>>) target_semaphore(%run_scoped3A : memref<!tpu.dma_semaphore, #tpu.memory_space<semaphore_mem>>)
          %dma_wait3A_217 = arith.constant 0 : i32
          %dma_wait3A_218 = tpu.memref_slice %arg8[%add3A_37, %dma_wait3A_217] : memref<10240x16xf32, #tpu.memory_space<hbm>> -> memref<128x16xf32, #tpu.memory_space<hbm>>
          %dma_wait3A_219 = arith.constant 0 : i32
          %dma_wait3A_220 = tpu.memref_slice %arg8[%add3A_37, %dma_wait3A_219] : memref<10240x16xf32, #tpu.memory_space<hbm>> -> memref<128x16xf32, #tpu.memory_space<hbm>>
          tpu.wait_dma2 semaphore(%run_scoped3A : memref<!tpu.dma_semaphore, #tpu.memory_space<semaphore_mem>>) src(%dma_wait3A_220 : memref<128x16xf32, #tpu.memory_space<hbm>>) dst(%arg28 : memref<128x16xf32, #tpu.memory_space<vmem>>)
          tpu.yield
        }) : () -> ()
        %dma_wait3A = arith.constant 0 : i32
        %dma_wait3A_44 = tpu.memref_slice %arg4[%add3A_37, %dma_wait3A] : memref<10240x64xf32, #tpu.memory_space<hbm>> -> memref<128x64xf32, #tpu.memory_space<hbm>>
        %dma_wait3A_45 = arith.constant 0 : i32
        %dma_wait3A_46 = tpu.memref_slice %arg4[%add3A_37, %dma_wait3A_45] : memref<10240x64xf32, #tpu.memory_space<hbm>> -> memref<128x64xf32, #tpu.memory_space<hbm>>
        tpu.wait_dma2 semaphore(%arg42 : memref<!tpu.dma_semaphore, #tpu.memory_space<semaphore_mem>>) src(%dma_wait3A_46 : memref<128x64xf32, #tpu.memory_space<hbm>>) dst(%arg19 : memref<128x64xf32, #tpu.memory_space<vmem>>)
        %scan3A_47 = arith.constant 0 : i32
        %scan3A_48 = arith.constant 0 : i32
        %scan3A_49 = arith.constant 128 : i32
        %scan3A_50 = arith.addi %scan3A_48, %scan3A_49 : i32
        %scan3A_51 = arith.constant 1 : i32
        %scan3A_52 = scf.for %scan3A_213 = %scan3A_48 to %scan3A_50 step %scan3A_51 iter_args(%scan3A_214 = %scan3A_47) -> (i32)  : i32 {
          %get3A = arith.index_cast %scan3A_213 : i32 to index
          %get3A_215 = arith.constant 0 : index
          %get3A_216 = tpu.vector_load %arg28[%get3A, %get3A_215] {strides = array<i32>} : memref<128x16xf32, #tpu.memory_space<vmem>>, vector<1x16xf32>,
          %get3A_217 = vector.shape_cast %get3A_216 : vector<1x16xf32> to vector<16xf32>
          %get3A_218 = arith.index_cast %scan3A_213 : i32 to index
          %get3A_219 = arith.constant 0 : index
          %get3A_220 = tpu.vector_load %arg17[%get3A_218, %get3A_219] {strides = array<i32>} : memref<128x64xf32, #tpu.memory_space<vmem>>, vector<1x16xf32>,
          %get3A_221 = vector.shape_cast %get3A_220 : vector<1x16xf32> to vector<16xf32>
          %get3A_222 = arith.index_cast %scan3A_213 : i32 to index
          %get3A_223 = arith.constant 0 : index
          %get3A_224 = tpu.vector_load %arg19[%get3A_222, %get3A_223] {strides = array<i32>} : memref<128x64xf32, #tpu.memory_space<vmem>>, vector<1x16xf32>,
          %get3A_225 = vector.shape_cast %get3A_224 : vector<1x16xf32> to vector<16xf32>
          %mul3A_226 = arith.mulf %get3A_217, %get3A_221 : vector<16xf32>
          %mul3A_227 = arith.constant 0.899999976 : f32
          %mul3A_228 = vector.broadcast %mul3A_227 : f32 to vector<16xf32>
          %mul3A_229 = arith.mulf %mul3A_228, %mul3A_226 : vector<16xf32>
          %add3A_230 = arith.addf %mul3A_229, %get3A_225 : vector<16xf32>
          %mul3A_231 = arith.mulf %get3A_217, %add3A_230 : vector<16xf32>
          %select_n3A = arith.select %eq3A_19, %add3A_230, %mul3A_231 : vector<16xf32>
          %swap3A = arith.index_cast %scan3A_213 : i32 to index
          %swap3A_232 = arith.constant 0 : index
          %swap3A_233 = tpu.vector_load %arg17[%swap3A, %swap3A_232] {strides = array<i32>} : memref<128x64xf32, #tpu.memory_space<vmem>>, vector<1x16xf32>,
          %swap3A_234 = vector.shape_cast %swap3A_233 : vector<1x16xf32> to vector<16xf32>
          %swap3A_235 = vector.shape_cast %select_n3A : vector<16xf32> to vector<1x16xf32>
          tpu.vector_store %arg17[%swap3A, %swap3A_232], %swap3A_235 {strides = array<i32>} : memref<128x64xf32, #tpu.memory_space<vmem>>, vector<1x16xf32>,
          %get3A_236 = arith.index_cast %scan3A_213 : i32 to index
          %get3A_237 = arith.constant 16 : index
          %get3A_238 = tpu.vector_load %arg17[%get3A_236, %get3A_237] {strides = array<i32>} : memref<128x64xf32, #tpu.memory_space<vmem>>, vector<1x16xf32>,
          %get3A_239 = vector.shape_cast %get3A_238 : vector<1x16xf32> to vector<16xf32>
          %get3A_240 = arith.index_cast %scan3A_213 : i32 to index
          %get3A_241 = arith.constant 16 : index
          %get3A_242 = tpu.vector_load %arg19[%get3A_240, %get3A_241] {strides = array<i32>} : memref<128x64xf32, #tpu.memory_space<vmem>>, vector<1x16xf32>,
          %get3A_243 = vector.shape_cast %get3A_242 : vector<1x16xf32> to vector<16xf32>
          %mul3A_244 = arith.mulf %get3A_217, %get3A_239 : vector<16xf32>
          %mul3A_245 = arith.constant 0.899999976 : f32
          %mul3A_246 = vector.broadcast %mul3A_245 : f32 to vector<16xf32>
          %mul3A_247 = arith.mulf %mul3A_246, %mul3A_244 : vector<16xf32>
          %add3A_248 = arith.addf %mul3A_247, %get3A_243 : vector<16xf32>
          %mul3A_249 = arith.mulf %get3A_217, %add3A_248 : vector<16xf32>
          %select_n3A_250 = arith.select %eq3A_19, %add3A_248, %mul3A_249 : vector<16xf32>
          %swap3A_251 = arith.index_cast %scan3A_213 : i32 to index
          %swap3A_252 = arith.constant 16 : index
          %swap3A_253 = tpu.vector_load %arg17[%swap3A_251, %swap3A_252] {strides = array<i32>} : memref<128x64xf32, #tpu.memory_space<vmem>>, vector<1x16xf32>,
          %swap3A_254 = vector.shape_cast %swap3A_253 : vector<1x16xf32> to vector<16xf32>
          %swap3A_255 = vector.shape_cast %select_n3A_250 : vector<16xf32> to vector<1x16xf32>
          tpu.vector_store %arg17[%swap3A_251, %swap3A_252], %swap3A_255 {strides = array<i32>} : memref<128x64xf32, #tpu.memory_space<vmem>>, vector<1x16xf32>,
          %get3A_256 = arith.index_cast %scan3A_213 : i32 to index
          %get3A_257 = arith.constant 32 : index
          %get3A_258 = tpu.vector_load %arg17[%get3A_256, %get3A_257] {strides = array<i32>} : memref<128x64xf32, #tpu.memory_space<vmem>>, vector<1x16xf32>,
          %get3A_259 = vector.shape_cast %get3A_258 : vector<1x16xf32> to vector<16xf32>
          %get3A_260 = arith.index_cast %scan3A_213 : i32 to index
          %get3A_261 = arith.constant 32 : index
          %get3A_262 = tpu.vector_load %arg19[%get3A_260, %get3A_261] {strides = array<i32>} : memref<128x64xf32, #tpu.memory_space<vmem>>, vector<1x16xf32>,
          %get3A_263 = vector.shape_cast %get3A_262 : vector<1x16xf32> to vector<16xf32>
          %mul3A_264 = arith.mulf %get3A_217, %get3A_259 : vector<16xf32>
          %mul3A_265 = arith.constant 0.899999976 : f32
          %mul3A_266 = vector.broadcast %mul3A_265 : f32 to vector<16xf32>
          %mul3A_267 = arith.mulf %mul3A_266, %mul3A_264 : vector<16xf32>
          %add3A_268 = arith.addf %mul3A_267, %get3A_263 : vector<16xf32>
          %mul3A_269 = arith.mulf %get3A_217, %add3A_268 : vector<16xf32>
          %select_n3A_270 = arith.select %eq3A_19, %add3A_268, %mul3A_269 : vector<16xf32>
          %swap3A_271 = arith.index_cast %scan3A_213 : i32 to index
          %swap3A_272 = arith.constant 32 : index
          %swap3A_273 = tpu.vector_load %arg17[%swap3A_271, %swap3A_272] {strides = array<i32>} : memref<128x64xf32, #tpu.memory_space<vmem>>, vector<1x16xf32>,
          %swap3A_274 = vector.shape_cast %swap3A_273 : vector<1x16xf32> to vector<16xf32>
          %swap3A_275 = vector.shape_cast %select_n3A_270 : vector<16xf32> to vector<1x16xf32>
          tpu.vector_store %arg17[%swap3A_271, %swap3A_272], %swap3A_275 {strides = array<i32>} : memref<128x64xf32, #tpu.memory_space<vmem>>, vector<1x16xf32>,
          %get3A_276 = arith.index_cast %scan3A_213 : i32 to index
          %get3A_277 = arith.constant 48 : index
          %get3A_278 = tpu.vector_load %arg17[%get3A_276, %get3A_277] {strides = array<i32>} : memref<128x64xf32, #tpu.memory_space<vmem>>, vector<1x16xf32>,
          %get3A_279 = vector.shape_cast %get3A_278 : vector<1x16xf32> to vector<16xf32>
          %get3A_280 = arith.index_cast %scan3A_213 : i32 to index
          %get3A_281 = arith.constant 48 : index
          %get3A_282 = tpu.vector_load %arg19[%get3A_280, %get3A_281] {strides = array<i32>} : memref<128x64xf32, #tpu.memory_space<vmem>>, vector<1x16xf32>,
          %get3A_283 = vector.shape_cast %get3A_282 : vector<1x16xf32> to vector<16xf32>
          %mul3A_284 = arith.mulf %get3A_217, %get3A_279 : vector<16xf32>
          %mul3A_285 = arith.constant 0.899999976 : f32
          %mul3A_286 = vector.broadcast %mul3A_285 : f32 to vector<16xf32>
          %mul3A_287 = arith.mulf %mul3A_286, %mul3A_284 : vector<16xf32>
          %add3A_288 = arith.addf %mul3A_287, %get3A_283 : vector<16xf32>
          %mul3A_289 = arith.mulf %get3A_217, %add3A_288 : vector<16xf32>
          %select_n3A_290 = arith.select %eq3A_19, %add3A_288, %mul3A_289 : vector<16xf32>
          %swap3A_291 = arith.index_cast %scan3A_213 : i32 to index
          %swap3A_292 = arith.constant 48 : index
          %swap3A_293 = tpu.vector_load %arg17[%swap3A_291, %swap3A_292] {strides = array<i32>} : memref<128x64xf32, #tpu.memory_space<vmem>>, vector<1x16xf32>,
          %swap3A_294 = vector.shape_cast %swap3A_293 : vector<1x16xf32> to vector<16xf32>
          %swap3A_295 = vector.shape_cast %select_n3A_290 : vector<16xf32> to vector<1x16xf32>
          tpu.vector_store %arg17[%swap3A_291, %swap3A_292], %swap3A_295 {strides = array<i32>} : memref<128x64xf32, #tpu.memory_space<vmem>>, vector<1x16xf32>,
          %scan3A_296 = arith.constant 0 : i32
          scf.yield %scan3A_296 : i32
        }
        %scan3A_53 = arith.constant 128 : i32
        %dma_start3A_54 = arith.constant 0 : i32
        %dma_start3A_55 = tpu.memref_slice %arg9[%add3A_37, %dma_start3A_54] : memref<10240x64xf32, #tpu.memory_space<hbm>> -> memref<128x64xf32, #tpu.memory_space<hbm>>
        %dma_start3A_56 = arith.constant 0 : i32
        %dma_start3A_57 = tpu.memref_slice %arg9[%add3A_37, %dma_start3A_56] : memref<10240x64xf32, #tpu.memory_space<hbm>> -> memref<128x64xf32, #tpu.memory_space<hbm>>
        tpu.enqueue_dma source(%arg17 : memref<128x64xf32, #tpu.memory_space<vmem>>) target(%dma_start3A_57 : memref<128x64xf32, #tpu.memory_space<hbm>>) target_semaphore(%arg44 : memref<!tpu.dma_semaphore, #tpu.memory_space<semaphore_mem>>)
        %dma_start3A_58 = arith.constant 0 : i32
        %dma_start3A_59 = tpu.memref_slice %arg48[%add3A_37, %dma_start3A_58] : memref<10240x64xf32, #tpu.memory_space<vmem_shared>> -> memref<128x64xf32, #tpu.memory_space<vmem_shared>>
        %dma_start3A_60 = arith.constant 0 : i32
        %dma_start3A_61 = tpu.memref_slice %arg48[%add3A_37, %dma_start3A_60] : memref<10240x64xf32, #tpu.memory_space<vmem_shared>> -> memref<128x64xf32, #tpu.memory_space<vmem_shared>>
        tpu.enqueue_dma source(%arg17 : memref<128x64xf32, #tpu.memory_space<vmem>>) target(%dma_start3A_61 : memref<128x64xf32, #tpu.memory_space<vmem_shared>>) target_semaphore(%arg46 : memref<!tpu.dma_semaphore, #tpu.memory_space<semaphore_mem>>)
        %add3A_62 = arith.constant 128 : i32
        %add3A_63 = arith.addi %mul3A_0, %add3A_62 : i32
        "tpu.region"() ({
          %run_scoped3A = tpu.sem_alloc : memref<!tpu.dma_semaphore, #tpu.memory_space<semaphore_mem>>
          %dma_start3A_213 = arith.constant 0 : i32
          %dma_start3A_214 = tpu.memref_slice %arg48[%add3A_63, %dma_start3A_213] : memref<10240x64xf32, #tpu.memory_space<vmem_shared>> -> memref<128x64xf32, #tpu.memory_space<vmem_shared>>
          %dma_start3A_215 = arith.constant 0 : i32
          %dma_start3A_216 = tpu.memref_slice %arg48[%add3A_63, %dma_start3A_215] : memref<10240x64xf32, #tpu.memory_space<vmem_shared>> -> memref<128x64xf32, #tpu.memory_space<vmem_shared>>
          tpu.enqueue_dma source(%dma_start3A_216 : memref<128x64xf32, #tpu.memory_space<vmem_shared>>) target(%arg18 : memref<128x64xf32, #tpu.memory_space<vmem>>) target_semaphore(%run_scoped3A : memref<!tpu.dma_semaphore, #tpu.memory_space<semaphore_mem>>)
          %dma_wait3A_217 = arith.constant 0 : i32
          %dma_wait3A_218 = tpu.memref_slice %arg48[%add3A_63, %dma_wait3A_217] : memref<10240x64xf32, #tpu.memory_space<vmem_shared>> -> memref<128x64xf32, #tpu.memory_space<vmem_shared>>
          %dma_wait3A_219 = arith.constant 0 : i32
          %dma_wait3A_220 = tpu.memref_slice %arg48[%add3A_63, %dma_wait3A_219] : memref<10240x64xf32, #tpu.memory_space<vmem_shared>> -> memref<128x64xf32, #tpu.memory_space<vmem_shared>>
          tpu.wait_dma2 semaphore(%run_scoped3A : memref<!tpu.dma_semaphore, #tpu.memory_space<semaphore_mem>>) src(%dma_wait3A_220 : memref<128x64xf32, #tpu.memory_space<vmem_shared>>) dst(%arg18 : memref<128x64xf32, #tpu.memory_space<vmem>>)
          tpu.yield
        }) : () -> ()
        %add3A_64 = arith.constant 128 : i32
        %add3A_65 = arith.addi %add3A_63, %add3A_64 : i32
        %dma_start3A_66 = arith.constant 0 : i32
        %dma_start3A_67 = tpu.memref_slice %arg4[%add3A_65, %dma_start3A_66] : memref<10240x64xf32, #tpu.memory_space<hbm>> -> memref<128x64xf32, #tpu.memory_space<hbm>>
        %dma_start3A_68 = arith.constant 0 : i32
        %dma_start3A_69 = tpu.memref_slice %arg4[%add3A_65, %dma_start3A_68] : memref<10240x64xf32, #tpu.memory_space<hbm>> -> memref<128x64xf32, #tpu.memory_space<hbm>>
        tpu.enqueue_dma source(%dma_start3A_69 : memref<128x64xf32, #tpu.memory_space<hbm>>) target(%arg19 : memref<128x64xf32, #tpu.memory_space<vmem>>) target_semaphore(%arg42 : memref<!tpu.dma_semaphore, #tpu.memory_space<semaphore_mem>>)
        "tpu.region"() ({
          %run_scoped3A = tpu.sem_alloc : memref<!tpu.dma_semaphore, #tpu.memory_space<semaphore_mem>>
          %dma_start3A_213 = arith.constant 0 : i32
          %dma_start3A_214 = tpu.memref_slice %arg8[%add3A_63, %dma_start3A_213] : memref<10240x16xf32, #tpu.memory_space<hbm>> -> memref<128x16xf32, #tpu.memory_space<hbm>>
          %dma_start3A_215 = arith.constant 0 : i32
          %dma_start3A_216 = tpu.memref_slice %arg8[%add3A_63, %dma_start3A_215] : memref<10240x16xf32, #tpu.memory_space<hbm>> -> memref<128x16xf32, #tpu.memory_space<hbm>>
          tpu.enqueue_dma source(%dma_start3A_216 : memref<128x16xf32, #tpu.memory_space<hbm>>) target(%arg28 : memref<128x16xf32, #tpu.memory_space<vmem>>) target_semaphore(%run_scoped3A : memref<!tpu.dma_semaphore, #tpu.memory_space<semaphore_mem>>)
          %dma_wait3A_217 = arith.constant 0 : i32
          %dma_wait3A_218 = tpu.memref_slice %arg8[%add3A_63, %dma_wait3A_217] : memref<10240x16xf32, #tpu.memory_space<hbm>> -> memref<128x16xf32, #tpu.memory_space<hbm>>
          %dma_wait3A_219 = arith.constant 0 : i32
          %dma_wait3A_220 = tpu.memref_slice %arg8[%add3A_63, %dma_wait3A_219] : memref<10240x16xf32, #tpu.memory_space<hbm>> -> memref<128x16xf32, #tpu.memory_space<hbm>>
          tpu.wait_dma2 semaphore(%run_scoped3A : memref<!tpu.dma_semaphore, #tpu.memory_space<semaphore_mem>>) src(%dma_wait3A_220 : memref<128x16xf32, #tpu.memory_space<hbm>>) dst(%arg28 : memref<128x16xf32, #tpu.memory_space<vmem>>)
          tpu.yield
        }) : () -> ()
        %dma_wait3A_70 = arith.constant 0 : i32
        %dma_wait3A_71 = tpu.memref_slice %arg4[%add3A_63, %dma_wait3A_70] : memref<10240x64xf32, #tpu.memory_space<hbm>> -> memref<128x64xf32, #tpu.memory_space<hbm>>
        %dma_wait3A_72 = arith.constant 0 : i32
        %dma_wait3A_73 = tpu.memref_slice %arg4[%add3A_63, %dma_wait3A_72] : memref<10240x64xf32, #tpu.memory_space<hbm>> -> memref<128x64xf32, #tpu.memory_space<hbm>>
        tpu.wait_dma2 semaphore(%arg43 : memref<!tpu.dma_semaphore, #tpu.memory_space<semaphore_mem>>) src(%dma_wait3A_73 : memref<128x64xf32, #tpu.memory_space<hbm>>) dst(%arg23 : memref<128x64xf32, #tpu.memory_space<vmem>>)
        %scan3A_74 = arith.constant 0 : i32
        %scan3A_75 = arith.constant 0 : i32
        %scan3A_76 = arith.constant 128 : i32
        %scan3A_77 = arith.addi %scan3A_75, %scan3A_76 : i32
        %scan3A_78 = arith.constant 1 : i32
        %scan3A_79 = scf.for %scan3A_213 = %scan3A_75 to %scan3A_77 step %scan3A_78 iter_args(%scan3A_214 = %scan3A_74) -> (i32)  : i32 {
          %get3A = arith.index_cast %scan3A_213 : i32 to index
          %get3A_215 = arith.constant 0 : index
          %get3A_216 = tpu.vector_load %arg28[%get3A, %get3A_215] {strides = array<i32>} : memref<128x16xf32, #tpu.memory_space<vmem>>, vector<1x16xf32>,
          %get3A_217 = vector.shape_cast %get3A_216 : vector<1x16xf32> to vector<16xf32>
          %get3A_218 = arith.index_cast %scan3A_213 : i32 to index
          %get3A_219 = arith.constant 0 : index
          %get3A_220 = tpu.vector_load %arg18[%get3A_218, %get3A_219] {strides = array<i32>} : memref<128x64xf32, #tpu.memory_space<vmem>>, vector<1x16xf32>,
          %get3A_221 = vector.shape_cast %get3A_220 : vector<1x16xf32> to vector<16xf32>
          %get3A_222 = arith.index_cast %scan3A_213 : i32 to index
          %get3A_223 = arith.constant 0 : index
          %get3A_224 = tpu.vector_load %arg23[%get3A_222, %get3A_223] {strides = array<i32>} : memref<128x64xf32, #tpu.memory_space<vmem>>, vector<1x16xf32>,
          %get3A_225 = vector.shape_cast %get3A_224 : vector<1x16xf32> to vector<16xf32>
          %mul3A_226 = arith.mulf %get3A_217, %get3A_221 : vector<16xf32>
          %mul3A_227 = arith.constant 0.899999976 : f32
          %mul3A_228 = vector.broadcast %mul3A_227 : f32 to vector<16xf32>
          %mul3A_229 = arith.mulf %mul3A_228, %mul3A_226 : vector<16xf32>
          %add3A_230 = arith.addf %mul3A_229, %get3A_225 : vector<16xf32>
          %mul3A_231 = arith.mulf %get3A_217, %add3A_230 : vector<16xf32>
          %select_n3A = arith.select %eq3A_19, %add3A_230, %mul3A_231 : vector<16xf32>
          %swap3A = arith.index_cast %scan3A_213 : i32 to index
          %swap3A_232 = arith.constant 0 : index
          %swap3A_233 = tpu.vector_load %arg18[%swap3A, %swap3A_232] {strides = array<i32>} : memref<128x64xf32, #tpu.memory_space<vmem>>, vector<1x16xf32>,
          %swap3A_234 = vector.shape_cast %swap3A_233 : vector<1x16xf32> to vector<16xf32>
          %swap3A_235 = vector.shape_cast %select_n3A : vector<16xf32> to vector<1x16xf32>
          tpu.vector_store %arg18[%swap3A, %swap3A_232], %swap3A_235 {strides = array<i32>} : memref<128x64xf32, #tpu.memory_space<vmem>>, vector<1x16xf32>,
          %get3A_236 = arith.index_cast %scan3A_213 : i32 to index
          %get3A_237 = arith.constant 16 : index
          %get3A_238 = tpu.vector_load %arg18[%get3A_236, %get3A_237] {strides = array<i32>} : memref<128x64xf32, #tpu.memory_space<vmem>>, vector<1x16xf32>,
          %get3A_239 = vector.shape_cast %get3A_238 : vector<1x16xf32> to vector<16xf32>
          %get3A_240 = arith.index_cast %scan3A_213 : i32 to index
          %get3A_241 = arith.constant 16 : index
          %get3A_242 = tpu.vector_load %arg23[%get3A_240, %get3A_241] {strides = array<i32>} : memref<128x64xf32, #tpu.memory_space<vmem>>, vector<1x16xf32>,
          %get3A_243 = vector.shape_cast %get3A_242 : vector<1x16xf32> to vector<16xf32>
          %mul3A_244 = arith.mulf %get3A_217, %get3A_239 : vector<16xf32>
          %mul3A_245 = arith.constant 0.899999976 : f32
          %mul3A_246 = vector.broadcast %mul3A_245 : f32 to vector<16xf32>
          %mul3A_247 = arith.mulf %mul3A_246, %mul3A_244 : vector<16xf32>
          %add3A_248 = arith.addf %mul3A_247, %get3A_243 : vector<16xf32>
          %mul3A_249 = arith.mulf %get3A_217, %add3A_248 : vector<16xf32>
          %select_n3A_250 = arith.select %eq3A_19, %add3A_248, %mul3A_249 : vector<16xf32>
          %swap3A_251 = arith.index_cast %scan3A_213 : i32 to index
          %swap3A_252 = arith.constant 16 : index
          %swap3A_253 = tpu.vector_load %arg18[%swap3A_251, %swap3A_252] {strides = array<i32>} : memref<128x64xf32, #tpu.memory_space<vmem>>, vector<1x16xf32>,
          %swap3A_254 = vector.shape_cast %swap3A_253 : vector<1x16xf32> to vector<16xf32>
          %swap3A_255 = vector.shape_cast %select_n3A_250 : vector<16xf32> to vector<1x16xf32>
          tpu.vector_store %arg18[%swap3A_251, %swap3A_252], %swap3A_255 {strides = array<i32>} : memref<128x64xf32, #tpu.memory_space<vmem>>, vector<1x16xf32>,
          %get3A_256 = arith.index_cast %scan3A_213 : i32 to index
          %get3A_257 = arith.constant 32 : index
          %get3A_258 = tpu.vector_load %arg18[%get3A_256, %get3A_257] {strides = array<i32>} : memref<128x64xf32, #tpu.memory_space<vmem>>, vector<1x16xf32>,
          %get3A_259 = vector.shape_cast %get3A_258 : vector<1x16xf32> to vector<16xf32>
          %get3A_260 = arith.index_cast %scan3A_213 : i32 to index
          %get3A_261 = arith.constant 32 : index
          %get3A_262 = tpu.vector_load %arg23[%get3A_260, %get3A_261] {strides = array<i32>} : memref<128x64xf32, #tpu.memory_space<vmem>>, vector<1x16xf32>,
          %get3A_263 = vector.shape_cast %get3A_262 : vector<1x16xf32> to vector<16xf32>
          %mul3A_264 = arith.mulf %get3A_217, %get3A_259 : vector<16xf32>
          %mul3A_265 = arith.constant 0.899999976 : f32
          %mul3A_266 = vector.broadcast %mul3A_265 : f32 to vector<16xf32>
          %mul3A_267 = arith.mulf %mul3A_266, %mul3A_264 : vector<16xf32>
          %add3A_268 = arith.addf %mul3A_267, %get3A_263 : vector<16xf32>
          %mul3A_269 = arith.mulf %get3A_217, %add3A_268 : vector<16xf32>
          %select_n3A_270 = arith.select %eq3A_19, %add3A_268, %mul3A_269 : vector<16xf32>
          %swap3A_271 = arith.index_cast %scan3A_213 : i32 to index
          %swap3A_272 = arith.constant 32 : index
          %swap3A_273 = tpu.vector_load %arg18[%swap3A_271, %swap3A_272] {strides = array<i32>} : memref<128x64xf32, #tpu.memory_space<vmem>>, vector<1x16xf32>,
          %swap3A_274 = vector.shape_cast %swap3A_273 : vector<1x16xf32> to vector<16xf32>
          %swap3A_275 = vector.shape_cast %select_n3A_270 : vector<16xf32> to vector<1x16xf32>
          tpu.vector_store %arg18[%swap3A_271, %swap3A_272], %swap3A_275 {strides = array<i32>} : memref<128x64xf32, #tpu.memory_space<vmem>>, vector<1x16xf32>,
          %get3A_276 = arith.index_cast %scan3A_213 : i32 to index
          %get3A_277 = arith.constant 48 : index
          %get3A_278 = tpu.vector_load %arg18[%get3A_276, %get3A_277] {strides = array<i32>} : memref<128x64xf32, #tpu.memory_space<vmem>>, vector<1x16xf32>,
          %get3A_279 = vector.shape_cast %get3A_278 : vector<1x16xf32> to vector<16xf32>
          %get3A_280 = arith.index_cast %scan3A_213 : i32 to index
          %get3A_281 = arith.constant 48 : index
          %get3A_282 = tpu.vector_load %arg23[%get3A_280, %get3A_281] {strides = array<i32>} : memref<128x64xf32, #tpu.memory_space<vmem>>, vector<1x16xf32>,
          %get3A_283 = vector.shape_cast %get3A_282 : vector<1x16xf32> to vector<16xf32>
          %mul3A_284 = arith.mulf %get3A_217, %get3A_279 : vector<16xf32>
          %mul3A_285 = arith.constant 0.899999976 : f32
          %mul3A_286 = vector.broadcast %mul3A_285 : f32 to vector<16xf32>
          %mul3A_287 = arith.mulf %mul3A_286, %mul3A_284 : vector<16xf32>
          %add3A_288 = arith.addf %mul3A_287, %get3A_283 : vector<16xf32>
          %mul3A_289 = arith.mulf %get3A_217, %add3A_288 : vector<16xf32>
          %select_n3A_290 = arith.select %eq3A_19, %add3A_288, %mul3A_289 : vector<16xf32>
          %swap3A_291 = arith.index_cast %scan3A_213 : i32 to index
          %swap3A_292 = arith.constant 48 : index
          %swap3A_293 = tpu.vector_load %arg18[%swap3A_291, %swap3A_292] {strides = array<i32>} : memref<128x64xf32, #tpu.memory_space<vmem>>, vector<1x16xf32>,
          %swap3A_294 = vector.shape_cast %swap3A_293 : vector<1x16xf32> to vector<16xf32>
          %swap3A_295 = vector.shape_cast %select_n3A_290 : vector<16xf32> to vector<1x16xf32>
          tpu.vector_store %arg18[%swap3A_291, %swap3A_292], %swap3A_295 {strides = array<i32>} : memref<128x64xf32, #tpu.memory_space<vmem>>, vector<1x16xf32>,
          %scan3A_296 = arith.constant 0 : i32
          scf.yield %scan3A_296 : i32
        }
        %scan3A_80 = arith.constant 128 : i32
        %dma_start3A_81 = arith.constant 0 : i32
        %dma_start3A_82 = tpu.memref_slice %arg9[%add3A_63, %dma_start3A_81] : memref<10240x64xf32, #tpu.memory_space<hbm>> -> memref<128x64xf32, #tpu.memory_space<hbm>>
        %dma_start3A_83 = arith.constant 0 : i32
        %dma_start3A_84 = tpu.memref_slice %arg9[%add3A_63, %dma_start3A_83] : memref<10240x64xf32, #tpu.memory_space<hbm>> -> memref<128x64xf32, #tpu.memory_space<hbm>>
        tpu.enqueue_dma source(%arg18 : memref<128x64xf32, #tpu.memory_space<vmem>>) target(%dma_start3A_84 : memref<128x64xf32, #tpu.memory_space<hbm>>) target_semaphore(%arg45 : memref<!tpu.dma_semaphore, #tpu.memory_space<semaphore_mem>>)
        %dma_start3A_85 = arith.constant 0 : i32
        %dma_start3A_86 = tpu.memref_slice %arg48[%add3A_63, %dma_start3A_85] : memref<10240x64xf32, #tpu.memory_space<vmem_shared>> -> memref<128x64xf32, #tpu.memory_space<vmem_shared>>
        %dma_start3A_87 = arith.constant 0 : i32
        %dma_start3A_88 = tpu.memref_slice %arg48[%add3A_63, %dma_start3A_87] : memref<10240x64xf32, #tpu.memory_space<vmem_shared>> -> memref<128x64xf32, #tpu.memory_space<vmem_shared>>
        tpu.enqueue_dma source(%arg18 : memref<128x64xf32, #tpu.memory_space<vmem>>) target(%dma_start3A_88 : memref<128x64xf32, #tpu.memory_space<vmem_shared>>) target_semaphore(%arg47 : memref<!tpu.dma_semaphore, #tpu.memory_space<semaphore_mem>>)
        %add3A_89 = arith.constant 256 : i32
        %add3A_90 = arith.addi %mul3A_0, %add3A_89 : i32
        %sub3A = arith.constant 256 : i32
        %sub3A_91 = arith.subi %add3A_90, %sub3A : i32
        %dma_wait3A_92 = arith.constant 0 : i32
        %dma_wait3A_93 = tpu.memref_slice %arg9[%sub3A_91, %dma_wait3A_92] : memref<10240x64xf32, #tpu.memory_space<hbm>> -> memref<128x64xf32, #tpu.memory_space<hbm>>
        %dma_wait3A_94 = arith.constant 0 : i32
        %dma_wait3A_95 = tpu.memref_slice %arg9[%sub3A_91, %dma_wait3A_94] : memref<10240x64xf32, #tpu.memory_space<hbm>> -> memref<128x64xf32, #tpu.memory_space<hbm>>
        tpu.wait_dma2 semaphore(%arg44 : memref<!tpu.dma_semaphore, #tpu.memory_space<semaphore_mem>>) src(%arg17 : memref<128x64xf32, #tpu.memory_space<vmem>>) dst(%dma_wait3A_95 : memref<128x64xf32, #tpu.memory_space<hbm>>)
        %dma_wait3A_96 = arith.constant 0 : i32
        %dma_wait3A_97 = tpu.memref_slice %arg48[%sub3A_91, %dma_wait3A_96] : memref<10240x64xf32, #tpu.memory_space<vmem_shared>> -> memref<128x64xf32, #tpu.memory_space<vmem_shared>>
        %dma_wait3A_98 = arith.constant 0 : i32
        %dma_wait3A_99 = tpu.memref_slice %arg48[%sub3A_91, %dma_wait3A_98] : memref<10240x64xf32, #tpu.memory_space<vmem_shared>> -> memref<128x64xf32, #tpu.memory_space<vmem_shared>>
        tpu.wait_dma2 semaphore(%arg46 : memref<!tpu.dma_semaphore, #tpu.memory_space<semaphore_mem>>) src(%arg17 : memref<128x64xf32, #tpu.memory_space<vmem>>) dst(%dma_wait3A_99 : memref<128x64xf32, #tpu.memory_space<vmem_shared>>)
        "tpu.region"() ({
          %run_scoped3A = tpu.sem_alloc : memref<!tpu.dma_semaphore, #tpu.memory_space<semaphore_mem>>
          %dma_start3A_213 = arith.constant 0 : i32
          %dma_start3A_214 = tpu.memref_slice %arg48[%add3A_90, %dma_start3A_213] : memref<10240x64xf32, #tpu.memory_space<vmem_shared>> -> memref<128x64xf32, #tpu.memory_space<vmem_shared>>
          %dma_start3A_215 = arith.constant 0 : i32
          %dma_start3A_216 = tpu.memref_slice %arg48[%add3A_90, %dma_start3A_215] : memref<10240x64xf32, #tpu.memory_space<vmem_shared>> -> memref<128x64xf32, #tpu.memory_space<vmem_shared>>
          tpu.enqueue_dma source(%dma_start3A_216 : memref<128x64xf32, #tpu.memory_space<vmem_shared>>) target(%arg17 : memref<128x64xf32, #tpu.memory_space<vmem>>) target_semaphore(%run_scoped3A : memref<!tpu.dma_semaphore, #tpu.memory_space<semaphore_mem>>)
          %dma_wait3A_217 = arith.constant 0 : i32
          %dma_wait3A_218 = tpu.memref_slice %arg48[%add3A_90, %dma_wait3A_217] : memref<10240x64xf32, #tpu.memory_space<vmem_shared>> -> memref<128x64xf32, #tpu.memory_space<vmem_shared>>
          %dma_wait3A_219 = arith.constant 0 : i32
          %dma_wait3A_220 = tpu.memref_slice %arg48[%add3A_90, %dma_wait3A_219] : memref<10240x64xf32, #tpu.memory_space<vmem_shared>> -> memref<128x64xf32, #tpu.memory_space<vmem_shared>>
          tpu.wait_dma2 semaphore(%run_scoped3A : memref<!tpu.dma_semaphore, #tpu.memory_space<semaphore_mem>>) src(%dma_wait3A_220 : memref<128x64xf32, #tpu.memory_space<vmem_shared>>) dst(%arg17 : memref<128x64xf32, #tpu.memory_space<vmem>>)
          tpu.yield
        }) : () -> ()
        %add3A_100 = arith.constant 128 : i32
        %add3A_101 = arith.addi %add3A_90, %add3A_100 : i32
        %dma_start3A_102 = arith.constant 0 : i32
        %dma_start3A_103 = tpu.memref_slice %arg4[%add3A_101, %dma_start3A_102] : memref<10240x64xf32, #tpu.memory_space<hbm>> -> memref<128x64xf32, #tpu.memory_space<hbm>>
        %dma_start3A_104 = arith.constant 0 : i32
        %dma_start3A_105 = tpu.memref_slice %arg4[%add3A_101, %dma_start3A_104] : memref<10240x64xf32, #tpu.memory_space<hbm>> -> memref<128x64xf32, #tpu.memory_space<hbm>>
        tpu.enqueue_dma source(%dma_start3A_105 : memref<128x64xf32, #tpu.memory_space<hbm>>) target(%arg23 : memref<128x64xf32, #tpu.memory_space<vmem>>) target_semaphore(%arg43 : memref<!tpu.dma_semaphore, #tpu.memory_space<semaphore_mem>>)
        "tpu.region"() ({
          %run_scoped3A = tpu.sem_alloc : memref<!tpu.dma_semaphore, #tpu.memory_space<semaphore_mem>>
          %dma_start3A_213 = arith.constant 0 : i32
          %dma_start3A_214 = tpu.memref_slice %arg8[%add3A_90, %dma_start3A_213] : memref<10240x16xf32, #tpu.memory_space<hbm>> -> memref<128x16xf32, #tpu.memory_space<hbm>>
          %dma_start3A_215 = arith.constant 0 : i32
          %dma_start3A_216 = tpu.memref_slice %arg8[%add3A_90, %dma_start3A_215] : memref<10240x16xf32, #tpu.memory_space<hbm>> -> memref<128x16xf32, #tpu.memory_space<hbm>>
          tpu.enqueue_dma source(%dma_start3A_216 : memref<128x16xf32, #tpu.memory_space<hbm>>) target(%arg28 : memref<128x16xf32, #tpu.memory_space<vmem>>) target_semaphore(%run_scoped3A : memref<!tpu.dma_semaphore, #tpu.memory_space<semaphore_mem>>)
          %dma_wait3A_217 = arith.constant 0 : i32
          %dma_wait3A_218 = tpu.memref_slice %arg8[%add3A_90, %dma_wait3A_217] : memref<10240x16xf32, #tpu.memory_space<hbm>> -> memref<128x16xf32, #tpu.memory_space<hbm>>
          %dma_wait3A_219 = arith.constant 0 : i32
          %dma_wait3A_220 = tpu.memref_slice %arg8[%add3A_90, %dma_wait3A_219] : memref<10240x16xf32, #tpu.memory_space<hbm>> -> memref<128x16xf32, #tpu.memory_space<hbm>>
          tpu.wait_dma2 semaphore(%run_scoped3A : memref<!tpu.dma_semaphore, #tpu.memory_space<semaphore_mem>>) src(%dma_wait3A_220 : memref<128x16xf32, #tpu.memory_space<hbm>>) dst(%arg28 : memref<128x16xf32, #tpu.memory_space<vmem>>)
          tpu.yield
        }) : () -> ()
        %dma_wait3A_106 = arith.constant 0 : i32
        %dma_wait3A_107 = tpu.memref_slice %arg4[%add3A_90, %dma_wait3A_106] : memref<10240x64xf32, #tpu.memory_space<hbm>> -> memref<128x64xf32, #tpu.memory_space<hbm>>
        %dma_wait3A_108 = arith.constant 0 : i32
        %dma_wait3A_109 = tpu.memref_slice %arg4[%add3A_90, %dma_wait3A_108] : memref<10240x64xf32, #tpu.memory_space<hbm>> -> memref<128x64xf32, #tpu.memory_space<hbm>>
        tpu.wait_dma2 semaphore(%arg42 : memref<!tpu.dma_semaphore, #tpu.memory_space<semaphore_mem>>) src(%dma_wait3A_109 : memref<128x64xf32, #tpu.memory_space<hbm>>) dst(%arg19 : memref<128x64xf32, #tpu.memory_space<vmem>>)
        %scan3A_110 = arith.constant 0 : i32
        %scan3A_111 = arith.constant 0 : i32
        %scan3A_112 = arith.constant 128 : i32
        %scan3A_113 = arith.addi %scan3A_111, %scan3A_112 : i32
        %scan3A_114 = arith.constant 1 : i32
        %scan3A_115 = scf.for %scan3A_213 = %scan3A_111 to %scan3A_113 step %scan3A_114 iter_args(%scan3A_214 = %scan3A_110) -> (i32)  : i32 {
          %get3A = arith.index_cast %scan3A_213 : i32 to index
          %get3A_215 = arith.constant 0 : index
          %get3A_216 = tpu.vector_load %arg28[%get3A, %get3A_215] {strides = array<i32>} : memref<128x16xf32, #tpu.memory_space<vmem>>, vector<1x16xf32>,
          %get3A_217 = vector.shape_cast %get3A_216 : vector<1x16xf32> to vector<16xf32>
          %get3A_218 = arith.index_cast %scan3A_213 : i32 to index
          %get3A_219 = arith.constant 0 : index
          %get3A_220 = tpu.vector_load %arg17[%get3A_218, %get3A_219] {strides = array<i32>} : memref<128x64xf32, #tpu.memory_space<vmem>>, vector<1x16xf32>,
          %get3A_221 = vector.shape_cast %get3A_220 : vector<1x16xf32> to vector<16xf32>
          %get3A_222 = arith.index_cast %scan3A_213 : i32 to index
          %get3A_223 = arith.constant 0 : index
          %get3A_224 = tpu.vector_load %arg19[%get3A_222, %get3A_223] {strides = array<i32>} : memref<128x64xf32, #tpu.memory_space<vmem>>, vector<1x16xf32>,
          %get3A_225 = vector.shape_cast %get3A_224 : vector<1x16xf32> to vector<16xf32>
          %mul3A_226 = arith.mulf %get3A_217, %get3A_221 : vector<16xf32>
          %mul3A_227 = arith.constant 0.899999976 : f32
          %mul3A_228 = vector.broadcast %mul3A_227 : f32 to vector<16xf32>
          %mul3A_229 = arith.mulf %mul3A_228, %mul3A_226 : vector<16xf32>
          %add3A_230 = arith.addf %mul3A_229, %get3A_225 : vector<16xf32>
          %mul3A_231 = arith.mulf %get3A_217, %add3A_230 : vector<16xf32>
          %select_n3A = arith.select %eq3A_19, %add3A_230, %mul3A_231 : vector<16xf32>
          %swap3A = arith.index_cast %scan3A_213 : i32 to index
          %swap3A_232 = arith.constant 0 : index
          %swap3A_233 = tpu.vector_load %arg17[%swap3A, %swap3A_232] {strides = array<i32>} : memref<128x64xf32, #tpu.memory_space<vmem>>, vector<1x16xf32>,
          %swap3A_234 = vector.shape_cast %swap3A_233 : vector<1x16xf32> to vector<16xf32>
          %swap3A_235 = vector.shape_cast %select_n3A : vector<16xf32> to vector<1x16xf32>
          tpu.vector_store %arg17[%swap3A, %swap3A_232], %swap3A_235 {strides = array<i32>} : memref<128x64xf32, #tpu.memory_space<vmem>>, vector<1x16xf32>,
          %get3A_236 = arith.index_cast %scan3A_213 : i32 to index
          %get3A_237 = arith.constant 16 : index
          %get3A_238 = tpu.vector_load %arg17[%get3A_236, %get3A_237] {strides = array<i32>} : memref<128x64xf32, #tpu.memory_space<vmem>>, vector<1x16xf32>,
          %get3A_239 = vector.shape_cast %get3A_238 : vector<1x16xf32> to vector<16xf32>
          %get3A_240 = arith.index_cast %scan3A_213 : i32 to index
          %get3A_241 = arith.constant 16 : index
          %get3A_242 = tpu.vector_load %arg19[%get3A_240, %get3A_241] {strides = array<i32>} : memref<128x64xf32, #tpu.memory_space<vmem>>, vector<1x16xf32>,
          %get3A_243 = vector.shape_cast %get3A_242 : vector<1x16xf32> to vector<16xf32>
          %mul3A_244 = arith.mulf %get3A_217, %get3A_239 : vector<16xf32>
          %mul3A_245 = arith.constant 0.899999976 : f32
          %mul3A_246 = vector.broadcast %mul3A_245 : f32 to vector<16xf32>
          %mul3A_247 = arith.mulf %mul3A_246, %mul3A_244 : vector<16xf32>
          %add3A_248 = arith.addf %mul3A_247, %get3A_243 : vector<16xf32>
          %mul3A_249 = arith.mulf %get3A_217, %add3A_248 : vector<16xf32>
          %select_n3A_250 = arith.select %eq3A_19, %add3A_248, %mul3A_249 : vector<16xf32>
          %swap3A_251 = arith.index_cast %scan3A_213 : i32 to index
          %swap3A_252 = arith.constant 16 : index
          %swap3A_253 = tpu.vector_load %arg17[%swap3A_251, %swap3A_252] {strides = array<i32>} : memref<128x64xf32, #tpu.memory_space<vmem>>, vector<1x16xf32>,
          %swap3A_254 = vector.shape_cast %swap3A_253 : vector<1x16xf32> to vector<16xf32>
          %swap3A_255 = vector.shape_cast %select_n3A_250 : vector<16xf32> to vector<1x16xf32>
          tpu.vector_store %arg17[%swap3A_251, %swap3A_252], %swap3A_255 {strides = array<i32>} : memref<128x64xf32, #tpu.memory_space<vmem>>, vector<1x16xf32>,
          %get3A_256 = arith.index_cast %scan3A_213 : i32 to index
          %get3A_257 = arith.constant 32 : index
          %get3A_258 = tpu.vector_load %arg17[%get3A_256, %get3A_257] {strides = array<i32>} : memref<128x64xf32, #tpu.memory_space<vmem>>, vector<1x16xf32>,
          %get3A_259 = vector.shape_cast %get3A_258 : vector<1x16xf32> to vector<16xf32>
          %get3A_260 = arith.index_cast %scan3A_213 : i32 to index
          %get3A_261 = arith.constant 32 : index
          %get3A_262 = tpu.vector_load %arg19[%get3A_260, %get3A_261] {strides = array<i32>} : memref<128x64xf32, #tpu.memory_space<vmem>>, vector<1x16xf32>,
          %get3A_263 = vector.shape_cast %get3A_262 : vector<1x16xf32> to vector<16xf32>
          %mul3A_264 = arith.mulf %get3A_217, %get3A_259 : vector<16xf32>
          %mul3A_265 = arith.constant 0.899999976 : f32
          %mul3A_266 = vector.broadcast %mul3A_265 : f32 to vector<16xf32>
          %mul3A_267 = arith.mulf %mul3A_266, %mul3A_264 : vector<16xf32>
          %add3A_268 = arith.addf %mul3A_267, %get3A_263 : vector<16xf32>
          %mul3A_269 = arith.mulf %get3A_217, %add3A_268 : vector<16xf32>
          %select_n3A_270 = arith.select %eq3A_19, %add3A_268, %mul3A_269 : vector<16xf32>
          %swap3A_271 = arith.index_cast %scan3A_213 : i32 to index
          %swap3A_272 = arith.constant 32 : index
          %swap3A_273 = tpu.vector_load %arg17[%swap3A_271, %swap3A_272] {strides = array<i32>} : memref<128x64xf32, #tpu.memory_space<vmem>>, vector<1x16xf32>,
          %swap3A_274 = vector.shape_cast %swap3A_273 : vector<1x16xf32> to vector<16xf32>
          %swap3A_275 = vector.shape_cast %select_n3A_270 : vector<16xf32> to vector<1x16xf32>
          tpu.vector_store %arg17[%swap3A_271, %swap3A_272], %swap3A_275 {strides = array<i32>} : memref<128x64xf32, #tpu.memory_space<vmem>>, vector<1x16xf32>,
          %get3A_276 = arith.index_cast %scan3A_213 : i32 to index
          %get3A_277 = arith.constant 48 : index
          %get3A_278 = tpu.vector_load %arg17[%get3A_276, %get3A_277] {strides = array<i32>} : memref<128x64xf32, #tpu.memory_space<vmem>>, vector<1x16xf32>,
          %get3A_279 = vector.shape_cast %get3A_278 : vector<1x16xf32> to vector<16xf32>
          %get3A_280 = arith.index_cast %scan3A_213 : i32 to index
          %get3A_281 = arith.constant 48 : index
          %get3A_282 = tpu.vector_load %arg19[%get3A_280, %get3A_281] {strides = array<i32>} : memref<128x64xf32, #tpu.memory_space<vmem>>, vector<1x16xf32>,
          %get3A_283 = vector.shape_cast %get3A_282 : vector<1x16xf32> to vector<16xf32>
          %mul3A_284 = arith.mulf %get3A_217, %get3A_279 : vector<16xf32>
          %mul3A_285 = arith.constant 0.899999976 : f32
          %mul3A_286 = vector.broadcast %mul3A_285 : f32 to vector<16xf32>
          %mul3A_287 = arith.mulf %mul3A_286, %mul3A_284 : vector<16xf32>
          %add3A_288 = arith.addf %mul3A_287, %get3A_283 : vector<16xf32>
          %mul3A_289 = arith.mulf %get3A_217, %add3A_288 : vector<16xf32>
          %select_n3A_290 = arith.select %eq3A_19, %add3A_288, %mul3A_289 : vector<16xf32>
          %swap3A_291 = arith.index_cast %scan3A_213 : i32 to index
          %swap3A_292 = arith.constant 48 : index
          %swap3A_293 = tpu.vector_load %arg17[%swap3A_291, %swap3A_292] {strides = array<i32>} : memref<128x64xf32, #tpu.memory_space<vmem>>, vector<1x16xf32>,
          %swap3A_294 = vector.shape_cast %swap3A_293 : vector<1x16xf32> to vector<16xf32>
          %swap3A_295 = vector.shape_cast %select_n3A_290 : vector<16xf32> to vector<1x16xf32>
          tpu.vector_store %arg17[%swap3A_291, %swap3A_292], %swap3A_295 {strides = array<i32>} : memref<128x64xf32, #tpu.memory_space<vmem>>, vector<1x16xf32>,
          %scan3A_296 = arith.constant 0 : i32
          scf.yield %scan3A_296 : i32
        }
        %scan3A_116 = arith.constant 128 : i32
        %dma_start3A_117 = arith.constant 0 : i32
        %dma_start3A_118 = tpu.memref_slice %arg9[%add3A_90, %dma_start3A_117] : memref<10240x64xf32, #tpu.memory_space<hbm>> -> memref<128x64xf32, #tpu.memory_space<hbm>>
        %dma_start3A_119 = arith.constant 0 : i32
        %dma_start3A_120 = tpu.memref_slice %arg9[%add3A_90, %dma_start3A_119] : memref<10240x64xf32, #tpu.memory_space<hbm>> -> memref<128x64xf32, #tpu.memory_space<hbm>>
        tpu.enqueue_dma source(%arg17 : memref<128x64xf32, #tpu.memory_space<vmem>>) target(%dma_start3A_120 : memref<128x64xf32, #tpu.memory_space<hbm>>) target_semaphore(%arg44 : memref<!tpu.dma_semaphore, #tpu.memory_space<semaphore_mem>>)
        %dma_start3A_121 = arith.constant 0 : i32
        %dma_start3A_122 = tpu.memref_slice %arg48[%add3A_90, %dma_start3A_121] : memref<10240x64xf32, #tpu.memory_space<vmem_shared>> -> memref<128x64xf32, #tpu.memory_space<vmem_shared>>
        %dma_start3A_123 = arith.constant 0 : i32
        %dma_start3A_124 = tpu.memref_slice %arg48[%add3A_90, %dma_start3A_123] : memref<10240x64xf32, #tpu.memory_space<vmem_shared>> -> memref<128x64xf32, #tpu.memory_space<vmem_shared>>
        tpu.enqueue_dma source(%arg17 : memref<128x64xf32, #tpu.memory_space<vmem>>) target(%dma_start3A_124 : memref<128x64xf32, #tpu.memory_space<vmem_shared>>) target_semaphore(%arg46 : memref<!tpu.dma_semaphore, #tpu.memory_space<semaphore_mem>>)
        %add3A_125 = arith.constant 384 : i32
        %add3A_126 = arith.addi %mul3A_0, %add3A_125 : i32
        %sub3A_127 = arith.constant 256 : i32
        %sub3A_128 = arith.subi %add3A_126, %sub3A_127 : i32
        %dma_wait3A_129 = arith.constant 0 : i32
        %dma_wait3A_130 = tpu.memref_slice %arg9[%sub3A_128, %dma_wait3A_129] : memref<10240x64xf32, #tpu.memory_space<hbm>> -> memref<128x64xf32, #tpu.memory_space<hbm>>
        %dma_wait3A_131 = arith.constant 0 : i32
        %dma_wait3A_132 = tpu.memref_slice %arg9[%sub3A_128, %dma_wait3A_131] : memref<10240x64xf32, #tpu.memory_space<hbm>> -> memref<128x64xf32, #tpu.memory_space<hbm>>
        tpu.wait_dma2 semaphore(%arg45 : memref<!tpu.dma_semaphore, #tpu.memory_space<semaphore_mem>>) src(%arg18 : memref<128x64xf32, #tpu.memory_space<vmem>>) dst(%dma_wait3A_132 : memref<128x64xf32, #tpu.memory_space<hbm>>)
        %dma_wait3A_133 = arith.constant 0 : i32
        %dma_wait3A_134 = tpu.memref_slice %arg48[%sub3A_128, %dma_wait3A_133] : memref<10240x64xf32, #tpu.memory_space<vmem_shared>> -> memref<128x64xf32, #tpu.memory_space<vmem_shared>>
        %dma_wait3A_135 = arith.constant 0 : i32
        %dma_wait3A_136 = tpu.memref_slice %arg48[%sub3A_128, %dma_wait3A_135] : memref<10240x64xf32, #tpu.memory_space<vmem_shared>> -> memref<128x64xf32, #tpu.memory_space<vmem_shared>>
        tpu.wait_dma2 semaphore(%arg47 : memref<!tpu.dma_semaphore, #tpu.memory_space<semaphore_mem>>) src(%arg18 : memref<128x64xf32, #tpu.memory_space<vmem>>) dst(%dma_wait3A_136 : memref<128x64xf32, #tpu.memory_space<vmem_shared>>)
        "tpu.region"() ({
          %run_scoped3A = tpu.sem_alloc : memref<!tpu.dma_semaphore, #tpu.memory_space<semaphore_mem>>
          %dma_start3A_213 = arith.constant 0 : i32
          %dma_start3A_214 = tpu.memref_slice %arg48[%add3A_126, %dma_start3A_213] : memref<10240x64xf32, #tpu.memory_space<vmem_shared>> -> memref<128x64xf32, #tpu.memory_space<vmem_shared>>
          %dma_start3A_215 = arith.constant 0 : i32
          %dma_start3A_216 = tpu.memref_slice %arg48[%add3A_126, %dma_start3A_215] : memref<10240x64xf32, #tpu.memory_space<vmem_shared>> -> memref<128x64xf32, #tpu.memory_space<vmem_shared>>
          tpu.enqueue_dma source(%dma_start3A_216 : memref<128x64xf32, #tpu.memory_space<vmem_shared>>) target(%arg18 : memref<128x64xf32, #tpu.memory_space<vmem>>) target_semaphore(%run_scoped3A : memref<!tpu.dma_semaphore, #tpu.memory_space<semaphore_mem>>)
          %dma_wait3A_217 = arith.constant 0 : i32
          %dma_wait3A_218 = tpu.memref_slice %arg48[%add3A_126, %dma_wait3A_217] : memref<10240x64xf32, #tpu.memory_space<vmem_shared>> -> memref<128x64xf32, #tpu.memory_space<vmem_shared>>
          %dma_wait3A_219 = arith.constant 0 : i32
          %dma_wait3A_220 = tpu.memref_slice %arg48[%add3A_126, %dma_wait3A_219] : memref<10240x64xf32, #tpu.memory_space<vmem_shared>> -> memref<128x64xf32, #tpu.memory_space<vmem_shared>>
          tpu.wait_dma2 semaphore(%run_scoped3A : memref<!tpu.dma_semaphore, #tpu.memory_space<semaphore_mem>>) src(%dma_wait3A_220 : memref<128x64xf32, #tpu.memory_space<vmem_shared>>) dst(%arg18 : memref<128x64xf32, #tpu.memory_space<vmem>>)
          tpu.yield
        }) : () -> ()
        %add3A_137 = arith.constant 128 : i32
        %add3A_138 = arith.addi %add3A_126, %add3A_137 : i32
        %dma_start3A_139 = arith.constant 0 : i32
        %dma_start3A_140 = tpu.memref_slice %arg4[%add3A_138, %dma_start3A_139] : memref<10240x64xf32, #tpu.memory_space<hbm>> -> memref<128x64xf32, #tpu.memory_space<hbm>>
        %dma_start3A_141 = arith.constant 0 : i32
        %dma_start3A_142 = tpu.memref_slice %arg4[%add3A_138, %dma_start3A_141] : memref<10240x64xf32, #tpu.memory_space<hbm>> -> memref<128x64xf32, #tpu.memory_space<hbm>>
        tpu.enqueue_dma source(%dma_start3A_142 : memref<128x64xf32, #tpu.memory_space<hbm>>) target(%arg19 : memref<128x64xf32, #tpu.memory_space<vmem>>) target_semaphore(%arg42 : memref<!tpu.dma_semaphore, #tpu.memory_space<semaphore_mem>>)
        "tpu.region"() ({
          %run_scoped3A = tpu.sem_alloc : memref<!tpu.dma_semaphore, #tpu.memory_space<semaphore_mem>>
          %dma_start3A_213 = arith.constant 0 : i32
          %dma_start3A_214 = tpu.memref_slice %arg8[%add3A_126, %dma_start3A_213] : memref<10240x16xf32, #tpu.memory_space<hbm>> -> memref<128x16xf32, #tpu.memory_space<hbm>>
          %dma_start3A_215 = arith.constant 0 : i32
          %dma_start3A_216 = tpu.memref_slice %arg8[%add3A_126, %dma_start3A_215] : memref<10240x16xf32, #tpu.memory_space<hbm>> -> memref<128x16xf32, #tpu.memory_space<hbm>>
          tpu.enqueue_dma source(%dma_start3A_216 : memref<128x16xf32, #tpu.memory_space<hbm>>) target(%arg28 : memref<128x16xf32, #tpu.memory_space<vmem>>) target_semaphore(%run_scoped3A : memref<!tpu.dma_semaphore, #tpu.memory_space<semaphore_mem>>)
          %dma_wait3A_217 = arith.constant 0 : i32
          %dma_wait3A_218 = tpu.memref_slice %arg8[%add3A_126, %dma_wait3A_217] : memref<10240x16xf32, #tpu.memory_space<hbm>> -> memref<128x16xf32, #tpu.memory_space<hbm>>
          %dma_wait3A_219 = arith.constant 0 : i32
          %dma_wait3A_220 = tpu.memref_slice %arg8[%add3A_126, %dma_wait3A_219] : memref<10240x16xf32, #tpu.memory_space<hbm>> -> memref<128x16xf32, #tpu.memory_space<hbm>>
          tpu.wait_dma2 semaphore(%run_scoped3A : memref<!tpu.dma_semaphore, #tpu.memory_space<semaphore_mem>>) src(%dma_wait3A_220 : memref<128x16xf32, #tpu.memory_space<hbm>>) dst(%arg28 : memref<128x16xf32, #tpu.memory_space<vmem>>)
          tpu.yield
        }) : () -> ()
        %dma_wait3A_143 = arith.constant 0 : i32
        %dma_wait3A_144 = tpu.memref_slice %arg4[%add3A_126, %dma_wait3A_143] : memref<10240x64xf32, #tpu.memory_space<hbm>> -> memref<128x64xf32, #tpu.memory_space<hbm>>
        %dma_wait3A_145 = arith.constant 0 : i32
        %dma_wait3A_146 = tpu.memref_slice %arg4[%add3A_126, %dma_wait3A_145] : memref<10240x64xf32, #tpu.memory_space<hbm>> -> memref<128x64xf32, #tpu.memory_space<hbm>>
        tpu.wait_dma2 semaphore(%arg43 : memref<!tpu.dma_semaphore, #tpu.memory_space<semaphore_mem>>) src(%dma_wait3A_146 : memref<128x64xf32, #tpu.memory_space<hbm>>) dst(%arg23 : memref<128x64xf32, #tpu.memory_space<vmem>>)
        %scan3A_147 = arith.constant 0 : i32
        %scan3A_148 = arith.constant 0 : i32
        %scan3A_149 = arith.constant 128 : i32
        %scan3A_150 = arith.addi %scan3A_148, %scan3A_149 : i32
        %scan3A_151 = arith.constant 1 : i32
        %scan3A_152 = scf.for %scan3A_213 = %scan3A_148 to %scan3A_150 step %scan3A_151 iter_args(%scan3A_214 = %scan3A_147) -> (i32)  : i32 {
          %get3A = arith.index_cast %scan3A_213 : i32 to index
          %get3A_215 = arith.constant 0 : index
          %get3A_216 = tpu.vector_load %arg28[%get3A, %get3A_215] {strides = array<i32>} : memref<128x16xf32, #tpu.memory_space<vmem>>, vector<1x16xf32>,
          %get3A_217 = vector.shape_cast %get3A_216 : vector<1x16xf32> to vector<16xf32>
          %get3A_218 = arith.index_cast %scan3A_213 : i32 to index
          %get3A_219 = arith.constant 0 : index
          %get3A_220 = tpu.vector_load %arg18[%get3A_218, %get3A_219] {strides = array<i32>} : memref<128x64xf32, #tpu.memory_space<vmem>>, vector<1x16xf32>,
          %get3A_221 = vector.shape_cast %get3A_220 : vector<1x16xf32> to vector<16xf32>
          %get3A_222 = arith.index_cast %scan3A_213 : i32 to index
          %get3A_223 = arith.constant 0 : index
          %get3A_224 = tpu.vector_load %arg23[%get3A_222, %get3A_223] {strides = array<i32>} : memref<128x64xf32, #tpu.memory_space<vmem>>, vector<1x16xf32>,
          %get3A_225 = vector.shape_cast %get3A_224 : vector<1x16xf32> to vector<16xf32>
          %mul3A_226 = arith.mulf %get3A_217, %get3A_221 : vector<16xf32>
          %mul3A_227 = arith.constant 0.899999976 : f32
          %mul3A_228 = vector.broadcast %mul3A_227 : f32 to vector<16xf32>
          %mul3A_229 = arith.mulf %mul3A_228, %mul3A_226 : vector<16xf32>
          %add3A_230 = arith.addf %mul3A_229, %get3A_225 : vector<16xf32>
          %mul3A_231 = arith.mulf %get3A_217, %add3A_230 : vector<16xf32>
          %select_n3A = arith.select %eq3A_19, %add3A_230, %mul3A_231 : vector<16xf32>
          %swap3A = arith.index_cast %scan3A_213 : i32 to index
          %swap3A_232 = arith.constant 0 : index
          %swap3A_233 = tpu.vector_load %arg18[%swap3A, %swap3A_232] {strides = array<i32>} : memref<128x64xf32, #tpu.memory_space<vmem>>, vector<1x16xf32>,
          %swap3A_234 = vector.shape_cast %swap3A_233 : vector<1x16xf32> to vector<16xf32>
          %swap3A_235 = vector.shape_cast %select_n3A : vector<16xf32> to vector<1x16xf32>
          tpu.vector_store %arg18[%swap3A, %swap3A_232], %swap3A_235 {strides = array<i32>} : memref<128x64xf32, #tpu.memory_space<vmem>>, vector<1x16xf32>,
          %get3A_236 = arith.index_cast %scan3A_213 : i32 to index
          %get3A_237 = arith.constant 16 : index
          %get3A_238 = tpu.vector_load %arg18[%get3A_236, %get3A_237] {strides = array<i32>} : memref<128x64xf32, #tpu.memory_space<vmem>>, vector<1x16xf32>,
          %get3A_239 = vector.shape_cast %get3A_238 : vector<1x16xf32> to vector<16xf32>
          %get3A_240 = arith.index_cast %scan3A_213 : i32 to index
          %get3A_241 = arith.constant 16 : index
          %get3A_242 = tpu.vector_load %arg23[%get3A_240, %get3A_241] {strides = array<i32>} : memref<128x64xf32, #tpu.memory_space<vmem>>, vector<1x16xf32>,
          %get3A_243 = vector.shape_cast %get3A_242 : vector<1x16xf32> to vector<16xf32>
          %mul3A_244 = arith.mulf %get3A_217, %get3A_239 : vector<16xf32>
          %mul3A_245 = arith.constant 0.899999976 : f32
          %mul3A_246 = vector.broadcast %mul3A_245 : f32 to vector<16xf32>
          %mul3A_247 = arith.mulf %mul3A_246, %mul3A_244 : vector<16xf32>
          %add3A_248 = arith.addf %mul3A_247, %get3A_243 : vector<16xf32>
          %mul3A_249 = arith.mulf %get3A_217, %add3A_248 : vector<16xf32>
          %select_n3A_250 = arith.select %eq3A_19, %add3A_248, %mul3A_249 : vector<16xf32>
          %swap3A_251 = arith.index_cast %scan3A_213 : i32 to index
          %swap3A_252 = arith.constant 16 : index
          %swap3A_253 = tpu.vector_load %arg18[%swap3A_251, %swap3A_252] {strides = array<i32>} : memref<128x64xf32, #tpu.memory_space<vmem>>, vector<1x16xf32>,
          %swap3A_254 = vector.shape_cast %swap3A_253 : vector<1x16xf32> to vector<16xf32>
          %swap3A_255 = vector.shape_cast %select_n3A_250 : vector<16xf32> to vector<1x16xf32>
          tpu.vector_store %arg18[%swap3A_251, %swap3A_252], %swap3A_255 {strides = array<i32>} : memref<128x64xf32, #tpu.memory_space<vmem>>, vector<1x16xf32>,
          %get3A_256 = arith.index_cast %scan3A_213 : i32 to index
          %get3A_257 = arith.constant 32 : index
          %get3A_258 = tpu.vector_load %arg18[%get3A_256, %get3A_257] {strides = array<i32>} : memref<128x64xf32, #tpu.memory_space<vmem>>, vector<1x16xf32>,
          %get3A_259 = vector.shape_cast %get3A_258 : vector<1x16xf32> to vector<16xf32>
          %get3A_260 = arith.index_cast %scan3A_213 : i32 to index
          %get3A_261 = arith.constant 32 : index
          %get3A_262 = tpu.vector_load %arg23[%get3A_260, %get3A_261] {strides = array<i32>} : memref<128x64xf32, #tpu.memory_space<vmem>>, vector<1x16xf32>,
          %get3A_263 = vector.shape_cast %get3A_262 : vector<1x16xf32> to vector<16xf32>
          %mul3A_264 = arith.mulf %get3A_217, %get3A_259 : vector<16xf32>
          %mul3A_265 = arith.constant 0.899999976 : f32
          %mul3A_266 = vector.broadcast %mul3A_265 : f32 to vector<16xf32>
          %mul3A_267 = arith.mulf %mul3A_266, %mul3A_264 : vector<16xf32>
          %add3A_268 = arith.addf %mul3A_267, %get3A_263 : vector<16xf32>
          %mul3A_269 = arith.mulf %get3A_217, %add3A_268 : vector<16xf32>
          %select_n3A_270 = arith.select %eq3A_19, %add3A_268, %mul3A_269 : vector<16xf32>
          %swap3A_271 = arith.index_cast %scan3A_213 : i32 to index
          %swap3A_272 = arith.constant 32 : index
          %swap3A_273 = tpu.vector_load %arg18[%swap3A_271, %swap3A_272] {strides = array<i32>} : memref<128x64xf32, #tpu.memory_space<vmem>>, vector<1x16xf32>,
          %swap3A_274 = vector.shape_cast %swap3A_273 : vector<1x16xf32> to vector<16xf32>
          %swap3A_275 = vector.shape_cast %select_n3A_270 : vector<16xf32> to vector<1x16xf32>
          tpu.vector_store %arg18[%swap3A_271, %swap3A_272], %swap3A_275 {strides = array<i32>} : memref<128x64xf32, #tpu.memory_space<vmem>>, vector<1x16xf32>,
          %get3A_276 = arith.index_cast %scan3A_213 : i32 to index
          %get3A_277 = arith.constant 48 : index
          %get3A_278 = tpu.vector_load %arg18[%get3A_276, %get3A_277] {strides = array<i32>} : memref<128x64xf32, #tpu.memory_space<vmem>>, vector<1x16xf32>,
          %get3A_279 = vector.shape_cast %get3A_278 : vector<1x16xf32> to vector<16xf32>
          %get3A_280 = arith.index_cast %scan3A_213 : i32 to index
          %get3A_281 = arith.constant 48 : index
          %get3A_282 = tpu.vector_load %arg23[%get3A_280, %get3A_281] {strides = array<i32>} : memref<128x64xf32, #tpu.memory_space<vmem>>, vector<1x16xf32>,
          %get3A_283 = vector.shape_cast %get3A_282 : vector<1x16xf32> to vector<16xf32>
          %mul3A_284 = arith.mulf %get3A_217, %get3A_279 : vector<16xf32>
          %mul3A_285 = arith.constant 0.899999976 : f32
          %mul3A_286 = vector.broadcast %mul3A_285 : f32 to vector<16xf32>
          %mul3A_287 = arith.mulf %mul3A_286, %mul3A_284 : vector<16xf32>
          %add3A_288 = arith.addf %mul3A_287, %get3A_283 : vector<16xf32>
          %mul3A_289 = arith.mulf %get3A_217, %add3A_288 : vector<16xf32>
          %select_n3A_290 = arith.select %eq3A_19, %add3A_288, %mul3A_289 : vector<16xf32>
          %swap3A_291 = arith.index_cast %scan3A_213 : i32 to index
          %swap3A_292 = arith.constant 48 : index
          %swap3A_293 = tpu.vector_load %arg18[%swap3A_291, %swap3A_292] {strides = array<i32>} : memref<128x64xf32, #tpu.memory_space<vmem>>, vector<1x16xf32>,
          %swap3A_294 = vector.shape_cast %swap3A_293 : vector<1x16xf32> to vector<16xf32>
          %swap3A_295 = vector.shape_cast %select_n3A_290 : vector<16xf32> to vector<1x16xf32>
          tpu.vector_store %arg18[%swap3A_291, %swap3A_292], %swap3A_295 {strides = array<i32>} : memref<128x64xf32, #tpu.memory_space<vmem>>, vector<1x16xf32>,
          %scan3A_296 = arith.constant 0 : i32
          scf.yield %scan3A_296 : i32
        }
        %scan3A_153 = arith.constant 128 : i32
        %dma_start3A_154 = arith.constant 0 : i32
        %dma_start3A_155 = tpu.memref_slice %arg9[%add3A_126, %dma_start3A_154] : memref<10240x64xf32, #tpu.memory_space<hbm>> -> memref<128x64xf32, #tpu.memory_space<hbm>>
        %dma_start3A_156 = arith.constant 0 : i32
        %dma_start3A_157 = tpu.memref_slice %arg9[%add3A_126, %dma_start3A_156] : memref<10240x64xf32, #tpu.memory_space<hbm>> -> memref<128x64xf32, #tpu.memory_space<hbm>>
        tpu.enqueue_dma source(%arg18 : memref<128x64xf32, #tpu.memory_space<vmem>>) target(%dma_start3A_157 : memref<128x64xf32, #tpu.memory_space<hbm>>) target_semaphore(%arg45 : memref<!tpu.dma_semaphore, #tpu.memory_space<semaphore_mem>>)
        %dma_start3A_158 = arith.constant 0 : i32
        %dma_start3A_159 = tpu.memref_slice %arg48[%add3A_126, %dma_start3A_158] : memref<10240x64xf32, #tpu.memory_space<vmem_shared>> -> memref<128x64xf32, #tpu.memory_space<vmem_shared>>
        %dma_start3A_160 = arith.constant 0 : i32
        %dma_start3A_161 = tpu.memref_slice %arg48[%add3A_126, %dma_start3A_160] : memref<10240x64xf32, #tpu.memory_space<vmem_shared>> -> memref<128x64xf32, #tpu.memory_space<vmem_shared>>
        tpu.enqueue_dma source(%arg18 : memref<128x64xf32, #tpu.memory_space<vmem>>) target(%dma_start3A_161 : memref<128x64xf32, #tpu.memory_space<vmem_shared>>) target_semaphore(%arg47 : memref<!tpu.dma_semaphore, #tpu.memory_space<semaphore_mem>>)
        %add3A_162 = arith.constant 512 : i32
        %add3A_163 = arith.addi %mul3A_0, %add3A_162 : i32
        %sub3A_164 = arith.constant 256 : i32
        %sub3A_165 = arith.subi %add3A_163, %sub3A_164 : i32
        %dma_wait3A_166 = arith.constant 0 : i32
        %dma_wait3A_167 = tpu.memref_slice %arg9[%sub3A_165, %dma_wait3A_166] : memref<10240x64xf32, #tpu.memory_space<hbm>> -> memref<128x64xf32, #tpu.memory_space<hbm>>
        %dma_wait3A_168 = arith.constant 0 : i32
        %dma_wait3A_169 = tpu.memref_slice %arg9[%sub3A_165, %dma_wait3A_168] : memref<10240x64xf32, #tpu.memory_space<hbm>> -> memref<128x64xf32, #tpu.memory_space<hbm>>
        tpu.wait_dma2 semaphore(%arg44 : memref<!tpu.dma_semaphore, #tpu.memory_space<semaphore_mem>>) src(%arg17 : memref<128x64xf32, #tpu.memory_space<vmem>>) dst(%dma_wait3A_169 : memref<128x64xf32, #tpu.memory_space<hbm>>)
        %dma_wait3A_170 = arith.constant 0 : i32
        %dma_wait3A_171 = tpu.memref_slice %arg48[%sub3A_165, %dma_wait3A_170] : memref<10240x64xf32, #tpu.memory_space<vmem_shared>> -> memref<128x64xf32, #tpu.memory_space<vmem_shared>>
        %dma_wait3A_172 = arith.constant 0 : i32
        %dma_wait3A_173 = tpu.memref_slice %arg48[%sub3A_165, %dma_wait3A_172] : memref<10240x64xf32, #tpu.memory_space<vmem_shared>> -> memref<128x64xf32, #tpu.memory_space<vmem_shared>>
        tpu.wait_dma2 semaphore(%arg46 : memref<!tpu.dma_semaphore, #tpu.memory_space<semaphore_mem>>) src(%arg17 : memref<128x64xf32, #tpu.memory_space<vmem>>) dst(%dma_wait3A_173 : memref<128x64xf32, #tpu.memory_space<vmem_shared>>)
        "tpu.region"() ({
          %run_scoped3A = tpu.sem_alloc : memref<!tpu.dma_semaphore, #tpu.memory_space<semaphore_mem>>
          %dma_start3A_213 = arith.constant 0 : i32
          %dma_start3A_214 = tpu.memref_slice %arg48[%add3A_163, %dma_start3A_213] : memref<10240x64xf32, #tpu.memory_space<vmem_shared>> -> memref<128x64xf32, #tpu.memory_space<vmem_shared>>
          %dma_start3A_215 = arith.constant 0 : i32
          %dma_start3A_216 = tpu.memref_slice %arg48[%add3A_163, %dma_start3A_215] : memref<10240x64xf32, #tpu.memory_space<vmem_shared>> -> memref<128x64xf32, #tpu.memory_space<vmem_shared>>
          tpu.enqueue_dma source(%dma_start3A_216 : memref<128x64xf32, #tpu.memory_space<vmem_shared>>) target(%arg17 : memref<128x64xf32, #tpu.memory_space<vmem>>) target_semaphore(%run_scoped3A : memref<!tpu.dma_semaphore, #tpu.memory_space<semaphore_mem>>)
          %dma_wait3A_217 = arith.constant 0 : i32
          %dma_wait3A_218 = tpu.memref_slice %arg48[%add3A_163, %dma_wait3A_217] : memref<10240x64xf32, #tpu.memory_space<vmem_shared>> -> memref<128x64xf32, #tpu.memory_space<vmem_shared>>
          %dma_wait3A_219 = arith.constant 0 : i32
          %dma_wait3A_220 = tpu.memref_slice %arg48[%add3A_163, %dma_wait3A_219] : memref<10240x64xf32, #tpu.memory_space<vmem_shared>> -> memref<128x64xf32, #tpu.memory_space<vmem_shared>>
          tpu.wait_dma2 semaphore(%run_scoped3A : memref<!tpu.dma_semaphore, #tpu.memory_space<semaphore_mem>>) src(%dma_wait3A_220 : memref<128x64xf32, #tpu.memory_space<vmem_shared>>) dst(%arg17 : memref<128x64xf32, #tpu.memory_space<vmem>>)
          tpu.yield
        }) : () -> ()
        "tpu.region"() ({
          %run_scoped3A = tpu.sem_alloc : memref<!tpu.dma_semaphore, #tpu.memory_space<semaphore_mem>>
          %dma_start3A_213 = arith.constant 0 : i32
          %dma_start3A_214 = tpu.memref_slice %arg8[%add3A_163, %dma_start3A_213] : memref<10240x16xf32, #tpu.memory_space<hbm>> -> memref<128x16xf32, #tpu.memory_space<hbm>>
          %dma_start3A_215 = arith.constant 0 : i32
          %dma_start3A_216 = tpu.memref_slice %arg8[%add3A_163, %dma_start3A_215] : memref<10240x16xf32, #tpu.memory_space<hbm>> -> memref<128x16xf32, #tpu.memory_space<hbm>>
          tpu.enqueue_dma source(%dma_start3A_216 : memref<128x16xf32, #tpu.memory_space<hbm>>) target(%arg28 : memref<128x16xf32, #tpu.memory_space<vmem>>) target_semaphore(%run_scoped3A : memref<!tpu.dma_semaphore, #tpu.memory_space<semaphore_mem>>)
          %dma_wait3A_217 = arith.constant 0 : i32
          %dma_wait3A_218 = tpu.memref_slice %arg8[%add3A_163, %dma_wait3A_217] : memref<10240x16xf32, #tpu.memory_space<hbm>> -> memref<128x16xf32, #tpu.memory_space<hbm>>
          %dma_wait3A_219 = arith.constant 0 : i32
          %dma_wait3A_220 = tpu.memref_slice %arg8[%add3A_163, %dma_wait3A_219] : memref<10240x16xf32, #tpu.memory_space<hbm>> -> memref<128x16xf32, #tpu.memory_space<hbm>>
          tpu.wait_dma2 semaphore(%run_scoped3A : memref<!tpu.dma_semaphore, #tpu.memory_space<semaphore_mem>>) src(%dma_wait3A_220 : memref<128x16xf32, #tpu.memory_space<hbm>>) dst(%arg28 : memref<128x16xf32, #tpu.memory_space<vmem>>)
          tpu.yield
        }) : () -> ()
        %dma_wait3A_174 = arith.constant 0 : i32
        %dma_wait3A_175 = tpu.memref_slice %arg4[%add3A_163, %dma_wait3A_174] : memref<10240x64xf32, #tpu.memory_space<hbm>> -> memref<128x64xf32, #tpu.memory_space<hbm>>
        %dma_wait3A_176 = arith.constant 0 : i32
        %dma_wait3A_177 = tpu.memref_slice %arg4[%add3A_163, %dma_wait3A_176] : memref<10240x64xf32, #tpu.memory_space<hbm>> -> memref<128x64xf32, #tpu.memory_space<hbm>>
        tpu.wait_dma2 semaphore(%arg42 : memref<!tpu.dma_semaphore, #tpu.memory_space<semaphore_mem>>) src(%dma_wait3A_177 : memref<128x64xf32, #tpu.memory_space<hbm>>) dst(%arg19 : memref<128x64xf32, #tpu.memory_space<vmem>>)
        %scan3A_178 = arith.constant 0 : i32
        %scan3A_179 = arith.constant 0 : i32
        %scan3A_180 = arith.constant 128 : i32
        %scan3A_181 = arith.addi %scan3A_179, %scan3A_180 : i32
        %scan3A_182 = arith.constant 1 : i32
        %scan3A_183 = scf.for %scan3A_213 = %scan3A_179 to %scan3A_181 step %scan3A_182 iter_args(%scan3A_214 = %scan3A_178) -> (i32)  : i32 {
          %get3A = arith.index_cast %scan3A_213 : i32 to index
          %get3A_215 = arith.constant 0 : index
          %get3A_216 = tpu.vector_load %arg28[%get3A, %get3A_215] {strides = array<i32>} : memref<128x16xf32, #tpu.memory_space<vmem>>, vector<1x16xf32>,
          %get3A_217 = vector.shape_cast %get3A_216 : vector<1x16xf32> to vector<16xf32>
          %get3A_218 = arith.index_cast %scan3A_213 : i32 to index
          %get3A_219 = arith.constant 0 : index
          %get3A_220 = tpu.vector_load %arg17[%get3A_218, %get3A_219] {strides = array<i32>} : memref<128x64xf32, #tpu.memory_space<vmem>>, vector<1x16xf32>,
          %get3A_221 = vector.shape_cast %get3A_220 : vector<1x16xf32> to vector<16xf32>
          %get3A_222 = arith.index_cast %scan3A_213 : i32 to index
          %get3A_223 = arith.constant 0 : index
          %get3A_224 = tpu.vector_load %arg19[%get3A_222, %get3A_223] {strides = array<i32>} : memref<128x64xf32, #tpu.memory_space<vmem>>, vector<1x16xf32>,
          %get3A_225 = vector.shape_cast %get3A_224 : vector<1x16xf32> to vector<16xf32>
          %mul3A_226 = arith.mulf %get3A_217, %get3A_221 : vector<16xf32>
          %mul3A_227 = arith.constant 0.899999976 : f32
          %mul3A_228 = vector.broadcast %mul3A_227 : f32 to vector<16xf32>
          %mul3A_229 = arith.mulf %mul3A_228, %mul3A_226 : vector<16xf32>
          %add3A_230 = arith.addf %mul3A_229, %get3A_225 : vector<16xf32>
          %mul3A_231 = arith.mulf %get3A_217, %add3A_230 : vector<16xf32>
          %select_n3A = arith.select %eq3A_19, %add3A_230, %mul3A_231 : vector<16xf32>
          %swap3A = arith.index_cast %scan3A_213 : i32 to index
          %swap3A_232 = arith.constant 0 : index
          %swap3A_233 = tpu.vector_load %arg17[%swap3A, %swap3A_232] {strides = array<i32>} : memref<128x64xf32, #tpu.memory_space<vmem>>, vector<1x16xf32>,
          %swap3A_234 = vector.shape_cast %swap3A_233 : vector<1x16xf32> to vector<16xf32>
          %swap3A_235 = vector.shape_cast %select_n3A : vector<16xf32> to vector<1x16xf32>
          tpu.vector_store %arg17[%swap3A, %swap3A_232], %swap3A_235 {strides = array<i32>} : memref<128x64xf32, #tpu.memory_space<vmem>>, vector<1x16xf32>,
          %get3A_236 = arith.index_cast %scan3A_213 : i32 to index
          %get3A_237 = arith.constant 16 : index
          %get3A_238 = tpu.vector_load %arg17[%get3A_236, %get3A_237] {strides = array<i32>} : memref<128x64xf32, #tpu.memory_space<vmem>>, vector<1x16xf32>,
          %get3A_239 = vector.shape_cast %get3A_238 : vector<1x16xf32> to vector<16xf32>
          %get3A_240 = arith.index_cast %scan3A_213 : i32 to index
          %get3A_241 = arith.constant 16 : index
          %get3A_242 = tpu.vector_load %arg19[%get3A_240, %get3A_241] {strides = array<i32>} : memref<128x64xf32, #tpu.memory_space<vmem>>, vector<1x16xf32>,
          %get3A_243 = vector.shape_cast %get3A_242 : vector<1x16xf32> to vector<16xf32>
          %mul3A_244 = arith.mulf %get3A_217, %get3A_239 : vector<16xf32>
          %mul3A_245 = arith.constant 0.899999976 : f32
          %mul3A_246 = vector.broadcast %mul3A_245 : f32 to vector<16xf32>
          %mul3A_247 = arith.mulf %mul3A_246, %mul3A_244 : vector<16xf32>
          %add3A_248 = arith.addf %mul3A_247, %get3A_243 : vector<16xf32>
          %mul3A_249 = arith.mulf %get3A_217, %add3A_248 : vector<16xf32>
          %select_n3A_250 = arith.select %eq3A_19, %add3A_248, %mul3A_249 : vector<16xf32>
          %swap3A_251 = arith.index_cast %scan3A_213 : i32 to index
          %swap3A_252 = arith.constant 16 : index
          %swap3A_253 = tpu.vector_load %arg17[%swap3A_251, %swap3A_252] {strides = array<i32>} : memref<128x64xf32, #tpu.memory_space<vmem>>, vector<1x16xf32>,
          %swap3A_254 = vector.shape_cast %swap3A_253 : vector<1x16xf32> to vector<16xf32>
          %swap3A_255 = vector.shape_cast %select_n3A_250 : vector<16xf32> to vector<1x16xf32>
          tpu.vector_store %arg17[%swap3A_251, %swap3A_252], %swap3A_255 {strides = array<i32>} : memref<128x64xf32, #tpu.memory_space<vmem>>, vector<1x16xf32>,
          %get3A_256 = arith.index_cast %scan3A_213 : i32 to index
          %get3A_257 = arith.constant 32 : index
          %get3A_258 = tpu.vector_load %arg17[%get3A_256, %get3A_257] {strides = array<i32>} : memref<128x64xf32, #tpu.memory_space<vmem>>, vector<1x16xf32>,
          %get3A_259 = vector.shape_cast %get3A_258 : vector<1x16xf32> to vector<16xf32>
          %get3A_260 = arith.index_cast %scan3A_213 : i32 to index
          %get3A_261 = arith.constant 32 : index
          %get3A_262 = tpu.vector_load %arg19[%get3A_260, %get3A_261] {strides = array<i32>} : memref<128x64xf32, #tpu.memory_space<vmem>>, vector<1x16xf32>,
          %get3A_263 = vector.shape_cast %get3A_262 : vector<1x16xf32> to vector<16xf32>
          %mul3A_264 = arith.mulf %get3A_217, %get3A_259 : vector<16xf32>
          %mul3A_265 = arith.constant 0.899999976 : f32
          %mul3A_266 = vector.broadcast %mul3A_265 : f32 to vector<16xf32>
          %mul3A_267 = arith.mulf %mul3A_266, %mul3A_264 : vector<16xf32>
          %add3A_268 = arith.addf %mul3A_267, %get3A_263 : vector<16xf32>
          %mul3A_269 = arith.mulf %get3A_217, %add3A_268 : vector<16xf32>
          %select_n3A_270 = arith.select %eq3A_19, %add3A_268, %mul3A_269 : vector<16xf32>
          %swap3A_271 = arith.index_cast %scan3A_213 : i32 to index
          %swap3A_272 = arith.constant 32 : index
          %swap3A_273 = tpu.vector_load %arg17[%swap3A_271, %swap3A_272] {strides = array<i32>} : memref<128x64xf32, #tpu.memory_space<vmem>>, vector<1x16xf32>,
          %swap3A_274 = vector.shape_cast %swap3A_273 : vector<1x16xf32> to vector<16xf32>
          %swap3A_275 = vector.shape_cast %select_n3A_270 : vector<16xf32> to vector<1x16xf32>
          tpu.vector_store %arg17[%swap3A_271, %swap3A_272], %swap3A_275 {strides = array<i32>} : memref<128x64xf32, #tpu.memory_space<vmem>>, vector<1x16xf32>,
          %get3A_276 = arith.index_cast %scan3A_213 : i32 to index
          %get3A_277 = arith.constant 48 : index
          %get3A_278 = tpu.vector_load %arg17[%get3A_276, %get3A_277] {strides = array<i32>} : memref<128x64xf32, #tpu.memory_space<vmem>>, vector<1x16xf32>,
          %get3A_279 = vector.shape_cast %get3A_278 : vector<1x16xf32> to vector<16xf32>
          %get3A_280 = arith.index_cast %scan3A_213 : i32 to index
          %get3A_281 = arith.constant 48 : index
          %get3A_282 = tpu.vector_load %arg19[%get3A_280, %get3A_281] {strides = array<i32>} : memref<128x64xf32, #tpu.memory_space<vmem>>, vector<1x16xf32>,
          %get3A_283 = vector.shape_cast %get3A_282 : vector<1x16xf32> to vector<16xf32>
          %mul3A_284 = arith.mulf %get3A_217, %get3A_279 : vector<16xf32>
          %mul3A_285 = arith.constant 0.899999976 : f32
          %mul3A_286 = vector.broadcast %mul3A_285 : f32 to vector<16xf32>
          %mul3A_287 = arith.mulf %mul3A_286, %mul3A_284 : vector<16xf32>
          %add3A_288 = arith.addf %mul3A_287, %get3A_283 : vector<16xf32>
          %mul3A_289 = arith.mulf %get3A_217, %add3A_288 : vector<16xf32>
          %select_n3A_290 = arith.select %eq3A_19, %add3A_288, %mul3A_289 : vector<16xf32>
          %swap3A_291 = arith.index_cast %scan3A_213 : i32 to index
          %swap3A_292 = arith.constant 48 : index
          %swap3A_293 = tpu.vector_load %arg17[%swap3A_291, %swap3A_292] {strides = array<i32>} : memref<128x64xf32, #tpu.memory_space<vmem>>, vector<1x16xf32>,
          %swap3A_294 = vector.shape_cast %swap3A_293 : vector<1x16xf32> to vector<16xf32>
          %swap3A_295 = vector.shape_cast %select_n3A_290 : vector<16xf32> to vector<1x16xf32>
          tpu.vector_store %arg17[%swap3A_291, %swap3A_292], %swap3A_295 {strides = array<i32>} : memref<128x64xf32, #tpu.memory_space<vmem>>, vector<1x16xf32>,
          %scan3A_296 = arith.constant 0 : i32
          scf.yield %scan3A_296 : i32
        }
        %scan3A_184 = arith.constant 128 : i32
        %dma_start3A_185 = arith.constant 0 : i32
        %dma_start3A_186 = tpu.memref_slice %arg9[%add3A_163, %dma_start3A_185] : memref<10240x64xf32, #tpu.memory_space<hbm>> -> memref<128x64xf32, #tpu.memory_space<hbm>>
        %dma_start3A_187 = arith.constant 0 : i32
        %dma_start3A_188 = tpu.memref_slice %arg9[%add3A_163, %dma_start3A_187] : memref<10240x64xf32, #tpu.memory_space<hbm>> -> memref<128x64xf32, #tpu.memory_space<hbm>>
        tpu.enqueue_dma source(%arg17 : memref<128x64xf32, #tpu.memory_space<vmem>>) target(%dma_start3A_188 : memref<128x64xf32, #tpu.memory_space<hbm>>) target_semaphore(%arg44 : memref<!tpu.dma_semaphore, #tpu.memory_space<semaphore_mem>>)
        %dma_start3A_189 = arith.constant 0 : i32
        %dma_start3A_190 = tpu.memref_slice %arg48[%add3A_163, %dma_start3A_189] : memref<10240x64xf32, #tpu.memory_space<vmem_shared>> -> memref<128x64xf32, #tpu.memory_space<vmem_shared>>
        %dma_start3A_191 = arith.constant 0 : i32
        %dma_start3A_192 = tpu.memref_slice %arg48[%add3A_163, %dma_start3A_191] : memref<10240x64xf32, #tpu.memory_space<vmem_shared>> -> memref<128x64xf32, #tpu.memory_space<vmem_shared>>
        tpu.enqueue_dma source(%arg17 : memref<128x64xf32, #tpu.memory_space<vmem>>) target(%dma_start3A_192 : memref<128x64xf32, #tpu.memory_space<vmem_shared>>) target_semaphore(%arg46 : memref<!tpu.dma_semaphore, #tpu.memory_space<semaphore_mem>>)
        %add3A_193 = arith.constant 384 : i32
        %add3A_194 = arith.addi %mul3A_0, %add3A_193 : i32
        %dma_wait3A_195 = arith.constant 0 : i32
        %dma_wait3A_196 = tpu.memref_slice %arg9[%add3A_194, %dma_wait3A_195] : memref<10240x64xf32, #tpu.memory_space<hbm>> -> memref<128x64xf32, #tpu.memory_space<hbm>>
        %dma_wait3A_197 = arith.constant 0 : i32
        %dma_wait3A_198 = tpu.memref_slice %arg9[%add3A_194, %dma_wait3A_197] : memref<10240x64xf32, #tpu.memory_space<hbm>> -> memref<128x64xf32, #tpu.memory_space<hbm>>
        tpu.wait_dma2 semaphore(%arg45 : memref<!tpu.dma_semaphore, #tpu.memory_space<semaphore_mem>>) src(%arg18 : memref<128x64xf32, #tpu.memory_space<vmem>>) dst(%dma_wait3A_198 : memref<128x64xf32, #tpu.memory_space<hbm>>)
        %dma_wait3A_199 = arith.constant 0 : i32
        %dma_wait3A_200 = tpu.memref_slice %arg48[%add3A_194, %dma_wait3A_199] : memref<10240x64xf32, #tpu.memory_space<vmem_shared>> -> memref<128x64xf32, #tpu.memory_space<vmem_shared>>
        %dma_wait3A_201 = arith.constant 0 : i32
        %dma_wait3A_202 = tpu.memref_slice %arg48[%add3A_194, %dma_wait3A_201] : memref<10240x64xf32, #tpu.memory_space<vmem_shared>> -> memref<128x64xf32, #tpu.memory_space<vmem_shared>>
        tpu.wait_dma2 semaphore(%arg47 : memref<!tpu.dma_semaphore, #tpu.memory_space<semaphore_mem>>) src(%arg18 : memref<128x64xf32, #tpu.memory_space<vmem>>) dst(%dma_wait3A_202 : memref<128x64xf32, #tpu.memory_space<vmem_shared>>)
        %add3A_203 = arith.constant 512 : i32
        %add3A_204 = arith.addi %mul3A_0, %add3A_203 : i32
        %dma_wait3A_205 = arith.constant 0 : i32
        %dma_wait3A_206 = tpu.memref_slice %arg9[%add3A_204, %dma_wait3A_205] : memref<10240x64xf32, #tpu.memory_space<hbm>> -> memref<128x64xf32, #tpu.memory_space<hbm>>
        %dma_wait3A_207 = arith.constant 0 : i32
        %dma_wait3A_208 = tpu.memref_slice %arg9[%add3A_204, %dma_wait3A_207] : memref<10240x64xf32, #tpu.memory_space<hbm>> -> memref<128x64xf32, #tpu.memory_space<hbm>>
        tpu.wait_dma2 semaphore(%arg44 : memref<!tpu.dma_semaphore, #tpu.memory_space<semaphore_mem>>) src(%arg17 : memref<128x64xf32, #tpu.memory_space<vmem>>) dst(%dma_wait3A_208 : memref<128x64xf32, #tpu.memory_space<hbm>>)
        %dma_wait3A_209 = arith.constant 0 : i32
        %dma_wait3A_210 = tpu.memref_slice %arg48[%add3A_204, %dma_wait3A_209] : memref<10240x64xf32, #tpu.memory_space<vmem_shared>> -> memref<128x64xf32, #tpu.memory_space<vmem_shared>>
        %dma_wait3A_211 = arith.constant 0 : i32
        %dma_wait3A_212 = tpu.memref_slice %arg48[%add3A_204, %dma_wait3A_211] : memref<10240x64xf32, #tpu.memory_space<vmem_shared>> -> memref<128x64xf32, #tpu.memory_space<vmem_shared>>
        tpu.wait_dma2 semaphore(%arg46 : memref<!tpu.dma_semaphore, #tpu.memory_space<semaphore_mem>>) src(%arg17 : memref<128x64xf32, #tpu.memory_space<vmem>>) dst(%dma_wait3A_212 : memref<128x64xf32, #tpu.memory_space<vmem_shared>>)
      } else {
      }
      %convert_element_type3A_30 = arith.extui %eq3A_5 : i1 to i32
      %cond3A_31 = arith.constant 0 : i32
      %cond3A_32 = arith.cmpi ne, %convert_element_type3A_30, %cond3A_31 : i32
      scf.if %cond3A_32 {
        %dma_start3A = arith.constant 0 : i32
        %dma_start3A_34 = tpu.memref_slice %arg5[%mul3A_0, %dma_start3A] : memref<10240x64xf32, #tpu.memory_space<hbm>> -> memref<128x64xf32, #tpu.memory_space<hbm>>
        %dma_start3A_35 = arith.constant 0 : i32
        %dma_start3A_36 = tpu.memref_slice %arg5[%mul3A_0, %dma_start3A_35] : memref<10240x64xf32, #tpu.memory_space<hbm>> -> memref<128x64xf32, #tpu.memory_space<hbm>>
        tpu.enqueue_dma source(%dma_start3A_36 : memref<128x64xf32, #tpu.memory_space<hbm>>) target(%arg19 : memref<128x64xf32, #tpu.memory_space<vmem>>) target_semaphore(%arg42 : memref<!tpu.dma_semaphore, #tpu.memory_space<semaphore_mem>>)
        %add3A = arith.constant 0 : i32
        %add3A_37 = arith.addi %mul3A_0, %add3A : i32
        "tpu.region"() ({
          %run_scoped3A = tpu.sem_alloc : memref<!tpu.dma_semaphore, #tpu.memory_space<semaphore_mem>>
          %dma_start3A_213 = arith.constant 0 : i32
          %dma_start3A_214 = tpu.memref_slice %arg49[%add3A_37, %dma_start3A_213] : memref<10240x48xf32, #tpu.memory_space<vmem_shared>> -> memref<128x48xf32, #tpu.memory_space<vmem_shared>>
          %dma_start3A_215 = arith.constant 0 : i32
          %dma_start3A_216 = tpu.memref_slice %arg49[%add3A_37, %dma_start3A_215] : memref<10240x48xf32, #tpu.memory_space<vmem_shared>> -> memref<128x48xf32, #tpu.memory_space<vmem_shared>>
          tpu.enqueue_dma source(%dma_start3A_216 : memref<128x48xf32, #tpu.memory_space<vmem_shared>>) target(%arg20 : memref<128x48xf32, #tpu.memory_space<vmem>>) target_semaphore(%run_scoped3A : memref<!tpu.dma_semaphore, #tpu.memory_space<semaphore_mem>>)
          %dma_wait3A_217 = arith.constant 0 : i32
          %dma_wait3A_218 = tpu.memref_slice %arg49[%add3A_37, %dma_wait3A_217] : memref<10240x48xf32, #tpu.memory_space<vmem_shared>> -> memref<128x48xf32, #tpu.memory_space<vmem_shared>>
          %dma_wait3A_219 = arith.constant 0 : i32
          %dma_wait3A_220 = tpu.memref_slice %arg49[%add3A_37, %dma_wait3A_219] : memref<10240x48xf32, #tpu.memory_space<vmem_shared>> -> memref<128x48xf32, #tpu.memory_space<vmem_shared>>
          tpu.wait_dma2 semaphore(%run_scoped3A : memref<!tpu.dma_semaphore, #tpu.memory_space<semaphore_mem>>) src(%dma_wait3A_220 : memref<128x48xf32, #tpu.memory_space<vmem_shared>>) dst(%arg20 : memref<128x48xf32, #tpu.memory_space<vmem>>)
          tpu.yield
        }) : () -> ()
        %add3A_38 = arith.constant 128 : i32
        %add3A_39 = arith.addi %add3A_37, %add3A_38 : i32
        %dma_start3A_40 = arith.constant 0 : i32
        %dma_start3A_41 = tpu.memref_slice %arg5[%add3A_39, %dma_start3A_40] : memref<10240x64xf32, #tpu.memory_space<hbm>> -> memref<128x64xf32, #tpu.memory_space<hbm>>
        %dma_start3A_42 = arith.constant 0 : i32
        %dma_start3A_43 = tpu.memref_slice %arg5[%add3A_39, %dma_start3A_42] : memref<10240x64xf32, #tpu.memory_space<hbm>> -> memref<128x64xf32, #tpu.memory_space<hbm>>
        tpu.enqueue_dma source(%dma_start3A_43 : memref<128x64xf32, #tpu.memory_space<hbm>>) target(%arg23 : memref<128x64xf32, #tpu.memory_space<vmem>>) target_semaphore(%arg43 : memref<!tpu.dma_semaphore, #tpu.memory_space<semaphore_mem>>)
        "tpu.region"() ({
          %run_scoped3A = tpu.sem_alloc : memref<!tpu.dma_semaphore, #tpu.memory_space<semaphore_mem>>
          %dma_start3A_213 = arith.constant 0 : i32
          %dma_start3A_214 = tpu.memref_slice %arg8[%add3A_37, %dma_start3A_213] : memref<10240x16xf32, #tpu.memory_space<hbm>> -> memref<128x16xf32, #tpu.memory_space<hbm>>
          %dma_start3A_215 = arith.constant 0 : i32
          %dma_start3A_216 = tpu.memref_slice %arg8[%add3A_37, %dma_start3A_215] : memref<10240x16xf32, #tpu.memory_space<hbm>> -> memref<128x16xf32, #tpu.memory_space<hbm>>
          tpu.enqueue_dma source(%dma_start3A_216 : memref<128x16xf32, #tpu.memory_space<hbm>>) target(%arg28 : memref<128x16xf32, #tpu.memory_space<vmem>>) target_semaphore(%run_scoped3A : memref<!tpu.dma_semaphore, #tpu.memory_space<semaphore_mem>>)
          %dma_wait3A_217 = arith.constant 0 : i32
          %dma_wait3A_218 = tpu.memref_slice %arg8[%add3A_37, %dma_wait3A_217] : memref<10240x16xf32, #tpu.memory_space<hbm>> -> memref<128x16xf32, #tpu.memory_space<hbm>>
          %dma_wait3A_219 = arith.constant 0 : i32
          %dma_wait3A_220 = tpu.memref_slice %arg8[%add3A_37, %dma_wait3A_219] : memref<10240x16xf32, #tpu.memory_space<hbm>> -> memref<128x16xf32, #tpu.memory_space<hbm>>
          tpu.wait_dma2 semaphore(%run_scoped3A : memref<!tpu.dma_semaphore, #tpu.memory_space<semaphore_mem>>) src(%dma_wait3A_220 : memref<128x16xf32, #tpu.memory_space<hbm>>) dst(%arg28 : memref<128x16xf32, #tpu.memory_space<vmem>>)
          tpu.yield
        }) : () -> ()
        %dma_wait3A = arith.constant 0 : i32
        %dma_wait3A_44 = tpu.memref_slice %arg5[%add3A_37, %dma_wait3A] : memref<10240x64xf32, #tpu.memory_space<hbm>> -> memref<128x64xf32, #tpu.memory_space<hbm>>
        %dma_wait3A_45 = arith.constant 0 : i32
        %dma_wait3A_46 = tpu.memref_slice %arg5[%add3A_37, %dma_wait3A_45] : memref<10240x64xf32, #tpu.memory_space<hbm>> -> memref<128x64xf32, #tpu.memory_space<hbm>>
        tpu.wait_dma2 semaphore(%arg42 : memref<!tpu.dma_semaphore, #tpu.memory_space<semaphore_mem>>) src(%dma_wait3A_46 : memref<128x64xf32, #tpu.memory_space<hbm>>) dst(%arg19 : memref<128x64xf32, #tpu.memory_space<vmem>>)
        %scan3A_47 = arith.constant 0 : i32
        %scan3A_48 = arith.constant 0 : i32
        %scan3A_49 = arith.constant 128 : i32
        %scan3A_50 = arith.addi %scan3A_48, %scan3A_49 : i32
        %scan3A_51 = arith.constant 1 : i32
        %scan3A_52 = scf.for %scan3A_213 = %scan3A_48 to %scan3A_50 step %scan3A_51 iter_args(%scan3A_214 = %scan3A_47) -> (i32)  : i32 {
          %get3A = arith.index_cast %scan3A_213 : i32 to index
          %get3A_215 = arith.constant 0 : index
          %get3A_216 = tpu.vector_load %arg28[%get3A, %get3A_215] {strides = array<i32>} : memref<128x16xf32, #tpu.memory_space<vmem>>, vector<1x16xf32>,
          %get3A_217 = vector.shape_cast %get3A_216 : vector<1x16xf32> to vector<16xf32>
          %get3A_218 = arith.index_cast %scan3A_213 : i32 to index
          %get3A_219 = arith.constant 0 : index
          %get3A_220 = tpu.vector_load %arg20[%get3A_218, %get3A_219] {strides = array<i32>} : memref<128x48xf32, #tpu.memory_space<vmem>>, vector<1x16xf32>,
          %get3A_221 = vector.shape_cast %get3A_220 : vector<1x16xf32> to vector<16xf32>
          %get3A_222 = arith.index_cast %scan3A_213 : i32 to index
          %get3A_223 = arith.constant 0 : index
          %get3A_224 = tpu.vector_load %arg19[%get3A_222, %get3A_223] {strides = array<i32>} : memref<128x64xf32, #tpu.memory_space<vmem>>, vector<1x16xf32>,
          %get3A_225 = vector.shape_cast %get3A_224 : vector<1x16xf32> to vector<16xf32>
          %mul3A_226 = arith.mulf %get3A_217, %get3A_221 : vector<16xf32>
          %mul3A_227 = arith.constant 0.899999976 : f32
          %mul3A_228 = vector.broadcast %mul3A_227 : f32 to vector<16xf32>
          %mul3A_229 = arith.mulf %mul3A_228, %mul3A_226 : vector<16xf32>
          %add3A_230 = arith.addf %mul3A_229, %get3A_225 : vector<16xf32>
          %mul3A_231 = arith.mulf %get3A_217, %add3A_230 : vector<16xf32>
          %select_n3A = arith.select %eq3A_19, %add3A_230, %mul3A_231 : vector<16xf32>
          %swap3A = arith.index_cast %scan3A_213 : i32 to index
          %swap3A_232 = arith.constant 0 : index
          %swap3A_233 = tpu.vector_load %arg20[%swap3A, %swap3A_232] {strides = array<i32>} : memref<128x48xf32, #tpu.memory_space<vmem>>, vector<1x16xf32>,
          %swap3A_234 = vector.shape_cast %swap3A_233 : vector<1x16xf32> to vector<16xf32>
          %swap3A_235 = vector.shape_cast %select_n3A : vector<16xf32> to vector<1x16xf32>
          tpu.vector_store %arg20[%swap3A, %swap3A_232], %swap3A_235 {strides = array<i32>} : memref<128x48xf32, #tpu.memory_space<vmem>>, vector<1x16xf32>,
          %get3A_236 = arith.index_cast %scan3A_213 : i32 to index
          %get3A_237 = arith.constant 16 : index
          %get3A_238 = tpu.vector_load %arg20[%get3A_236, %get3A_237] {strides = array<i32>} : memref<128x48xf32, #tpu.memory_space<vmem>>, vector<1x16xf32>,
          %get3A_239 = vector.shape_cast %get3A_238 : vector<1x16xf32> to vector<16xf32>
          %get3A_240 = arith.index_cast %scan3A_213 : i32 to index
          %get3A_241 = arith.constant 16 : index
          %get3A_242 = tpu.vector_load %arg19[%get3A_240, %get3A_241] {strides = array<i32>} : memref<128x64xf32, #tpu.memory_space<vmem>>, vector<1x16xf32>,
          %get3A_243 = vector.shape_cast %get3A_242 : vector<1x16xf32> to vector<16xf32>
          %mul3A_244 = arith.mulf %get3A_217, %get3A_239 : vector<16xf32>
          %mul3A_245 = arith.constant 0.899999976 : f32
          %mul3A_246 = vector.broadcast %mul3A_245 : f32 to vector<16xf32>
          %mul3A_247 = arith.mulf %mul3A_246, %mul3A_244 : vector<16xf32>
          %add3A_248 = arith.addf %mul3A_247, %get3A_243 : vector<16xf32>
          %mul3A_249 = arith.mulf %get3A_217, %add3A_248 : vector<16xf32>
          %select_n3A_250 = arith.select %eq3A_19, %add3A_248, %mul3A_249 : vector<16xf32>
          %swap3A_251 = arith.index_cast %scan3A_213 : i32 to index
          %swap3A_252 = arith.constant 16 : index
          %swap3A_253 = tpu.vector_load %arg20[%swap3A_251, %swap3A_252] {strides = array<i32>} : memref<128x48xf32, #tpu.memory_space<vmem>>, vector<1x16xf32>,
          %swap3A_254 = vector.shape_cast %swap3A_253 : vector<1x16xf32> to vector<16xf32>
          %swap3A_255 = vector.shape_cast %select_n3A_250 : vector<16xf32> to vector<1x16xf32>
          tpu.vector_store %arg20[%swap3A_251, %swap3A_252], %swap3A_255 {strides = array<i32>} : memref<128x48xf32, #tpu.memory_space<vmem>>, vector<1x16xf32>,
          %get3A_256 = arith.index_cast %scan3A_213 : i32 to index
          %get3A_257 = arith.constant 32 : index
          %get3A_258 = tpu.vector_load %arg20[%get3A_256, %get3A_257] {strides = array<i32>} : memref<128x48xf32, #tpu.memory_space<vmem>>, vector<1x16xf32>,
          %get3A_259 = vector.shape_cast %get3A_258 : vector<1x16xf32> to vector<16xf32>
          %get3A_260 = arith.index_cast %scan3A_213 : i32 to index
          %get3A_261 = arith.constant 32 : index
          %get3A_262 = tpu.vector_load %arg19[%get3A_260, %get3A_261] {strides = array<i32>} : memref<128x64xf32, #tpu.memory_space<vmem>>, vector<1x16xf32>,
          %get3A_263 = vector.shape_cast %get3A_262 : vector<1x16xf32> to vector<16xf32>
          %mul3A_264 = arith.mulf %get3A_217, %get3A_259 : vector<16xf32>
          %mul3A_265 = arith.constant 0.899999976 : f32
          %mul3A_266 = vector.broadcast %mul3A_265 : f32 to vector<16xf32>
          %mul3A_267 = arith.mulf %mul3A_266, %mul3A_264 : vector<16xf32>
          %add3A_268 = arith.addf %mul3A_267, %get3A_263 : vector<16xf32>
          %mul3A_269 = arith.mulf %get3A_217, %add3A_268 : vector<16xf32>
          %select_n3A_270 = arith.select %eq3A_19, %add3A_268, %mul3A_269 : vector<16xf32>
          %swap3A_271 = arith.index_cast %scan3A_213 : i32 to index
          %swap3A_272 = arith.constant 32 : index
          %swap3A_273 = tpu.vector_load %arg20[%swap3A_271, %swap3A_272] {strides = array<i32>} : memref<128x48xf32, #tpu.memory_space<vmem>>, vector<1x16xf32>,
          %swap3A_274 = vector.shape_cast %swap3A_273 : vector<1x16xf32> to vector<16xf32>
          %swap3A_275 = vector.shape_cast %select_n3A_270 : vector<16xf32> to vector<1x16xf32>
          tpu.vector_store %arg20[%swap3A_271, %swap3A_272], %swap3A_275 {strides = array<i32>} : memref<128x48xf32, #tpu.memory_space<vmem>>, vector<1x16xf32>,
          %scan3A_276 = arith.constant 0 : i32
          scf.yield %scan3A_276 : i32
        }
        %scan3A_53 = arith.constant 128 : i32
        %dma_start3A_54 = arith.constant 0 : i32
        %dma_start3A_55 = tpu.memref_slice %arg10[%add3A_37, %dma_start3A_54] : memref<10240x48xf32, #tpu.memory_space<hbm>> -> memref<128x48xf32, #tpu.memory_space<hbm>>
        %dma_start3A_56 = arith.constant 0 : i32
        %dma_start3A_57 = tpu.memref_slice %arg10[%add3A_37, %dma_start3A_56] : memref<10240x48xf32, #tpu.memory_space<hbm>> -> memref<128x48xf32, #tpu.memory_space<hbm>>
        tpu.enqueue_dma source(%arg20 : memref<128x48xf32, #tpu.memory_space<vmem>>) target(%dma_start3A_57 : memref<128x48xf32, #tpu.memory_space<hbm>>) target_semaphore(%arg44 : memref<!tpu.dma_semaphore, #tpu.memory_space<semaphore_mem>>)
        %dma_start3A_58 = arith.constant 0 : i32
        %dma_start3A_59 = tpu.memref_slice %arg49[%add3A_37, %dma_start3A_58] : memref<10240x48xf32, #tpu.memory_space<vmem_shared>> -> memref<128x48xf32, #tpu.memory_space<vmem_shared>>
        %dma_start3A_60 = arith.constant 0 : i32
        %dma_start3A_61 = tpu.memref_slice %arg49[%add3A_37, %dma_start3A_60] : memref<10240x48xf32, #tpu.memory_space<vmem_shared>> -> memref<128x48xf32, #tpu.memory_space<vmem_shared>>
        tpu.enqueue_dma source(%arg20 : memref<128x48xf32, #tpu.memory_space<vmem>>) target(%dma_start3A_61 : memref<128x48xf32, #tpu.memory_space<vmem_shared>>) target_semaphore(%arg46 : memref<!tpu.dma_semaphore, #tpu.memory_space<semaphore_mem>>)
        %add3A_62 = arith.constant 128 : i32
        %add3A_63 = arith.addi %mul3A_0, %add3A_62 : i32
        "tpu.region"() ({
          %run_scoped3A = tpu.sem_alloc : memref<!tpu.dma_semaphore, #tpu.memory_space<semaphore_mem>>
          %dma_start3A_213 = arith.constant 0 : i32
          %dma_start3A_214 = tpu.memref_slice %arg49[%add3A_63, %dma_start3A_213] : memref<10240x48xf32, #tpu.memory_space<vmem_shared>> -> memref<128x48xf32, #tpu.memory_space<vmem_shared>>
          %dma_start3A_215 = arith.constant 0 : i32
          %dma_start3A_216 = tpu.memref_slice %arg49[%add3A_63, %dma_start3A_215] : memref<10240x48xf32, #tpu.memory_space<vmem_shared>> -> memref<128x48xf32, #tpu.memory_space<vmem_shared>>
          tpu.enqueue_dma source(%dma_start3A_216 : memref<128x48xf32, #tpu.memory_space<vmem_shared>>) target(%arg21 : memref<128x48xf32, #tpu.memory_space<vmem>>) target_semaphore(%run_scoped3A : memref<!tpu.dma_semaphore, #tpu.memory_space<semaphore_mem>>)
          %dma_wait3A_217 = arith.constant 0 : i32
          %dma_wait3A_218 = tpu.memref_slice %arg49[%add3A_63, %dma_wait3A_217] : memref<10240x48xf32, #tpu.memory_space<vmem_shared>> -> memref<128x48xf32, #tpu.memory_space<vmem_shared>>
          %dma_wait3A_219 = arith.constant 0 : i32
          %dma_wait3A_220 = tpu.memref_slice %arg49[%add3A_63, %dma_wait3A_219] : memref<10240x48xf32, #tpu.memory_space<vmem_shared>> -> memref<128x48xf32, #tpu.memory_space<vmem_shared>>
          tpu.wait_dma2 semaphore(%run_scoped3A : memref<!tpu.dma_semaphore, #tpu.memory_space<semaphore_mem>>) src(%dma_wait3A_220 : memref<128x48xf32, #tpu.memory_space<vmem_shared>>) dst(%arg21 : memref<128x48xf32, #tpu.memory_space<vmem>>)
          tpu.yield
        }) : () -> ()
        %add3A_64 = arith.constant 128 : i32
        %add3A_65 = arith.addi %add3A_63, %add3A_64 : i32
        %dma_start3A_66 = arith.constant 0 : i32
        %dma_start3A_67 = tpu.memref_slice %arg5[%add3A_65, %dma_start3A_66] : memref<10240x64xf32, #tpu.memory_space<hbm>> -> memref<128x64xf32, #tpu.memory_space<hbm>>
        %dma_start3A_68 = arith.constant 0 : i32
        %dma_start3A_69 = tpu.memref_slice %arg5[%add3A_65, %dma_start3A_68] : memref<10240x64xf32, #tpu.memory_space<hbm>> -> memref<128x64xf32, #tpu.memory_space<hbm>>
        tpu.enqueue_dma source(%dma_start3A_69 : memref<128x64xf32, #tpu.memory_space<hbm>>) target(%arg19 : memref<128x64xf32, #tpu.memory_space<vmem>>) target_semaphore(%arg42 : memref<!tpu.dma_semaphore, #tpu.memory_space<semaphore_mem>>)
        "tpu.region"() ({
          %run_scoped3A = tpu.sem_alloc : memref<!tpu.dma_semaphore, #tpu.memory_space<semaphore_mem>>
          %dma_start3A_213 = arith.constant 0 : i32
          %dma_start3A_214 = tpu.memref_slice %arg8[%add3A_63, %dma_start3A_213] : memref<10240x16xf32, #tpu.memory_space<hbm>> -> memref<128x16xf32, #tpu.memory_space<hbm>>
          %dma_start3A_215 = arith.constant 0 : i32
          %dma_start3A_216 = tpu.memref_slice %arg8[%add3A_63, %dma_start3A_215] : memref<10240x16xf32, #tpu.memory_space<hbm>> -> memref<128x16xf32, #tpu.memory_space<hbm>>
          tpu.enqueue_dma source(%dma_start3A_216 : memref<128x16xf32, #tpu.memory_space<hbm>>) target(%arg28 : memref<128x16xf32, #tpu.memory_space<vmem>>) target_semaphore(%run_scoped3A : memref<!tpu.dma_semaphore, #tpu.memory_space<semaphore_mem>>)
          %dma_wait3A_217 = arith.constant 0 : i32
          %dma_wait3A_218 = tpu.memref_slice %arg8[%add3A_63, %dma_wait3A_217] : memref<10240x16xf32, #tpu.memory_space<hbm>> -> memref<128x16xf32, #tpu.memory_space<hbm>>
          %dma_wait3A_219 = arith.constant 0 : i32
          %dma_wait3A_220 = tpu.memref_slice %arg8[%add3A_63, %dma_wait3A_219] : memref<10240x16xf32, #tpu.memory_space<hbm>> -> memref<128x16xf32, #tpu.memory_space<hbm>>
          tpu.wait_dma2 semaphore(%run_scoped3A : memref<!tpu.dma_semaphore, #tpu.memory_space<semaphore_mem>>) src(%dma_wait3A_220 : memref<128x16xf32, #tpu.memory_space<hbm>>) dst(%arg28 : memref<128x16xf32, #tpu.memory_space<vmem>>)
          tpu.yield
        }) : () -> ()
        %dma_wait3A_70 = arith.constant 0 : i32
        %dma_wait3A_71 = tpu.memref_slice %arg5[%add3A_63, %dma_wait3A_70] : memref<10240x64xf32, #tpu.memory_space<hbm>> -> memref<128x64xf32, #tpu.memory_space<hbm>>
        %dma_wait3A_72 = arith.constant 0 : i32
        %dma_wait3A_73 = tpu.memref_slice %arg5[%add3A_63, %dma_wait3A_72] : memref<10240x64xf32, #tpu.memory_space<hbm>> -> memref<128x64xf32, #tpu.memory_space<hbm>>
        tpu.wait_dma2 semaphore(%arg43 : memref<!tpu.dma_semaphore, #tpu.memory_space<semaphore_mem>>) src(%dma_wait3A_73 : memref<128x64xf32, #tpu.memory_space<hbm>>) dst(%arg23 : memref<128x64xf32, #tpu.memory_space<vmem>>)
        %scan3A_74 = arith.constant 0 : i32
        %scan3A_75 = arith.constant 0 : i32
        %scan3A_76 = arith.constant 128 : i32
        %scan3A_77 = arith.addi %scan3A_75, %scan3A_76 : i32
        %scan3A_78 = arith.constant 1 : i32
        %scan3A_79 = scf.for %scan3A_213 = %scan3A_75 to %scan3A_77 step %scan3A_78 iter_args(%scan3A_214 = %scan3A_74) -> (i32)  : i32 {
          %get3A = arith.index_cast %scan3A_213 : i32 to index
          %get3A_215 = arith.constant 0 : index
          %get3A_216 = tpu.vector_load %arg28[%get3A, %get3A_215] {strides = array<i32>} : memref<128x16xf32, #tpu.memory_space<vmem>>, vector<1x16xf32>,
          %get3A_217 = vector.shape_cast %get3A_216 : vector<1x16xf32> to vector<16xf32>
          %get3A_218 = arith.index_cast %scan3A_213 : i32 to index
          %get3A_219 = arith.constant 0 : index
          %get3A_220 = tpu.vector_load %arg21[%get3A_218, %get3A_219] {strides = array<i32>} : memref<128x48xf32, #tpu.memory_space<vmem>>, vector<1x16xf32>,
          %get3A_221 = vector.shape_cast %get3A_220 : vector<1x16xf32> to vector<16xf32>
          %get3A_222 = arith.index_cast %scan3A_213 : i32 to index
          %get3A_223 = arith.constant 0 : index
          %get3A_224 = tpu.vector_load %arg23[%get3A_222, %get3A_223] {strides = array<i32>} : memref<128x64xf32, #tpu.memory_space<vmem>>, vector<1x16xf32>,
          %get3A_225 = vector.shape_cast %get3A_224 : vector<1x16xf32> to vector<16xf32>
          %mul3A_226 = arith.mulf %get3A_217, %get3A_221 : vector<16xf32>
          %mul3A_227 = arith.constant 0.899999976 : f32
          %mul3A_228 = vector.broadcast %mul3A_227 : f32 to vector<16xf32>
          %mul3A_229 = arith.mulf %mul3A_228, %mul3A_226 : vector<16xf32>
          %add3A_230 = arith.addf %mul3A_229, %get3A_225 : vector<16xf32>
          %mul3A_231 = arith.mulf %get3A_217, %add3A_230 : vector<16xf32>
          %select_n3A = arith.select %eq3A_19, %add3A_230, %mul3A_231 : vector<16xf32>
          %swap3A = arith.index_cast %scan3A_213 : i32 to index
          %swap3A_232 = arith.constant 0 : index
          %swap3A_233 = tpu.vector_load %arg21[%swap3A, %swap3A_232] {strides = array<i32>} : memref<128x48xf32, #tpu.memory_space<vmem>>, vector<1x16xf32>,
          %swap3A_234 = vector.shape_cast %swap3A_233 : vector<1x16xf32> to vector<16xf32>
          %swap3A_235 = vector.shape_cast %select_n3A : vector<16xf32> to vector<1x16xf32>
          tpu.vector_store %arg21[%swap3A, %swap3A_232], %swap3A_235 {strides = array<i32>} : memref<128x48xf32, #tpu.memory_space<vmem>>, vector<1x16xf32>,
          %get3A_236 = arith.index_cast %scan3A_213 : i32 to index
          %get3A_237 = arith.constant 16 : index
          %get3A_238 = tpu.vector_load %arg21[%get3A_236, %get3A_237] {strides = array<i32>} : memref<128x48xf32, #tpu.memory_space<vmem>>, vector<1x16xf32>,
          %get3A_239 = vector.shape_cast %get3A_238 : vector<1x16xf32> to vector<16xf32>
          %get3A_240 = arith.index_cast %scan3A_213 : i32 to index
          %get3A_241 = arith.constant 16 : index
          %get3A_242 = tpu.vector_load %arg23[%get3A_240, %get3A_241] {strides = array<i32>} : memref<128x64xf32, #tpu.memory_space<vmem>>, vector<1x16xf32>,
          %get3A_243 = vector.shape_cast %get3A_242 : vector<1x16xf32> to vector<16xf32>
          %mul3A_244 = arith.mulf %get3A_217, %get3A_239 : vector<16xf32>
          %mul3A_245 = arith.constant 0.899999976 : f32
          %mul3A_246 = vector.broadcast %mul3A_245 : f32 to vector<16xf32>
          %mul3A_247 = arith.mulf %mul3A_246, %mul3A_244 : vector<16xf32>
          %add3A_248 = arith.addf %mul3A_247, %get3A_243 : vector<16xf32>
          %mul3A_249 = arith.mulf %get3A_217, %add3A_248 : vector<16xf32>
          %select_n3A_250 = arith.select %eq3A_19, %add3A_248, %mul3A_249 : vector<16xf32>
          %swap3A_251 = arith.index_cast %scan3A_213 : i32 to index
          %swap3A_252 = arith.constant 16 : index
          %swap3A_253 = tpu.vector_load %arg21[%swap3A_251, %swap3A_252] {strides = array<i32>} : memref<128x48xf32, #tpu.memory_space<vmem>>, vector<1x16xf32>,
          %swap3A_254 = vector.shape_cast %swap3A_253 : vector<1x16xf32> to vector<16xf32>
          %swap3A_255 = vector.shape_cast %select_n3A_250 : vector<16xf32> to vector<1x16xf32>
          tpu.vector_store %arg21[%swap3A_251, %swap3A_252], %swap3A_255 {strides = array<i32>} : memref<128x48xf32, #tpu.memory_space<vmem>>, vector<1x16xf32>,
          %get3A_256 = arith.index_cast %scan3A_213 : i32 to index
          %get3A_257 = arith.constant 32 : index
          %get3A_258 = tpu.vector_load %arg21[%get3A_256, %get3A_257] {strides = array<i32>} : memref<128x48xf32, #tpu.memory_space<vmem>>, vector<1x16xf32>,
          %get3A_259 = vector.shape_cast %get3A_258 : vector<1x16xf32> to vector<16xf32>
          %get3A_260 = arith.index_cast %scan3A_213 : i32 to index
          %get3A_261 = arith.constant 32 : index
          %get3A_262 = tpu.vector_load %arg23[%get3A_260, %get3A_261] {strides = array<i32>} : memref<128x64xf32, #tpu.memory_space<vmem>>, vector<1x16xf32>,
          %get3A_263 = vector.shape_cast %get3A_262 : vector<1x16xf32> to vector<16xf32>
          %mul3A_264 = arith.mulf %get3A_217, %get3A_259 : vector<16xf32>
          %mul3A_265 = arith.constant 0.899999976 : f32
          %mul3A_266 = vector.broadcast %mul3A_265 : f32 to vector<16xf32>
          %mul3A_267 = arith.mulf %mul3A_266, %mul3A_264 : vector<16xf32>
          %add3A_268 = arith.addf %mul3A_267, %get3A_263 : vector<16xf32>
          %mul3A_269 = arith.mulf %get3A_217, %add3A_268 : vector<16xf32>
          %select_n3A_270 = arith.select %eq3A_19, %add3A_268, %mul3A_269 : vector<16xf32>
          %swap3A_271 = arith.index_cast %scan3A_213 : i32 to index
          %swap3A_272 = arith.constant 32 : index
          %swap3A_273 = tpu.vector_load %arg21[%swap3A_271, %swap3A_272] {strides = array<i32>} : memref<128x48xf32, #tpu.memory_space<vmem>>, vector<1x16xf32>,
          %swap3A_274 = vector.shape_cast %swap3A_273 : vector<1x16xf32> to vector<16xf32>
          %swap3A_275 = vector.shape_cast %select_n3A_270 : vector<16xf32> to vector<1x16xf32>
          tpu.vector_store %arg21[%swap3A_271, %swap3A_272], %swap3A_275 {strides = array<i32>} : memref<128x48xf32, #tpu.memory_space<vmem>>, vector<1x16xf32>,
          %scan3A_276 = arith.constant 0 : i32
          scf.yield %scan3A_276 : i32
        }
        %scan3A_80 = arith.constant 128 : i32
        %dma_start3A_81 = arith.constant 0 : i32
        %dma_start3A_82 = tpu.memref_slice %arg10[%add3A_63, %dma_start3A_81] : memref<10240x48xf32, #tpu.memory_space<hbm>> -> memref<128x48xf32, #tpu.memory_space<hbm>>
        %dma_start3A_83 = arith.constant 0 : i32
        %dma_start3A_84 = tpu.memref_slice %arg10[%add3A_63, %dma_start3A_83] : memref<10240x48xf32, #tpu.memory_space<hbm>> -> memref<128x48xf32, #tpu.memory_space<hbm>>
        tpu.enqueue_dma source(%arg21 : memref<128x48xf32, #tpu.memory_space<vmem>>) target(%dma_start3A_84 : memref<128x48xf32, #tpu.memory_space<hbm>>) target_semaphore(%arg45 : memref<!tpu.dma_semaphore, #tpu.memory_space<semaphore_mem>>)
        %dma_start3A_85 = arith.constant 0 : i32
        %dma_start3A_86 = tpu.memref_slice %arg49[%add3A_63, %dma_start3A_85] : memref<10240x48xf32, #tpu.memory_space<vmem_shared>> -> memref<128x48xf32, #tpu.memory_space<vmem_shared>>
        %dma_start3A_87 = arith.constant 0 : i32
        %dma_start3A_88 = tpu.memref_slice %arg49[%add3A_63, %dma_start3A_87] : memref<10240x48xf32, #tpu.memory_space<vmem_shared>> -> memref<128x48xf32, #tpu.memory_space<vmem_shared>>
        tpu.enqueue_dma source(%arg21 : memref<128x48xf32, #tpu.memory_space<vmem>>) target(%dma_start3A_88 : memref<128x48xf32, #tpu.memory_space<vmem_shared>>) target_semaphore(%arg47 : memref<!tpu.dma_semaphore, #tpu.memory_space<semaphore_mem>>)
        %add3A_89 = arith.constant 256 : i32
        %add3A_90 = arith.addi %mul3A_0, %add3A_89 : i32
        %sub3A = arith.constant 256 : i32
        %sub3A_91 = arith.subi %add3A_90, %sub3A : i32
        %dma_wait3A_92 = arith.constant 0 : i32
        %dma_wait3A_93 = tpu.memref_slice %arg10[%sub3A_91, %dma_wait3A_92] : memref<10240x48xf32, #tpu.memory_space<hbm>> -> memref<128x48xf32, #tpu.memory_space<hbm>>
        %dma_wait3A_94 = arith.constant 0 : i32
        %dma_wait3A_95 = tpu.memref_slice %arg10[%sub3A_91, %dma_wait3A_94] : memref<10240x48xf32, #tpu.memory_space<hbm>> -> memref<128x48xf32, #tpu.memory_space<hbm>>
        tpu.wait_dma2 semaphore(%arg44 : memref<!tpu.dma_semaphore, #tpu.memory_space<semaphore_mem>>) src(%arg20 : memref<128x48xf32, #tpu.memory_space<vmem>>) dst(%dma_wait3A_95 : memref<128x48xf32, #tpu.memory_space<hbm>>)
        %dma_wait3A_96 = arith.constant 0 : i32
        %dma_wait3A_97 = tpu.memref_slice %arg49[%sub3A_91, %dma_wait3A_96] : memref<10240x48xf32, #tpu.memory_space<vmem_shared>> -> memref<128x48xf32, #tpu.memory_space<vmem_shared>>
        %dma_wait3A_98 = arith.constant 0 : i32
        %dma_wait3A_99 = tpu.memref_slice %arg49[%sub3A_91, %dma_wait3A_98] : memref<10240x48xf32, #tpu.memory_space<vmem_shared>> -> memref<128x48xf32, #tpu.memory_space<vmem_shared>>
        tpu.wait_dma2 semaphore(%arg46 : memref<!tpu.dma_semaphore, #tpu.memory_space<semaphore_mem>>) src(%arg20 : memref<128x48xf32, #tpu.memory_space<vmem>>) dst(%dma_wait3A_99 : memref<128x48xf32, #tpu.memory_space<vmem_shared>>)
        "tpu.region"() ({
          %run_scoped3A = tpu.sem_alloc : memref<!tpu.dma_semaphore, #tpu.memory_space<semaphore_mem>>
          %dma_start3A_213 = arith.constant 0 : i32
          %dma_start3A_214 = tpu.memref_slice %arg49[%add3A_90, %dma_start3A_213] : memref<10240x48xf32, #tpu.memory_space<vmem_shared>> -> memref<128x48xf32, #tpu.memory_space<vmem_shared>>
          %dma_start3A_215 = arith.constant 0 : i32
          %dma_start3A_216 = tpu.memref_slice %arg49[%add3A_90, %dma_start3A_215] : memref<10240x48xf32, #tpu.memory_space<vmem_shared>> -> memref<128x48xf32, #tpu.memory_space<vmem_shared>>
          tpu.enqueue_dma source(%dma_start3A_216 : memref<128x48xf32, #tpu.memory_space<vmem_shared>>) target(%arg20 : memref<128x48xf32, #tpu.memory_space<vmem>>) target_semaphore(%run_scoped3A : memref<!tpu.dma_semaphore, #tpu.memory_space<semaphore_mem>>)
          %dma_wait3A_217 = arith.constant 0 : i32
          %dma_wait3A_218 = tpu.memref_slice %arg49[%add3A_90, %dma_wait3A_217] : memref<10240x48xf32, #tpu.memory_space<vmem_shared>> -> memref<128x48xf32, #tpu.memory_space<vmem_shared>>
          %dma_wait3A_219 = arith.constant 0 : i32
          %dma_wait3A_220 = tpu.memref_slice %arg49[%add3A_90, %dma_wait3A_219] : memref<10240x48xf32, #tpu.memory_space<vmem_shared>> -> memref<128x48xf32, #tpu.memory_space<vmem_shared>>
          tpu.wait_dma2 semaphore(%run_scoped3A : memref<!tpu.dma_semaphore, #tpu.memory_space<semaphore_mem>>) src(%dma_wait3A_220 : memref<128x48xf32, #tpu.memory_space<vmem_shared>>) dst(%arg20 : memref<128x48xf32, #tpu.memory_space<vmem>>)
          tpu.yield
        }) : () -> ()
        %add3A_100 = arith.constant 128 : i32
        %add3A_101 = arith.addi %add3A_90, %add3A_100 : i32
        %dma_start3A_102 = arith.constant 0 : i32
        %dma_start3A_103 = tpu.memref_slice %arg5[%add3A_101, %dma_start3A_102] : memref<10240x64xf32, #tpu.memory_space<hbm>> -> memref<128x64xf32, #tpu.memory_space<hbm>>
        %dma_start3A_104 = arith.constant 0 : i32
        %dma_start3A_105 = tpu.memref_slice %arg5[%add3A_101, %dma_start3A_104] : memref<10240x64xf32, #tpu.memory_space<hbm>> -> memref<128x64xf32, #tpu.memory_space<hbm>>
        tpu.enqueue_dma source(%dma_start3A_105 : memref<128x64xf32, #tpu.memory_space<hbm>>) target(%arg23 : memref<128x64xf32, #tpu.memory_space<vmem>>) target_semaphore(%arg43 : memref<!tpu.dma_semaphore, #tpu.memory_space<semaphore_mem>>)
        "tpu.region"() ({
          %run_scoped3A = tpu.sem_alloc : memref<!tpu.dma_semaphore, #tpu.memory_space<semaphore_mem>>
          %dma_start3A_213 = arith.constant 0 : i32
          %dma_start3A_214 = tpu.memref_slice %arg8[%add3A_90, %dma_start3A_213] : memref<10240x16xf32, #tpu.memory_space<hbm>> -> memref<128x16xf32, #tpu.memory_space<hbm>>
          %dma_start3A_215 = arith.constant 0 : i32
          %dma_start3A_216 = tpu.memref_slice %arg8[%add3A_90, %dma_start3A_215] : memref<10240x16xf32, #tpu.memory_space<hbm>> -> memref<128x16xf32, #tpu.memory_space<hbm>>
          tpu.enqueue_dma source(%dma_start3A_216 : memref<128x16xf32, #tpu.memory_space<hbm>>) target(%arg28 : memref<128x16xf32, #tpu.memory_space<vmem>>) target_semaphore(%run_scoped3A : memref<!tpu.dma_semaphore, #tpu.memory_space<semaphore_mem>>)
          %dma_wait3A_217 = arith.constant 0 : i32
          %dma_wait3A_218 = tpu.memref_slice %arg8[%add3A_90, %dma_wait3A_217] : memref<10240x16xf32, #tpu.memory_space<hbm>> -> memref<128x16xf32, #tpu.memory_space<hbm>>
          %dma_wait3A_219 = arith.constant 0 : i32
          %dma_wait3A_220 = tpu.memref_slice %arg8[%add3A_90, %dma_wait3A_219] : memref<10240x16xf32, #tpu.memory_space<hbm>> -> memref<128x16xf32, #tpu.memory_space<hbm>>
          tpu.wait_dma2 semaphore(%run_scoped3A : memref<!tpu.dma_semaphore, #tpu.memory_space<semaphore_mem>>) src(%dma_wait3A_220 : memref<128x16xf32, #tpu.memory_space<hbm>>) dst(%arg28 : memref<128x16xf32, #tpu.memory_space<vmem>>)
          tpu.yield
        }) : () -> ()
        %dma_wait3A_106 = arith.constant 0 : i32
        %dma_wait3A_107 = tpu.memref_slice %arg5[%add3A_90, %dma_wait3A_106] : memref<10240x64xf32, #tpu.memory_space<hbm>> -> memref<128x64xf32, #tpu.memory_space<hbm>>
        %dma_wait3A_108 = arith.constant 0 : i32
        %dma_wait3A_109 = tpu.memref_slice %arg5[%add3A_90, %dma_wait3A_108] : memref<10240x64xf32, #tpu.memory_space<hbm>> -> memref<128x64xf32, #tpu.memory_space<hbm>>
        tpu.wait_dma2 semaphore(%arg42 : memref<!tpu.dma_semaphore, #tpu.memory_space<semaphore_mem>>) src(%dma_wait3A_109 : memref<128x64xf32, #tpu.memory_space<hbm>>) dst(%arg19 : memref<128x64xf32, #tpu.memory_space<vmem>>)
        %scan3A_110 = arith.constant 0 : i32
        %scan3A_111 = arith.constant 0 : i32
        %scan3A_112 = arith.constant 128 : i32
        %scan3A_113 = arith.addi %scan3A_111, %scan3A_112 : i32
        %scan3A_114 = arith.constant 1 : i32
        %scan3A_115 = scf.for %scan3A_213 = %scan3A_111 to %scan3A_113 step %scan3A_114 iter_args(%scan3A_214 = %scan3A_110) -> (i32)  : i32 {
          %get3A = arith.index_cast %scan3A_213 : i32 to index
          %get3A_215 = arith.constant 0 : index
          %get3A_216 = tpu.vector_load %arg28[%get3A, %get3A_215] {strides = array<i32>} : memref<128x16xf32, #tpu.memory_space<vmem>>, vector<1x16xf32>,
          %get3A_217 = vector.shape_cast %get3A_216 : vector<1x16xf32> to vector<16xf32>
          %get3A_218 = arith.index_cast %scan3A_213 : i32 to index
          %get3A_219 = arith.constant 0 : index
          %get3A_220 = tpu.vector_load %arg20[%get3A_218, %get3A_219] {strides = array<i32>} : memref<128x48xf32, #tpu.memory_space<vmem>>, vector<1x16xf32>,
          %get3A_221 = vector.shape_cast %get3A_220 : vector<1x16xf32> to vector<16xf32>
          %get3A_222 = arith.index_cast %scan3A_213 : i32 to index
          %get3A_223 = arith.constant 0 : index
          %get3A_224 = tpu.vector_load %arg19[%get3A_222, %get3A_223] {strides = array<i32>} : memref<128x64xf32, #tpu.memory_space<vmem>>, vector<1x16xf32>,
          %get3A_225 = vector.shape_cast %get3A_224 : vector<1x16xf32> to vector<16xf32>
          %mul3A_226 = arith.mulf %get3A_217, %get3A_221 : vector<16xf32>
          %mul3A_227 = arith.constant 0.899999976 : f32
          %mul3A_228 = vector.broadcast %mul3A_227 : f32 to vector<16xf32>
          %mul3A_229 = arith.mulf %mul3A_228, %mul3A_226 : vector<16xf32>
          %add3A_230 = arith.addf %mul3A_229, %get3A_225 : vector<16xf32>
          %mul3A_231 = arith.mulf %get3A_217, %add3A_230 : vector<16xf32>
          %select_n3A = arith.select %eq3A_19, %add3A_230, %mul3A_231 : vector<16xf32>
          %swap3A = arith.index_cast %scan3A_213 : i32 to index
          %swap3A_232 = arith.constant 0 : index
          %swap3A_233 = tpu.vector_load %arg20[%swap3A, %swap3A_232] {strides = array<i32>} : memref<128x48xf32, #tpu.memory_space<vmem>>, vector<1x16xf32>,
          %swap3A_234 = vector.shape_cast %swap3A_233 : vector<1x16xf32> to vector<16xf32>
          %swap3A_235 = vector.shape_cast %select_n3A : vector<16xf32> to vector<1x16xf32>
          tpu.vector_store %arg20[%swap3A, %swap3A_232], %swap3A_235 {strides = array<i32>} : memref<128x48xf32, #tpu.memory_space<vmem>>, vector<1x16xf32>,
          %get3A_236 = arith.index_cast %scan3A_213 : i32 to index
          %get3A_237 = arith.constant 16 : index
          %get3A_238 = tpu.vector_load %arg20[%get3A_236, %get3A_237] {strides = array<i32>} : memref<128x48xf32, #tpu.memory_space<vmem>>, vector<1x16xf32>,
          %get3A_239 = vector.shape_cast %get3A_238 : vector<1x16xf32> to vector<16xf32>
          %get3A_240 = arith.index_cast %scan3A_213 : i32 to index
          %get3A_241 = arith.constant 16 : index
          %get3A_242 = tpu.vector_load %arg19[%get3A_240, %get3A_241] {strides = array<i32>} : memref<128x64xf32, #tpu.memory_space<vmem>>, vector<1x16xf32>,
          %get3A_243 = vector.shape_cast %get3A_242 : vector<1x16xf32> to vector<16xf32>
          %mul3A_244 = arith.mulf %get3A_217, %get3A_239 : vector<16xf32>
          %mul3A_245 = arith.constant 0.899999976 : f32
          %mul3A_246 = vector.broadcast %mul3A_245 : f32 to vector<16xf32>
          %mul3A_247 = arith.mulf %mul3A_246, %mul3A_244 : vector<16xf32>
          %add3A_248 = arith.addf %mul3A_247, %get3A_243 : vector<16xf32>
          %mul3A_249 = arith.mulf %get3A_217, %add3A_248 : vector<16xf32>
          %select_n3A_250 = arith.select %eq3A_19, %add3A_248, %mul3A_249 : vector<16xf32>
          %swap3A_251 = arith.index_cast %scan3A_213 : i32 to index
          %swap3A_252 = arith.constant 16 : index
          %swap3A_253 = tpu.vector_load %arg20[%swap3A_251, %swap3A_252] {strides = array<i32>} : memref<128x48xf32, #tpu.memory_space<vmem>>, vector<1x16xf32>,
          %swap3A_254 = vector.shape_cast %swap3A_253 : vector<1x16xf32> to vector<16xf32>
          %swap3A_255 = vector.shape_cast %select_n3A_250 : vector<16xf32> to vector<1x16xf32>
          tpu.vector_store %arg20[%swap3A_251, %swap3A_252], %swap3A_255 {strides = array<i32>} : memref<128x48xf32, #tpu.memory_space<vmem>>, vector<1x16xf32>,
          %get3A_256 = arith.index_cast %scan3A_213 : i32 to index
          %get3A_257 = arith.constant 32 : index
          %get3A_258 = tpu.vector_load %arg20[%get3A_256, %get3A_257] {strides = array<i32>} : memref<128x48xf32, #tpu.memory_space<vmem>>, vector<1x16xf32>,
          %get3A_259 = vector.shape_cast %get3A_258 : vector<1x16xf32> to vector<16xf32>
          %get3A_260 = arith.index_cast %scan3A_213 : i32 to index
          %get3A_261 = arith.constant 32 : index
          %get3A_262 = tpu.vector_load %arg19[%get3A_260, %get3A_261] {strides = array<i32>} : memref<128x64xf32, #tpu.memory_space<vmem>>, vector<1x16xf32>,
          %get3A_263 = vector.shape_cast %get3A_262 : vector<1x16xf32> to vector<16xf32>
          %mul3A_264 = arith.mulf %get3A_217, %get3A_259 : vector<16xf32>
          %mul3A_265 = arith.constant 0.899999976 : f32
          %mul3A_266 = vector.broadcast %mul3A_265 : f32 to vector<16xf32>
          %mul3A_267 = arith.mulf %mul3A_266, %mul3A_264 : vector<16xf32>
          %add3A_268 = arith.addf %mul3A_267, %get3A_263 : vector<16xf32>
          %mul3A_269 = arith.mulf %get3A_217, %add3A_268 : vector<16xf32>
          %select_n3A_270 = arith.select %eq3A_19, %add3A_268, %mul3A_269 : vector<16xf32>
          %swap3A_271 = arith.index_cast %scan3A_213 : i32 to index
          %swap3A_272 = arith.constant 32 : index
          %swap3A_273 = tpu.vector_load %arg20[%swap3A_271, %swap3A_272] {strides = array<i32>} : memref<128x48xf32, #tpu.memory_space<vmem>>, vector<1x16xf32>,
          %swap3A_274 = vector.shape_cast %swap3A_273 : vector<1x16xf32> to vector<16xf32>
          %swap3A_275 = vector.shape_cast %select_n3A_270 : vector<16xf32> to vector<1x16xf32>
          tpu.vector_store %arg20[%swap3A_271, %swap3A_272], %swap3A_275 {strides = array<i32>} : memref<128x48xf32, #tpu.memory_space<vmem>>, vector<1x16xf32>,
          %scan3A_276 = arith.constant 0 : i32
          scf.yield %scan3A_276 : i32
        }
        %scan3A_116 = arith.constant 128 : i32
        %dma_start3A_117 = arith.constant 0 : i32
        %dma_start3A_118 = tpu.memref_slice %arg10[%add3A_90, %dma_start3A_117] : memref<10240x48xf32, #tpu.memory_space<hbm>> -> memref<128x48xf32, #tpu.memory_space<hbm>>
        %dma_start3A_119 = arith.constant 0 : i32
        %dma_start3A_120 = tpu.memref_slice %arg10[%add3A_90, %dma_start3A_119] : memref<10240x48xf32, #tpu.memory_space<hbm>> -> memref<128x48xf32, #tpu.memory_space<hbm>>
        tpu.enqueue_dma source(%arg20 : memref<128x48xf32, #tpu.memory_space<vmem>>) target(%dma_start3A_120 : memref<128x48xf32, #tpu.memory_space<hbm>>) target_semaphore(%arg44 : memref<!tpu.dma_semaphore, #tpu.memory_space<semaphore_mem>>)
        %dma_start3A_121 = arith.constant 0 : i32
        %dma_start3A_122 = tpu.memref_slice %arg49[%add3A_90, %dma_start3A_121] : memref<10240x48xf32, #tpu.memory_space<vmem_shared>> -> memref<128x48xf32, #tpu.memory_space<vmem_shared>>
        %dma_start3A_123 = arith.constant 0 : i32
        %dma_start3A_124 = tpu.memref_slice %arg49[%add3A_90, %dma_start3A_123] : memref<10240x48xf32, #tpu.memory_space<vmem_shared>> -> memref<128x48xf32, #tpu.memory_space<vmem_shared>>
        tpu.enqueue_dma source(%arg20 : memref<128x48xf32, #tpu.memory_space<vmem>>) target(%dma_start3A_124 : memref<128x48xf32, #tpu.memory_space<vmem_shared>>) target_semaphore(%arg46 : memref<!tpu.dma_semaphore, #tpu.memory_space<semaphore_mem>>)
        %add3A_125 = arith.constant 384 : i32
        %add3A_126 = arith.addi %mul3A_0, %add3A_125 : i32
        %sub3A_127 = arith.constant 256 : i32
        %sub3A_128 = arith.subi %add3A_126, %sub3A_127 : i32
        %dma_wait3A_129 = arith.constant 0 : i32
        %dma_wait3A_130 = tpu.memref_slice %arg10[%sub3A_128, %dma_wait3A_129] : memref<10240x48xf32, #tpu.memory_space<hbm>> -> memref<128x48xf32, #tpu.memory_space<hbm>>
        %dma_wait3A_131 = arith.constant 0 : i32
        %dma_wait3A_132 = tpu.memref_slice %arg10[%sub3A_128, %dma_wait3A_131] : memref<10240x48xf32, #tpu.memory_space<hbm>> -> memref<128x48xf32, #tpu.memory_space<hbm>>
        tpu.wait_dma2 semaphore(%arg45 : memref<!tpu.dma_semaphore, #tpu.memory_space<semaphore_mem>>) src(%arg21 : memref<128x48xf32, #tpu.memory_space<vmem>>) dst(%dma_wait3A_132 : memref<128x48xf32, #tpu.memory_space<hbm>>)
        %dma_wait3A_133 = arith.constant 0 : i32
        %dma_wait3A_134 = tpu.memref_slice %arg49[%sub3A_128, %dma_wait3A_133] : memref<10240x48xf32, #tpu.memory_space<vmem_shared>> -> memref<128x48xf32, #tpu.memory_space<vmem_shared>>
        %dma_wait3A_135 = arith.constant 0 : i32
        %dma_wait3A_136 = tpu.memref_slice %arg49[%sub3A_128, %dma_wait3A_135] : memref<10240x48xf32, #tpu.memory_space<vmem_shared>> -> memref<128x48xf32, #tpu.memory_space<vmem_shared>>
        tpu.wait_dma2 semaphore(%arg47 : memref<!tpu.dma_semaphore, #tpu.memory_space<semaphore_mem>>) src(%arg21 : memref<128x48xf32, #tpu.memory_space<vmem>>) dst(%dma_wait3A_136 : memref<128x48xf32, #tpu.memory_space<vmem_shared>>)
        "tpu.region"() ({
          %run_scoped3A = tpu.sem_alloc : memref<!tpu.dma_semaphore, #tpu.memory_space<semaphore_mem>>
          %dma_start3A_213 = arith.constant 0 : i32
          %dma_start3A_214 = tpu.memref_slice %arg49[%add3A_126, %dma_start3A_213] : memref<10240x48xf32, #tpu.memory_space<vmem_shared>> -> memref<128x48xf32, #tpu.memory_space<vmem_shared>>
          %dma_start3A_215 = arith.constant 0 : i32
          %dma_start3A_216 = tpu.memref_slice %arg49[%add3A_126, %dma_start3A_215] : memref<10240x48xf32, #tpu.memory_space<vmem_shared>> -> memref<128x48xf32, #tpu.memory_space<vmem_shared>>
          tpu.enqueue_dma source(%dma_start3A_216 : memref<128x48xf32, #tpu.memory_space<vmem_shared>>) target(%arg21 : memref<128x48xf32, #tpu.memory_space<vmem>>) target_semaphore(%run_scoped3A : memref<!tpu.dma_semaphore, #tpu.memory_space<semaphore_mem>>)
          %dma_wait3A_217 = arith.constant 0 : i32
          %dma_wait3A_218 = tpu.memref_slice %arg49[%add3A_126, %dma_wait3A_217] : memref<10240x48xf32, #tpu.memory_space<vmem_shared>> -> memref<128x48xf32, #tpu.memory_space<vmem_shared>>
          %dma_wait3A_219 = arith.constant 0 : i32
          %dma_wait3A_220 = tpu.memref_slice %arg49[%add3A_126, %dma_wait3A_219] : memref<10240x48xf32, #tpu.memory_space<vmem_shared>> -> memref<128x48xf32, #tpu.memory_space<vmem_shared>>
          tpu.wait_dma2 semaphore(%run_scoped3A : memref<!tpu.dma_semaphore, #tpu.memory_space<semaphore_mem>>) src(%dma_wait3A_220 : memref<128x48xf32, #tpu.memory_space<vmem_shared>>) dst(%arg21 : memref<128x48xf32, #tpu.memory_space<vmem>>)
          tpu.yield
        }) : () -> ()
        %add3A_137 = arith.constant 128 : i32
        %add3A_138 = arith.addi %add3A_126, %add3A_137 : i32
        %dma_start3A_139 = arith.constant 0 : i32
        %dma_start3A_140 = tpu.memref_slice %arg5[%add3A_138, %dma_start3A_139] : memref<10240x64xf32, #tpu.memory_space<hbm>> -> memref<128x64xf32, #tpu.memory_space<hbm>>
        %dma_start3A_141 = arith.constant 0 : i32
        %dma_start3A_142 = tpu.memref_slice %arg5[%add3A_138, %dma_start3A_141] : memref<10240x64xf32, #tpu.memory_space<hbm>> -> memref<128x64xf32, #tpu.memory_space<hbm>>
        tpu.enqueue_dma source(%dma_start3A_142 : memref<128x64xf32, #tpu.memory_space<hbm>>) target(%arg19 : memref<128x64xf32, #tpu.memory_space<vmem>>) target_semaphore(%arg42 : memref<!tpu.dma_semaphore, #tpu.memory_space<semaphore_mem>>)
        "tpu.region"() ({
          %run_scoped3A = tpu.sem_alloc : memref<!tpu.dma_semaphore, #tpu.memory_space<semaphore_mem>>
          %dma_start3A_213 = arith.constant 0 : i32
          %dma_start3A_214 = tpu.memref_slice %arg8[%add3A_126, %dma_start3A_213] : memref<10240x16xf32, #tpu.memory_space<hbm>> -> memref<128x16xf32, #tpu.memory_space<hbm>>
          %dma_start3A_215 = arith.constant 0 : i32
          %dma_start3A_216 = tpu.memref_slice %arg8[%add3A_126, %dma_start3A_215] : memref<10240x16xf32, #tpu.memory_space<hbm>> -> memref<128x16xf32, #tpu.memory_space<hbm>>
          tpu.enqueue_dma source(%dma_start3A_216 : memref<128x16xf32, #tpu.memory_space<hbm>>) target(%arg28 : memref<128x16xf32, #tpu.memory_space<vmem>>) target_semaphore(%run_scoped3A : memref<!tpu.dma_semaphore, #tpu.memory_space<semaphore_mem>>)
          %dma_wait3A_217 = arith.constant 0 : i32
          %dma_wait3A_218 = tpu.memref_slice %arg8[%add3A_126, %dma_wait3A_217] : memref<10240x16xf32, #tpu.memory_space<hbm>> -> memref<128x16xf32, #tpu.memory_space<hbm>>
          %dma_wait3A_219 = arith.constant 0 : i32
          %dma_wait3A_220 = tpu.memref_slice %arg8[%add3A_126, %dma_wait3A_219] : memref<10240x16xf32, #tpu.memory_space<hbm>> -> memref<128x16xf32, #tpu.memory_space<hbm>>
          tpu.wait_dma2 semaphore(%run_scoped3A : memref<!tpu.dma_semaphore, #tpu.memory_space<semaphore_mem>>) src(%dma_wait3A_220 : memref<128x16xf32, #tpu.memory_space<hbm>>) dst(%arg28 : memref<128x16xf32, #tpu.memory_space<vmem>>)
          tpu.yield
        }) : () -> ()
        %dma_wait3A_143 = arith.constant 0 : i32
        %dma_wait3A_144 = tpu.memref_slice %arg5[%add3A_126, %dma_wait3A_143] : memref<10240x64xf32, #tpu.memory_space<hbm>> -> memref<128x64xf32, #tpu.memory_space<hbm>>
        %dma_wait3A_145 = arith.constant 0 : i32
        %dma_wait3A_146 = tpu.memref_slice %arg5[%add3A_126, %dma_wait3A_145] : memref<10240x64xf32, #tpu.memory_space<hbm>> -> memref<128x64xf32, #tpu.memory_space<hbm>>
        tpu.wait_dma2 semaphore(%arg43 : memref<!tpu.dma_semaphore, #tpu.memory_space<semaphore_mem>>) src(%dma_wait3A_146 : memref<128x64xf32, #tpu.memory_space<hbm>>) dst(%arg23 : memref<128x64xf32, #tpu.memory_space<vmem>>)
        %scan3A_147 = arith.constant 0 : i32
        %scan3A_148 = arith.constant 0 : i32
        %scan3A_149 = arith.constant 128 : i32
        %scan3A_150 = arith.addi %scan3A_148, %scan3A_149 : i32
        %scan3A_151 = arith.constant 1 : i32
        %scan3A_152 = scf.for %scan3A_213 = %scan3A_148 to %scan3A_150 step %scan3A_151 iter_args(%scan3A_214 = %scan3A_147) -> (i32)  : i32 {
          %get3A = arith.index_cast %scan3A_213 : i32 to index
          %get3A_215 = arith.constant 0 : index
          %get3A_216 = tpu.vector_load %arg28[%get3A, %get3A_215] {strides = array<i32>} : memref<128x16xf32, #tpu.memory_space<vmem>>, vector<1x16xf32>,
          %get3A_217 = vector.shape_cast %get3A_216 : vector<1x16xf32> to vector<16xf32>
          %get3A_218 = arith.index_cast %scan3A_213 : i32 to index
          %get3A_219 = arith.constant 0 : index
          %get3A_220 = tpu.vector_load %arg21[%get3A_218, %get3A_219] {strides = array<i32>} : memref<128x48xf32, #tpu.memory_space<vmem>>, vector<1x16xf32>,
          %get3A_221 = vector.shape_cast %get3A_220 : vector<1x16xf32> to vector<16xf32>
          %get3A_222 = arith.index_cast %scan3A_213 : i32 to index
          %get3A_223 = arith.constant 0 : index
          %get3A_224 = tpu.vector_load %arg23[%get3A_222, %get3A_223] {strides = array<i32>} : memref<128x64xf32, #tpu.memory_space<vmem>>, vector<1x16xf32>,
          %get3A_225 = vector.shape_cast %get3A_224 : vector<1x16xf32> to vector<16xf32>
          %mul3A_226 = arith.mulf %get3A_217, %get3A_221 : vector<16xf32>
          %mul3A_227 = arith.constant 0.899999976 : f32
          %mul3A_228 = vector.broadcast %mul3A_227 : f32 to vector<16xf32>
          %mul3A_229 = arith.mulf %mul3A_228, %mul3A_226 : vector<16xf32>
          %add3A_230 = arith.addf %mul3A_229, %get3A_225 : vector<16xf32>
          %mul3A_231 = arith.mulf %get3A_217, %add3A_230 : vector<16xf32>
          %select_n3A = arith.select %eq3A_19, %add3A_230, %mul3A_231 : vector<16xf32>
          %swap3A = arith.index_cast %scan3A_213 : i32 to index
          %swap3A_232 = arith.constant 0 : index
          %swap3A_233 = tpu.vector_load %arg21[%swap3A, %swap3A_232] {strides = array<i32>} : memref<128x48xf32, #tpu.memory_space<vmem>>, vector<1x16xf32>,
          %swap3A_234 = vector.shape_cast %swap3A_233 : vector<1x16xf32> to vector<16xf32>
          %swap3A_235 = vector.shape_cast %select_n3A : vector<16xf32> to vector<1x16xf32>
          tpu.vector_store %arg21[%swap3A, %swap3A_232], %swap3A_235 {strides = array<i32>} : memref<128x48xf32, #tpu.memory_space<vmem>>, vector<1x16xf32>,
          %get3A_236 = arith.index_cast %scan3A_213 : i32 to index
          %get3A_237 = arith.constant 16 : index
          %get3A_238 = tpu.vector_load %arg21[%get3A_236, %get3A_237] {strides = array<i32>} : memref<128x48xf32, #tpu.memory_space<vmem>>, vector<1x16xf32>,
          %get3A_239 = vector.shape_cast %get3A_238 : vector<1x16xf32> to vector<16xf32>
          %get3A_240 = arith.index_cast %scan3A_213 : i32 to index
          %get3A_241 = arith.constant 16 : index
          %get3A_242 = tpu.vector_load %arg23[%get3A_240, %get3A_241] {strides = array<i32>} : memref<128x64xf32, #tpu.memory_space<vmem>>, vector<1x16xf32>,
          %get3A_243 = vector.shape_cast %get3A_242 : vector<1x16xf32> to vector<16xf32>
          %mul3A_244 = arith.mulf %get3A_217, %get3A_239 : vector<16xf32>
          %mul3A_245 = arith.constant 0.899999976 : f32
          %mul3A_246 = vector.broadcast %mul3A_245 : f32 to vector<16xf32>
          %mul3A_247 = arith.mulf %mul3A_246, %mul3A_244 : vector<16xf32>
          %add3A_248 = arith.addf %mul3A_247, %get3A_243 : vector<16xf32>
          %mul3A_249 = arith.mulf %get3A_217, %add3A_248 : vector<16xf32>
          %select_n3A_250 = arith.select %eq3A_19, %add3A_248, %mul3A_249 : vector<16xf32>
          %swap3A_251 = arith.index_cast %scan3A_213 : i32 to index
          %swap3A_252 = arith.constant 16 : index
          %swap3A_253 = tpu.vector_load %arg21[%swap3A_251, %swap3A_252] {strides = array<i32>} : memref<128x48xf32, #tpu.memory_space<vmem>>, vector<1x16xf32>,
          %swap3A_254 = vector.shape_cast %swap3A_253 : vector<1x16xf32> to vector<16xf32>
          %swap3A_255 = vector.shape_cast %select_n3A_250 : vector<16xf32> to vector<1x16xf32>
          tpu.vector_store %arg21[%swap3A_251, %swap3A_252], %swap3A_255 {strides = array<i32>} : memref<128x48xf32, #tpu.memory_space<vmem>>, vector<1x16xf32>,
          %get3A_256 = arith.index_cast %scan3A_213 : i32 to index
          %get3A_257 = arith.constant 32 : index
          %get3A_258 = tpu.vector_load %arg21[%get3A_256, %get3A_257] {strides = array<i32>} : memref<128x48xf32, #tpu.memory_space<vmem>>, vector<1x16xf32>,
          %get3A_259 = vector.shape_cast %get3A_258 : vector<1x16xf32> to vector<16xf32>
          %get3A_260 = arith.index_cast %scan3A_213 : i32 to index
          %get3A_261 = arith.constant 32 : index
          %get3A_262 = tpu.vector_load %arg23[%get3A_260, %get3A_261] {strides = array<i32>} : memref<128x64xf32, #tpu.memory_space<vmem>>, vector<1x16xf32>,
          %get3A_263 = vector.shape_cast %get3A_262 : vector<1x16xf32> to vector<16xf32>
          %mul3A_264 = arith.mulf %get3A_217, %get3A_259 : vector<16xf32>
          %mul3A_265 = arith.constant 0.899999976 : f32
          %mul3A_266 = vector.broadcast %mul3A_265 : f32 to vector<16xf32>
          %mul3A_267 = arith.mulf %mul3A_266, %mul3A_264 : vector<16xf32>
          %add3A_268 = arith.addf %mul3A_267, %get3A_263 : vector<16xf32>
          %mul3A_269 = arith.mulf %get3A_217, %add3A_268 : vector<16xf32>
          %select_n3A_270 = arith.select %eq3A_19, %add3A_268, %mul3A_269 : vector<16xf32>
          %swap3A_271 = arith.index_cast %scan3A_213 : i32 to index
          %swap3A_272 = arith.constant 32 : index
          %swap3A_273 = tpu.vector_load %arg21[%swap3A_271, %swap3A_272] {strides = array<i32>} : memref<128x48xf32, #tpu.memory_space<vmem>>, vector<1x16xf32>,
          %swap3A_274 = vector.shape_cast %swap3A_273 : vector<1x16xf32> to vector<16xf32>
          %swap3A_275 = vector.shape_cast %select_n3A_270 : vector<16xf32> to vector<1x16xf32>
          tpu.vector_store %arg21[%swap3A_271, %swap3A_272], %swap3A_275 {strides = array<i32>} : memref<128x48xf32, #tpu.memory_space<vmem>>, vector<1x16xf32>,
          %scan3A_276 = arith.constant 0 : i32
          scf.yield %scan3A_276 : i32
        }
        %scan3A_153 = arith.constant 128 : i32
        %dma_start3A_154 = arith.constant 0 : i32
        %dma_start3A_155 = tpu.memref_slice %arg10[%add3A_126, %dma_start3A_154] : memref<10240x48xf32, #tpu.memory_space<hbm>> -> memref<128x48xf32, #tpu.memory_space<hbm>>
        %dma_start3A_156 = arith.constant 0 : i32
        %dma_start3A_157 = tpu.memref_slice %arg10[%add3A_126, %dma_start3A_156] : memref<10240x48xf32, #tpu.memory_space<hbm>> -> memref<128x48xf32, #tpu.memory_space<hbm>>
        tpu.enqueue_dma source(%arg21 : memref<128x48xf32, #tpu.memory_space<vmem>>) target(%dma_start3A_157 : memref<128x48xf32, #tpu.memory_space<hbm>>) target_semaphore(%arg45 : memref<!tpu.dma_semaphore, #tpu.memory_space<semaphore_mem>>)
        %dma_start3A_158 = arith.constant 0 : i32
        %dma_start3A_159 = tpu.memref_slice %arg49[%add3A_126, %dma_start3A_158] : memref<10240x48xf32, #tpu.memory_space<vmem_shared>> -> memref<128x48xf32, #tpu.memory_space<vmem_shared>>
        %dma_start3A_160 = arith.constant 0 : i32
        %dma_start3A_161 = tpu.memref_slice %arg49[%add3A_126, %dma_start3A_160] : memref<10240x48xf32, #tpu.memory_space<vmem_shared>> -> memref<128x48xf32, #tpu.memory_space<vmem_shared>>
        tpu.enqueue_dma source(%arg21 : memref<128x48xf32, #tpu.memory_space<vmem>>) target(%dma_start3A_161 : memref<128x48xf32, #tpu.memory_space<vmem_shared>>) target_semaphore(%arg47 : memref<!tpu.dma_semaphore, #tpu.memory_space<semaphore_mem>>)
        %add3A_162 = arith.constant 512 : i32
        %add3A_163 = arith.addi %mul3A_0, %add3A_162 : i32
        %sub3A_164 = arith.constant 256 : i32
        %sub3A_165 = arith.subi %add3A_163, %sub3A_164 : i32
        %dma_wait3A_166 = arith.constant 0 : i32
        %dma_wait3A_167 = tpu.memref_slice %arg10[%sub3A_165, %dma_wait3A_166] : memref<10240x48xf32, #tpu.memory_space<hbm>> -> memref<128x48xf32, #tpu.memory_space<hbm>>
        %dma_wait3A_168 = arith.constant 0 : i32
        %dma_wait3A_169 = tpu.memref_slice %arg10[%sub3A_165, %dma_wait3A_168] : memref<10240x48xf32, #tpu.memory_space<hbm>> -> memref<128x48xf32, #tpu.memory_space<hbm>>
        tpu.wait_dma2 semaphore(%arg44 : memref<!tpu.dma_semaphore, #tpu.memory_space<semaphore_mem>>) src(%arg20 : memref<128x48xf32, #tpu.memory_space<vmem>>) dst(%dma_wait3A_169 : memref<128x48xf32, #tpu.memory_space<hbm>>)
        %dma_wait3A_170 = arith.constant 0 : i32
        %dma_wait3A_171 = tpu.memref_slice %arg49[%sub3A_165, %dma_wait3A_170] : memref<10240x48xf32, #tpu.memory_space<vmem_shared>> -> memref<128x48xf32, #tpu.memory_space<vmem_shared>>
        %dma_wait3A_172 = arith.constant 0 : i32
        %dma_wait3A_173 = tpu.memref_slice %arg49[%sub3A_165, %dma_wait3A_172] : memref<10240x48xf32, #tpu.memory_space<vmem_shared>> -> memref<128x48xf32, #tpu.memory_space<vmem_shared>>
        tpu.wait_dma2 semaphore(%arg46 : memref<!tpu.dma_semaphore, #tpu.memory_space<semaphore_mem>>) src(%arg20 : memref<128x48xf32, #tpu.memory_space<vmem>>) dst(%dma_wait3A_173 : memref<128x48xf32, #tpu.memory_space<vmem_shared>>)
        "tpu.region"() ({
          %run_scoped3A = tpu.sem_alloc : memref<!tpu.dma_semaphore, #tpu.memory_space<semaphore_mem>>
          %dma_start3A_213 = arith.constant 0 : i32
          %dma_start3A_214 = tpu.memref_slice %arg49[%add3A_163, %dma_start3A_213] : memref<10240x48xf32, #tpu.memory_space<vmem_shared>> -> memref<128x48xf32, #tpu.memory_space<vmem_shared>>
          %dma_start3A_215 = arith.constant 0 : i32
          %dma_start3A_216 = tpu.memref_slice %arg49[%add3A_163, %dma_start3A_215] : memref<10240x48xf32, #tpu.memory_space<vmem_shared>> -> memref<128x48xf32, #tpu.memory_space<vmem_shared>>
          tpu.enqueue_dma source(%dma_start3A_216 : memref<128x48xf32, #tpu.memory_space<vmem_shared>>) target(%arg20 : memref<128x48xf32, #tpu.memory_space<vmem>>) target_semaphore(%run_scoped3A : memref<!tpu.dma_semaphore, #tpu.memory_space<semaphore_mem>>)
          %dma_wait3A_217 = arith.constant 0 : i32
          %dma_wait3A_218 = tpu.memref_slice %arg49[%add3A_163, %dma_wait3A_217] : memref<10240x48xf32, #tpu.memory_space<vmem_shared>> -> memref<128x48xf32, #tpu.memory_space<vmem_shared>>
          %dma_wait3A_219 = arith.constant 0 : i32
          %dma_wait3A_220 = tpu.memref_slice %arg49[%add3A_163, %dma_wait3A_219] : memref<10240x48xf32, #tpu.memory_space<vmem_shared>> -> memref<128x48xf32, #tpu.memory_space<vmem_shared>>
          tpu.wait_dma2 semaphore(%run_scoped3A : memref<!tpu.dma_semaphore, #tpu.memory_space<semaphore_mem>>) src(%dma_wait3A_220 : memref<128x48xf32, #tpu.memory_space<vmem_shared>>) dst(%arg20 : memref<128x48xf32, #tpu.memory_space<vmem>>)
          tpu.yield
        }) : () -> ()
        "tpu.region"() ({
          %run_scoped3A = tpu.sem_alloc : memref<!tpu.dma_semaphore, #tpu.memory_space<semaphore_mem>>
          %dma_start3A_213 = arith.constant 0 : i32
          %dma_start3A_214 = tpu.memref_slice %arg8[%add3A_163, %dma_start3A_213] : memref<10240x16xf32, #tpu.memory_space<hbm>> -> memref<128x16xf32, #tpu.memory_space<hbm>>
          %dma_start3A_215 = arith.constant 0 : i32
          %dma_start3A_216 = tpu.memref_slice %arg8[%add3A_163, %dma_start3A_215] : memref<10240x16xf32, #tpu.memory_space<hbm>> -> memref<128x16xf32, #tpu.memory_space<hbm>>
          tpu.enqueue_dma source(%dma_start3A_216 : memref<128x16xf32, #tpu.memory_space<hbm>>) target(%arg28 : memref<128x16xf32, #tpu.memory_space<vmem>>) target_semaphore(%run_scoped3A : memref<!tpu.dma_semaphore, #tpu.memory_space<semaphore_mem>>)
          %dma_wait3A_217 = arith.constant 0 : i32
          %dma_wait3A_218 = tpu.memref_slice %arg8[%add3A_163, %dma_wait3A_217] : memref<10240x16xf32, #tpu.memory_space<hbm>> -> memref<128x16xf32, #tpu.memory_space<hbm>>
          %dma_wait3A_219 = arith.constant 0 : i32
          %dma_wait3A_220 = tpu.memref_slice %arg8[%add3A_163, %dma_wait3A_219] : memref<10240x16xf32, #tpu.memory_space<hbm>> -> memref<128x16xf32, #tpu.memory_space<hbm>>
          tpu.wait_dma2 semaphore(%run_scoped3A : memref<!tpu.dma_semaphore, #tpu.memory_space<semaphore_mem>>) src(%dma_wait3A_220 : memref<128x16xf32, #tpu.memory_space<hbm>>) dst(%arg28 : memref<128x16xf32, #tpu.memory_space<vmem>>)
          tpu.yield
        }) : () -> ()
        %dma_wait3A_174 = arith.constant 0 : i32
        %dma_wait3A_175 = tpu.memref_slice %arg5[%add3A_163, %dma_wait3A_174] : memref<10240x64xf32, #tpu.memory_space<hbm>> -> memref<128x64xf32, #tpu.memory_space<hbm>>
        %dma_wait3A_176 = arith.constant 0 : i32
        %dma_wait3A_177 = tpu.memref_slice %arg5[%add3A_163, %dma_wait3A_176] : memref<10240x64xf32, #tpu.memory_space<hbm>> -> memref<128x64xf32, #tpu.memory_space<hbm>>
        tpu.wait_dma2 semaphore(%arg42 : memref<!tpu.dma_semaphore, #tpu.memory_space<semaphore_mem>>) src(%dma_wait3A_177 : memref<128x64xf32, #tpu.memory_space<hbm>>) dst(%arg19 : memref<128x64xf32, #tpu.memory_space<vmem>>)
        %scan3A_178 = arith.constant 0 : i32
        %scan3A_179 = arith.constant 0 : i32
        %scan3A_180 = arith.constant 128 : i32
        %scan3A_181 = arith.addi %scan3A_179, %scan3A_180 : i32
        %scan3A_182 = arith.constant 1 : i32
        %scan3A_183 = scf.for %scan3A_213 = %scan3A_179 to %scan3A_181 step %scan3A_182 iter_args(%scan3A_214 = %scan3A_178) -> (i32)  : i32 {
          %get3A = arith.index_cast %scan3A_213 : i32 to index
          %get3A_215 = arith.constant 0 : index
          %get3A_216 = tpu.vector_load %arg28[%get3A, %get3A_215] {strides = array<i32>} : memref<128x16xf32, #tpu.memory_space<vmem>>, vector<1x16xf32>,
          %get3A_217 = vector.shape_cast %get3A_216 : vector<1x16xf32> to vector<16xf32>
          %get3A_218 = arith.index_cast %scan3A_213 : i32 to index
          %get3A_219 = arith.constant 0 : index
          %get3A_220 = tpu.vector_load %arg20[%get3A_218, %get3A_219] {strides = array<i32>} : memref<128x48xf32, #tpu.memory_space<vmem>>, vector<1x16xf32>,
          %get3A_221 = vector.shape_cast %get3A_220 : vector<1x16xf32> to vector<16xf32>
          %get3A_222 = arith.index_cast %scan3A_213 : i32 to index
          %get3A_223 = arith.constant 0 : index
          %get3A_224 = tpu.vector_load %arg19[%get3A_222, %get3A_223] {strides = array<i32>} : memref<128x64xf32, #tpu.memory_space<vmem>>, vector<1x16xf32>,
          %get3A_225 = vector.shape_cast %get3A_224 : vector<1x16xf32> to vector<16xf32>
          %mul3A_226 = arith.mulf %get3A_217, %get3A_221 : vector<16xf32>
          %mul3A_227 = arith.constant 0.899999976 : f32
          %mul3A_228 = vector.broadcast %mul3A_227 : f32 to vector<16xf32>
          %mul3A_229 = arith.mulf %mul3A_228, %mul3A_226 : vector<16xf32>
          %add3A_230 = arith.addf %mul3A_229, %get3A_225 : vector<16xf32>
          %mul3A_231 = arith.mulf %get3A_217, %add3A_230 : vector<16xf32>
          %select_n3A = arith.select %eq3A_19, %add3A_230, %mul3A_231 : vector<16xf32>
          %swap3A = arith.index_cast %scan3A_213 : i32 to index
          %swap3A_232 = arith.constant 0 : index
          %swap3A_233 = tpu.vector_load %arg20[%swap3A, %swap3A_232] {strides = array<i32>} : memref<128x48xf32, #tpu.memory_space<vmem>>, vector<1x16xf32>,
          %swap3A_234 = vector.shape_cast %swap3A_233 : vector<1x16xf32> to vector<16xf32>
          %swap3A_235 = vector.shape_cast %select_n3A : vector<16xf32> to vector<1x16xf32>
          tpu.vector_store %arg20[%swap3A, %swap3A_232], %swap3A_235 {strides = array<i32>} : memref<128x48xf32, #tpu.memory_space<vmem>>, vector<1x16xf32>,
          %get3A_236 = arith.index_cast %scan3A_213 : i32 to index
          %get3A_237 = arith.constant 16 : index
          %get3A_238 = tpu.vector_load %arg20[%get3A_236, %get3A_237] {strides = array<i32>} : memref<128x48xf32, #tpu.memory_space<vmem>>, vector<1x16xf32>,
          %get3A_239 = vector.shape_cast %get3A_238 : vector<1x16xf32> to vector<16xf32>
          %get3A_240 = arith.index_cast %scan3A_213 : i32 to index
          %get3A_241 = arith.constant 16 : index
          %get3A_242 = tpu.vector_load %arg19[%get3A_240, %get3A_241] {strides = array<i32>} : memref<128x64xf32, #tpu.memory_space<vmem>>, vector<1x16xf32>,
          %get3A_243 = vector.shape_cast %get3A_242 : vector<1x16xf32> to vector<16xf32>
          %mul3A_244 = arith.mulf %get3A_217, %get3A_239 : vector<16xf32>
          %mul3A_245 = arith.constant 0.899999976 : f32
          %mul3A_246 = vector.broadcast %mul3A_245 : f32 to vector<16xf32>
          %mul3A_247 = arith.mulf %mul3A_246, %mul3A_244 : vector<16xf32>
          %add3A_248 = arith.addf %mul3A_247, %get3A_243 : vector<16xf32>
          %mul3A_249 = arith.mulf %get3A_217, %add3A_248 : vector<16xf32>
          %select_n3A_250 = arith.select %eq3A_19, %add3A_248, %mul3A_249 : vector<16xf32>
          %swap3A_251 = arith.index_cast %scan3A_213 : i32 to index
          %swap3A_252 = arith.constant 16 : index
          %swap3A_253 = tpu.vector_load %arg20[%swap3A_251, %swap3A_252] {strides = array<i32>} : memref<128x48xf32, #tpu.memory_space<vmem>>, vector<1x16xf32>,
          %swap3A_254 = vector.shape_cast %swap3A_253 : vector<1x16xf32> to vector<16xf32>
          %swap3A_255 = vector.shape_cast %select_n3A_250 : vector<16xf32> to vector<1x16xf32>
          tpu.vector_store %arg20[%swap3A_251, %swap3A_252], %swap3A_255 {strides = array<i32>} : memref<128x48xf32, #tpu.memory_space<vmem>>, vector<1x16xf32>,
          %get3A_256 = arith.index_cast %scan3A_213 : i32 to index
          %get3A_257 = arith.constant 32 : index
          %get3A_258 = tpu.vector_load %arg20[%get3A_256, %get3A_257] {strides = array<i32>} : memref<128x48xf32, #tpu.memory_space<vmem>>, vector<1x16xf32>,
          %get3A_259 = vector.shape_cast %get3A_258 : vector<1x16xf32> to vector<16xf32>
          %get3A_260 = arith.index_cast %scan3A_213 : i32 to index
          %get3A_261 = arith.constant 32 : index
          %get3A_262 = tpu.vector_load %arg19[%get3A_260, %get3A_261] {strides = array<i32>} : memref<128x64xf32, #tpu.memory_space<vmem>>, vector<1x16xf32>,
          %get3A_263 = vector.shape_cast %get3A_262 : vector<1x16xf32> to vector<16xf32>
          %mul3A_264 = arith.mulf %get3A_217, %get3A_259 : vector<16xf32>
          %mul3A_265 = arith.constant 0.899999976 : f32
          %mul3A_266 = vector.broadcast %mul3A_265 : f32 to vector<16xf32>
          %mul3A_267 = arith.mulf %mul3A_266, %mul3A_264 : vector<16xf32>
          %add3A_268 = arith.addf %mul3A_267, %get3A_263 : vector<16xf32>
          %mul3A_269 = arith.mulf %get3A_217, %add3A_268 : vector<16xf32>
          %select_n3A_270 = arith.select %eq3A_19, %add3A_268, %mul3A_269 : vector<16xf32>
          %swap3A_271 = arith.index_cast %scan3A_213 : i32 to index
          %swap3A_272 = arith.constant 32 : index
          %swap3A_273 = tpu.vector_load %arg20[%swap3A_271, %swap3A_272] {strides = array<i32>} : memref<128x48xf32, #tpu.memory_space<vmem>>, vector<1x16xf32>,
          %swap3A_274 = vector.shape_cast %swap3A_273 : vector<1x16xf32> to vector<16xf32>
          %swap3A_275 = vector.shape_cast %select_n3A_270 : vector<16xf32> to vector<1x16xf32>
          tpu.vector_store %arg20[%swap3A_271, %swap3A_272], %swap3A_275 {strides = array<i32>} : memref<128x48xf32, #tpu.memory_space<vmem>>, vector<1x16xf32>,
          %scan3A_276 = arith.constant 0 : i32
          scf.yield %scan3A_276 : i32
        }
        %scan3A_184 = arith.constant 128 : i32
        %dma_start3A_185 = arith.constant 0 : i32
        %dma_start3A_186 = tpu.memref_slice %arg10[%add3A_163, %dma_start3A_185] : memref<10240x48xf32, #tpu.memory_space<hbm>> -> memref<128x48xf32, #tpu.memory_space<hbm>>
        %dma_start3A_187 = arith.constant 0 : i32
        %dma_start3A_188 = tpu.memref_slice %arg10[%add3A_163, %dma_start3A_187] : memref<10240x48xf32, #tpu.memory_space<hbm>> -> memref<128x48xf32, #tpu.memory_space<hbm>>
        tpu.enqueue_dma source(%arg20 : memref<128x48xf32, #tpu.memory_space<vmem>>) target(%dma_start3A_188 : memref<128x48xf32, #tpu.memory_space<hbm>>) target_semaphore(%arg44 : memref<!tpu.dma_semaphore, #tpu.memory_space<semaphore_mem>>)
        %dma_start3A_189 = arith.constant 0 : i32
        %dma_start3A_190 = tpu.memref_slice %arg49[%add3A_163, %dma_start3A_189] : memref<10240x48xf32, #tpu.memory_space<vmem_shared>> -> memref<128x48xf32, #tpu.memory_space<vmem_shared>>
        %dma_start3A_191 = arith.constant 0 : i32
        %dma_start3A_192 = tpu.memref_slice %arg49[%add3A_163, %dma_start3A_191] : memref<10240x48xf32, #tpu.memory_space<vmem_shared>> -> memref<128x48xf32, #tpu.memory_space<vmem_shared>>
        tpu.enqueue_dma source(%arg20 : memref<128x48xf32, #tpu.memory_space<vmem>>) target(%dma_start3A_192 : memref<128x48xf32, #tpu.memory_space<vmem_shared>>) target_semaphore(%arg46 : memref<!tpu.dma_semaphore, #tpu.memory_space<semaphore_mem>>)
        %add3A_193 = arith.constant 384 : i32
        %add3A_194 = arith.addi %mul3A_0, %add3A_193 : i32
        %dma_wait3A_195 = arith.constant 0 : i32
        %dma_wait3A_196 = tpu.memref_slice %arg10[%add3A_194, %dma_wait3A_195] : memref<10240x48xf32, #tpu.memory_space<hbm>> -> memref<128x48xf32, #tpu.memory_space<hbm>>
        %dma_wait3A_197 = arith.constant 0 : i32
        %dma_wait3A_198 = tpu.memref_slice %arg10[%add3A_194, %dma_wait3A_197] : memref<10240x48xf32, #tpu.memory_space<hbm>> -> memref<128x48xf32, #tpu.memory_space<hbm>>
        tpu.wait_dma2 semaphore(%arg45 : memref<!tpu.dma_semaphore, #tpu.memory_space<semaphore_mem>>) src(%arg21 : memref<128x48xf32, #tpu.memory_space<vmem>>) dst(%dma_wait3A_198 : memref<128x48xf32, #tpu.memory_space<hbm>>)
        %dma_wait3A_199 = arith.constant 0 : i32
        %dma_wait3A_200 = tpu.memref_slice %arg49[%add3A_194, %dma_wait3A_199] : memref<10240x48xf32, #tpu.memory_space<vmem_shared>> -> memref<128x48xf32, #tpu.memory_space<vmem_shared>>
        %dma_wait3A_201 = arith.constant 0 : i32
        %dma_wait3A_202 = tpu.memref_slice %arg49[%add3A_194, %dma_wait3A_201] : memref<10240x48xf32, #tpu.memory_space<vmem_shared>> -> memref<128x48xf32, #tpu.memory_space<vmem_shared>>
        tpu.wait_dma2 semaphore(%arg47 : memref<!tpu.dma_semaphore, #tpu.memory_space<semaphore_mem>>) src(%arg21 : memref<128x48xf32, #tpu.memory_space<vmem>>) dst(%dma_wait3A_202 : memref<128x48xf32, #tpu.memory_space<vmem_shared>>)
        %add3A_203 = arith.constant 512 : i32
        %add3A_204 = arith.addi %mul3A_0, %add3A_203 : i32
        %dma_wait3A_205 = arith.constant 0 : i32
        %dma_wait3A_206 = tpu.memref_slice %arg10[%add3A_204, %dma_wait3A_205] : memref<10240x48xf32, #tpu.memory_space<hbm>> -> memref<128x48xf32, #tpu.memory_space<hbm>>
        %dma_wait3A_207 = arith.constant 0 : i32
        %dma_wait3A_208 = tpu.memref_slice %arg10[%add3A_204, %dma_wait3A_207] : memref<10240x48xf32, #tpu.memory_space<hbm>> -> memref<128x48xf32, #tpu.memory_space<hbm>>
        tpu.wait_dma2 semaphore(%arg44 : memref<!tpu.dma_semaphore, #tpu.memory_space<semaphore_mem>>) src(%arg20 : memref<128x48xf32, #tpu.memory_space<vmem>>) dst(%dma_wait3A_208 : memref<128x48xf32, #tpu.memory_space<hbm>>)
        %dma_wait3A_209 = arith.constant 0 : i32
        %dma_wait3A_210 = tpu.memref_slice %arg49[%add3A_204, %dma_wait3A_209] : memref<10240x48xf32, #tpu.memory_space<vmem_shared>> -> memref<128x48xf32, #tpu.memory_space<vmem_shared>>
        %dma_wait3A_211 = arith.constant 0 : i32
        %dma_wait3A_212 = tpu.memref_slice %arg49[%add3A_204, %dma_wait3A_211] : memref<10240x48xf32, #tpu.memory_space<vmem_shared>> -> memref<128x48xf32, #tpu.memory_space<vmem_shared>>
        tpu.wait_dma2 semaphore(%arg46 : memref<!tpu.dma_semaphore, #tpu.memory_space<semaphore_mem>>) src(%arg20 : memref<128x48xf32, #tpu.memory_space<vmem>>) dst(%dma_wait3A_212 : memref<128x48xf32, #tpu.memory_space<vmem_shared>>)
      } else {
      }
      %scan3A_33 = arith.constant 0 : i32
      scf.yield %scan3A_33 : i32
    }
    %scan3A_15 = arith.constant 10 : i32
    return
  }
}

module attributes {stable_mosaic.version = 14 : i64} {
  func.func @_mlp_body(%arg0: i32, %arg1: memref<640x128xf32, #tpu.memory_space<vmem>>, %arg2: memref<64x128xf32, #tpu.memory_space<vmem>>, %arg3: memref<1x64xf32, #tpu.memory_space<vmem>>, %arg4: memref<40x64xf32, #tpu.memory_space<vmem>>, %arg5: memref<1x40xf32, #tpu.memory_space<vmem>>, %arg6: memref<2x640xf32, #tpu.memory_space<vmem>>, %arg7: memref<640x64xf32, #tpu.memory_space<vmem>>, %arg8: memref<640x64xf32, #tpu.memory_space<vmem>>, %arg9: memref<640x64xf32, #tpu.memory_space<vmem>>, %arg10: memref<640x48xf32, #tpu.memory_space<vmem>>, %arg11: memref<640x16xf32, #tpu.memory_space<vmem>>) attributes {dimension_semantics = [#tpu.dimension_semantics<arbitrary>], iteration_bounds = array<i64: 16>, scalar_prefetch = 0 : i64, scratch_operands = 0 : i64, tpu.core_type = #tpu.core_type<tc>, window_params = [{transform_indices = @transform_0, window_bounds = array<i64: 640, 128>}, {pipeline_mode = #tpu.pipeline_mode<synchronous>, transform_indices = @transform_1, window_bounds = array<i64: 64, 128>}, {pipeline_mode = #tpu.pipeline_mode<synchronous>, transform_indices = @transform_2, window_bounds = array<i64: 1, 64>}, {pipeline_mode = #tpu.pipeline_mode<synchronous>, transform_indices = @transform_3, window_bounds = array<i64: 40, 64>}, {pipeline_mode = #tpu.pipeline_mode<synchronous>, transform_indices = @transform_4, window_bounds = array<i64: 1, 40>}, {transform_indices = @transform_5, window_bounds = array<i64: 2, 640>}, {transform_indices = @transform_6, window_bounds = array<i64: 640, 64>}, {transform_indices = @transform_7, window_bounds = array<i64: 640, 64>}, {transform_indices = @transform_8, window_bounds = array<i64: 640, 64>}, {transform_indices = @transform_9, window_bounds = array<i64: 640, 48>}, {transform_indices = @transform_10, window_bounds = array<i64: 640, 16>}]} {
    %get3A = arith.constant 0 : index
    %get3A_0 = arith.constant 0 : index
    %get3A_1 = vector.load %arg1[%get3A, %get3A_0] : memref<640x128xf32, #tpu.memory_space<vmem>>, vector<640x128xf32>
    %get3A_2 = arith.constant 0 : index
    %get3A_3 = arith.constant 0 : index
    %get3A_4 = vector.load %arg2[%get3A_2, %get3A_3] : memref<64x128xf32, #tpu.memory_space<vmem>>, vector<64x128xf32>
    %dot_general3A = arith.constant dense<0.000000e+00> : vector<640x64xf32>
    %dot_general3A_5 = tpu.matmul %get3A_1, %get3A_4, %dot_general3A {dimension_numbers = #tpu.dot_dimension_numbers<[1], [1], [0], [0], [0, 0, 1, 0], [], []>, transpose_lhs_hint = false} : vector<640x128xf32>, vector<64x128xf32>, vector<640x64xf32> -> vector<640x64xf32>
    %get3A_6 = arith.constant 0 : index
    %get3A_7 = arith.constant 0 : index
    %get3A_8 = vector.load %arg3[%get3A_6, %get3A_7] : memref<1x64xf32, #tpu.memory_space<vmem>>, vector<1x64xf32>
    %add3A = vector.broadcast %get3A_8 : vector<1x64xf32> to vector<640x64xf32>
    %add3A_9 = arith.addf %dot_general3A_5, %add3A : vector<640x64xf32>
    %max3A = arith.constant 0.000000e+00 : f32
    %max3A_10 = vector.broadcast %max3A : f32 to vector<640x64xf32>
    %max3A_11 = arith.maximumf %add3A_9, %max3A_10 : vector<640x64xf32>
    %get3A_12 = arith.constant 0 : index
    %get3A_13 = arith.constant 0 : index
    %get3A_14 = vector.load %arg4[%get3A_12, %get3A_13] : memref<40x64xf32, #tpu.memory_space<vmem>>, vector<40x64xf32>
    %dot_general3A_15 = arith.constant dense<0.000000e+00> : vector<640x40xf32>
    %dot_general3A_16 = tpu.matmul %max3A_11, %get3A_14, %dot_general3A_15 {dimension_numbers = #tpu.dot_dimension_numbers<[1], [1], [0], [0], [0, 0, 1, 0], [], []>, transpose_lhs_hint = false} : vector<640x64xf32>, vector<40x64xf32>, vector<640x40xf32> -> vector<640x40xf32>
    %get3A_17 = arith.constant 0 : index
    %get3A_18 = arith.constant 0 : index
    %get3A_19 = vector.load %arg5[%get3A_17, %get3A_18] : memref<1x40xf32, #tpu.memory_space<vmem>>, vector<1x40xf32>
    %add3A_20 = vector.broadcast %get3A_19 : vector<1x40xf32> to vector<640x40xf32>
    %add3A_21 = arith.addf %dot_general3A_16, %add3A_20 : vector<640x40xf32>
    %broadcast_in_dim3A = arith.constant 0.000000e+00 : f32
    %broadcast_in_dim3A_22 = vector.broadcast %broadcast_in_dim3A : f32 to vector<640x8xf32>
    %concatenate3A = tpu.concatenate %add3A_21, %broadcast_in_dim3A_22 in 1 : vector<640x40xf32>, vector<640x8xf32> -> vector<640x48xf32>
    %broadcast_in_dim3A_23 = arith.constant 0.000000e+00 : f32
    %broadcast_in_dim3A_24 = vector.broadcast %broadcast_in_dim3A_23 : f32 to vector<640x24xf32>
    %concatenate3A_25 = tpu.concatenate %add3A_21, %broadcast_in_dim3A_24 in 1 : vector<640x40xf32>, vector<640x24xf32> -> vector<640x64xf32>
    %get3A_26 = arith.constant 0 : index
    %get3A_27 = arith.constant 0 : index
    %get3A_28 = vector.load %arg6[%get3A_26, %get3A_27] : memref<2x640xf32, #tpu.memory_space<vmem>>, vector<1x640xf32>
    %get3A_29 = vector.shape_cast %get3A_28 : vector<1x640xf32> to vector<640xf32>
    %add3A_30 = arith.constant 1.000000e+00 : f32
    %add3A_31 = vector.broadcast %add3A_30 : f32 to vector<640xf32>
    %add3A_32 = arith.addf %add3A_31, %get3A_29 : vector<640xf32>
    %get3A_33 = arith.constant 1 : index
    %get3A_34 = arith.constant 0 : index
    %get3A_35 = vector.load %arg6[%get3A_33, %get3A_34] : memref<2x640xf32, #tpu.memory_space<vmem>>, vector<1x640xf32>
    %get3A_36 = vector.shape_cast %get3A_35 : vector<1x640xf32> to vector<640xf32>
    %add3A_37 = arith.addf %add3A_32, %get3A_36 : vector<640xf32>
    %rsqrt3A = math.rsqrt %add3A_37 : vector<640xf32>
    %reshape3A = vector.shape_cast %rsqrt3A : vector<640xf32> to vector<640x1xf32>
    %mul3A = arith.constant 1.000000e-01 : f32
    %mul3A_38 = vector.broadcast %mul3A : f32 to vector<640x64xf32>
    %mul3A_39 = arith.mulf %mul3A_38, %max3A_11 : vector<640x64xf32>
    %swap3A = arith.constant 0 : index
    %swap3A_40 = arith.constant 0 : index
    %swap3A_41 = vector.load %arg7[%swap3A, %swap3A_40] : memref<640x64xf32, #tpu.memory_space<vmem>>, vector<640x64xf32>
    tpu.vector_store %arg7[%swap3A, %swap3A_40], %mul3A_39 {strides = array<i32>} : memref<640x64xf32, #tpu.memory_space<vmem>>, vector<640x64xf32>,
    %mul3A_42 = arith.constant 1.000000e-01 : f32
    %mul3A_43 = vector.broadcast %mul3A_42 : f32 to vector<640x64xf32>
    %mul3A_44 = arith.mulf %mul3A_43, %concatenate3A_25 : vector<640x64xf32>
    %swap3A_45 = arith.constant 0 : index
    %swap3A_46 = arith.constant 0 : index
    %swap3A_47 = vector.load %arg8[%swap3A_45, %swap3A_46] : memref<640x64xf32, #tpu.memory_space<vmem>>, vector<640x64xf32>
    tpu.vector_store %arg8[%swap3A_45, %swap3A_46], %mul3A_44 {strides = array<i32>} : memref<640x64xf32, #tpu.memory_space<vmem>>, vector<640x64xf32>,
    %mul3A_48 = vector.broadcast %reshape3A : vector<640x1xf32> to vector<640x64xf32>
    %mul3A_49 = arith.mulf %mul3A_48, %max3A_11 : vector<640x64xf32>
    %swap3A_50 = arith.constant 0 : index
    %swap3A_51 = arith.constant 0 : index
    %swap3A_52 = vector.load %arg9[%swap3A_50, %swap3A_51] : memref<640x64xf32, #tpu.memory_space<vmem>>, vector<640x64xf32>
    tpu.vector_store %arg9[%swap3A_50, %swap3A_51], %mul3A_49 {strides = array<i32>} : memref<640x64xf32, #tpu.memory_space<vmem>>, vector<640x64xf32>,
    %mul3A_53 = vector.broadcast %reshape3A : vector<640x1xf32> to vector<640x48xf32>
    %mul3A_54 = arith.mulf %mul3A_53, %concatenate3A : vector<640x48xf32>
    %swap3A_55 = arith.constant 0 : index
    %swap3A_56 = arith.constant 0 : index
    %swap3A_57 = vector.load %arg10[%swap3A_55, %swap3A_56] : memref<640x48xf32, #tpu.memory_space<vmem>>, vector<640x48xf32>
    tpu.vector_store %arg10[%swap3A_55, %swap3A_56], %mul3A_54 {strides = array<i32>} : memref<640x48xf32, #tpu.memory_space<vmem>>, vector<640x48xf32>,
    %broadcast_in_dim3A_58 = vector.shape_cast %reshape3A : vector<640x1xf32> to vector<640x1xf32>
    %broadcast_in_dim3A_59 = vector.broadcast %broadcast_in_dim3A_58 : vector<640x1xf32> to vector<640x16xf32>
    %swap3A_60 = arith.constant 0 : index
    %swap3A_61 = arith.constant 0 : index
    %swap3A_62 = vector.load %arg11[%swap3A_60, %swap3A_61] : memref<640x16xf32, #tpu.memory_space<vmem>>, vector<640x16xf32>
    tpu.vector_store %arg11[%swap3A_60, %swap3A_61], %broadcast_in_dim3A_59 {strides = array<i32>} : memref<640x16xf32, #tpu.memory_space<vmem>>, vector<640x16xf32>,
    return
  }
  func.func @transform_0(%arg0: i32) -> (i32, i32) {
    %c0_i32 = arith.constant 0 : i32
    %c0_i32_0 = arith.constant 0 : i32
    return %arg0, %c0_i32 : i32, i32
  }
  func.func @transform_1(%arg0: i32) -> (i32, i32) {
    %c0_i32 = arith.constant 0 : i32
    %c0_i32_0 = arith.constant 0 : i32
    %c0_i32_1 = arith.constant 0 : i32
    return %c0_i32, %c0_i32_0 : i32, i32
  }
  func.func @transform_2(%arg0: i32) -> (i32, i32) {
    %c0_i32 = arith.constant 0 : i32
    %c0_i32_0 = arith.constant 0 : i32
    %c0_i32_1 = arith.constant 0 : i32
    return %c0_i32, %c0_i32_0 : i32, i32
  }
  func.func @transform_3(%arg0: i32) -> (i32, i32) {
    %c0_i32 = arith.constant 0 : i32
    %c0_i32_0 = arith.constant 0 : i32
    %c0_i32_1 = arith.constant 0 : i32
    return %c0_i32, %c0_i32_0 : i32, i32
  }
  func.func @transform_4(%arg0: i32) -> (i32, i32) {
    %c0_i32 = arith.constant 0 : i32
    %c0_i32_0 = arith.constant 0 : i32
    %c0_i32_1 = arith.constant 0 : i32
    return %c0_i32, %c0_i32_0 : i32, i32
  }
  func.func @transform_5(%arg0: i32) -> (i32, i32) {
    %c0_i32 = arith.constant 0 : i32
    %c0_i32_0 = arith.constant 0 : i32
    return %c0_i32, %arg0 : i32, i32
  }
  func.func @transform_6(%arg0: i32) -> (i32, i32) {
    %c0_i32 = arith.constant 0 : i32
    %c0_i32_0 = arith.constant 0 : i32
    return %arg0, %c0_i32 : i32, i32
  }
  func.func @transform_7(%arg0: i32) -> (i32, i32) {
    %c0_i32 = arith.constant 0 : i32
    %c0_i32_0 = arith.constant 0 : i32
    return %arg0, %c0_i32 : i32, i32
  }
  func.func @transform_8(%arg0: i32) -> (i32, i32) {
    %c0_i32 = arith.constant 0 : i32
    %c0_i32_0 = arith.constant 0 : i32
    return %arg0, %c0_i32 : i32, i32
  }
  func.func @transform_9(%arg0: i32) -> (i32, i32) {
    %c0_i32 = arith.constant 0 : i32
    %c0_i32_0 = arith.constant 0 : i32
    return %arg0, %c0_i32 : i32, i32
  }
  func.func @transform_10(%arg0: i32) -> (i32, i32) {
    %c0_i32 = arith.constant 0 : i32
    %c0_i32_0 = arith.constant 0 : i32
    return %arg0, %c0_i32 : i32, i32
  }
}

</mosaic_0001>

<sc_bundles>
// kernel: kernel.5.cloned.1.call-start
scs
__scs_entry_jumppad:
0x0: {  	(pc) =	sbr.rel $0x88, $3  }
0x1: {  	(tag) =	ssettag $0x0;
	lr =	simm.s32 $0x1  }
0x2: {  	[smem:$0x3F9B] =	sst lr;
	_ =	strace $0xD0000000  }
0x3: {  	_ = 	snop  }
0x4: {  	_ = 	snop  }
0x5: {  	_ = 	snop  }
0x6: {  	_ = 	snop  }
0x7: {  	_ = 	snop  }
__scs_overlays_trampoline_lowered:
0x8: {  	[smem:$0x3FAA] =	sst s0  }
0x9: {  	[smem:$0x3FAB] =	sst s1  }
0xa: {  	[smem:$0x3FAC] =	sst s2  }
0xb: {  	[smem:$0x3FAD] =	sst s3  }
0xc: {  	[smem:$0x3FAE] =	sst s4  }
0xd: {  	[smem:$0x3FAF] =	sst s5  }
0xe: {  	[smem:$0x3FB0] =	sst s6  }
0xf: {  	[smem:$0x3FB1] =	sst s7  }
0x10: {  	[smem:$0x3FB2] =	sst s8  }
0x11: {  	[smem:$0x3FB3] =	sst s9;
	s0 =	simm.s32 @!p0 $0x0  }
0x12: {  	s1 =	sld [smem:$0x3F99];
	s0 =	simm.s32 @p0 $0x1  }
0x13: {  	[smem:$0x3FB4] =	sst s0;
	s0 =	simm.s32 @!p1 $0x0  }
0x14: {  	s2 =	sld [smem:$0x3F98];
	s0 =	simm.s32 @p1 $0x1  }
0x15: {  	[smem:$0x3FB5] =	sst s0;
	s0 =	simm.s32 @!p2 $0x0  }
0x16: {  	s3 =	sld [smem:$0x3FDB];
	s0 =	simm.s32 @p2 $0x1  }
0x17: {  	s4 =	simm.s32 $0x1BF5;
	[smem:$0x3FB7] =	sst s0  }
0x18: {  	s0 =	sld [smem:$0x3F9A];
	_ =	swait.ge [sflag:s4], $0x0  }
0x19: {  	s7 =	sld [smem:$0x3F9B]  }
0x1a: {  	s8 =	sadd.s32 $0xFFFFE003, lr  }
0x1b: {  	s9 =	sadd.s32 $0xFFFFFEF7, lr;
	s5 =	simm.s32 $0xFFFFFFFF;
	p2 =	slt.u32 s8, $0xFFFFF086  }
0x1c: {  	p1 =	slt.u32 s9, $0xF7A;
	s5 =	simm.s32 @!p2 $0x0  }
0x1d: {  	s5 =	simm.s32 @p1 $0x1;
	p0 =	seq.s32 s7, s2  }
0x1e: {  	s7 =	smul.u32 @!p0 $0xF7A, s2;
	p2 =	seq.s32 @!p0 s5, $0x0  }
0x1f: {  	s9 =	smul.u32 $0xF7A, s1;
	s8 =	simm.s32 @!p0 $0x1BF5;
	p2 =	por !p2, p0  }
0x20: {  	[sflag:s8] =	ssyncset.s32 @!p0 $0xFFFFF086;
	s6 =	sadd.s32 @!p0 s3, s7;
	s7 =	simm.s32 @!p0 $0x108  }
0x21: {  	s3 =	sadd.s32 s3, s9;
	s6 =	sadd.s32 @!p0 $0x88, s6;
	s7 =	simm.s32 @p2 $0x1082  }
0x22: {  	[simem:s7], [sflag:s8] =	dma.local @!p0 [hbm:s6], $0xF7A  }
0x23: {  	s9 =	sor.u32 $0xD0000000, s2;
	s6 =	simm.s32 $0x108;
	_ =	swait.ge @!p0 [sflag:s8], $0x0  }
0x24: {  	s3 =	sadd.s32 $0x88, s3;
	s6 =	simm.s32 @!p1 $0x1082;
	[sflag:s4] =	ssyncset.s32 $0xFFFFF086  }
0x25: {  	[simem:s6], [sflag:s4] =	dma.local [hbm:s3], $0xF7A  }
0x26: {  	[smem:$0x3F9B] =	sst s1;
	(tag) =	ssettag s2;
	_ =	strace s9  }
0x27: {  	s1 =	sld [smem:$0x3FAB]  }
0x28: {  	s2 =	sld [smem:$0x3FAC]  }
0x29: {  	s4 =	sld [smem:$0x3FAE]  }
0x2a: {  	p0 =	seq.s32 s5, $0x0;
	s5 =	sld [smem:$0x3FAF]  }
0x2b: {  	s6 =	sld [smem:$0x3FB0]  }
0x2c: {  	s7 =	sld [smem:$0x3FB1]  }
0x2d: {  	s3 =	simm.s32 $0x108;
	s8 =	sld [smem:$0x3FB2]  }
0x2e: {  	s3 =	simm.s32 @!p0 $0x1082;
	s9 =	sld [smem:$0x3FB3]  }
0x2f: {  	lr =	sadd.s32 s0, s3;
	s0 =	sld [smem:$0x3FAA]  }
0x30: {  	s3 =	sld [smem:$0x3FAD]  }
0x31: {  	[smem:$0x3FB6] =	sst s10  }
0x32: {  	s10 =	sld [smem:$0x3FB4];
	_ =	sdelay $0x3  }
0x33: {  	p0 =	seq.s32 s10, $0x1;
	s10 =	sld [smem:$0x3FB6];
	_ =	sdelay $0x3  }
0x34: {  	[smem:$0x3FB6] =	sst s10  }
0x35: {  	s10 =	sld [smem:$0x3FB5];
	_ =	sdelay $0x3  }
0x36: {  	p1 =	seq.s32 s10, $0x1;
	s10 =	sld [smem:$0x3FB6];
	_ =	sdelay $0x3  }
0x37: {  	[smem:$0x3FB6] =	sst s10  }
0x38: {  	s10 =	sld [smem:$0x3FB7]  }
0x39: {  	_ = 	snop;
	(pc) =	sbr.ind lr, $3  }
0x3a: {  	_ = 	snop  }
0x3b: {  	_ = 	snop  }
0x3c: {  	p2 =	seq.s32 s10, $0x1;
	s10 =	sld [smem:$0x3FB6]  }
0x3d: {  	_ =	shalt  }
0x3e: {  	_ =	shalt  }
0x3f: {  	_ =	shalt  }
0x40: {  	_ =	shalt  }
0x41: {  	_ =	shalt  }
0x42: {  	_ =	shalt  }
0x43: {  	_ =	shalt  }
0x44: {  	_ =	shalt  }
0x45: {  	_ =	shalt  }
0x46: {  	_ =	shalt  }
0x47: {  	_ =	shalt  }
0x48: {  	_ =	shalt  }
0x49: {  	_ =	shalt  }
0x4a: {  	_ =	shalt  }
0x4b: {  	_ =	shalt  }
0x4c: {  	_ =	shalt  }
0x4d: {  	_ =	shalt  }
0x4e: {  	_ =	shalt  }
0x4f: {  	_ =	shalt  }
0x50: {  	_ =	shalt  }
0x51: {  	_ =	shalt  }
0x52: {  	_ =	shalt  }
0x53: {  	_ =	shalt  }
0x54: {  	_ =	shalt  }
0x55: {  	_ =	shalt  }
0x56: {  	_ =	shalt  }
0x57: {  	_ =	shalt  }
0x58: {  	_ =	shalt  }
0x59: {  	_ =	shalt  }
0x5a: {  	_ =	shalt  }
0x5b: {  	_ =	shalt  }
0x5c: {  	_ =	shalt  }
0x5d: {  	_ =	shalt  }
0x5e: {  	_ =	shalt  }
0x5f: {  	_ =	shalt  }
0x60: {  	_ =	shalt  }
0x61: {  	_ =	shalt  }
0x62: {  	_ =	shalt  }
0x63: {  	_ =	shalt  }
0x64: {  	_ =	shalt  }
0x65: {  	_ =	shalt  }
0x66: {  	_ =	shalt  }
0x67: {  	_ =	shalt  }
0x68: {  	_ =	shalt  }
0x69: {  	_ =	shalt  }
0x6a: {  	_ =	shalt  }
0x6b: {  	_ =	shalt  }
0x6c: {  	_ =	shalt  }
0x6d: {  	_ =	shalt  }
0x6e: {  	_ =	shalt  }
0x6f: {  	_ =	shalt  }
0x70: {  	_ =	shalt  }
0x71: {  	_ =	shalt  }
0x72: {  	_ =	shalt  }
0x73: {  	_ =	shalt  }
0x74: {  	_ =	shalt  }
0x75: {  	_ =	shalt  }
0x76: {  	_ =	shalt  }
0x77: {  	_ =	shalt  }
0x78: {  	_ =	shalt  }
0x79: {  	_ =	shalt  }
0x7a: {  	_ =	shalt  }
0x7b: {  	_ =	shalt  }
0x7c: {  	_ =	shalt  }
0x7d: {  	_ =	shalt  }
0x7e: {  	_ =	shalt  }
0x7f: {  	_ =	shalt  }
0x80: {  	_ =	shalt  }
0x81: {  	_ =	shalt  }
0x82: {  	_ =	shalt  }
0x83: {  	_ =	shalt  }
0x84: {  	_ =	shalt  }
0x85: {  	_ =	shalt  }
0x86: {  	_ =	shalt  }
0x87: {  	_ =	shalt  }
.Lfunc_end0:
.L_simem_size_0:
called_computation_lowered:
.L_overlay_start_0:
0x88: {  	s2 =	sld [smem:$0x3FD9]  }
0x89: {  	s3 =	sld [smem:$0x3FFE];
	_ =	sdelay $0x1  }
0x8a: {  	s1 =	srdreg.scid  }
0x8b: {  	s0 =	sand.u32 $0x1, s1  }
0x8c: {  	s15 =	sshll.u32 s0, $0xA;
	s2 =	sadd.s32 s3, s2  }
0x8d: {  	s2 =	sadd.s32 s2, s15  }
0x8e: {  	[smem:$0x3FC2] =	sst s2  }
0x8f: {  	_ = 	snop  }
0x90: {  	s2 =	sld [smem:$0x3FD0];
	_ =	sdelay $0x2  }
0x91: {  	s16 =	simm.s32 $0xA;
	s4 =	simm.s32 $0x10  }
0x92: {  	[smem:s4], [sflag:s16] =	dma.local [hbm:s2], $0x1  }
0x93: {  	_ =	swait.eq [sflag:s16], $0x1  }
0x94: {  	[sflag:s16] =	ssyncset.done $0x0  }
0x95: {  	s17 =	sld [smem:$0x11];
	[sflag:s16] =	ssyncadd.s32 $0xFFFFFFFF  }
0x96: {  	s18 =	sld [smem:$0x12];
	(tm) =	ssettm $0x1  }
0x97: {  	s19 =	sld [smem:$0x3FFB];
	_ =	sdelay $0x3  }
0x98: {  	_ =	strace s19  }
0x99: {  	s4 =	sld [smem:$0x3FFC];
	_ =	sdelay $0x3  }
0x9a: {  	_ =	strace s4  }
0x9b: {  	s4 =	sld [smem:$0x3FFD];
	_ =	sdelay $0x3  }
0x9c: {  	_ =	strace s4  }
0x9d: {  	_ =	strace $0x8FFFFFFF  }
0x9e: {  	s20 =	sld [smem:$0x3FDB];
	_ =	sdelay $0x1  }
0x9f: {  	s5 =	simm.s32 $_scs_section_size  }
0xa0: {  	s6 =	simm.s32 $_size__tile_overlayer_lowered;
	s7 =	simm.s32 $_tile_overlayer_lowered  }
0xa1: {  	s23 =	simm.s32 $0x1BFF;
	s22 =	sshll.u32 s7, $0x1;
	s4 =	sadd.s32 s5, s20  }
0xa2: {  	s8 =	simm.s32 $0x0;
	s21 =	sshll.u32 s6, $0x1;
	s6 =	sadd.s32 s22, s4  }
0xa3: {  	[timem:s8], [sflag:s23] =	dma.local [hbm:s6], s21  }
0xa4: {  	_ =	swait.ge [sflag:s23], s21  }
0xa5: {  	s5 =	ssub.s32 $0x0, s21;
	[sflag:s23] =	ssyncset.done $0x0  }
0xa6: {  	[sflag:s23] =	ssyncadd.s32 s5;
	_ =	sdelay $0x1  }
0xa7: {  	s24 =	simm.s32 $0x1B8B  }
0xa8: {  	_ =	swait.ge [sflag:s24], $0x1  }
0xa9: {  	[sflag:s24] =	ssyncset.done $0x0  }
0xaa: {  	s25 =	simm.s32 $0x1B8E;
	[sflag:s24] =	ssyncadd.s32 $0xFFFFFFFF  }
0xab: {  	s26 =	simm.s32 $execute0_lowered;
	[smem:$0x3FD2] =	sst s25  }
0xac: {  	s5 =	sshll.u32 s26, $0x1;
	_ =	strace $0x80000046;
	[dreg:$0x1] =	wrdreg $0xFFFFFFFF  }
0xad: {  	s28 =	simm.s32 $_size_execute0_lowered;
	s4 =	sadd.s32 s4, s5;
	[dreg:$0x0] =	wrdreg $0x0  }
0xae: {  	s5 =	sshll.u32 s28, $0x1;
	[dreg:$0x2] =	wrdreg s4  }
0xaf: {  	[dreg:$0x3] =	wrdreg s5  }
0xb0: {  	[dreg:$0x4] =	wrdreg $0xC0  }
0xb1: {  	_ =	task [dreg:s8], $0x5FFFF  }
0xb2: {  	[dreg:$0x1] =	wrdreg $0xFFFFFFFF  }
0xb3: {  	[dreg:$0x0] =	wrdreg $0x60  }
0xb4: {  	[dreg:$0x2] =	wrdreg s18  }
0xb5: {  	[dreg:$0x3] =	wrdreg s17  }
0xb6: {  	[dreg:$0x4] =	wrdreg $0x2200  }
0xb7: {  	[dreg:$0x5] =	wrdreg $0x9  }
0xb8: {  	_ =	task.clear_ibuf [dreg:s8], $0x6FFFF;
	_ =	strace $0x90000046  }
0xb9: {  	s29 =	simm.s32 $0x9;
	_ =	strace $0x80000048  }
0xba: {  	_ =	swait.ge [sflag:s29], $0x1  }
0xbb: {  	[sflag:s29] =	ssyncadd.s32 $0xFFFFFFFF  }
0xbc: {  	_ =	strace $0x90000048  }
0xbd: {  	_ =	sfence  }
0xbe: {  	s30 =	sld [smem:$0x0];
	_ =	sdelay $0x2  }
0xbf: {  	s31 =	sshll.u32 s1, $0xD;
	s1 =	sshrl.u32 s1, $0x2  }
0xc0: {  	s3 =	sand.u32 $0x4000, s31;
	s1 =	sadd.s32 s1, s30  }
0xc1: {  	s0 =	sor.u32 s3, s0;
	s1 =	sshll.u32 s1, $0x11  }
0xc2: {  	s0 =	sor.u32 s1, s0  }
0xc3: {  	s0 =	sadd.s32 $0x8F2B, s0  }
0xc4: {  	[sflag:s0] =	ssyncadd.remote.s32 $0x1  }
0xc5: {  	_ =	sfence.sel $0xFFFF  }
0xc6: {  	[dreg:$0x0] =	wrdreg $0xFFFFFFFF;
	(pc) =	sbr.abs _section_cstart, $3  }
0xc7: {  	[dreg:$0x1] =	wrdreg $0xFFFFFFFF  }
0xc8: {  	_ =	task.clear_ibuf [dreg:s8], $0x2FFFF;
	_ =	strace $0x9FFFFFFF  }
0xc9: {  	(tm) =	ssettm $0x7FFFFFFF  }
tec
execute0_lowered:
.L_overlay_start_1:
0x0: {  	(tag) =	ssettag $0x1  }
0x1: {  	s2 =	rddreg [dreg:$0x0]  }
0x2: {  	s0 =	rddreg [dreg:$0x1]  }
0x3: {  	s3 =	rddreg [dreg:$0x2]  }
0x4: {  	s1 =	srdreg.scid;
	s8 =	stileid.u32;
	s4 =	simm.s32 $0x0  }
0x5: {  	s16 =	simm.s32 $0x7;
	s17 =	simm.s32 $0x80;
	s18 =	simm.s32 $0x100  }
0x6: {  	s19 =	simm.s32 $0x1;
	s20 =	simm.s32 $0x190;
	s21 =	simm.s32 $0x2  }
0x7: {  	s22 =	simm.s32 $0x3;
	s23 =	simm.s32 $0x4;
	s24 =	simm.s32 $0x5  }
0x8: {  	s25 =	simm.s32 $0x6;
	s28 =	simm.s32 $0x10;
	s9 =	smul.u32 $0x280, s8  }
0x9: {  	s29 =	simm.s32 $0x210;
	s1 =	sand.u32 $0x1, s1;
	s12 =	smul.u32 $0x4E20, s8  }
0xa: {  	s30 =	simm.s32 $0x0;
	s5 =	sshll.u32 s8, $0x1;
	s10 =	smul.u32 $0x2800, s1  }
0xb: {  	s5 =	sor.u32 s1, s5;
	s6 =	ssub.s32 $0x2, s1;
	s1 =	smul.u32 $0x2710, s1  }
0xc: {  	[smem:$0x7FF] =	sst s4;
	s5 =	smul.u32 $0x2710, s5;
	s7 =	sshrl.u32 s6, $0x1  }
0xd: {  	_ =	strace $0x80000047;
	s11 =	ssub.s32 s6, s7;
	s10 =	sadd.s32 s9, s10  }
0xe: {  	s1 =	sadd.s32 s1, s12;
	s26 =	sshrl.u32 s5, $0x3;
	s5 =	sadd.s32 s9, s3  }
0xf: {  	s10 =	sshrl.u32 s10, $0x3;
	s31 =	sadd.s32 $0x280, s1;
	s12 =	sadd.s32 $0x200, s1  }
0x10: {  	s11 =	smax.u32 s11, $0x1;
	s14 =	sadd.s32 $0x180, s1;
	s6 =	sadd.s32 s2, s26  }
0x11: {  	s10 =	sadd.s32 s0, s10;
	s0 =	sshrl.u32 s31, $0x3;
	s13 =	sshrl.u32 s12, $0x3  }
0x12: {  	s26 =	simm.s32 $0x180;
	s7 =	sadd.s32 $0x10, s6;
	s8 =	sadd.s32 $0x20, s6  }
0x13: {  	v0 =	vimm.f32 $0.0e+00;
	v1 =	vimm.f32 $1.000000000e+00;
	s9 =	sadd.s32 $0x4E0, s6;
	s12 =	sadd.s32 s0, s2;
	s13 =	sadd.s32 s13, s2  }
.LBB2_1:
0x14: {  	[tilespmem:$0x4A0] =	vst v0  }
0x15: {  	[tilespmem:$0x4B0] =	vst v0  }
0x16: {  	[tilespmem:$0x4C0] =	vst v0  }
0x17: {  	[tilespmem:$0x4D0] =	vst v0  }
0x18: {  	[tilespmem:$0x4E0] =	vst v0  }
0x19: {  	[tilespmem:$0x4F0] =	vst v0  }
0x1a: {  	[tilespmem:$0x500] =	vst v0  }
0x1b: {  	[tilespmem:$0x510] =	vst v0  }
0x1c: {  	[tilespmem:$0x520] =	vst v0  }
0x1d: {  	[tilespmem:$0x530] =	vst v0  }
0x1e: {  	[tilespmem:$0x540] =	vst v0  }
0x1f: {  	[tilespmem:$0x550] =	vst v0  }
0x20: {  	[tilespmem:$0x560] =	vst v0  }
0x21: {  	[tilespmem:$0x570] =	vst v0  }
0x22: {  	[tilespmem:$0x580] =	vst v0  }
0x23: {  	[tilespmem:$0x590] =	vst v0  }
0x24: {  	[tilespmem:$0x5A0] =	vst v0  }
0x25: {  	[tilespmem:$0x5B0] =	vst v0  }
0x26: {  	[tilespmem:$0x5C0] =	vst v0  }
0x27: {  	[tilespmem:$0x5D0] =	vst v0  }
0x28: {  	[tilespmem:$0x5E0] =	vst v0  }
0x29: {  	[tilespmem:$0x5F0] =	vst v0  }
0x2a: {  	[tilespmem:$0x600] =	vst v0  }
0x2b: {  	[tilespmem:$0x610] =	vst v0  }
0x2c: {  	[tilespmem:$0x620] =	vst v0  }
0x2d: {  	[tilespmem:$0x630] =	vst v0  }
0x2e: {  	[tilespmem:$0x640] =	vst v0  }
0x2f: {  	[tilespmem:$0x650] =	vst v0  }
0x30: {  	[tilespmem:$0x660] =	vst v0  }
0x31: {  	[tilespmem:$0x670] =	vst v0  }
0x32: {  	[tilespmem:$0x680] =	vst v0  }
0x33: {  	[tilespmem:$0x690] =	vst v0  }
0x34: {  	[tilespmem:$0x6A0] =	vst v0  }
0x35: {  	[tilespmem:$0x6B0] =	vst v0  }
0x36: {  	[tilespmem:$0x6C0] =	vst v0  }
0x37: {  	[tilespmem:$0x6D0] =	vst v0  }
0x38: {  	[tilespmem:$0x6E0] =	vst v0  }
0x39: {  	[tilespmem:$0x6F0] =	vst v0  }
0x3a: {  	[tilespmem:$0x700] =	vst v0  }
0x3b: {  	[tilespmem:$0x710] =	vst v0  }
0x3c: {  	[tilespmem:$0x190] =	vst v1  }
0x3d: {  	[tilespmem:$0x1A0] =	vst v1  }
0x3e: {  	[tilespmem:$0x1B0] =	vst v1  }
0x3f: {  	[tilespmem:$0x1C0] =	vst v1  }
0x40: {  	[tilespmem:$0x1D0] =	vst v1  }
0x41: {  	[tilespmem:$0x1E0] =	vst v1  }
0x42: {  	[tilespmem:$0x1F0] =	vst v1  }
0x43: {  	[tilespmem:$0x200] =	vst v1  }
0x44: {  	[tilespmem:$0x210] =	vst v1;
	s0 =	simm.s32 $0x4A0  }
0x45: {  	[spmem:s5] =	stream.linear.scatter [tilespmem:s0], [sflag:$0x7], $0x280, $0x38;
	[tilespmem:$0x720] =	vst v63  }
0x46: {  	_ =	swait.ge [sflag:s16], $0x280  }
0x47: {  	[sflag:s16] =	ssyncset.done $0x0  }
0x48: {  	[sflag:s16] =	ssyncadd.s32 $0xFFFFFD80  }
0x49: {  	[bflag:$0x0] =	sbarrier.arrive $0xFFFF  }
0x4a: {  	[tilespmem:s4], [sflag:$0x1] =	stream.linear.gather [hbm4b:s6+s4], $0x80, $0x38;
	[tilespmem:$0x720] =	vst v63  }
0x4b: {  	_ = 	snop  }
0x4c: {  	[tilespmem:s17], [sflag:$0x2] =	stream.linear.gather [hbm4b:s7+s4], $0x80, $0x38;
	[tilespmem:$0x720] =	vst v63  }
0x4d: {  	_ = 	snop  }
0x4e: {  	[tilespmem:s18], [sflag:$0x3] =	stream.linear.gather [hbm4b:s8+s4], $0x80, $0x38;
	[tilespmem:$0x720] =	vst v63  }
0x4f: {  	_ =	swait.ge [sflag:s19], $0x80  }
0x50: {  	[sflag:s19] =	ssyncset.done $0x0  }
0x51: {  	[sflag:s19] =	ssyncadd.s32 $0xFFFFFF80  }
0x52: {  	[spmem:s3] =	stream.indirect.scatter.add.f32 [tilespmem:s20], [sflag:$0x4], $0x1, s4, s17, $0xb8;
	[tilespmem:$0x720] =	vst v63  }
0x53: {  	_ =	swait.ge [sflag:s21], $0x80  }
0x54: {  	[sflag:s21] =	ssyncset.done $0x0  }
0x55: {  	[sflag:s21] =	ssyncadd.s32 $0xFFFFFF80  }
0x56: {  	[spmem:s3] =	stream.indirect.scatter.add.f32 [tilespmem:s20], [sflag:$0x5], $0x1, s17, s17, $0xb8;
	[tilespmem:$0x720] =	vst v63  }
0x57: {  	_ =	swait.ge [sflag:s22], $0x80  }
0x58: {  	[sflag:s22] =	ssyncset.done $0x0  }
0x59: {  	[sflag:s22] =	ssyncadd.s32 $0xFFFFFF80  }
0x5a: {  	[spmem:s3] =	stream.indirect.scatter.add.f32 [tilespmem:s20], [sflag:$0x6], $0x1, s18, s17, $0xb8;
	[tilespmem:$0x720] =	vst v63  }
0x5b: {  	_ =	swait.ge [sflag:s23], $0x80  }
0x5c: {  	s1 =	sshrl.u32 s14, $0x3;
	[sflag:s23] =	ssyncset.done $0x0  }
0x5d: {  	s0 =	sadd.s32 s2, s1;
	[sflag:s23] =	ssyncadd.s32 $0xFFFFFF80  }
0x5e: {  	[tilespmem:s4], [sflag:$0x1] =	stream.linear.gather [hbm4b:s0+s4], $0x80, $0x38;
	[tilespmem:$0x720] =	vst v63  }
0x5f: {  	_ =	swait.ge [sflag:s24], $0x80  }
0x60: {  	[sflag:s24] =	ssyncset.done $0x0  }
0x61: {  	s15 =	sadd.s32 $0x0, s13;
	[sflag:s24] =	ssyncadd.s32 $0xFFFFFF80  }
0x62: {  	[tilespmem:s17], [sflag:$0x2] =	stream.linear.gather [hbm4b:s15+s4], $0x80, $0x38;
	[tilespmem:$0x720] =	vst v63  }
0x63: {  	_ =	swait.ge [sflag:s25], $0x80  }
0x64: {  	s31 =	simm.s32 $0x30;
	[sflag:s25] =	ssyncset.done $0x0  }
0x65: {  	s1 =	sadd.s32 $0x0, s12;
	s0 =	sadd.s32 $0x180, s14;
	[sflag:s25] =	ssyncadd.s32 $0xFFFFFF80  }
.LBB2_2:
0x66: {  	[tilespmem:s18], [sflag:$0x3] =	stream.linear.gather [hbm4b:s1+s4], $0x80, $0x38;
	[tilespmem:$0x720] =	vst v63  }
0x67: {  	s1 =	smov.u32 s31  }
0x68: {  	p0 =	sne.s32 s31, $0x480;
	s31 =	sadd.s32 $0x30, s31;
	_ =	swait.ge [sflag:s19], $0x80  }
0x69: {  	[sflag:s19] =	ssyncset.done $0x0  }
0x6a: {  	[sflag:s19] =	ssyncadd.s32 $0xFFFFFF80  }
0x6b: {  	[spmem:s3] =	stream.indirect.scatter.add.f32 [tilespmem:s20], [sflag:$0x4], $0x1, s4, s17, $0xb8;
	[tilespmem:$0x720] =	vst v63  }
0x6c: {  	_ =	swait.ge [sflag:s21], $0x80  }
0x6d: {  	[sflag:s21] =	ssyncset.done $0x0  }
0x6e: {  	[sflag:s21] =	ssyncadd.s32 $0xFFFFFF80  }
0x6f: {  	[spmem:s3] =	stream.indirect.scatter.add.f32 [tilespmem:s20], [sflag:$0x5], $0x1, s17, s17, $0xb8;
	[tilespmem:$0x720] =	vst v63  }
0x70: {  	_ =	swait.ge [sflag:s22], $0x80  }
0x71: {  	[sflag:s22] =	ssyncset.done $0x0  }
0x72: {  	[sflag:s22] =	ssyncadd.s32 $0xFFFFFF80  }
0x73: {  	[spmem:s3] =	stream.indirect.scatter.add.f32 [tilespmem:s20], [sflag:$0x6], $0x1, s18, s17, $0xb8;
	[tilespmem:$0x720] =	vst v63  }
0x74: {  	_ =	swait.ge [sflag:s23], $0x80  }
0x75: {  	s15 =	sshrl.u32 s0, $0x3;
	[sflag:s23] =	ssyncset.done $0x0  }
0x76: {  	s15 =	sadd.s32 s2, s15;
	[sflag:s23] =	ssyncadd.s32 $0xFFFFFF80  }
0x77: {  	[tilespmem:s4], [sflag:$0x1] =	stream.linear.gather [hbm4b:s15+s4], $0x80, $0x38;
	[tilespmem:$0x720] =	vst v63  }
0x78: {  	_ =	swait.ge [sflag:s24], $0x80  }
0x79: {  	[sflag:s24] =	ssyncset.done $0x0  }
.Ltmp0:
0x7a: {  	s15 =	sadd.s32 s1, s13;
	[sflag:s24] =	ssyncadd.s32 $0xFFFFFF80;
	(pc) =	sbr.rel @p0 .LBB2_2-.Ltmp0, $4  }
0x7b: {  	[tilespmem:s17], [sflag:$0x2] =	stream.linear.gather [hbm4b:s15+s4], $0x80, $0x38;
	[tilespmem:$0x720] =	vst v63  }
0x7c: {  	_ =	swait.ge [sflag:s25], $0x80  }
0x7d: {  	[sflag:s25] =	ssyncset.done $0x0  }
0x7e: {  	s0 =	sadd.s32 $0x180, s0;
	s1 =	sadd.s32 s1, s12;
	[sflag:s25] =	ssyncadd.s32 $0xFFFFFF80  }
0x7f: {  	[tilespmem:s18], [sflag:$0x3] =	stream.linear.gather [hbm4b:s1+s4], $0x80, $0x38;
	[tilespmem:$0x720] =	vst v63  }
0x80: {  	_ =	swait.ge [sflag:s19], $0x80  }
0x81: {  	[sflag:s19] =	ssyncset.done $0x0  }
0x82: {  	[sflag:s19] =	ssyncadd.s32 $0xFFFFFF80  }
0x83: {  	[spmem:s3] =	stream.indirect.scatter.add.f32 [tilespmem:s20], [sflag:$0x4], $0x1, s4, s17, $0xb8;
	[tilespmem:$0x720] =	vst v63  }
0x84: {  	_ =	swait.ge [sflag:s21], $0x80  }
0x85: {  	[sflag:s21] =	ssyncset.done $0x0  }
0x86: {  	[sflag:s21] =	ssyncadd.s32 $0xFFFFFF80  }
0x87: {  	[spmem:s3] =	stream.indirect.scatter.add.f32 [tilespmem:s20], [sflag:$0x5], $0x1, s17, s17, $0xb8;
	[tilespmem:$0x720] =	vst v63  }
0x88: {  	_ =	swait.ge [sflag:s22], $0x80  }
0x89: {  	[sflag:s22] =	ssyncset.done $0x0  }
0x8a: {  	[sflag:s22] =	ssyncadd.s32 $0xFFFFFF80  }
0x8b: {  	[spmem:s3] =	stream.indirect.scatter.add.f32 [tilespmem:s20], [sflag:$0x6], $0x1, s18, s17, $0xb8;
	[tilespmem:$0x720] =	vst v63  }
0x8c: {  	_ =	swait.ge [sflag:s23], $0x80  }
0x8d: {  	[sflag:s23] =	ssyncset.done $0x0  }
0x8e: {  	[sflag:s23] =	ssyncadd.s32 $0xFFFFFF80  }
0x8f: {  	_ =	swait.ge [sflag:s24], $0x80  }
0x90: {  	[sflag:s24] =	ssyncset.done $0x0  }
0x91: {  	[sflag:s24] =	ssyncadd.s32 $0xFFFFFF80  }
0x92: {  	_ =	swait.ge [sflag:s25], $0x80  }
0x93: {  	[sflag:s25] =	ssyncset.done $0x0  }
0x94: {  	[sflag:s25] =	ssyncadd.s32 $0xFFFFFF80  }
0x95: {  	[tilespmem:s26], [sflag:$0x7] =	stream.linear.gather [hbm4b:s9+s4], $0x10, $0x38;
	[tilespmem:$0x720] =	vst v63  }
0x96: {  	_ =	swait.ge [sflag:s16], $0x10  }
0x97: {  	[sflag:s16] =	ssyncset.done $0x0  }
0x98: {  	[sflag:s16] =	ssyncadd.s32 $0xFFFFFFF0  }
0x99: {  	[spmem:s3] =	stream.indirect.scatter.add.f32 [tilespmem:s29], [sflag:$0x7], $0x1, s26, s28, $0xb8;
	[tilespmem:$0x720] =	vst v63  }
0x9a: {  	s0 =	stileid.u32;
	_ =	swait.ge [sflag:s16], $0x10  }
0x9b: {  	s31 =	sshrl.u32 s5, $0x3;
	s30 =	sadd.s32 $0x1, s30;
	[sflag:s16] =	ssyncset.done $0x0  }
0x9c: {  	s0 =	sshll.u32 s0, $0x6;
	p0 =	sne.s32 s30, s11;
	[sflag:s16] =	ssyncadd.s32 $0xFFFFFFF0  }
.Ltmp1:
0x9d: {  	s0 =	sor.u32 $0x1C07, s0;
	[bflag:$0x0] =	sbarrier.arrive $0xFFFF;
	(pc) =	sbr.rel @p0 .LBB2_1-.Ltmp1, $4  }
0x9e: {  	[hbm:s10], [sflag:s0] =	dma.local [spmem:s31], $0x50  }
0x9f: {  	_ =	swait.ge [sflag:s16], $0x50  }
0xa0: {  	[sflag:s16] =	ssyncset.done $0x0  }
0xa1: {  	[sflag:s16] =	ssyncadd.s32 $0xFFFFFFB0  }
0xa2: {  	_ =	sfence.sel $0x180000  }
0xa3: {  	[bflag:$0x0] =	sbarrier.arrive $0xFFFF  }
0xa4: {  	_ =	strace $0x90000047  }
0xa5: {  	s0 =	stileid.u32;
	[bflag:$0x2] =	sbarrier.arrive $0xFFFF  }
0xa6: {  	p0 =	sne.s32 s0, $0x0;
	s0 =	rddreg [dreg:$0x3]  }
0xa7: {  	s0 =	sadd.s32 @!p0 $0x100000, s0  }
0xa8: {  	[sflag:s0] =	ssyncadd.tile.s32 @!p0 $0x1;
	_ =	shalt  }
.Lfunc_end2:
_tile_overlayer_lowered:
.L_overlay_start_2:
0xa9: {  	(tag) =	ssettag $0x2  }
0xaa: {  	s0 =	rddreg [dreg:$0x0];
	s2 =	stileid.u32  }
0xab: {  	s1 =	rddreg [dreg:$0x1];
	p0 =	sne.s32 s2, $0x0  }
0xac: {  	s3 =	rddreg [dreg:$0x2];
	[bflag:$0x3] =	sbarrier.arrive $0xFFFF;
	s2 =	simm.s32 @!p0 $0x1C07  }
0xad: {  	[timem:s3], [sflag:s2] =	dma.local @!p0 [hbm:s0], s1  }
0xae: {  	s0 =	simm.s32 @!p0 $0x7  }
0xaf: {  	_ =	swait.ge @!p0 [sflag:s0], s1  }
0xb0: {  	s1 =	ssub.s32 @!p0 $0x0, s1;
	[sflag:s0] =	ssyncset.done @!p0 $0x0  }
0xb1: {  	[sflag:s0] =	ssyncadd.s32 @!p0 s1  }
0xb2: {  	[bflag:$0x3] =	sbarrier.arrive $0xFFFF  }
0xb3: {  	_ =	shalt  }

// kernel: kernel.8.cloned.1.call-start
scs
__scs_entry_jumppad:
0x0: {  	(pc) =	sbr.rel $0x88, $3  }
0x1: {  	(tag) =	ssettag $0x0;
	lr =	simm.s32 $0x1  }
0x2: {  	[smem:$0x3F9B] =	sst lr;
	_ =	strace $0xD0000000  }
0x3: {  	_ = 	snop  }
0x4: {  	_ = 	snop  }
0x5: {  	_ = 	snop  }
0x6: {  	_ = 	snop  }
0x7: {  	_ = 	snop  }
__scs_overlays_trampoline_lowered:
0x8: {  	[smem:$0x3FAA] =	sst s0  }
0x9: {  	[smem:$0x3FAB] =	sst s1  }
0xa: {  	[smem:$0x3FAC] =	sst s2  }
0xb: {  	[smem:$0x3FAD] =	sst s3  }
0xc: {  	[smem:$0x3FAE] =	sst s4  }
0xd: {  	[smem:$0x3FAF] =	sst s5  }
0xe: {  	[smem:$0x3FB0] =	sst s6  }
0xf: {  	[smem:$0x3FB1] =	sst s7  }
0x10: {  	[smem:$0x3FB2] =	sst s8  }
0x11: {  	[smem:$0x3FB3] =	sst s9;
	s0 =	simm.s32 @!p0 $0x0  }
0x12: {  	s1 =	sld [smem:$0x3F99];
	s0 =	simm.s32 @p0 $0x1  }
0x13: {  	[smem:$0x3FB4] =	sst s0;
	s0 =	simm.s32 @!p1 $0x0  }
0x14: {  	s2 =	sld [smem:$0x3F98];
	s0 =	simm.s32 @p1 $0x1  }
0x15: {  	[smem:$0x3FB5] =	sst s0;
	s0 =	simm.s32 @!p2 $0x0  }
0x16: {  	s3 =	sld [smem:$0x3FDB];
	s0 =	simm.s32 @p2 $0x1  }
0x17: {  	s4 =	simm.s32 $0x1BF5;
	[smem:$0x3FB7] =	sst s0  }
0x18: {  	s0 =	sld [smem:$0x3F9A];
	_ =	swait.ge [sflag:s4], $0x0  }
0x19: {  	s7 =	sld [smem:$0x3F9B]  }
0x1a: {  	s8 =	sadd.s32 $0xFFFFE003, lr  }
0x1b: {  	s9 =	sadd.s32 $0xFFFFFEF7, lr;
	s5 =	simm.s32 $0xFFFFFFFF;
	p2 =	slt.u32 s8, $0xFFFFF086  }
0x1c: {  	p1 =	slt.u32 s9, $0xF7A;
	s5 =	simm.s32 @!p2 $0x0  }
0x1d: {  	s5 =	simm.s32 @p1 $0x1;
	p0 =	seq.s32 s7, s2  }
0x1e: {  	s7 =	smul.u32 @!p0 $0xF7A, s2;
	p2 =	seq.s32 @!p0 s5, $0x0  }
0x1f: {  	s9 =	smul.u32 $0xF7A, s1;
	s8 =	simm.s32 @!p0 $0x1BF5;
	p2 =	por !p2, p0  }
0x20: {  	[sflag:s8] =	ssyncset.s32 @!p0 $0xFFFFF086;
	s6 =	sadd.s32 @!p0 s3, s7;
	s7 =	simm.s32 @!p0 $0x108  }
0x21: {  	s3 =	sadd.s32 s3, s9;
	s6 =	sadd.s32 @!p0 $0x88, s6;
	s7 =	simm.s32 @p2 $0x1082  }
0x22: {  	[simem:s7], [sflag:s8] =	dma.local @!p0 [hbm:s6], $0xF7A  }
0x23: {  	s9 =	sor.u32 $0xD0000000, s2;
	s6 =	simm.s32 $0x108;
	_ =	swait.ge @!p0 [sflag:s8], $0x0  }
0x24: {  	s3 =	sadd.s32 $0x88, s3;
	s6 =	simm.s32 @!p1 $0x1082;
	[sflag:s4] =	ssyncset.s32 $0xFFFFF086  }
0x25: {  	[simem:s6], [sflag:s4] =	dma.local [hbm:s3], $0xF7A  }
0x26: {  	[smem:$0x3F9B] =	sst s1;
	(tag) =	ssettag s2;
	_ =	strace s9  }
0x27: {  	s1 =	sld [smem:$0x3FAB]  }
0x28: {  	s2 =	sld [smem:$0x3FAC]  }
0x29: {  	s4 =	sld [smem:$0x3FAE]  }
0x2a: {  	p0 =	seq.s32 s5, $0x0;
	s5 =	sld [smem:$0x3FAF]  }
0x2b: {  	s6 =	sld [smem:$0x3FB0]  }
0x2c: {  	s7 =	sld [smem:$0x3FB1]  }
0x2d: {  	s3 =	simm.s32 $0x108;
	s8 =	sld [smem:$0x3FB2]  }
0x2e: {  	s3 =	simm.s32 @!p0 $0x1082;
	s9 =	sld [smem:$0x3FB3]  }
0x2f: {  	lr =	sadd.s32 s0, s3;
	s0 =	sld [smem:$0x3FAA]  }
0x30: {  	s3 =	sld [smem:$0x3FAD]  }
0x31: {  	[smem:$0x3FB6] =	sst s10  }
0x32: {  	s10 =	sld [smem:$0x3FB4];
	_ =	sdelay $0x3  }
0x33: {  	p0 =	seq.s32 s10, $0x1;
	s10 =	sld [smem:$0x3FB6];
	_ =	sdelay $0x3  }
0x34: {  	[smem:$0x3FB6] =	sst s10  }
0x35: {  	s10 =	sld [smem:$0x3FB5];
	_ =	sdelay $0x3  }
0x36: {  	p1 =	seq.s32 s10, $0x1;
	s10 =	sld [smem:$0x3FB6];
	_ =	sdelay $0x3  }
0x37: {  	[smem:$0x3FB6] =	sst s10  }
0x38: {  	s10 =	sld [smem:$0x3FB7]  }
0x39: {  	_ = 	snop;
	(pc) =	sbr.ind lr, $3  }
0x3a: {  	_ = 	snop  }
0x3b: {  	_ = 	snop  }
0x3c: {  	p2 =	seq.s32 s10, $0x1;
	s10 =	sld [smem:$0x3FB6]  }
0x3d: {  	_ =	shalt  }
0x3e: {  	_ =	shalt  }
0x3f: {  	_ =	shalt  }
0x40: {  	_ =	shalt  }
0x41: {  	_ =	shalt  }
0x42: {  	_ =	shalt  }
0x43: {  	_ =	shalt  }
0x44: {  	_ =	shalt  }
0x45: {  	_ =	shalt  }
0x46: {  	_ =	shalt  }
0x47: {  	_ =	shalt  }
0x48: {  	_ =	shalt  }
0x49: {  	_ =	shalt  }
0x4a: {  	_ =	shalt  }
0x4b: {  	_ =	shalt  }
0x4c: {  	_ =	shalt  }
0x4d: {  	_ =	shalt  }
0x4e: {  	_ =	shalt  }
0x4f: {  	_ =	shalt  }
0x50: {  	_ =	shalt  }
0x51: {  	_ =	shalt  }
0x52: {  	_ =	shalt  }
0x53: {  	_ =	shalt  }
0x54: {  	_ =	shalt  }
0x55: {  	_ =	shalt  }
0x56: {  	_ =	shalt  }
0x57: {  	_ =	shalt  }
0x58: {  	_ =	shalt  }
0x59: {  	_ =	shalt  }
0x5a: {  	_ =	shalt  }
0x5b: {  	_ =	shalt  }
0x5c: {  	_ =	shalt  }
0x5d: {  	_ =	shalt  }
0x5e: {  	_ =	shalt  }
0x5f: {  	_ =	shalt  }
0x60: {  	_ =	shalt  }
0x61: {  	_ =	shalt  }
0x62: {  	_ =	shalt  }
0x63: {  	_ =	shalt  }
0x64: {  	_ =	shalt  }
0x65: {  	_ =	shalt  }
0x66: {  	_ =	shalt  }
0x67: {  	_ =	shalt  }
0x68: {  	_ =	shalt  }
0x69: {  	_ =	shalt  }
0x6a: {  	_ =	shalt  }
0x6b: {  	_ =	shalt  }
0x6c: {  	_ =	shalt  }
0x6d: {  	_ =	shalt  }
0x6e: {  	_ =	shalt  }
0x6f: {  	_ =	shalt  }
0x70: {  	_ =	shalt  }
0x71: {  	_ =	shalt  }
0x72: {  	_ =	shalt  }
0x73: {  	_ =	shalt  }
0x74: {  	_ =	shalt  }
0x75: {  	_ =	shalt  }
0x76: {  	_ =	shalt  }
0x77: {  	_ =	shalt  }
0x78: {  	_ =	shalt  }
0x79: {  	_ =	shalt  }
0x7a: {  	_ =	shalt  }
0x7b: {  	_ =	shalt  }
0x7c: {  	_ =	shalt  }
0x7d: {  	_ =	shalt  }
0x7e: {  	_ =	shalt  }
0x7f: {  	_ =	shalt  }
0x80: {  	_ =	shalt  }
0x81: {  	_ =	shalt  }
0x82: {  	_ =	shalt  }
0x83: {  	_ =	shalt  }
0x84: {  	_ =	shalt  }
0x85: {  	_ =	shalt  }
0x86: {  	_ =	shalt  }
0x87: {  	_ =	shalt  }
.Lfunc_end0:
.L_simem_size_0:
called_computation.1_lowered:
.L_overlay_start_0:
0x88: {  	s2 =	sld [smem:$0x3FD9]  }
0x89: {  	s3 =	sld [smem:$0x3FFE];
	_ =	sdelay $0x1  }
0x8a: {  	s1 =	srdreg.scid  }
0x8b: {  	s0 =	sand.u32 $0x1, s1  }
0x8c: {  	s14 =	sshll.u32 s0, $0xA;
	s2 =	sadd.s32 s3, s2  }
0x8d: {  	s2 =	sadd.s32 s2, s14  }
0x8e: {  	[smem:$0x3FC2] =	sst s2  }
0x8f: {  	_ = 	snop  }
0x90: {  	s2 =	sld [smem:$0x3FD0];
	_ =	sdelay $0x2  }
0x91: {  	s15 =	simm.s32 $0xA;
	s4 =	simm.s32 $0x10  }
0x92: {  	[smem:s4], [sflag:s15] =	dma.local [hbm:s2], $0x1  }
0x93: {  	_ =	swait.eq [sflag:s15], $0x1  }
0x94: {  	s16 =	sld [smem:$0x10];
	[sflag:s15] =	ssyncset.done $0x0  }
0x95: {  	s17 =	sld [smem:$0x11];
	[sflag:s15] =	ssyncadd.s32 $0xFFFFFFFF  }
0x96: {  	s18 =	sld [smem:$0x12];
	(tm) =	ssettm $0x1  }
0x97: {  	s5 =	sld [smem:$0x3FFB];
	_ =	sdelay $0x3  }
0x98: {  	_ =	strace s5  }
0x99: {  	s5 =	sld [smem:$0x3FFC];
	_ =	sdelay $0x3  }
0x9a: {  	_ =	strace s5  }
0x9b: {  	s5 =	sld [smem:$0x3FFD];
	_ =	sdelay $0x3  }
0x9c: {  	_ =	strace s5  }
0x9d: {  	_ =	strace $0x8FFFFFFF  }
0x9e: {  	s19 =	sld [smem:$0x3FDB];
	_ =	sdelay $0x1  }
0x9f: {  	s6 =	simm.s32 $_scs_section_size  }
0xa0: {  	s7 =	simm.s32 $_size__tile_overlayer_lowered;
	s8 =	simm.s32 $_tile_overlayer_lowered  }
0xa1: {  	s22 =	simm.s32 $0x1BFF;
	s21 =	sshll.u32 s8, $0x1;
	s5 =	sadd.s32 s6, s19  }
0xa2: {  	s9 =	simm.s32 $0x0;
	s20 =	sshll.u32 s7, $0x1;
	s7 =	sadd.s32 s21, s5  }
0xa3: {  	[timem:s9], [sflag:s22] =	dma.local [hbm:s7], s20  }
0xa4: {  	_ =	swait.ge [sflag:s22], s20  }
0xa5: {  	s6 =	ssub.s32 $0x0, s20;
	[sflag:s22] =	ssyncset.done $0x0  }
0xa6: {  	[sflag:s22] =	ssyncadd.s32 s6;
	_ =	sdelay $0x1  }
0xa7: {  	s23 =	simm.s32 $0x1B8B  }
0xa8: {  	_ =	swait.ge [sflag:s23], $0x1  }
0xa9: {  	[sflag:s23] =	ssyncset.done $0x0  }
0xaa: {  	s25 =	simm.s32 $0x1B8E;
	s24 =	sld [smem:$0x3FFE];
	[sflag:s23] =	ssyncadd.s32 $0xFFFFFFFF  }
0xab: {  	s26 =	simm.s32 $execute0_lowered;
	[smem:$0x3FD2] =	sst s25  }
0xac: {  	s7 =	sshll.u32 s26, $0x1;
	_ =	strace $0x80000049;
	[dreg:$0x1] =	wrdreg $0xFFFFFFFF  }
0xad: {  	s28 =	simm.s32 $_size_execute0_lowered;
	s5 =	sadd.s32 s5, s7;
	[dreg:$0x0] =	wrdreg $0x0  }
0xae: {  	s7 =	sshll.u32 s28, $0x1;
	[dreg:$0x2] =	wrdreg s5  }
0xaf: {  	[dreg:$0x3] =	wrdreg s7  }
0xb0: {  	[dreg:$0x4] =	wrdreg $0xC0  }
0xb1: {  	_ =	task [dreg:s9], $0x5FFFF  }
0xb2: {  	[dreg:$0x1] =	wrdreg $0xFFFFFFFF  }
0xb3: {  	[dreg:$0x0] =	wrdreg $0x60  }
0xb4: {  	[dreg:$0x2] =	wrdreg s24  }
0xb5: {  	[dreg:$0x3] =	wrdreg s18  }
0xb6: {  	[dreg:$0x4] =	wrdreg s16  }
0xb7: {  	[dreg:$0x5] =	wrdreg s17  }
0xb8: {  	[dreg:$0x6] =	wrdreg $0xE1400  }
0xb9: {  	[dreg:$0x7] =	wrdreg $0x181400  }
0xba: {  	[dreg:$0x8] =	wrdreg $0x9  }
0xbb: {  	_ =	task.clear_ibuf [dreg:s9], $0x9FFFF;
	_ =	strace $0x90000049  }
0xbc: {  	s29 =	simm.s32 $0x9;
	_ =	strace $0x8000004B  }
0xbd: {  	_ =	swait.ge [sflag:s29], $0x1  }
0xbe: {  	[sflag:s29] =	ssyncadd.s32 $0xFFFFFFFF  }
0xbf: {  	_ =	strace $0x9000004B  }
0xc0: {  	_ =	sfence  }
0xc1: {  	s30 =	sld [smem:$0x0];
	_ =	sdelay $0x2  }
0xc2: {  	s31 =	sshll.u32 s1, $0xD;
	s1 =	sshrl.u32 s1, $0x2  }
0xc3: {  	s3 =	sand.u32 $0x4000, s31;
	s1 =	sadd.s32 s1, s30  }
0xc4: {  	s0 =	sor.u32 s3, s0;
	s1 =	sshll.u32 s1, $0x11  }
0xc5: {  	s0 =	sor.u32 s1, s0  }
0xc6: {  	s0 =	sadd.s32 $0x8F2B, s0  }
0xc7: {  	[sflag:s0] =	ssyncadd.remote.s32 $0x1  }
0xc8: {  	_ =	sfence.sel $0xFFFF  }
0xc9: {  	[dreg:$0x0] =	wrdreg $0xFFFFFFFF;
	(pc) =	sbr.abs _section_cstart, $3  }
0xca: {  	[dreg:$0x1] =	wrdreg $0xFFFFFFFF  }
0xcb: {  	_ =	task.clear_ibuf [dreg:s9], $0x2FFFF;
	_ =	strace $0x9FFFFFFF  }
0xcc: {  	(tm) =	ssettm $0x7FFFFFFF  }
0xcd: {  	_ =	shalt  }
tec
execute0_lowered:
.L_overlay_start_1:
0x0: {  	(tag) =	ssettag $0x1  }
0x1: {  	s5 =	rddreg [dreg:$0x0]  }
0x2: {  	s3 =	rddreg [dreg:$0x1]  }
0x3: {  	s4 =	rddreg [dreg:$0x2]  }
0x4: {  	s0 =	rddreg [dreg:$0x3];
	s22 =	stileid.u32  }
0x5: {  	s2 =	srdreg.scid;
	s1 =	simm.s32 $0x0;
	s14 =	smul.u32 $0x4E20, s22  }
0x6: {  	s6 =	sand.u32 $0x1, s2;
	[smem:$0x7FF] =	sst s1;
	s16 =	smul.u32 $0x280, s22  }
0x7: {  	s8 =	sadd.s32 $0x2000, s5;
	s11 =	sadd.s32 $0x33E00, s5;
	s13 =	smul.u32 $0x500, s22  }
0x8: {  	s28 =	smul.u32 $0x9C4, s22;
	s7 =	ssub.s32 $0x2, s6;
	p0 =	seq.s32 s6, $0x0  }
0x9: {  	p1 =	sne.s32 s6, $0x0;
	s6 =	sadd.s32 $0x1FE00, s5;
	s9 =	sshrl.u32 s7, $0x1  }
0xa: {  	s10 =	sshrl.u32 s14, $0x3;
	s13 =	sadd.s32 s11, s13;
	s24 =	sadd.s32 $0x100, s16  }
0xb: {  	s25 =	sadd.s32 $0x180, s16;
	s2 =	ssub.s32 s7, s9;
	s15 =	sadd.s32 $0x9C0, s10  }
0xc: {  	s17 =	sadd.s32 s8, s10;
	s18 =	sadd.s32 s3, s10;
	[dreg:$0xd] =	wrdreg s13  }
0xd: {  	s19 =	sadd.s32 $0x10, s10;
	s21 =	sadd.s32 $0x20, s10;
	[dreg:$0x9] =	wrdreg s17  }
0xe: {  	s14 =	sshll.u32 s24, $0x1;
	s12 =	sadd.s32 s8, s15;
	[dreg:$0xa] =	wrdreg s18  }
0xf: {  	s9 =	sadd.s32 $0x200, s16;
	s7 =	sadd.s32 s3, s15;
	[dreg:$0x7] =	wrdreg s12  }
0x10: {  	s26 =	sshll.u32 s25, $0x1;
	s20 =	sadd.s32 s8, s19;
	[dreg:$0x8] =	wrdreg s7  }
0x11: {  	s14 =	sadd.s32 s11, s14;
	s15 =	sshll.u32 s9, $0x1;
	[dreg:$0xb] =	wrdreg s20  }
0x12: {  	s30 =	sadd.s32 s8, s21;
	s17 =	sadd.s32 s28, s3;
	[dreg:$0xf] =	wrdreg s14  }
0x13: {  	s18 =	sadd.s32 s28, s8;
	s8 =	sshll.u32 s24, $0x3;
	[dreg:$0x12] =	wrdreg s30  }
0x14: {  	s28 =	smul.u32 $0x1400, s22;
	s12 =	sadd.s32 $0x80, s16;
	s16 =	rddreg [dreg:$0x4]  }
0x15: {  	s7 =	sadd.s32 s3, s19;
	s14 =	sadd.s32 s11, s26;
	s19 =	rddreg [dreg:$0x5]  }
0x16: {  	s20 =	sadd.s32 $0x38E00, s5;
	[dreg:$0xc] =	wrdreg s7;
	s23 =	sshll.u32 s12, $0x1  }
0x17: {  	[dreg:$0x10] =	wrdreg s14;
	s7 =	sadd.s32 s3, s21;
	s3 =	sadd.s32 $0xBE00, s5  }
0x18: {  	s21 =	sadd.s32 $0x4CE00, s5;
	s10 =	sadd.s32 s11, s23;
	[dreg:$0x13] =	wrdreg s7  }
0x19: {  	s14 =	sshll.u32 s12, $0x6;
	s11 =	sadd.s32 s11, s15;
	[dreg:$0xe] =	wrdreg s10  }
0x1a: {  	s5 =	sadd.s32 s14, s16;
	s15 =	sshll.u32 s24, $0x6;
	[dreg:$0x11] =	wrdreg s11  }
0x1b: {  	s7 =	sadd.s32 s15, s16;
	_ =	strace $0x8000004A;
	[dreg:$0x14] =	wrdreg s5  }
0x1c: {  	s26 =	sadd.s32 s4, s8;
	[dreg:$0x15] =	wrdreg s7  }
0x1d: {  	s23 =	sshll.u32 s12, $0x3;
	s14 =	sadd.s32 s6, s28;
	[dreg:$0x19] =	wrdreg s26  }
0x1e: {  	s15 =	sadd.s32 s20, s23;
	[dreg:$0x1d] =	wrdreg s14  }
0x1f: {  	s2 =	smax.u32 s2, $0x1;
	s10 =	sshll.u32 s25, $0x6;
	[dreg:$0x1e] =	wrdreg s15  }
0x20: {  	s10 =	sadd.s32 s10, s16;
	[smem:$0x7EE] =	sst s2  }
0x21: {  	s7 =	sshll.u32 s25, $0x3;
	s25 =	sadd.s32 s4, s23;
	[dreg:$0x16] =	wrdreg s10  }
0x22: {  	s23 =	sadd.s32 s6, s23;
	[dreg:$0x18] =	wrdreg s25  }
0x23: {  	s30 =	sadd.s32 s4, s7;
	[dreg:$0x1f] =	wrdreg s23  }
0x24: {  	s25 =	sadd.s32 s20, s8;
	[dreg:$0x1a] =	wrdreg s30  }
0x25: {  	s28 =	smul.u32 $0x7800, s22;
	s8 =	sadd.s32 s6, s8;
	[smem:$0x7D9] =	sst s25  }
0x26: {  	s26 =	sadd.s32 s20, s7;
	[smem:$0x7DA] =	sst s8  }
0x27: {  	s14 =	sadd.s32 $0x4800, s28;
	s7 =	sadd.s32 s6, s7;
	[smem:$0x7DB] =	sst s26  }
0x28: {  	s13 =	sshrl.u32 s28, $0x3;
	s15 =	sadd.s32 s14, s19;
	[smem:$0x7DC] =	sst s7  }
0x29: {  	s10 =	sshll.u32 s9, $0x3;
	s23 =	sadd.s32 s21, s13;
	[smem:$0x7E2] =	sst s15  }
0x2a: {  	s5 =	smul.u32 $0xA000, s22;
	s6 =	sadd.s32 s6, s10;
	[smem:$0x7E4] =	sst s23  }
0x2b: {  	s29 =	simm.s32 $0x2300;
	s30 =	sadd.s32 s20, s10;
	[smem:$0x7DD] =	sst s6  }
0x2c: {  	s11 =	sshrl.u32 s5, $0x3;
	s15 =	sadd.s32 s5, s16;
	[smem:$0x7DE] =	sst s30  }
0x2d: {  	s31 =	simm.s32 $0x3;
	s24 =	sadd.s32 s4, s11;
	[smem:$0x7F6] =	sst s15  }
0x2e: {  	s8 =	sadd.s32 $0x6000, s28;
	s4 =	sadd.s32 s4, s10;
	[dreg:$0x17] =	wrdreg s24  }
0x2f: {  	s9 =	sshll.u32 s9, $0x6;
	s22 =	sadd.s32 s8, s19;
	[dreg:$0x1b] =	wrdreg s4  }
0x30: {  	s4 =	sadd.s32 s9, s16;
	s24 =	smul.u32 $0x30, s12;
	[smem:$0x7E3] =	sst s22  }
0x31: {  	s9 =	sadd.s32 $0x3000, s28;
	s12 =	sadd.s32 s28, s19;
	[dreg:$0x1c] =	wrdreg s4  }
0x32: {  	s8 =	sshrl.u32 s8, $0x3;
	s10 =	sadd.s32 s9, s19;
	[smem:$0x7E1] =	sst s12  }
0x33: {  	s6 =	sshrl.u32 s9, $0x3;
	s7 =	sadd.s32 s24, s19;
	[smem:$0x7E0] =	sst s10  }
0x34: {  	s22 =	sadd.s32 $0x8000, s5;
	s25 =	sadd.s32 s21, s6;
	[smem:$0x7DF] =	sst s7  }
0x35: {  	s9 =	sshrl.u32 s14, $0x3;
	s26 =	sadd.s32 s0, s6;
	[smem:$0x7E8] =	sst s25  }
0x36: {  	s14 =	sadd.s32 $0x6000, s5;
	s28 =	sadd.s32 s21, s9;
	[smem:$0x7E9] =	sst s26  }
0x37: {  	s4 =	sshrl.u32 s24, $0x3;
	s30 =	sadd.s32 s0, s9;
	[smem:$0x7EA] =	sst s28  }
0x38: {  	s6 =	sadd.s32 $0x2000, s5;
	s9 =	sadd.s32 s3, s11;
	[smem:$0x7EB] =	sst s30  }
0x39: {  	s23 =	sshrl.u32 s14, $0x3;
	s7 =	sadd.s32 s0, s13;
	[smem:$0x7F0] =	sst s9  }
0x3a: {  	s24 =	sadd.s32 s21, s4;
	s4 =	sadd.s32 s0, s4;
	[smem:$0x7E5] =	sst s7  }
0x3b: {  	s0 =	sadd.s32 s0, s8;
	s25 =	sshrl.u32 s22, $0x3;
	[smem:$0x7E6] =	sst s24  }
0x3c: {  	s30 =	sadd.s32 s22, s16;
	s9 =	simm.s32 $0x0;
	[smem:$0x7E7] =	sst s4  }
0x3d: {  	[smem:$0x7EC] =	sst s0;
	s4 =	sadd.s32 s21, s8;
	s7 =	sadd.s32 s20, s11  }
0x3e: {  	s8 =	sshrl.u32 s6, $0x3;
	s11 =	sadd.s32 $0x4000, s5;
	[smem:$0x7FD] =	sst s30  }
0x3f: {  	s0 =	sadd.s32 s6, s16;
	s24 =	sadd.s32 s3, s23;
	[smem:$0x7ED] =	sst s4  }
0x40: {  	s5 =	sadd.s32 s20, s23;
	s26 =	sadd.s32 s3, s25;
	[smem:$0x7EF] =	sst s7  }
0x41: {  	s28 =	sadd.s32 s20, s25;
	s6 =	simm.s32 $0x100;
	[smem:$0x7F3] =	sst s0  }
0x42: {  	s23 =	simm.s32 $0x1;
	s25 =	simm.s32 $0x5;
	[smem:$0x7F8] =	sst s24  }
0x43: {  	s10 =	sadd.s32 s3, s8;
	s2 =	sadd.s32 s20, s8;
	[smem:$0x7F9] =	sst s5  }
0x44: {  	s12 =	sshrl.u32 s11, $0x3;
	s4 =	sadd.s32 s11, s16;
	[smem:$0x7FB] =	sst s26  }
0x45: {  	[smem:$0x7FC] =	sst s28;
	s5 =	simm.s32 $0x200;
	s7 =	simm.s32 $0x280  }
0x46: {  	s8 =	simm.s32 $0x7;
	s11 =	simm.s32 $0x300;
	[smem:$0x7F1] =	sst s10  }
0x47: {  	s24 =	simm.s32 $0xB;
	s26 =	simm.s32 $0x6;
	[smem:$0x7F2] =	sst s2  }
.Ltmp0:
0x48: {  	s13 =	sadd.s32 s3, s12;
	s0 =	sadd.s32 s20, s12;
	(pc) =	sbr.rel .LBB2_1-.Ltmp0, $4  }
0x49: {  	[smem:$0x7F7] =	sst s4;
	s4 =	simm.s32 $0x80;
	s10 =	simm.s32 $0x8  }
0x4a: {  	s12 =	simm.s32 $0x9;
	s2 =	simm.s32 $0x4;
	[smem:$0x7F4] =	sst s13  }
0x4b: {  	[smem:$0x7F5] =	sst s0;
	s0 =	sadd.s32 s14, s16;
	s13 =	simm.s32 $0x6300  }
0x4c: {  	s14 =	simm.s32 $0x7B00;
	[smem:$0x7FA] =	sst s0;
	s0 =	simm.s32 $0xC  }
.LBB2_32:
0x4d: {  	s9 =	sld [smem:$0x7D8]  }
0x4e: {  	s3 =	sld [smem:$0x7EE];
	_ =	sdelay $0x1  }
0x4f: {  	s9 =	sadd.s32 $0x1, s9  }
0x50: {  	p2 =	sne.s32 s9, s3  }
.Ltmp1:
0x51: {  	_ = 	snop;
	(pc) =	sbr.rel @!p2 .LBB2_33-.Ltmp1, $1  }
0x52: {  	_ =	sdelay $0x3  }
.LBB2_1:
0x53: {  	s15 =	sld [smem:$0x7F0];
	_ =	sdelay $0x1  }
0x54: {  	[smem:$0x7D8] =	sst s9;
	s3 =	simm.s32 @p0 $0x0;
	s9 =	simm.s32 @p0 $0x300  }
0x55: {  	[tilespmem:s9], [sflag:$0x14] =	stream.linear.gather @p0 [hbm4b:s15+s3], $0x2000, $0x38;
	[tilespmem:$0x1F940] =	vst v63  }
0x56: {  	s15 =	simm.s32 @p0 $0x14  }
0x57: {  	_ =	swait.ge @p0 [sflag:s15], $0x2000  }
0x58: {  	s22 =	sld [smem:$0x7EF]  }
0x59: {  	[sflag:s15] =	ssyncset.done @p0 $0x0  }
0x5a: {  	[sflag:s15] =	ssyncadd.s32 @p0 $0xFFFFE000  }
0x5b: {  	[hbm4b:s22+s3] =	stream.linear.scatter @p0 [tilespmem:s9], [sflag:$0x14], $0x2000, $0x38;
	[tilespmem:$0x1F940] =	vst v63  }
0x5c: {  	_ =	swait.ge @p0 [sflag:s15], $0x2000  }
0x5d: {  	s22 =	sld [smem:$0x7F6]  }
0x5e: {  	[sflag:s15] =	ssyncset.done @p0 $0x0  }
0x5f: {  	[sflag:s15] =	ssyncadd.s32 @p0 $0xFFFFE000  }
0x60: {  	[spmem:s22] =	stream.linear.scatter @p0 [tilespmem:s9], [sflag:$0x14], $0x2000, $0x38;
	[tilespmem:$0x1F940] =	vst v63  }
0x61: {  	_ =	swait.ge @p0 [sflag:s15], $0x2000  }
0x62: {  	s22 =	sld [smem:$0x7F1]  }
0x63: {  	[sflag:s15] =	ssyncset.done @p0 $0x0  }
0x64: {  	[sflag:s15] =	ssyncadd.s32 @p0 $0xFFFFE000  }
0x65: {  	[tilespmem:s9], [sflag:$0x14] =	stream.linear.gather @p0 [hbm4b:s22+s3], $0x2000, $0x38;
	[tilespmem:$0x1F940] =	vst v63  }
0x66: {  	_ =	swait.ge @p0 [sflag:s15], $0x2000  }
0x67: {  	s22 =	sld [smem:$0x7F2]  }
0x68: {  	[sflag:s15] =	ssyncset.done @p0 $0x0  }
0x69: {  	[sflag:s15] =	ssyncadd.s32 @p0 $0xFFFFE000  }
0x6a: {  	[hbm4b:s22+s3] =	stream.linear.scatter @p0 [tilespmem:s9], [sflag:$0x14], $0x2000, $0x38;
	[tilespmem:$0x1F940] =	vst v63  }
0x6b: {  	_ =	swait.ge @p0 [sflag:s15], $0x2000  }
0x6c: {  	s22 =	sld [smem:$0x7F3]  }
0x6d: {  	[sflag:s15] =	ssyncset.done @p0 $0x0  }
0x6e: {  	[sflag:s15] =	ssyncadd.s32 @p0 $0xFFFFE000  }
0x6f: {  	[spmem:s22] =	stream.linear.scatter @p0 [tilespmem:s9], [sflag:$0x14], $0x2000, $0x38;
	[tilespmem:$0x1F940] =	vst v63  }
0x70: {  	_ =	swait.ge @p0 [sflag:s15], $0x2000  }
0x71: {  	s22 =	sld [smem:$0x7F4]  }
0x72: {  	[sflag:s15] =	ssyncset.done @p0 $0x0  }
0x73: {  	[sflag:s15] =	ssyncadd.s32 @p0 $0xFFFFE000  }
0x74: {  	[tilespmem:s9], [sflag:$0x14] =	stream.linear.gather @p0 [hbm4b:s22+s3], $0x2000, $0x38;
	[tilespmem:$0x1F940] =	vst v63  }
0x75: {  	_ =	swait.ge @p0 [sflag:s15], $0x2000  }
0x76: {  	s22 =	sld [smem:$0x7F5]  }
0x77: {  	[sflag:s15] =	ssyncset.done @p0 $0x0  }
0x78: {  	[sflag:s15] =	ssyncadd.s32 @p0 $0xFFFFE000  }
0x79: {  	[hbm4b:s22+s3] =	stream.linear.scatter @p0 [tilespmem:s9], [sflag:$0x14], $0x2000, $0x38;
	[tilespmem:$0x1F940] =	vst v63  }
0x7a: {  	_ =	swait.ge @p0 [sflag:s15], $0x2000  }
0x7b: {  	s22 =	sld [smem:$0x7F7]  }
0x7c: {  	[sflag:s15] =	ssyncset.done @p0 $0x0  }
0x7d: {  	[sflag:s15] =	ssyncadd.s32 @p0 $0xFFFFE000  }
0x7e: {  	[spmem:s22] =	stream.linear.scatter @p0 [tilespmem:s9], [sflag:$0x14], $0x2000, $0x38;
	[tilespmem:$0x1F940] =	vst v63  }
0x7f: {  	_ =	swait.ge @p0 [sflag:s15], $0x2000  }
0x80: {  	s22 =	sld [smem:$0x7F8]  }
0x81: {  	[sflag:s15] =	ssyncset.done @p0 $0x0  }
0x82: {  	[sflag:s15] =	ssyncadd.s32 @p0 $0xFFFFE000  }
0x83: {  	[tilespmem:s9], [sflag:$0x14] =	stream.linear.gather @p0 [hbm4b:s22+s3], $0x2000, $0x38;
	[tilespmem:$0x1F940] =	vst v63  }
0x84: {  	_ =	swait.ge @p0 [sflag:s15], $0x2000  }
0x85: {  	s22 =	sld [smem:$0x7F9]  }
0x86: {  	[sflag:s15] =	ssyncset.done @p0 $0x0  }
0x87: {  	[sflag:s15] =	ssyncadd.s32 @p0 $0xFFFFE000  }
0x88: {  	[hbm4b:s22+s3] =	stream.linear.scatter @p0 [tilespmem:s9], [sflag:$0x14], $0x2000, $0x38;
	[tilespmem:$0x1F940] =	vst v63  }
0x89: {  	_ =	swait.ge @p0 [sflag:s15], $0x2000  }
0x8a: {  	s22 =	sld [smem:$0x7FA]  }
0x8b: {  	[sflag:s15] =	ssyncset.done @p0 $0x0  }
0x8c: {  	[sflag:s15] =	ssyncadd.s32 @p0 $0xFFFFE000  }
0x8d: {  	[spmem:s22] =	stream.linear.scatter @p0 [tilespmem:s9], [sflag:$0x14], $0x2000, $0x38;
	[tilespmem:$0x1F940] =	vst v63  }
0x8e: {  	_ =	swait.ge @p0 [sflag:s15], $0x2000  }
0x8f: {  	s22 =	sld [smem:$0x7FB]  }
0x90: {  	[sflag:s15] =	ssyncset.done @p0 $0x0  }
0x91: {  	[sflag:s15] =	ssyncadd.s32 @p0 $0xFFFFE000  }
0x92: {  	[tilespmem:s9], [sflag:$0x14] =	stream.linear.gather @p0 [hbm4b:s22+s3], $0x2000, $0x38;
	[tilespmem:$0x1F940] =	vst v63  }
0x93: {  	_ =	swait.ge @p0 [sflag:s15], $0x2000  }
0x94: {  	s22 =	sld [smem:$0x7FC]  }
0x95: {  	[sflag:s15] =	ssyncset.done @p0 $0x0  }
0x96: {  	[sflag:s15] =	ssyncadd.s32 @p0 $0xFFFFE000  }
0x97: {  	[hbm4b:s22+s3] =	stream.linear.scatter @p0 [tilespmem:s9], [sflag:$0x14], $0x2000, $0x38;
	[tilespmem:$0x1F940] =	vst v63  }
0x98: {  	_ =	swait.ge @p0 [sflag:s15], $0x2000  }
0x99: {  	s3 =	sld [smem:$0x7FD]  }
0x9a: {  	[sflag:s15] =	ssyncset.done @p0 $0x0  }
0x9b: {  	[sflag:s15] =	ssyncadd.s32 @p0 $0xFFFFE000  }
0x9c: {  	[spmem:s3] =	stream.linear.scatter @p0 [tilespmem:s9], [sflag:$0x14], $0x2000, $0x38;
	[tilespmem:$0x1F940] =	vst v63  }
0x9d: {  	_ =	swait.ge @p0 [sflag:s15], $0x2000  }
0x9e: {  	[sflag:s15] =	ssyncset.done @p0 $0x0  }
0x9f: {  	[sflag:s15] =	ssyncadd.s32 @p0 $0xFFFFE000;
	s15 =	sld [smem:$0x7E5];
	_ =	sdelay $0x1  }
0xa0: {  	s3 =	simm.s32 @!p0 $0x0;
	s9 =	simm.s32 @!p0 $0x6300  }
0xa1: {  	[tilespmem:s9], [sflag:$0x14] =	stream.linear.gather @!p0 [hbm4b:s15+s3], $0x1800, $0x38;
	[tilespmem:$0x1F940] =	vst v63  }
0xa2: {  	s15 =	simm.s32 @!p0 $0x14  }
0xa3: {  	_ =	swait.ge @!p0 [sflag:s15], $0x1800  }
0xa4: {  	s22 =	sld [smem:$0x7E4]  }
0xa5: {  	[sflag:s15] =	ssyncset.done @!p0 $0x0  }
0xa6: {  	[sflag:s15] =	ssyncadd.s32 @!p0 $0xFFFFE800  }
0xa7: {  	[hbm4b:s22+s3] =	stream.linear.scatter @!p0 [tilespmem:s9], [sflag:$0x14], $0x1800, $0x38;
	[tilespmem:$0x1F940] =	vst v63  }
0xa8: {  	_ =	swait.ge @!p0 [sflag:s15], $0x1800  }
0xa9: {  	s22 =	sld [smem:$0x7E1]  }
0xaa: {  	[sflag:s15] =	ssyncset.done @!p0 $0x0  }
0xab: {  	[sflag:s15] =	ssyncadd.s32 @!p0 $0xFFFFE800  }
0xac: {  	[spmem:s22] =	stream.linear.scatter @!p0 [tilespmem:s9], [sflag:$0x14], $0x1800, $0x38;
	[tilespmem:$0x1F940] =	vst v63  }
0xad: {  	_ =	swait.ge @!p0 [sflag:s15], $0x1800  }
0xae: {  	s22 =	sld [smem:$0x7E7]  }
0xaf: {  	[sflag:s15] =	ssyncset.done @!p0 $0x0  }
0xb0: {  	[sflag:s15] =	ssyncadd.s32 @!p0 $0xFFFFE800  }
0xb1: {  	[tilespmem:s9], [sflag:$0x14] =	stream.linear.gather @!p0 [hbm4b:s22+s3], $0x1800, $0x38;
	[tilespmem:$0x1F940] =	vst v63  }
0xb2: {  	_ =	swait.ge @!p0 [sflag:s15], $0x1800  }
0xb3: {  	s22 =	sld [smem:$0x7E6]  }
0xb4: {  	[sflag:s15] =	ssyncset.done @!p0 $0x0  }
0xb5: {  	[sflag:s15] =	ssyncadd.s32 @!p0 $0xFFFFE800  }
0xb6: {  	[hbm4b:s22+s3] =	stream.linear.scatter @!p0 [tilespmem:s9], [sflag:$0x14], $0x1800, $0x38;
	[tilespmem:$0x1F940] =	vst v63  }
0xb7: {  	_ =	swait.ge @!p0 [sflag:s15], $0x1800  }
0xb8: {  	s22 =	sld [smem:$0x7DF]  }
0xb9: {  	[sflag:s15] =	ssyncset.done @!p0 $0x0  }
0xba: {  	[sflag:s15] =	ssyncadd.s32 @!p0 $0xFFFFE800  }
0xbb: {  	[spmem:s22] =	stream.linear.scatter @!p0 [tilespmem:s9], [sflag:$0x14], $0x1800, $0x38;
	[tilespmem:$0x1F940] =	vst v63  }
0xbc: {  	_ =	swait.ge @!p0 [sflag:s15], $0x1800  }
0xbd: {  	s22 =	sld [smem:$0x7E9]  }
0xbe: {  	[sflag:s15] =	ssyncset.done @!p0 $0x0  }
0xbf: {  	[sflag:s15] =	ssyncadd.s32 @!p0 $0xFFFFE800  }
0xc0: {  	[tilespmem:s9], [sflag:$0x14] =	stream.linear.gather @!p0 [hbm4b:s22+s3], $0x1800, $0x38;
	[tilespmem:$0x1F940] =	vst v63  }
0xc1: {  	_ =	swait.ge @!p0 [sflag:s15], $0x1800  }
0xc2: {  	s22 =	sld [smem:$0x7E8]  }
0xc3: {  	[sflag:s15] =	ssyncset.done @!p0 $0x0  }
0xc4: {  	[sflag:s15] =	ssyncadd.s32 @!p0 $0xFFFFE800  }
0xc5: {  	[hbm4b:s22+s3] =	stream.linear.scatter @!p0 [tilespmem:s9], [sflag:$0x14], $0x1800, $0x38;
	[tilespmem:$0x1F940] =	vst v63  }
0xc6: {  	_ =	swait.ge @!p0 [sflag:s15], $0x1800  }
0xc7: {  	s22 =	sld [smem:$0x7E0]  }
0xc8: {  	[sflag:s15] =	ssyncset.done @!p0 $0x0  }
0xc9: {  	[sflag:s15] =	ssyncadd.s32 @!p0 $0xFFFFE800  }
0xca: {  	[spmem:s22] =	stream.linear.scatter @!p0 [tilespmem:s9], [sflag:$0x14], $0x1800, $0x38;
	[tilespmem:$0x1F940] =	vst v63  }
0xcb: {  	_ =	swait.ge @!p0 [sflag:s15], $0x1800  }
0xcc: {  	s22 =	sld [smem:$0x7EB]  }
0xcd: {  	[sflag:s15] =	ssyncset.done @!p0 $0x0  }
0xce: {  	[sflag:s15] =	ssyncadd.s32 @!p0 $0xFFFFE800  }
0xcf: {  	[tilespmem:s9], [sflag:$0x14] =	stream.linear.gather @!p0 [hbm4b:s22+s3], $0x1800, $0x38;
	[tilespmem:$0x1F940] =	vst v63  }
0xd0: {  	_ =	swait.ge @!p0 [sflag:s15], $0x1800  }
0xd1: {  	s22 =	sld [smem:$0x7EA]  }
0xd2: {  	[sflag:s15] =	ssyncset.done @!p0 $0x0  }
0xd3: {  	[sflag:s15] =	ssyncadd.s32 @!p0 $0xFFFFE800  }
0xd4: {  	[hbm4b:s22+s3] =	stream.linear.scatter @!p0 [tilespmem:s9], [sflag:$0x14], $0x1800, $0x38;
	[tilespmem:$0x1F940] =	vst v63  }
0xd5: {  	_ =	swait.ge @!p0 [sflag:s15], $0x1800  }
0xd6: {  	s22 =	sld [smem:$0x7E2]  }
0xd7: {  	[sflag:s15] =	ssyncset.done @!p0 $0x0  }
0xd8: {  	[sflag:s15] =	ssyncadd.s32 @!p0 $0xFFFFE800  }
0xd9: {  	[spmem:s22] =	stream.linear.scatter @!p0 [tilespmem:s9], [sflag:$0x14], $0x1800, $0x38;
	[tilespmem:$0x1F940] =	vst v63  }
0xda: {  	_ =	swait.ge @!p0 [sflag:s15], $0x1800  }
0xdb: {  	s22 =	sld [smem:$0x7EC]  }
0xdc: {  	[sflag:s15] =	ssyncset.done @!p0 $0x0  }
0xdd: {  	[sflag:s15] =	ssyncadd.s32 @!p0 $0xFFFFE800  }
0xde: {  	[tilespmem:s9], [sflag:$0x14] =	stream.linear.gather @!p0 [hbm4b:s22+s3], $0x1800, $0x38;
	[tilespmem:$0x1F940] =	vst v63  }
0xdf: {  	_ =	swait.ge @!p0 [sflag:s15], $0x1800  }
0xe0: {  	s22 =	sld [smem:$0x7ED]  }
0xe1: {  	[sflag:s15] =	ssyncset.done @!p0 $0x0  }
0xe2: {  	[sflag:s15] =	ssyncadd.s32 @!p0 $0xFFFFE800  }
0xe3: {  	[hbm4b:s22+s3] =	stream.linear.scatter @!p0 [tilespmem:s9], [sflag:$0x14], $0x1800, $0x38;
	[tilespmem:$0x1F940] =	vst v63  }
0xe4: {  	_ =	swait.ge @!p0 [sflag:s15], $0x1800  }
0xe5: {  	s3 =	sld [smem:$0x7E3]  }
0xe6: {  	[sflag:s15] =	ssyncset.done @!p0 $0x0  }
.Ltmp2:
0xe7: {  	[sflag:s15] =	ssyncadd.s32 @!p0 $0xFFFFE800;
	(pc) =	sbr.rel .LBB2_2-.Ltmp2, $4  }
0xe8: {  	[spmem:s3] =	stream.linear.scatter @!p0 [tilespmem:s9], [sflag:$0x14], $0x1800, $0x38;
	[tilespmem:$0x1F940] =	vst v63  }
0xe9: {  	_ =	swait.ge @!p0 [sflag:s15], $0x1800  }
0xea: {  	[sflag:s15] =	ssyncset.done @!p0 $0x0  }
0xeb: {  	s30 =	simm.s32 $0x0;
	s22 =	simm.s32 $0xCB00;
	[sflag:s15] =	ssyncadd.s32 @!p0 $0xFFFFE800  }
.LBB2_30:
0xec: {  	v2 =	vld [tilespmem:s15+$0xFFFFFFE0];
	s3 =	sshra.s32 s30, $0x2;
	[tilespmem:s9+$0x0] =	vst v1  }
0xed: {  	v1 =	vld [tilespmem:s3+$0xD940];
	_ =	sdelay $0x2  }
0xee: {  	s13 =	sadd.s32 $0x40, s28  }
0xef: {  	v3 =	vld [tilespmem:s13+$0xFFFFFFE0]  }
0xf0: {  	v2 =	vmul.f32 v2, v1;
	_ =	sdelay $0x1  }
0xf1: {  	v2 =	vmul.f32 $8.999999760e-01, v2;
	_ =	sdelay $0x1  }
0xf2: {  	v2 =	vadd.f32 v2, v3;
	_ =	sdelay $0x1  }
0xf3: {  	v3 =	vmul.f32 v2, v1;
	_ =	sdelay $0x1  }
0xf4: {  	v2 =	vpsel p2, v2, v3  }
0xf5: {  	[tilespmem:s15+$0xFFFFFFE0] =	vst v2  }
0xf6: {  	v2 =	vld [tilespmem:s13+$0xFFFFFFF0]  }
0xf7: {  	v0 =	vmul.f32 v0, v1;
	_ =	sdelay $0x1  }
0xf8: {  	v0 =	vmul.f32 $8.999999760e-01, v0;
	_ =	sdelay $0x1  }
0xf9: {  	v0 =	vadd.f32 v0, v2;
	_ =	sdelay $0x1  }
0xfa: {  	v62 =	vld [tilespmem:s15+$0x0];
	v2 =	vmul.f32 v0, v1;
	_ =	sdelay $0x1  }
0xfb: {  	v0 =	vpsel p2, v0, v2  }
0xfc: {  	[tilespmem:s15+$0xFFFFFFF0] =	vst v0  }
0xfd: {  	v0 =	vld [tilespmem:s13+$0x0]  }
0xfe: {  	v63 =	vmul.f32 v62, v1;
	_ =	sdelay $0x1  }
0xff: {  	v2 =	vmul.f32 $8.999999760e-01, v63;
	_ =	sdelay $0x1  }
0x100: {  	v0 =	vadd.f32 v2, v0;
	_ =	sdelay $0x1  }
0x101: {  	v1 =	vmul.f32 v0, v1;
	_ =	sdelay $0x1  }
0x102: {  	v0 =	vpsel p2, v0, v1  }
0x103: {  	[tilespmem:s15+$0x0] =	vst v0;
	s15 =	sld [smem:$0x7ED];
	_ =	sdelay $0x1  }
0x104: {  	s22 =	simm.s32 $0x6300;
	s28 =	sld [smem:$0x7E3]  }
0x105: {  	[hbm4b:s15+s1] =	stream.linear.scatter [tilespmem:s22], [sflag:$0x10], $0x1800, $0x38;
	[tilespmem:$0x1F940] =	vst v63  }
0x106: {  	s9 =	simm.s32 $0x11  }
0x107: {  	[spmem:s28] =	stream.linear.scatter [tilespmem:s22], [sflag:$0x12], $0x1800, $0x38;
	[tilespmem:$0x1F940] =	vst v63  }
0x108: {  	_ =	swait.ge [sflag:s9], $0x1800  }
0x109: {  	[sflag:s9] =	ssyncset.done $0x0  }
0x10a: {  	s15 =	simm.s32 $0x13;
	[sflag:s9] =	ssyncadd.s32 $0xFFFFE800  }
0x10b: {  	_ =	swait.ge [sflag:s15], $0x1800  }
0x10c: {  	[sflag:s15] =	ssyncset.done $0x0  }
0x10d: {  	s22 =	simm.s32 $0x10;
	[sflag:s15] =	ssyncadd.s32 $0xFFFFE800  }
0x10e: {  	_ =	swait.ge [sflag:s22], $0x1800  }
0x10f: {  	[sflag:s22] =	ssyncset.done $0x0  }
0x110: {  	s28 =	simm.s32 $0x12;
	[sflag:s22] =	ssyncadd.s32 $0xFFFFE800  }
0x111: {  	_ =	swait.ge [sflag:s28], $0x1800  }
0x112: {  	s29 =	simm.s32 $0x2300;
	s13 =	simm.s32 $0x6300;
	[sflag:s28] =	ssyncset.done $0x0  }
0x113: {  	s22 =	simm.s32 $0xCB00;
	s30 =	sld [smem:$0x7D7];
	[sflag:s28] =	ssyncadd.s32 $0xFFFFE800  }
.LBB2_31:
0x114: {  	_ =	sdelay $0x1  }
0x115: {  	s30 =	sadd.s32 $0x1, s30  }
0x116: {  	p2 =	sne.s32 s30, $0xA  }
.Ltmp3:
0x117: {  	_ = 	snop;
	(pc) =	sbr.rel @!p2 .LBB2_32-.Ltmp3, $1  }
0x118: {  	_ =	sdelay $0x3  }
.LBB2_2:
0x119: {  	[smem:$0x7D7] =	sst s30  }
0x11a: {  	[bflag:$0x0] =	sbarrier.arrive $0xFFFF  }
0x11b: {  	s3 =	rddreg [dreg:$0x7]  }
0x11c: {  	[tilespmem:s22], [sflag:$0xD] =	stream.linear.gather [hbm4b:s3+s1], $0x20, $0x38;
	[tilespmem:$0x1F940] =	vst v63  }
0x11d: {  	s9 =	simm.s32 $0xCB20;
	s30 =	rddreg [dreg:$0x8]  }
0x11e: {  	[tilespmem:s9], [sflag:$0xD] =	stream.linear.gather [hbm4b:s30+s1], $0x20, $0x38;
	[tilespmem:$0x1F940] =	vst v63  }
0x11f: {  	s15 =	rddreg [dreg:$0x9]  }
0x120: {  	[tilespmem:s1], [sflag:$0x7] =	stream.linear.gather [hbm4b:s15+s1], $0x80, $0x38;
	[tilespmem:$0x1F940] =	vst v63  }
0x121: {  	s28 =	rddreg [dreg:$0xa];
	s30 =	simm.s32 $0x180  }
0x122: {  	[tilespmem:s30], [sflag:$0xA] =	stream.linear.gather [hbm4b:s28+s1], $0x80, $0x38;
	[tilespmem:$0x1F940] =	vst v63  }
0x123: {  	s9 =	rddreg [dreg:$0xb]  }
0x124: {  	[tilespmem:s4], [sflag:$0x8] =	stream.linear.gather [hbm4b:s9+s1], $0x80, $0x38;
	[tilespmem:$0x1F940] =	vst v63  }
0x125: {  	s15 =	rddreg [dreg:$0xc]  }
0x126: {  	[tilespmem:s5], [sflag:$0xB] =	stream.linear.gather [hbm4b:s15+s1], $0x80, $0x38;
	[tilespmem:$0x1F940] =	vst v63  }
0x127: {  	s28 =	rddreg [dreg:$0x12]  }
0x128: {  	[tilespmem:s6], [sflag:$0x9] =	stream.linear.gather [hbm4b:s28+s1], $0x80, $0x38;
	[tilespmem:$0x1F940] =	vst v63  }
.Ltmp4:
0x129: {  	s30 =	rddreg [dreg:$0x13];
	(pc) =	sbr.rel @p1 .LBB2_6-.Ltmp4, $4  }
0x12a: {  	[tilespmem:s7], [sflag:$0xC] =	stream.linear.gather [hbm4b:s30+s1], $0x80, $0x38;
	[tilespmem:$0x1F940] =	vst v63  }
0x12b: {  	_ =	swait.ge [sflag:s8], $0x80  }
0x12c: {  	[sflag:s8] =	ssyncset.done $0x0  }
0x12d: {  	s9 =	simm.s32 $0x0;
	[sflag:s8] =	ssyncadd.s32 $0xFFFFFF80  }
0x12e: {  	[tilespmem:s11], [sflag:$0x1] =	stream.indirect.gather [hbm4b:s20+s4], $0x40, s9, s4, $0xb8;
	[tilespmem:$0x1F940] =	vst v63  }
0x12f: {  	_ =	swait.ge [sflag:s10], $0x80  }
0x130: {  	[sflag:s10] =	ssyncset.done $0x0  }
0x131: {  	[sflag:s10] =	ssyncadd.s32 $0xFFFFFF80  }
0x132: {  	[tilespmem:s29], [sflag:$0x2] =	stream.indirect.gather [hbm4b:s20+s4], $0x40, s4, s4, $0xb8;
	[tilespmem:$0x1F940] =	vst v63  }
0x133: {  	_ =	swait.ge [sflag:s12], $0x80  }
0x134: {  	[sflag:s12] =	ssyncset.done $0x0  }
0x135: {  	s3 =	simm.s32 $0x4300;
	s29 =	simm.s32 $0xD;
	[sflag:s12] =	ssyncadd.s32 $0xFFFFFF80  }
0x136: {  	[tilespmem:s3], [sflag:$0x3] =	stream.indirect.gather [hbm4b:s20+s4], $0x40, s6, s4, $0xb8;
	[tilespmem:$0x1F940] =	vst v63  }
0x137: {  	_ =	swait.ge [sflag:s29], $0x20  }
0x138: {  	[sflag:s29] =	ssyncset.done $0x0  }
0x139: {  	[sflag:s29] =	ssyncadd.s32 $0xFFFFFFE0  }
0x13a: {  	_ =	swait.ge [sflag:s29], $0x20  }
0x13b: {  	[sflag:s29] =	ssyncset.done $0x0  }
0x13c: {  	s30 =	simm.s32 $0x20;
	s15 =	simm.s32 $0xCB40;
	[sflag:s29] =	ssyncadd.s32 $0xFFFFFFE0  }
0x13d: {  	[tilespmem:s15], [sflag:$0xD] =	stream.indirect.gather [hbm4b:s20+s30], $0x40, s22, s30, $0xb8;
	[tilespmem:$0x1F940] =	vst v63  }
0x13e: {  	s22 =	simm.s32 $0x2300  }
.LBB2_4:
0x13f: {  	_ =	swait.ge [sflag:s23], $0x2000  }
0x140: {  	p2 =	seq.s32 s9, $0x990;
	[sflag:s23] =	ssyncset.done $0x0  }
0x141: {  	s3 =	simm.s32 @p2 $0xA;
	[sflag:s23] =	ssyncadd.s32 $0xFFFFE000  }
0x142: {  	_ =	swait.ge @p2 [sflag:s3], $0x80  }
0x143: {  	s15 =	simm.s32 @p2 $0x180;
	[sflag:s3] =	ssyncset.done @p2 $0x0  }
0x144: {  	s28 =	simm.s32 @p2 $0x300;
	[sflag:s3] =	ssyncadd.s32 @p2 $0xFFFFFF80;
	s3 =	simm.s32 @p2 $0x80  }
0x145: {  	[spmem:s16] =	stream.indirect.scatter.add.f32 @p2 [tilespmem:s28], [sflag:$0x4], $0x40, s15, s3, $0xb8;
	[tilespmem:$0x1F940] =	vst v63  }
0x146: {  	s3 =	simm.s32 @p2 $0x2  }
0x147: {  	_ =	swait.ge @p2 [sflag:s3], $0x2000  }
0x148: {  	s15 =	sadd.s32 @!p2 s9, s18;
	[sflag:s3] =	ssyncset.done @p2 $0x0  }
0x149: {  	s28 =	simm.s32 @!p2 $0x0;
	[sflag:s3] =	ssyncadd.s32 @p2 $0xFFFFE000;
	s3 =	sadd.s32 @!p2 $0x30, s15  }
0x14a: {  	[tilespmem:s28], [sflag:$0x7] =	stream.linear.gather @!p2 [hbm4b:s3+s28], $0x80, $0x38;
	[tilespmem:$0x1F940] =	vst v63  }
0x14b: {  	s3 =	simm.s32 @!p2 $0xA  }
0x14c: {  	_ =	swait.ge @!p2 [sflag:s3], $0x80  }
0x14d: {  	s29 =	simm.s32 @!p2 $0x180;
	[sflag:s3] =	ssyncset.done @!p2 $0x0  }
0x14e: {  	s30 =	simm.s32 @!p2 $0x300;
	[sflag:s3] =	ssyncadd.s32 @!p2 $0xFFFFFF80;
	s3 =	simm.s32 @!p2 $0x80  }
0x14f: {  	[spmem:s16] =	stream.indirect.scatter.add.f32 @!p2 [tilespmem:s30], [sflag:$0x4], $0x40, s29, s3, $0xb8;
	[tilespmem:$0x1F940] =	vst v63  }
0x150: {  	s29 =	simm.s32 @!p2 $0x2  }
0x151: {  	_ =	swait.ge @!p2 [sflag:s29], $0x2000  }
0x152: {  	[sflag:s29] =	ssyncset.done @!p2 $0x0  }
0x153: {  	s15 =	sadd.s32 @!p2 $0x40, s15;
	[sflag:s29] =	ssyncadd.s32 @!p2 $0xFFFFE000  }
0x154: {  	[tilespmem:s3], [sflag:$0x8] =	stream.linear.gather @!p2 [hbm4b:s15+s28], $0x80, $0x38;
	[tilespmem:$0x1F940] =	vst v63  }
0x155: {  	_ =	swait.ge [sflag:s24], $0x80  }
0x156: {  	[sflag:s24] =	ssyncset.done $0x0  }
.Ltmp5:
0x157: {  	[sflag:s24] =	ssyncadd.s32 $0xFFFFFF80;
	(pc) =	sbr.rel @p2 .LBB2_9-.Ltmp5, $4  }
0x158: {  	[spmem:s16] =	stream.indirect.scatter.add.f32 [tilespmem:s22], [sflag:$0x5], $0x40, s5, s4, $0xb8;
	[tilespmem:$0x1F940] =	vst v63  }
0x159: {  	_ =	swait.ge [sflag:s31], $0x2000  }
0x15a: {  	[sflag:s31] =	ssyncset.done $0x0  }
0x15b: {  	s29 =	simm.s32 $0x2300;
	[sflag:s31] =	ssyncadd.s32 $0xFFFFE000  }
0x15c: {  	s3 =	sadd.s32 s9, s18  }
0x15d: {  	s3 =	sadd.s32 $0x50, s3  }
0x15e: {  	[tilespmem:s6], [sflag:$0x9] =	stream.linear.gather [hbm4b:s3+s1], $0x80, $0x38;
	[tilespmem:$0x1F940] =	vst v63  }
0x15f: {  	_ =	swait.ge [sflag:s0], $0x80  }
0x160: {  	[sflag:s0] =	ssyncset.done $0x0  }
0x161: {  	s22 =	simm.s32 $0x4300;
	[sflag:s0] =	ssyncadd.s32 $0xFFFFFF80  }
0x162: {  	[spmem:s16] =	stream.indirect.scatter.add.f32 [tilespmem:s22], [sflag:$0x6], $0x40, s7, s4, $0xb8;
	[tilespmem:$0x1F940] =	vst v63  }
0x163: {  	_ =	swait.ge [sflag:s2], $0x2000  }
0x164: {  	s3 =	sadd.s32 s9, s17;
	[sflag:s2] =	ssyncset.done $0x0  }
0x165: {  	s28 =	simm.s32 $0x180;
	s15 =	sadd.s32 $0x30, s3;
	[sflag:s2] =	ssyncadd.s32 $0xFFFFE000  }
0x166: {  	[tilespmem:s28], [sflag:$0xA] =	stream.linear.gather [hbm4b:s15+s1], $0x80, $0x38;
	[tilespmem:$0x1F940] =	vst v63  }
0x167: {  	_ =	swait.ge [sflag:s8], $0x80  }
0x168: {  	[sflag:s8] =	ssyncset.done $0x0  }
0x169: {  	[sflag:s8] =	ssyncadd.s32 $0xFFFFFF80  }
0x16a: {  	[tilespmem:s11], [sflag:$0x1] =	stream.indirect.gather [hbm4b:s20+s4], $0x40, s1, s4, $0xb8;
	[tilespmem:$0x1F940] =	vst v63  }
0x16b: {  	_ =	swait.ge [sflag:s25], $0x2000  }
0x16c: {  	[sflag:s25] =	ssyncset.done $0x0  }
0x16d: {  	s30 =	sadd.s32 $0x40, s3;
	[sflag:s25] =	ssyncadd.s32 $0xFFFFE000  }
0x16e: {  	[tilespmem:s5], [sflag:$0xB] =	stream.linear.gather [hbm4b:s30+s1], $0x80, $0x38;
	[tilespmem:$0x1F940] =	vst v63  }
0x16f: {  	_ =	swait.ge [sflag:s10], $0x80  }
0x170: {  	[sflag:s10] =	ssyncset.done $0x0  }
0x171: {  	[sflag:s10] =	ssyncadd.s32 $0xFFFFFF80  }
0x172: {  	[tilespmem:s29], [sflag:$0x2] =	stream.indirect.gather [hbm4b:s20+s4], $0x40, s4, s4, $0xb8;
	[tilespmem:$0x1F940] =	vst v63  }
0x173: {  	_ =	swait.ge [sflag:s26], $0x2000  }
0x174: {  	[sflag:s26] =	ssyncset.done $0x0  }
0x175: {  	s3 =	sadd.s32 $0x50, s3;
	[sflag:s26] =	ssyncadd.s32 $0xFFFFE000  }
0x176: {  	[tilespmem:s7], [sflag:$0xC] =	stream.linear.gather [hbm4b:s3+s1], $0x80, $0x38;
	[tilespmem:$0x1F940] =	vst v63  }
.Ltmp6:
0x177: {  	_ =	swait.ge [sflag:s12], $0x80;
	(pc) =	sbr.rel .LBB2_4-.Ltmp6, $4  }
0x178: {  	[sflag:s12] =	ssyncset.done $0x0  }
0x179: {  	[sflag:s12] =	ssyncadd.s32 $0xFFFFFF80  }
0x17a: {  	[tilespmem:s22], [sflag:$0x3] =	stream.indirect.gather [hbm4b:s20+s4], $0x40, s6, s4, $0xb8;
	[tilespmem:$0x1F940] =	vst v63  }
0x17b: {  	s9 =	sadd.s32 $0x30, s9;
	s22 =	simm.s32 $0x2300  }
.LBB2_6:
0x17c: {  	[tilespmem:s13], [sflag:$0x1] =	stream.indirect.gather [hbm4b:s21+s4], $0x30, s9, s4, $0xb8;
	[tilespmem:$0x1F940] =	vst v63  }
0x17d: {  	_ =	swait.ge [sflag:s10], $0x80  }
0x17e: {  	[sflag:s10] =	ssyncset.done $0x0  }
0x17f: {  	[sflag:s10] =	ssyncadd.s32 $0xFFFFFF80  }
0x180: {  	[tilespmem:s14], [sflag:$0x2] =	stream.indirect.gather [hbm4b:s21+s4], $0x30, s4, s4, $0xb8;
	[tilespmem:$0x1F940] =	vst v63  }
0x181: {  	_ =	swait.ge [sflag:s12], $0x80  }
0x182: {  	[sflag:s12] =	ssyncset.done $0x0  }
0x183: {  	s3 =	simm.s32 $0x9300;
	s29 =	simm.s32 $0xD;
	[sflag:s12] =	ssyncadd.s32 $0xFFFFFF80  }
0x184: {  	[tilespmem:s3], [sflag:$0x3] =	stream.indirect.gather [hbm4b:s21+s4], $0x30, s6, s4, $0xb8;
	[tilespmem:$0x1F940] =	vst v63  }
0x185: {  	_ =	swait.ge [sflag:s29], $0x20  }
0x186: {  	[sflag:s29] =	ssyncset.done $0x0  }
0x187: {  	[sflag:s29] =	ssyncadd.s32 $0xFFFFFFE0  }
0x188: {  	_ =	swait.ge [sflag:s29], $0x20  }
0x189: {  	[sflag:s29] =	ssyncset.done $0x0  }
0x18a: {  	s30 =	simm.s32 $0x20;
	s15 =	simm.s32 $0xD340;
	[sflag:s29] =	ssyncadd.s32 $0xFFFFFFE0  }
0x18b: {  	[tilespmem:s15], [sflag:$0xD] =	stream.indirect.gather [hbm4b:s21+s30], $0x30, s22, s30, $0xb8;
	[tilespmem:$0x1F940] =	vst v63  }
.LBB2_7:
0x18c: {  	_ =	swait.ge [sflag:s23], $0x1800  }
0x18d: {  	p2 =	seq.s32 s9, $0x990;
	[sflag:s23] =	ssyncset.done $0x0  }
0x18e: {  	s3 =	simm.s32 @p2 $0xA;
	[sflag:s23] =	ssyncadd.s32 $0xFFFFE800  }
0x18f: {  	_ =	swait.ge @p2 [sflag:s3], $0x80  }
0x190: {  	s15 =	simm.s32 @p2 $0x180;
	[sflag:s3] =	ssyncset.done @p2 $0x0  }
0x191: {  	s28 =	simm.s32 @p2 $0x6300;
	[sflag:s3] =	ssyncadd.s32 @p2 $0xFFFFFF80;
	s3 =	simm.s32 @p2 $0x80  }
0x192: {  	[spmem:s19] =	stream.indirect.scatter.add.f32 @p2 [tilespmem:s28], [sflag:$0x4], $0x30, s15, s3, $0xb8;
	[tilespmem:$0x1F940] =	vst v63  }
0x193: {  	s3 =	simm.s32 @p2 $0x2  }
0x194: {  	_ =	swait.ge @p2 [sflag:s3], $0x1800  }
0x195: {  	s15 =	sadd.s32 @!p2 s9, s18;
	[sflag:s3] =	ssyncset.done @p2 $0x0  }
0x196: {  	s28 =	simm.s32 @!p2 $0x0;
	[sflag:s3] =	ssyncadd.s32 @p2 $0xFFFFE800;
	s3 =	sadd.s32 @!p2 $0x30, s15  }
0x197: {  	[tilespmem:s28], [sflag:$0x7] =	stream.linear.gather @!p2 [hbm4b:s3+s28], $0x80, $0x38;
	[tilespmem:$0x1F940] =	vst v63  }
0x198: {  	s3 =	simm.s32 @!p2 $0xA  }
0x199: {  	_ =	swait.ge @!p2 [sflag:s3], $0x80  }
0x19a: {  	s29 =	simm.s32 @!p2 $0x180;
	[sflag:s3] =	ssyncset.done @!p2 $0x0  }
0x19b: {  	s30 =	simm.s32 @!p2 $0x6300;
	[sflag:s3] =	ssyncadd.s32 @!p2 $0xFFFFFF80;
	s3 =	simm.s32 @!p2 $0x80  }
0x19c: {  	[spmem:s19] =	stream.indirect.scatter.add.f32 @!p2 [tilespmem:s30], [sflag:$0x4], $0x30, s29, s3, $0xb8;
	[tilespmem:$0x1F940] =	vst v63  }
0x19d: {  	s29 =	simm.s32 @!p2 $0x2  }
0x19e: {  	_ =	swait.ge @!p2 [sflag:s29], $0x1800  }
0x19f: {  	[sflag:s29] =	ssyncset.done @!p2 $0x0  }
0x1a0: {  	s15 =	sadd.s32 @!p2 $0x40, s15;
	[sflag:s29] =	ssyncadd.s32 @!p2 $0xFFFFE800  }
0x1a1: {  	[tilespmem:s3], [sflag:$0x8] =	stream.linear.gather @!p2 [hbm4b:s15+s28], $0x80, $0x38;
	[tilespmem:$0x1F940] =	vst v63  }
0x1a2: {  	_ =	swait.ge [sflag:s24], $0x80  }
0x1a3: {  	[sflag:s24] =	ssyncset.done $0x0  }
.Ltmp7:
0x1a4: {  	[sflag:s24] =	ssyncadd.s32 $0xFFFFFF80;
	(pc) =	sbr.rel @p2 .LBB2_20-.Ltmp7, $4  }
0x1a5: {  	[spmem:s19] =	stream.indirect.scatter.add.f32 [tilespmem:s14], [sflag:$0x5], $0x30, s5, s4, $0xb8;
	[tilespmem:$0x1F940] =	vst v63  }
0x1a6: {  	_ =	swait.ge [sflag:s31], $0x1800  }
0x1a7: {  	[sflag:s31] =	ssyncset.done $0x0  }
0x1a8: {  	[sflag:s31] =	ssyncadd.s32 $0xFFFFE800  }
0x1a9: {  	s3 =	sadd.s32 s9, s18  }
0x1aa: {  	s3 =	sadd.s32 $0x50, s3  }
0x1ab: {  	[tilespmem:s6], [sflag:$0x9] =	stream.linear.gather [hbm4b:s3+s1], $0x80, $0x38;
	[tilespmem:$0x1F940] =	vst v63  }
0x1ac: {  	_ =	swait.ge [sflag:s0], $0x80  }
0x1ad: {  	[sflag:s0] =	ssyncset.done $0x0  }
0x1ae: {  	s28 =	simm.s32 $0x9300;
	[sflag:s0] =	ssyncadd.s32 $0xFFFFFF80  }
0x1af: {  	[spmem:s19] =	stream.indirect.scatter.add.f32 [tilespmem:s28], [sflag:$0x6], $0x30, s7, s4, $0xb8;
	[tilespmem:$0x1F940] =	vst v63  }
0x1b0: {  	_ =	swait.ge [sflag:s2], $0x1800  }
0x1b1: {  	s29 =	sadd.s32 s9, s17;
	[sflag:s2] =	ssyncset.done $0x0  }
0x1b2: {  	s22 =	simm.s32 $0x180;
	s15 =	sadd.s32 $0x30, s29;
	[sflag:s2] =	ssyncadd.s32 $0xFFFFE800  }
0x1b3: {  	[tilespmem:s22], [sflag:$0xA] =	stream.linear.gather [hbm4b:s15+s1], $0x80, $0x38;
	[tilespmem:$0x1F940] =	vst v63  }
0x1b4: {  	_ =	swait.ge [sflag:s8], $0x80  }
0x1b5: {  	[sflag:s8] =	ssyncset.done $0x0  }
0x1b6: {  	[sflag:s8] =	ssyncadd.s32 $0xFFFFFF80  }
0x1b7: {  	[tilespmem:s13], [sflag:$0x1] =	stream.indirect.gather [hbm4b:s21+s4], $0x30, s1, s4, $0xb8;
	[tilespmem:$0x1F940] =	vst v63  }
0x1b8: {  	_ =	swait.ge [sflag:s25], $0x1800  }
0x1b9: {  	[sflag:s25] =	ssyncset.done $0x0  }
0x1ba: {  	s30 =	sadd.s32 $0x40, s29;
	[sflag:s25] =	ssyncadd.s32 $0xFFFFE800  }
0x1bb: {  	[tilespmem:s5], [sflag:$0xB] =	stream.linear.gather [hbm4b:s30+s1], $0x80, $0x38;
	[tilespmem:$0x1F940] =	vst v63  }
0x1bc: {  	_ =	swait.ge [sflag:s10], $0x80  }
0x1bd: {  	[sflag:s10] =	ssyncset.done $0x0  }
0x1be: {  	[sflag:s10] =	ssyncadd.s32 $0xFFFFFF80  }
0x1bf: {  	[tilespmem:s14], [sflag:$0x2] =	stream.indirect.gather [hbm4b:s21+s4], $0x30, s4, s4, $0xb8;
	[tilespmem:$0x1F940] =	vst v63  }
0x1c0: {  	_ =	swait.ge [sflag:s26], $0x1800  }
0x1c1: {  	[sflag:s26] =	ssyncset.done $0x0  }
0x1c2: {  	s3 =	sadd.s32 $0x50, s29;
	[sflag:s26] =	ssyncadd.s32 $0xFFFFE800  }
0x1c3: {  	[tilespmem:s7], [sflag:$0xC] =	stream.linear.gather [hbm4b:s3+s1], $0x80, $0x38;
	[tilespmem:$0x1F940] =	vst v63  }
.Ltmp8:
0x1c4: {  	_ = 	snop;
	(pc) =	sbr.rel .LBB2_7-.Ltmp8, $4  }
0x1c5: {  	_ =	swait.ge [sflag:s12], $0x80  }
0x1c6: {  	[sflag:s12] =	ssyncset.done $0x0  }
0x1c7: {  	s9 =	sadd.s32 $0x30, s9;
	[sflag:s12] =	ssyncadd.s32 $0xFFFFFF80  }
0x1c8: {  	[tilespmem:s28], [sflag:$0x3] =	stream.indirect.gather [hbm4b:s21+s4], $0x30, s6, s4, $0xb8;
	[tilespmem:$0x1F940] =	vst v63  }
.LBB2_9:
0x1c9: {  	_ =	swait.ge [sflag:s0], $0x80  }
0x1ca: {  	[sflag:s0] =	ssyncset.done $0x0  }
0x1cb: {  	s28 =	simm.s32 $0x4300;
	[sflag:s0] =	ssyncadd.s32 $0xFFFFFF80  }
0x1cc: {  	[spmem:s16] =	stream.indirect.scatter.add.f32 [tilespmem:s28], [sflag:$0x6], $0x40, s7, s4, $0xb8;
	[tilespmem:$0x1F940] =	vst v63  }
0x1cd: {  	_ =	swait.ge [sflag:s2], $0x2000  }
0x1ce: {  	[sflag:s2] =	ssyncset.done $0x0  }
0x1cf: {  	[sflag:s2] =	ssyncadd.s32 $0xFFFFE000  }
0x1d0: {  	_ =	swait.ge [sflag:s25], $0x2000  }
0x1d1: {  	[sflag:s25] =	ssyncset.done $0x0  }
0x1d2: {  	[sflag:s25] =	ssyncadd.s32 $0xFFFFE000  }
0x1d3: {  	_ =	swait.ge [sflag:s26], $0x2000  }
0x1d4: {  	[sflag:s26] =	ssyncset.done $0x0  }
0x1d5: {  	s3 =	simm.s32 $0xD;
	[sflag:s26] =	ssyncadd.s32 $0xFFFFE000  }
0x1d6: {  	_ =	swait.ge [sflag:s3], $0x800  }
0x1d7: {  	s22 =	simm.s32 $0xCB20;
	[sflag:s3] =	ssyncset.done $0x0  }
0x1d8: {  	s9 =	simm.s32 $0x20;
	s15 =	simm.s32 $0xCB40;
	[sflag:s3] =	ssyncadd.s32 $0xFFFFF800  }
0x1d9: {  	[spmem:s16] =	stream.indirect.scatter.add.f32 [tilespmem:s15], [sflag:$0x14], $0x40, s22, s9, $0xb8;
	[tilespmem:$0x1F940] =	vst v63  }
0x1da: {  	s22 =	simm.s32 $0x14  }
0x1db: {  	_ =	swait.ge [sflag:s22], $0x800  }
0x1dc: {  	[sflag:s22] =	ssyncset.done $0x0  }
0x1dd: {  	[sflag:s22] =	ssyncadd.s32 $0xFFFFF800  }
0x1de: {  	[bflag:$0x0] =	sbarrier.arrive $0xFFFF  }
0x1df: {  	s3 =	simm.s32 $0x0;
	s15 =	rddreg [dreg:$0x17]  }
0x1e0: {  	[tilespmem:s28], [sflag:$0xE] =	stream.linear.gather [hbm4b:s15+s3], $0x2000, $0x38;
	[tilespmem:$0x1F940] =	vst v63  }
0x1e1: {  	s15 =	sld [smem:$0x7F6];
	_ =	sdelay $0x2  }
0x1e2: {  	[tilespmem:s11], [sflag:$0x14] =	stream.linear.gather [spmem:s15], $0x2000, $0x38;
	[tilespmem:$0x1F940] =	vst v63  }
0x1e3: {  	_ =	swait.ge [sflag:s22], $0x2000  }
0x1e4: {  	[sflag:s22] =	ssyncset.done $0x0  }
0x1e5: {  	s15 =	simm.s32 $0xAB00;
	s11 =	rddreg [dreg:$0x18];
	[sflag:s22] =	ssyncadd.s32 $0xFFFFE000  }
0x1e6: {  	[tilespmem:s15], [sflag:$0xF] =	stream.linear.gather [hbm4b:s11+s3], $0x2000, $0x38;
	[tilespmem:$0x1F940] =	vst v63  }
0x1e7: {  	s9 =	simm.s32 $0xD940;
	s11 =	rddreg [dreg:$0xd]  }
0x1e8: {  	[tilespmem:s9], [sflag:$0x14] =	stream.linear.gather [hbm4b:s11+s3], $0x800, $0x38;
	[tilespmem:$0x1F940] =	vst v63  }
0x1e9: {  	_ =	swait.ge [sflag:s22], $0x800  }
0x1ea: {  	[sflag:s22] =	ssyncset.done $0x0  }
0x1eb: {  	[sflag:s22] =	ssyncadd.s32 $0xFFFFF800;
	s22 =	simm.s32 $0xE  }
0x1ec: {  	_ =	swait.ge [sflag:s22], $0x2000  }
0x1ed: {  	[sflag:s22] =	ssyncset.done $0x0  }
0x1ee: {  	s15 =	simm.s32 $0x0;
	[sflag:s22] =	ssyncadd.s32 $0xFFFFE000  }
0x1ef: {  	v1 =	vld [tilespmem:s15+$0x330]  }
0x1f0: {  	v2 =	vld [tilespmem:s15+$0x320]  }
0x1f1: {  	v0 =	vld [tilespmem:s9+$0x0]  }
0x1f2: {  	v3 =	vld [tilespmem:s15+$0x310]  }
0x1f3: {  	v4 =	vld [tilespmem:s15+$0x300]  }
0x1f4: {  	v5 =	vld [tilespmem:s15+$0x4320]  }
0x1f5: {  	v6 =	vld [tilespmem:s15+$0x4330]  }
0x1f6: {  	v7 =	vld [tilespmem:s15+$0x4310];
	v1 =	vmul.f32 v1, v0  }
0x1f7: {  	v8 =	vld [tilespmem:s15+$0x4300];
	v2 =	vmul.f32 v2, v0;
	v3 =	vmul.f32 v3, v0  }
0x1f8: {  	v4 =	vmul.f32 v4, v0;
	v1 =	vmul.f32 $8.999999760e-01, v1  }
0x1f9: {  	s30 =	sld [smem:$0x7D7];
	v9 =	vmul.f32 $8.999999760e-01, v3  }
0x1fa: {  	v2 =	vmul.f32 $8.999999760e-01, v2;
	v10 =	vmul.f32 $8.999999760e-01, v4;
	v3 =	vadd.f32 v1, v6  }
0x1fb: {  	v1 =	vadd.f32 v9, v7  }
0x1fc: {  	s28 =	simm.s32 $0x100;
	p2 =	seq.s32 s30, $0x9;
	v4 =	vadd.f32 v2, v5;
	v2 =	vadd.f32 v10, v8;
	v5 =	vmul.f32 v3, v0  }
.LBB2_10:
0x1fd: {  	p3 =	sne.s32 s28, $0x7F00  }
0x1fe: {  	v6 =	vmul.f32 v4, v0;
	s9 =	sadd.s32 $0x10, s9;
	s3 =	smov.u32 s28;
	s28 =	sadd.s32 $0x100, s28  }
0x1ff: {  	v7 =	vmul.f32 v2, v0;
	v0 =	vmul.f32 v1, v0;
	v3 =	vpsel p2, v3, v5  }
0x200: {  	v4 =	vpsel p2, v4, v6;
	[tilespmem:s15+$0x330] =	vst v3  }
0x201: {  	s3 =	sshra.s32 s3, $0x2;
	v2 =	vpsel p2, v2, v7;
	v0 =	vpsel p2, v1, v0;
	[tilespmem:s15+$0x320] =	vst v4  }
0x202: {  	v1 =	vld [tilespmem:s3+$0x330];
	[tilespmem:s15+$0x300] =	vst v2  }
0x203: {  	v2 =	vld [tilespmem:s3+$0x320];
	[tilespmem:s15+$0x310] =	vst v0;
	s15 =	smov.u32 s3  }
0x204: {  	v0 =	vld [tilespmem:s9+$0x0]  }
0x205: {  	v3 =	vld [tilespmem:s15+$0x310]  }
0x206: {  	v4 =	vld [tilespmem:s15+$0x300]  }
0x207: {  	v5 =	vld [tilespmem:s15+$0x4320]  }
0x208: {  	v6 =	vld [tilespmem:s15+$0x4330]  }
0x209: {  	v7 =	vld [tilespmem:s15+$0x4310];
	v2 =	vmul.f32 v2, v0;
	v1 =	vmul.f32 v1, v0  }
0x20a: {  	v8 =	vld [tilespmem:s15+$0x4300];
	v3 =	vmul.f32 v3, v0  }
.Ltmp9:
0x20b: {  	v4 =	vmul.f32 v4, v0;
	v1 =	vmul.f32 $8.999999760e-01, v1;
	(pc) =	sbr.rel @p3 .LBB2_10-.Ltmp9, $4  }
0x20c: {  	v2 =	vmul.f32 $8.999999760e-01, v2;
	v9 =	vmul.f32 $8.999999760e-01, v3  }
0x20d: {  	v10 =	vmul.f32 $8.999999760e-01, v4;
	v3 =	vadd.f32 v1, v6  }
0x20e: {  	v4 =	vadd.f32 v2, v5;
	v1 =	vadd.f32 v9, v7  }
0x20f: {  	v2 =	vadd.f32 v10, v8;
	v5 =	vmul.f32 v3, v0  }
0x210: {  	v6 =	vmul.f32 v4, v0  }
0x211: {  	v7 =	vmul.f32 v2, v0;
	v3 =	vpsel p2, v3, v5  }
0x212: {  	v0 =	vmul.f32 v1, v0;
	v4 =	vpsel p2, v4, v6;
	[tilespmem:s15+$0x330] =	vst v3  }
0x213: {  	s9 =	sld [smem:$0x7EF];
	v2 =	vpsel p2, v2, v7;
	[tilespmem:s15+$0x320] =	vst v4  }
0x214: {  	v0 =	vpsel p2, v1, v0;
	[tilespmem:s15+$0x300] =	vst v2  }
0x215: {  	s3 =	simm.s32 $0x0;
	s22 =	sld [smem:$0x7F6];
	[tilespmem:s15+$0x310] =	vst v0;
	s15 =	simm.s32 $0x300  }
0x216: {  	[hbm4b:s9+s3] =	stream.linear.scatter [tilespmem:s15], [sflag:$0x10], $0x2000, $0x38;
	[tilespmem:$0x1F940] =	vst v63  }
0x217: {  	_ = 	snop  }
0x218: {  	[spmem:s22] =	stream.linear.scatter [tilespmem:s15], [sflag:$0x12], $0x2000, $0x38;
	[tilespmem:$0x1F940] =	vst v63  }
0x219: {  	s15 =	rddreg [dreg:$0x14];
	s22 =	simm.s32 $0x14  }
0x21a: {  	[tilespmem:s29], [sflag:$0x14] =	stream.linear.gather [spmem:s15], $0x2000, $0x38;
	[tilespmem:$0x1F940] =	vst v63  }
0x21b: {  	_ =	swait.ge [sflag:s22], $0x2000  }
0x21c: {  	[sflag:s22] =	ssyncset.done $0x0  }
0x21d: {  	s15 =	simm.s32 $0x4300;
	s9 =	rddreg [dreg:$0x19];
	[sflag:s22] =	ssyncadd.s32 $0xFFFFE000  }
0x21e: {  	[tilespmem:s15], [sflag:$0xE] =	stream.linear.gather [hbm4b:s9+s3], $0x2000, $0x38;
	[tilespmem:$0x1F940] =	vst v63  }
0x21f: {  	s15 =	simm.s32 $0xD940;
	s9 =	rddreg [dreg:$0xe]  }
0x220: {  	[tilespmem:s15], [sflag:$0x14] =	stream.linear.gather [hbm4b:s9+s3], $0x800, $0x38;
	[tilespmem:$0x1F940] =	vst v63  }
0x221: {  	_ =	swait.ge [sflag:s22], $0x800  }
0x222: {  	[sflag:s22] =	ssyncset.done $0x0  }
0x223: {  	[sflag:s22] =	ssyncadd.s32 $0xFFFFF800;
	s22 =	simm.s32 $0xF  }
0x224: {  	_ =	swait.ge [sflag:s22], $0x2000  }
0x225: {  	[sflag:s22] =	ssyncset.done $0x0  }
0x226: {  	s9 =	simm.s32 $0x0;
	[sflag:s22] =	ssyncadd.s32 $0xFFFFE000  }
0x227: {  	v1 =	vld [tilespmem:s9+$0x2330]  }
0x228: {  	v2 =	vld [tilespmem:s9+$0x2320]  }
0x229: {  	v0 =	vld [tilespmem:s15+$0x0]  }
0x22a: {  	v3 =	vld [tilespmem:s9+$0x2310]  }
0x22b: {  	v4 =	vld [tilespmem:s9+$0x2300]  }
0x22c: {  	v5 =	vld [tilespmem:s9+$0xAB20]  }
0x22d: {  	v6 =	vld [tilespmem:s9+$0xAB30]  }
0x22e: {  	v7 =	vld [tilespmem:s9+$0xAB10];
	v1 =	vmul.f32 v1, v0  }
0x22f: {  	v8 =	vld [tilespmem:s9+$0xAB00];
	v2 =	vmul.f32 v2, v0;
	v3 =	vmul.f32 v3, v0  }
0x230: {  	v4 =	vmul.f32 v4, v0;
	v1 =	vmul.f32 $8.999999760e-01, v1  }
0x231: {  	v9 =	vmul.f32 $8.999999760e-01, v3  }
0x232: {  	v2 =	vmul.f32 $8.999999760e-01, v2;
	v10 =	vmul.f32 $8.999999760e-01, v4;
	v3 =	vadd.f32 v1, v6  }
0x233: {  	v1 =	vadd.f32 v9, v7  }
0x234: {  	s11 =	simm.s32 $0x300;
	s28 =	simm.s32 $0x100;
	v4 =	vadd.f32 v2, v5;
	v2 =	vadd.f32 v10, v8;
	v5 =	vmul.f32 v3, v0  }
.LBB2_12:
0x235: {  	p3 =	sne.s32 s28, $0x7F00  }
0x236: {  	v6 =	vmul.f32 v4, v0;
	s15 =	sadd.s32 $0x10, s15;
	s3 =	smov.u32 s28;
	s28 =	sadd.s32 $0x100, s28  }
0x237: {  	v7 =	vmul.f32 v2, v0;
	v0 =	vmul.f32 v1, v0;
	v3 =	vpsel p2, v3, v5  }
0x238: {  	v4 =	vpsel p2, v4, v6;
	[tilespmem:s9+$0x2330] =	vst v3  }
0x239: {  	s3 =	sshra.s32 s3, $0x2;
	v2 =	vpsel p2, v2, v7;
	v0 =	vpsel p2, v1, v0;
	[tilespmem:s9+$0x2320] =	vst v4  }
0x23a: {  	v1 =	vld [tilespmem:s3+$0x2330];
	[tilespmem:s9+$0x2300] =	vst v2  }
0x23b: {  	v2 =	vld [tilespmem:s3+$0x2320];
	[tilespmem:s9+$0x2310] =	vst v0;
	s9 =	smov.u32 s3  }
0x23c: {  	v0 =	vld [tilespmem:s15+$0x0]  }
0x23d: {  	v3 =	vld [tilespmem:s9+$0x2310]  }
0x23e: {  	v4 =	vld [tilespmem:s9+$0x2300]  }
0x23f: {  	v5 =	vld [tilespmem:s9+$0xAB20]  }
0x240: {  	v6 =	vld [tilespmem:s9+$0xAB30]  }
0x241: {  	v7 =	vld [tilespmem:s9+$0xAB10];
	v2 =	vmul.f32 v2, v0;
	v1 =	vmul.f32 v1, v0  }
0x242: {  	v8 =	vld [tilespmem:s9+$0xAB00];
	v3 =	vmul.f32 v3, v0  }
.Ltmp10:
0x243: {  	v4 =	vmul.f32 v4, v0;
	v1 =	vmul.f32 $8.999999760e-01, v1;
	(pc) =	sbr.rel @p3 .LBB2_12-.Ltmp10, $4  }
0x244: {  	v2 =	vmul.f32 $8.999999760e-01, v2;
	v9 =	vmul.f32 $8.999999760e-01, v3  }
0x245: {  	v10 =	vmul.f32 $8.999999760e-01, v4;
	v3 =	vadd.f32 v1, v6  }
0x246: {  	v4 =	vadd.f32 v2, v5;
	v1 =	vadd.f32 v9, v7  }
0x247: {  	v2 =	vadd.f32 v10, v8;
	v5 =	vmul.f32 v3, v0  }
0x248: {  	v6 =	vmul.f32 v4, v0  }
0x249: {  	v7 =	vmul.f32 v2, v0;
	v3 =	vpsel p2, v3, v5  }
0x24a: {  	v0 =	vmul.f32 v1, v0;
	v4 =	vpsel p2, v4, v6;
	[tilespmem:s9+$0x2330] =	vst v3  }
0x24b: {  	v2 =	vpsel p2, v2, v7;
	[tilespmem:s9+$0x2320] =	vst v4  }
0x24c: {  	v0 =	vpsel p2, v1, v0;
	[tilespmem:s9+$0x2300] =	vst v2  }
0x24d: {  	s3 =	simm.s32 $0x0;
	s15 =	rddreg [dreg:$0x1e];
	[tilespmem:s9+$0x2310] =	vst v0  }
0x24e: {  	[hbm4b:s15+s3] =	stream.linear.scatter [tilespmem:s29], [sflag:$0x11], $0x2000, $0x38;
	[tilespmem:$0x1F940] =	vst v63  }
0x24f: {  	s22 =	rddreg [dreg:$0x14];
	s15 =	simm.s32 $0x10  }
0x250: {  	[spmem:s22] =	stream.linear.scatter [tilespmem:s29], [sflag:$0x13], $0x2000, $0x38;
	[tilespmem:$0x1F940] =	vst v63  }
0x251: {  	_ =	swait.ge [sflag:s15], $0x2000  }
0x252: {  	[sflag:s15] =	ssyncset.done $0x0  }
0x253: {  	s22 =	simm.s32 $0x12;
	[sflag:s15] =	ssyncadd.s32 $0xFFFFE000  }
0x254: {  	_ =	swait.ge [sflag:s22], $0x2000  }
0x255: {  	[sflag:s22] =	ssyncset.done $0x0  }
0x256: {  	s15 =	rddreg [dreg:$0x15];
	[sflag:s22] =	ssyncadd.s32 $0xFFFFE000  }
0x257: {  	[tilespmem:s11], [sflag:$0x14] =	stream.linear.gather [spmem:s15], $0x2000, $0x38;
	[tilespmem:$0x1F940] =	vst v63  }
0x258: {  	s11 =	simm.s32 $0x14  }
0x259: {  	_ =	swait.ge [sflag:s11], $0x2000  }
0x25a: {  	[sflag:s11] =	ssyncset.done $0x0  }
0x25b: {  	s15 =	simm.s32 $0xAB00;
	s22 =	rddreg [dreg:$0x1a];
	[sflag:s11] =	ssyncadd.s32 $0xFFFFE000  }
0x25c: {  	[tilespmem:s15], [sflag:$0xF] =	stream.linear.gather [hbm4b:s22+s3], $0x2000, $0x38;
	[tilespmem:$0x1F940] =	vst v63  }
0x25d: {  	s15 =	simm.s32 $0xD940;
	s22 =	rddreg [dreg:$0xf]  }
0x25e: {  	[tilespmem:s15], [sflag:$0x14] =	stream.linear.gather [hbm4b:s22+s3], $0x800, $0x38;
	[tilespmem:$0x1F940] =	vst v63  }
0x25f: {  	_ =	swait.ge [sflag:s11], $0x800  }
0x260: {  	[sflag:s11] =	ssyncset.done $0x0  }
0x261: {  	s22 =	simm.s32 $0xE;
	[sflag:s11] =	ssyncadd.s32 $0xFFFFF800  }
0x262: {  	_ =	swait.ge [sflag:s22], $0x2000  }
0x263: {  	[sflag:s22] =	ssyncset.done $0x0  }
0x264: {  	s9 =	simm.s32 $0x0;
	[sflag:s22] =	ssyncadd.s32 $0xFFFFE000  }
0x265: {  	v1 =	vld [tilespmem:s9+$0x330]  }
0x266: {  	v2 =	vld [tilespmem:s9+$0x320]  }
0x267: {  	v0 =	vld [tilespmem:s15+$0x0]  }
0x268: {  	v3 =	vld [tilespmem:s9+$0x310]  }
0x269: {  	v4 =	vld [tilespmem:s9+$0x300]  }
0x26a: {  	v5 =	vld [tilespmem:s9+$0x4320]  }
0x26b: {  	v6 =	vld [tilespmem:s9+$0x4330]  }
0x26c: {  	v7 =	vld [tilespmem:s9+$0x4310];
	v1 =	vmul.f32 v1, v0  }
0x26d: {  	v8 =	vld [tilespmem:s9+$0x4300];
	v2 =	vmul.f32 v2, v0;
	v3 =	vmul.f32 v3, v0  }
0x26e: {  	v4 =	vmul.f32 v4, v0;
	v1 =	vmul.f32 $8.999999760e-01, v1  }
0x26f: {  	v9 =	vmul.f32 $8.999999760e-01, v3  }
0x270: {  	v2 =	vmul.f32 $8.999999760e-01, v2;
	v10 =	vmul.f32 $8.999999760e-01, v4;
	v3 =	vadd.f32 v1, v6  }
0x271: {  	v1 =	vadd.f32 v9, v7  }
0x272: {  	s28 =	simm.s32 $0x100;
	v4 =	vadd.f32 v2, v5;
	v2 =	vadd.f32 v10, v8;
	v5 =	vmul.f32 v3, v0  }
.LBB2_14:
0x273: {  	p3 =	sne.s32 s28, $0x7F00  }
0x274: {  	v6 =	vmul.f32 v4, v0;
	s15 =	sadd.s32 $0x10, s15;
	s3 =	smov.u32 s28;
	s28 =	sadd.s32 $0x100, s28  }
0x275: {  	v7 =	vmul.f32 v2, v0;
	v0 =	vmul.f32 v1, v0;
	v3 =	vpsel p2, v3, v5  }
0x276: {  	v4 =	vpsel p2, v4, v6;
	[tilespmem:s9+$0x330] =	vst v3  }
0x277: {  	s3 =	sshra.s32 s3, $0x2;
	v2 =	vpsel p2, v2, v7;
	v0 =	vpsel p2, v1, v0;
	[tilespmem:s9+$0x320] =	vst v4  }
0x278: {  	v1 =	vld [tilespmem:s3+$0x330];
	[tilespmem:s9+$0x300] =	vst v2  }
0x279: {  	v2 =	vld [tilespmem:s3+$0x320];
	[tilespmem:s9+$0x310] =	vst v0;
	s9 =	smov.u32 s3  }
0x27a: {  	v0 =	vld [tilespmem:s15+$0x0]  }
0x27b: {  	v3 =	vld [tilespmem:s9+$0x310]  }
0x27c: {  	v4 =	vld [tilespmem:s9+$0x300]  }
0x27d: {  	v5 =	vld [tilespmem:s9+$0x4320]  }
0x27e: {  	v6 =	vld [tilespmem:s9+$0x4330]  }
0x27f: {  	v7 =	vld [tilespmem:s9+$0x4310];
	v2 =	vmul.f32 v2, v0;
	v1 =	vmul.f32 v1, v0  }
0x280: {  	v8 =	vld [tilespmem:s9+$0x4300];
	v3 =	vmul.f32 v3, v0  }
.Ltmp11:
0x281: {  	v4 =	vmul.f32 v4, v0;
	v1 =	vmul.f32 $8.999999760e-01, v1;
	(pc) =	sbr.rel @p3 .LBB2_14-.Ltmp11, $4  }
0x282: {  	v2 =	vmul.f32 $8.999999760e-01, v2;
	v9 =	vmul.f32 $8.999999760e-01, v3  }
0x283: {  	v10 =	vmul.f32 $8.999999760e-01, v4;
	v3 =	vadd.f32 v1, v6  }
0x284: {  	v4 =	vadd.f32 v2, v5;
	v1 =	vadd.f32 v9, v7  }
0x285: {  	v2 =	vadd.f32 v10, v8;
	v5 =	vmul.f32 v3, v0  }
0x286: {  	v6 =	vmul.f32 v4, v0  }
0x287: {  	v7 =	vmul.f32 v2, v0;
	v3 =	vpsel p2, v3, v5  }
0x288: {  	v0 =	vmul.f32 v1, v0;
	v4 =	vpsel p2, v4, v6;
	[tilespmem:s9+$0x330] =	vst v3  }
0x289: {  	s11 =	sld [smem:$0x7D9];
	v2 =	vpsel p2, v2, v7;
	[tilespmem:s9+$0x320] =	vst v4  }
0x28a: {  	v0 =	vpsel p2, v1, v0;
	[tilespmem:s9+$0x300] =	vst v2  }
0x28b: {  	s3 =	simm.s32 $0x0;
	s15 =	simm.s32 $0x300;
	[tilespmem:s9+$0x310] =	vst v0  }
0x28c: {  	[hbm4b:s11+s3] =	stream.linear.scatter [tilespmem:s15], [sflag:$0x10], $0x2000, $0x38;
	[tilespmem:$0x1F940] =	vst v63  }
0x28d: {  	s22 =	rddreg [dreg:$0x15]  }
0x28e: {  	[spmem:s22] =	stream.linear.scatter [tilespmem:s15], [sflag:$0x12], $0x2000, $0x38;
	[tilespmem:$0x1F940] =	vst v63  }
0x28f: {  	s15 =	simm.s32 $0x11  }
0x290: {  	_ =	swait.ge [sflag:s15], $0x2000  }
0x291: {  	[sflag:s15] =	ssyncset.done $0x0  }
0x292: {  	s22 =	simm.s32 $0x13;
	[sflag:s15] =	ssyncadd.s32 $0xFFFFE000  }
0x293: {  	_ =	swait.ge [sflag:s22], $0x2000  }
0x294: {  	[sflag:s22] =	ssyncset.done $0x0  }
0x295: {  	s15 =	rddreg [dreg:$0x16];
	[sflag:s22] =	ssyncadd.s32 $0xFFFFE000;
	s22 =	simm.s32 $0x14  }
0x296: {  	[tilespmem:s29], [sflag:$0x14] =	stream.linear.gather [spmem:s15], $0x2000, $0x38;
	[tilespmem:$0x1F940] =	vst v63  }
0x297: {  	_ =	swait.ge [sflag:s22], $0x2000  }
0x298: {  	[sflag:s22] =	ssyncset.done $0x0  }
0x299: {  	s15 =	simm.s32 $0x4300;
	s9 =	rddreg [dreg:$0x1b];
	[sflag:s22] =	ssyncadd.s32 $0xFFFFE000  }
0x29a: {  	[tilespmem:s15], [sflag:$0xE] =	stream.linear.gather [hbm4b:s9+s3], $0x2000, $0x38;
	[tilespmem:$0x1F940] =	vst v63  }
0x29b: {  	s15 =	simm.s32 $0xD940;
	s9 =	rddreg [dreg:$0x10]  }
0x29c: {  	[tilespmem:s15], [sflag:$0x14] =	stream.linear.gather [hbm4b:s9+s3], $0x800, $0x38;
	[tilespmem:$0x1F940] =	vst v63  }
0x29d: {  	_ =	swait.ge [sflag:s22], $0x800  }
0x29e: {  	[sflag:s22] =	ssyncset.done $0x0  }
0x29f: {  	[sflag:s22] =	ssyncadd.s32 $0xFFFFF800;
	s22 =	simm.s32 $0xF  }
0x2a0: {  	_ =	swait.ge [sflag:s22], $0x2000  }
0x2a1: {  	[sflag:s22] =	ssyncset.done $0x0  }
0x2a2: {  	s9 =	simm.s32 $0x0;
	[sflag:s22] =	ssyncadd.s32 $0xFFFFE000  }
0x2a3: {  	v1 =	vld [tilespmem:s9+$0x2330]  }
0x2a4: {  	v2 =	vld [tilespmem:s9+$0x2320]  }
0x2a5: {  	v0 =	vld [tilespmem:s15+$0x0]  }
0x2a6: {  	v3 =	vld [tilespmem:s9+$0x2310]  }
0x2a7: {  	v4 =	vld [tilespmem:s9+$0x2300]  }
0x2a8: {  	v5 =	vld [tilespmem:s9+$0xAB20]  }
0x2a9: {  	v6 =	vld [tilespmem:s9+$0xAB30]  }
0x2aa: {  	v7 =	vld [tilespmem:s9+$0xAB10];
	v1 =	vmul.f32 v1, v0  }
0x2ab: {  	v8 =	vld [tilespmem:s9+$0xAB00];
	v2 =	vmul.f32 v2, v0;
	v3 =	vmul.f32 v3, v0  }
0x2ac: {  	v4 =	vmul.f32 v4, v0;
	v1 =	vmul.f32 $8.999999760e-01, v1  }
0x2ad: {  	v9 =	vmul.f32 $8.999999760e-01, v3  }
0x2ae: {  	v2 =	vmul.f32 $8.999999760e-01, v2;
	v10 =	vmul.f32 $8.999999760e-01, v4;
	v3 =	vadd.f32 v1, v6  }
0x2af: {  	v1 =	vadd.f32 v9, v7  }
0x2b0: {  	s28 =	simm.s32 $0x100;
	s11 =	simm.s32 $0x300;
	v4 =	vadd.f32 v2, v5;
	v2 =	vadd.f32 v10, v8;
	v5 =	vmul.f32 v3, v0  }
.LBB2_16:
0x2b1: {  	p3 =	sne.s32 s28, $0x7F00  }
0x2b2: {  	v6 =	vmul.f32 v4, v0;
	s15 =	sadd.s32 $0x10, s15;
	s3 =	smov.u32 s28;
	s28 =	sadd.s32 $0x100, s28  }
0x2b3: {  	v7 =	vmul.f32 v2, v0;
	v0 =	vmul.f32 v1, v0;
	v3 =	vpsel p2, v3, v5  }
0x2b4: {  	v4 =	vpsel p2, v4, v6;
	[tilespmem:s9+$0x2330] =	vst v3  }
0x2b5: {  	s3 =	sshra.s32 s3, $0x2;
	v2 =	vpsel p2, v2, v7;
	v0 =	vpsel p2, v1, v0;
	[tilespmem:s9+$0x2320] =	vst v4  }
0x2b6: {  	v1 =	vld [tilespmem:s3+$0x2330];
	[tilespmem:s9+$0x2300] =	vst v2  }
0x2b7: {  	v2 =	vld [tilespmem:s3+$0x2320];
	[tilespmem:s9+$0x2310] =	vst v0;
	s9 =	smov.u32 s3  }
0x2b8: {  	v0 =	vld [tilespmem:s15+$0x0]  }
0x2b9: {  	v3 =	vld [tilespmem:s9+$0x2310]  }
0x2ba: {  	v4 =	vld [tilespmem:s9+$0x2300]  }
0x2bb: {  	v5 =	vld [tilespmem:s9+$0xAB20]  }
0x2bc: {  	v6 =	vld [tilespmem:s9+$0xAB30]  }
0x2bd: {  	v7 =	vld [tilespmem:s9+$0xAB10];
	v2 =	vmul.f32 v2, v0;
	v1 =	vmul.f32 v1, v0  }
0x2be: {  	v8 =	vld [tilespmem:s9+$0xAB00];
	v3 =	vmul.f32 v3, v0  }
.Ltmp12:
0x2bf: {  	v4 =	vmul.f32 v4, v0;
	v1 =	vmul.f32 $8.999999760e-01, v1;
	(pc) =	sbr.rel @p3 .LBB2_16-.Ltmp12, $4  }
0x2c0: {  	v2 =	vmul.f32 $8.999999760e-01, v2;
	v9 =	vmul.f32 $8.999999760e-01, v3  }
0x2c1: {  	v10 =	vmul.f32 $8.999999760e-01, v4;
	v3 =	vadd.f32 v1, v6  }
0x2c2: {  	v4 =	vadd.f32 v2, v5;
	v1 =	vadd.f32 v9, v7  }
0x2c3: {  	v2 =	vadd.f32 v10, v8;
	v5 =	vmul.f32 v3, v0  }
0x2c4: {  	v6 =	vmul.f32 v4, v0  }
0x2c5: {  	v7 =	vmul.f32 v2, v0;
	v3 =	vpsel p2, v3, v5  }
0x2c6: {  	v0 =	vmul.f32 v1, v0;
	v4 =	vpsel p2, v4, v6;
	[tilespmem:s9+$0x2330] =	vst v3  }
0x2c7: {  	s15 =	sld [smem:$0x7DB];
	v2 =	vpsel p2, v2, v7;
	[tilespmem:s9+$0x2320] =	vst v4  }
0x2c8: {  	v0 =	vpsel p2, v1, v0;
	[tilespmem:s9+$0x2300] =	vst v2  }
0x2c9: {  	s3 =	simm.s32 $0x0;
	[tilespmem:s9+$0x2310] =	vst v0  }
0x2ca: {  	[hbm4b:s15+s3] =	stream.linear.scatter [tilespmem:s29], [sflag:$0x11], $0x2000, $0x38;
	[tilespmem:$0x1F940] =	vst v63  }
0x2cb: {  	s22 =	rddreg [dreg:$0x16];
	s15 =	simm.s32 $0x10  }
0x2cc: {  	[spmem:s22] =	stream.linear.scatter [tilespmem:s29], [sflag:$0x13], $0x2000, $0x38;
	[tilespmem:$0x1F940] =	vst v63  }
0x2cd: {  	_ =	swait.ge [sflag:s15], $0x2000  }
0x2ce: {  	[sflag:s15] =	ssyncset.done $0x0  }
0x2cf: {  	s22 =	simm.s32 $0x12;
	[sflag:s15] =	ssyncadd.s32 $0xFFFFE000  }
0x2d0: {  	_ =	swait.ge [sflag:s22], $0x2000  }
0x2d1: {  	[sflag:s22] =	ssyncset.done $0x0  }
0x2d2: {  	s15 =	rddreg [dreg:$0x1c];
	[sflag:s22] =	ssyncadd.s32 $0xFFFFE000  }
0x2d3: {  	[tilespmem:s11], [sflag:$0x14] =	stream.linear.gather [spmem:s15], $0x2000, $0x38;
	[tilespmem:$0x1F940] =	vst v63  }
0x2d4: {  	s11 =	simm.s32 $0x14  }
0x2d5: {  	_ =	swait.ge [sflag:s11], $0x2000  }
0x2d6: {  	[sflag:s11] =	ssyncset.done $0x0  }
0x2d7: {  	s15 =	simm.s32 $0xD940;
	s22 =	rddreg [dreg:$0x11];
	[sflag:s11] =	ssyncadd.s32 $0xFFFFE000  }
0x2d8: {  	[tilespmem:s15], [sflag:$0x14] =	stream.linear.gather [hbm4b:s22+s3], $0x800, $0x38;
	[tilespmem:$0x1F940] =	vst v63  }
0x2d9: {  	_ =	swait.ge [sflag:s11], $0x800  }
0x2da: {  	[sflag:s11] =	ssyncset.done $0x0  }
0x2db: {  	s22 =	simm.s32 $0xE;
	[sflag:s11] =	ssyncadd.s32 $0xFFFFF800  }
0x2dc: {  	_ =	swait.ge [sflag:s22], $0x2000  }
0x2dd: {  	[sflag:s22] =	ssyncset.done $0x0  }
0x2de: {  	s9 =	simm.s32 $0x0;
	[sflag:s22] =	ssyncadd.s32 $0xFFFFE000  }
0x2df: {  	v1 =	vld [tilespmem:s9+$0x330]  }
0x2e0: {  	v2 =	vld [tilespmem:s9+$0x320]  }
0x2e1: {  	v0 =	vld [tilespmem:s15+$0x0]  }
0x2e2: {  	v3 =	vld [tilespmem:s9+$0x310]  }
0x2e3: {  	v4 =	vld [tilespmem:s9+$0x300]  }
0x2e4: {  	v5 =	vld [tilespmem:s9+$0x4320]  }
0x2e5: {  	v6 =	vld [tilespmem:s9+$0x4330]  }
0x2e6: {  	v7 =	vld [tilespmem:s9+$0x4310];
	v1 =	vmul.f32 v1, v0  }
0x2e7: {  	v8 =	vld [tilespmem:s9+$0x4300];
	v2 =	vmul.f32 v2, v0;
	v3 =	vmul.f32 v3, v0  }
0x2e8: {  	v4 =	vmul.f32 v4, v0;
	v1 =	vmul.f32 $8.999999760e-01, v1  }
0x2e9: {  	v9 =	vmul.f32 $8.999999760e-01, v3  }
0x2ea: {  	v2 =	vmul.f32 $8.999999760e-01, v2;
	v10 =	vmul.f32 $8.999999760e-01, v4;
	v3 =	vadd.f32 v1, v6  }
0x2eb: {  	v1 =	vadd.f32 v9, v7  }
0x2ec: {  	s28 =	simm.s32 $0x100;
	s22 =	simm.s32 $0xCB00;
	v4 =	vadd.f32 v2, v5;
	v2 =	vadd.f32 v10, v8;
	v5 =	vmul.f32 v3, v0  }
.LBB2_18:
0x2ed: {  	p3 =	sne.s32 s28, $0x7F00  }
0x2ee: {  	v6 =	vmul.f32 v4, v0;
	s15 =	sadd.s32 $0x10, s15;
	s3 =	smov.u32 s28;
	s28 =	sadd.s32 $0x100, s28  }
0x2ef: {  	v7 =	vmul.f32 v2, v0;
	v0 =	vmul.f32 v1, v0;
	v3 =	vpsel p2, v3, v5  }
0x2f0: {  	v4 =	vpsel p2, v4, v6;
	[tilespmem:s9+$0x330] =	vst v3  }
0x2f1: {  	s3 =	sshra.s32 s3, $0x2;
	v2 =	vpsel p2, v2, v7;
	v0 =	vpsel p2, v1, v0;
	[tilespmem:s9+$0x320] =	vst v4  }
0x2f2: {  	v1 =	vld [tilespmem:s3+$0x330];
	[tilespmem:s9+$0x300] =	vst v2  }
0x2f3: {  	v2 =	vld [tilespmem:s3+$0x320];
	[tilespmem:s9+$0x310] =	vst v0;
	s9 =	smov.u32 s3  }
0x2f4: {  	v0 =	vld [tilespmem:s15+$0x0]  }
0x2f5: {  	v3 =	vld [tilespmem:s9+$0x310]  }
0x2f6: {  	v4 =	vld [tilespmem:s9+$0x300]  }
0x2f7: {  	v5 =	vld [tilespmem:s9+$0x4320]  }
0x2f8: {  	v6 =	vld [tilespmem:s9+$0x4330]  }
0x2f9: {  	v7 =	vld [tilespmem:s9+$0x4310];
	v2 =	vmul.f32 v2, v0;
	v1 =	vmul.f32 v1, v0  }
0x2fa: {  	v8 =	vld [tilespmem:s9+$0x4300];
	v3 =	vmul.f32 v3, v0  }
.Ltmp13:
0x2fb: {  	v4 =	vmul.f32 v4, v0;
	v1 =	vmul.f32 $8.999999760e-01, v1;
	(pc) =	sbr.rel @p3 .LBB2_18-.Ltmp13, $4  }
0x2fc: {  	v2 =	vmul.f32 $8.999999760e-01, v2;
	v9 =	vmul.f32 $8.999999760e-01, v3  }
0x2fd: {  	v10 =	vmul.f32 $8.999999760e-01, v4;
	v3 =	vadd.f32 v1, v6  }
0x2fe: {  	v4 =	vadd.f32 v2, v5;
	v1 =	vadd.f32 v9, v7  }
0x2ff: {  	v2 =	vadd.f32 v10, v8;
	v5 =	vmul.f32 v3, v0  }
0x300: {  	v6 =	vmul.f32 v4, v0  }
0x301: {  	v63 =	vmul.f32 v1, v0;
	v3 =	vpsel p2, v3, v5  }
0x302: {  	v7 =	vmul.f32 v2, v0;
	v4 =	vpsel p2, v4, v6;
	[tilespmem:s9+$0x330] =	vst v3  }
0x303: {  	s3 =	sld [smem:$0x7DE];
	v0 =	vpsel p2, v1, v63;
	[tilespmem:s9+$0x320] =	vst v4  }
0x304: {  	v2 =	vpsel p2, v2, v7;
	[tilespmem:s9+$0x310] =	vst v0  }
0x305: {  	s28 =	simm.s32 $0x300;
	[tilespmem:s9+$0x300] =	vst v2  }
0x306: {  	[hbm4b:s3+s1] =	stream.linear.scatter [tilespmem:s28], [sflag:$0x10], $0x2000, $0x38;
	[tilespmem:$0x1F940] =	vst v63  }
0x307: {  	s15 =	rddreg [dreg:$0x1c]  }
0x308: {  	[spmem:s15] =	stream.linear.scatter [tilespmem:s28], [sflag:$0x12], $0x2000, $0x38;
	[tilespmem:$0x1F940] =	vst v63  }
0x309: {  	s28 =	simm.s32 $0x11  }
0x30a: {  	_ =	swait.ge [sflag:s28], $0x2000  }
0x30b: {  	[sflag:s28] =	ssyncset.done $0x0  }
0x30c: {  	s9 =	simm.s32 $0x13;
	[sflag:s28] =	ssyncadd.s32 $0xFFFFE000  }
0x30d: {  	_ =	swait.ge [sflag:s9], $0x2000  }
0x30e: {  	[sflag:s9] =	ssyncset.done $0x0  }
0x30f: {  	s15 =	simm.s32 $0x10;
	[sflag:s9] =	ssyncadd.s32 $0xFFFFE000  }
0x310: {  	_ =	swait.ge [sflag:s15], $0x2000  }
.Ltmp14:
0x311: {  	[sflag:s15] =	ssyncset.done $0x0;
	(pc) =	sbr.rel .LBB2_31-.Ltmp14, $4  }
0x312: {  	s28 =	simm.s32 $0x12;
	[sflag:s15] =	ssyncadd.s32 $0xFFFFE000  }
0x313: {  	_ =	swait.ge [sflag:s28], $0x2000  }
0x314: {  	[sflag:s28] =	ssyncset.done $0x0  }
0x315: {  	s11 =	simm.s32 $0x300;
	[sflag:s28] =	ssyncadd.s32 $0xFFFFE000  }
.LBB2_20:
0x316: {  	_ =	swait.ge [sflag:s0], $0x80  }
0x317: {  	[sflag:s0] =	ssyncset.done $0x0  }
0x318: {  	s3 =	simm.s32 $0x9300;
	[sflag:s0] =	ssyncadd.s32 $0xFFFFFF80  }
0x319: {  	[spmem:s19] =	stream.indirect.scatter.add.f32 [tilespmem:s3], [sflag:$0x6], $0x30, s7, s4, $0xb8;
	[tilespmem:$0x1F940] =	vst v63  }
0x31a: {  	_ =	swait.ge [sflag:s2], $0x1800  }
0x31b: {  	[sflag:s2] =	ssyncset.done $0x0  }
0x31c: {  	[sflag:s2] =	ssyncadd.s32 $0xFFFFE800  }
0x31d: {  	_ =	swait.ge [sflag:s25], $0x1800  }
0x31e: {  	[sflag:s25] =	ssyncset.done $0x0  }
0x31f: {  	[sflag:s25] =	ssyncadd.s32 $0xFFFFE800  }
0x320: {  	_ =	swait.ge [sflag:s26], $0x1800  }
0x321: {  	[sflag:s26] =	ssyncset.done $0x0  }
0x322: {  	s15 =	simm.s32 $0xD;
	[sflag:s26] =	ssyncadd.s32 $0xFFFFE800  }
0x323: {  	_ =	swait.ge [sflag:s15], $0x600  }
0x324: {  	s22 =	simm.s32 $0xCB20;
	[sflag:s15] =	ssyncset.done $0x0  }
0x325: {  	s9 =	simm.s32 $0x20;
	[sflag:s15] =	ssyncadd.s32 $0xFFFFFA00;
	s15 =	simm.s32 $0xD340  }
0x326: {  	[spmem:s19] =	stream.indirect.scatter.add.f32 [tilespmem:s15], [sflag:$0x14], $0x30, s22, s9, $0xb8;
	[tilespmem:$0x1F940] =	vst v63  }
0x327: {  	s15 =	simm.s32 $0x14  }
0x328: {  	_ =	swait.ge [sflag:s15], $0x600  }
0x329: {  	[sflag:s15] =	ssyncset.done $0x0  }
0x32a: {  	[sflag:s15] =	ssyncadd.s32 $0xFFFFFA00  }
0x32b: {  	[bflag:$0x0] =	sbarrier.arrive $0xFFFF  }
0x32c: {  	s3 =	simm.s32 $0x0;
	s22 =	simm.s32 $0x4300;
	s29 =	rddreg [dreg:$0x1d]  }
0x32d: {  	[tilespmem:s22], [sflag:$0xE] =	stream.linear.gather [hbm4b:s29+s3], $0x2000, $0x38;
	[tilespmem:$0x1F940] =	vst v63  }
0x32e: {  	s22 =	sld [smem:$0x7E1];
	_ =	sdelay $0x2  }
0x32f: {  	[tilespmem:s13], [sflag:$0x14] =	stream.linear.gather [spmem:s22], $0x1800, $0x38;
	[tilespmem:$0x1F940] =	vst v63  }
0x330: {  	_ =	swait.ge [sflag:s15], $0x1800  }
0x331: {  	[sflag:s15] =	ssyncset.done $0x0  }
0x332: {  	s13 =	simm.s32 $0xAB00;
	s29 =	rddreg [dreg:$0x1f];
	[sflag:s15] =	ssyncadd.s32 $0xFFFFE800  }
0x333: {  	[tilespmem:s13], [sflag:$0xF] =	stream.linear.gather [hbm4b:s29+s3], $0x2000, $0x38;
	[tilespmem:$0x1F940] =	vst v63  }
0x334: {  	s22 =	rddreg [dreg:$0xd];
	s29 =	simm.s32 $0xD940  }
0x335: {  	[tilespmem:s29], [sflag:$0x14] =	stream.linear.gather [hbm4b:s22+s3], $0x800, $0x38;
	[tilespmem:$0x1F940] =	vst v63  }
0x336: {  	_ =	swait.ge [sflag:s15], $0x800  }
0x337: {  	[sflag:s15] =	ssyncset.done $0x0  }
0x338: {  	[sflag:s15] =	ssyncadd.s32 $0xFFFFF800;
	s15 =	simm.s32 $0xE  }
0x339: {  	_ =	swait.ge [sflag:s15], $0x2000  }
0x33a: {  	[sflag:s15] =	ssyncset.done $0x0  }
0x33b: {  	s9 =	simm.s32 $0x6320;
	[sflag:s15] =	ssyncadd.s32 $0xFFFFE000  }
0x33c: {  	s22 =	simm.s32 $0x0;
	v0 =	vld [tilespmem:s9+$0xFFFFFFE0]  }
0x33d: {  	v1 =	vld [tilespmem:s22+$0xD940];
	_ =	sdelay $0x2  }
0x33e: {  	s15 =	simm.s32 $0x4320  }
0x33f: {  	v2 =	vld [tilespmem:s15+$0xFFFFFFE0]  }
0x340: {  	v0 =	vmul.f32 v0, v1;
	_ =	sdelay $0x1  }
0x341: {  	v0 =	vmul.f32 $8.999999760e-01, v0;
	_ =	sdelay $0x1  }
0x342: {  	s29 =	sld [smem:$0x7D7];
	v0 =	vadd.f32 v0, v2;
	_ =	sdelay $0x1  }
0x343: {  	v2 =	vld [tilespmem:s9+$0xFFFFFFF0];
	v3 =	vmul.f32 v0, v1  }
0x344: {  	p2 =	seq.s32 s29, $0x9  }
0x345: {  	v0 =	vpsel p2, v0, v3  }
0x346: {  	[tilespmem:s9+$0xFFFFFFE0] =	vst v0  }
0x347: {  	v0 =	vld [tilespmem:s15+$0xFFFFFFF0]  }
0x348: {  	v2 =	vmul.f32 v2, v1;
	_ =	sdelay $0x1  }
0x349: {  	v2 =	vmul.f32 $8.999999760e-01, v2;
	_ =	sdelay $0x1  }
0x34a: {  	v0 =	vadd.f32 v2, v0;
	_ =	sdelay $0x1  }
0x34b: {  	v3 =	vld [tilespmem:s9+$0x0];
	v2 =	vmul.f32 v0, v1;
	_ =	sdelay $0x1  }
0x34c: {  	v0 =	vpsel p2, v0, v2  }
0x34d: {  	[tilespmem:s9+$0xFFFFFFF0] =	vst v0  }
0x34e: {  	v0 =	vld [tilespmem:s15+$0x0]  }
0x34f: {  	v2 =	vmul.f32 v3, v1;
	_ =	sdelay $0x1  }
0x350: {  	v2 =	vmul.f32 $8.999999760e-01, v2;
	_ =	sdelay $0x1  }
0x351: {  	v2 =	vadd.f32 v2, v0;
	_ =	sdelay $0x1  }
0x352: {  	v1 =	vmul.f32 v2, v1  }
0x353: {  	s28 =	simm.s32 $0x6350  }
0x354: {  	s30 =	simm.s32 $0x40;
	s3 =	simm.s32 $0x80;
	v0 =	vld [tilespmem:s28+$0xFFFFFFF0];
	v1 =	vpsel p2, v2, v1  }
.LBB2_21:
0x355: {  	s22 =	sshra.s32 s30, $0x2;
	s15 =	sadd.s32 $0x40, s15  }
0x356: {  	v2 =	vld [tilespmem:s28+$0xFFFFFFE0];
	[tilespmem:s9+$0x0] =	vst v1;
	s30 =	smov.u32 s3;
	s29 =	sadd.s32 $0x40, s3;
	s9 =	smov.u32 s28  }
0x357: {  	p3 =	sne.s32 s3, $0x1FC0;
	v1 =	vld [tilespmem:s22+$0xD940];
	_ =	sdelay $0x3  }
0x358: {  	v3 =	vld [tilespmem:s15+$0xFFFFFFE0]  }
0x359: {  	v2 =	vmul.f32 v2, v1;
	v0 =	vmul.f32 v0, v1;
	_ =	sdelay $0x1  }
0x35a: {  	v2 =	vmul.f32 $8.999999760e-01, v2;
	_ =	sdelay $0x1  }
0x35b: {  	v2 =	vadd.f32 v2, v3;
	_ =	sdelay $0x1  }
0x35c: {  	v3 =	vmul.f32 v2, v1;
	_ =	sdelay $0x1  }
0x35d: {  	v2 =	vpsel p2, v2, v3  }
0x35e: {  	[tilespmem:s28+$0xFFFFFFE0] =	vst v2  }
0x35f: {  	v2 =	vld [tilespmem:s15+$0xFFFFFFF0];
	_ =	sdelay $0x2  }
0x360: {  	v0 =	vmul.f32 $8.999999760e-01, v0;
	_ =	sdelay $0x1  }
0x361: {  	v0 =	vadd.f32 v0, v2;
	_ =	sdelay $0x1  }
0x362: {  	v2 =	vmul.f32 v0, v1;
	v3 =	vld [tilespmem:s28+$0x0];
	_ =	sdelay $0x1  }
0x363: {  	v0 =	vpsel p2, v0, v2  }
0x364: {  	[tilespmem:s28+$0xFFFFFFF0] =	vst v0  }
0x365: {  	v0 =	vld [tilespmem:s15+$0x0]  }
0x366: {  	v2 =	vmul.f32 v3, v1;
	_ =	sdelay $0x1  }
0x367: {  	v2 =	vmul.f32 $8.999999760e-01, v2;
	_ =	sdelay $0x1  }
.Ltmp15:
0x368: {  	v2 =	vadd.f32 v2, v0;
	(pc) =	sbr.rel @p3 .LBB2_21-.Ltmp15, $4  }
0x369: {  	_ = 	snop  }
0x36a: {  	v1 =	vmul.f32 v2, v1  }
0x36b: {  	s28 =	sadd.s32 $0x30, s28  }
0x36c: {  	s3 =	smov.u32 s29;
	v0 =	vld [tilespmem:s28+$0xFFFFFFF0];
	v1 =	vpsel p2, v2, v1  }
0x36d: {  	v2 =	vld [tilespmem:s28+$0xFFFFFFE0];
	s3 =	sshra.s32 s30, $0x2;
	[tilespmem:s9+$0x0] =	vst v1  }
0x36e: {  	v1 =	vld [tilespmem:s3+$0xD940];
	_ =	sdelay $0x2  }
0x36f: {  	s9 =	sadd.s32 $0x40, s15  }
0x370: {  	v3 =	vld [tilespmem:s9+$0xFFFFFFE0]  }
0x371: {  	v2 =	vmul.f32 v2, v1;
	_ =	sdelay $0x1  }
0x372: {  	v2 =	vmul.f32 $8.999999760e-01, v2;
	_ =	sdelay $0x1  }
0x373: {  	v2 =	vadd.f32 v2, v3;
	_ =	sdelay $0x1  }
0x374: {  	v3 =	vmul.f32 v2, v1;
	_ =	sdelay $0x1  }
0x375: {  	v2 =	vpsel p2, v2, v3  }
0x376: {  	[tilespmem:s28+$0xFFFFFFE0] =	vst v2  }
0x377: {  	v2 =	vld [tilespmem:s9+$0xFFFFFFF0]  }
0x378: {  	v0 =	vmul.f32 v0, v1;
	_ =	sdelay $0x1  }
0x379: {  	v0 =	vmul.f32 $8.999999760e-01, v0;
	_ =	sdelay $0x1  }
0x37a: {  	v0 =	vadd.f32 v0, v2;
	_ =	sdelay $0x1  }
0x37b: {  	v3 =	vld [tilespmem:s28+$0x0];
	v2 =	vmul.f32 v0, v1;
	_ =	sdelay $0x1  }
0x37c: {  	v0 =	vpsel p2, v0, v2  }
0x37d: {  	[tilespmem:s28+$0xFFFFFFF0] =	vst v0  }
0x37e: {  	v0 =	vld [tilespmem:s9+$0x0]  }
0x37f: {  	v2 =	vmul.f32 v3, v1;
	_ =	sdelay $0x1  }
0x380: {  	v2 =	vmul.f32 $8.999999760e-01, v2;
	_ =	sdelay $0x1  }
0x381: {  	v0 =	vadd.f32 v2, v0;
	_ =	sdelay $0x1  }
0x382: {  	v1 =	vmul.f32 v0, v1  }
0x383: {  	s13 =	sld [smem:$0x7E4]  }
0x384: {  	v0 =	vpsel p2, v0, v1  }
0x385: {  	s15 =	simm.s32 $0x6300;
	s22 =	sld [smem:$0x7E1];
	s3 =	simm.s32 $0x0;
	[tilespmem:s28+$0x0] =	vst v0  }
0x386: {  	[hbm4b:s13+s3] =	stream.linear.scatter [tilespmem:s15], [sflag:$0x10], $0x1800, $0x38;
	[tilespmem:$0x1F940] =	vst v63  }
0x387: {  	_ = 	snop  }
0x388: {  	[spmem:s22] =	stream.linear.scatter [tilespmem:s15], [sflag:$0x12], $0x1800, $0x38;
	[tilespmem:$0x1F940] =	vst v63  }
0x389: {  	s22 =	sld [smem:$0x7DF];
	_ =	sdelay $0x1  }
0x38a: {  	s15 =	simm.s32 $0x14  }
0x38b: {  	[tilespmem:s14], [sflag:$0x14] =	stream.linear.gather [spmem:s22], $0x1800, $0x38;
	[tilespmem:$0x1F940] =	vst v63  }
0x38c: {  	_ =	swait.ge [sflag:s15], $0x1800  }
0x38d: {  	s9 =	sld [smem:$0x7DA]  }
0x38e: {  	[sflag:s15] =	ssyncset.done $0x0  }
0x38f: {  	s22 =	simm.s32 $0x4300;
	[sflag:s15] =	ssyncadd.s32 $0xFFFFE800  }
0x390: {  	[tilespmem:s22], [sflag:$0xE] =	stream.linear.gather [hbm4b:s9+s3], $0x2000, $0x38;
	[tilespmem:$0x1F940] =	vst v63  }
0x391: {  	s9 =	rddreg [dreg:$0xe];
	s22 =	simm.s32 $0xD940  }
0x392: {  	[tilespmem:s22], [sflag:$0x14] =	stream.linear.gather [hbm4b:s9+s3], $0x800, $0x38;
	[tilespmem:$0x1F940] =	vst v63  }
0x393: {  	_ =	swait.ge [sflag:s15], $0x800  }
0x394: {  	[sflag:s15] =	ssyncset.done $0x0  }
0x395: {  	[sflag:s15] =	ssyncadd.s32 $0xFFFFF800;
	s15 =	simm.s32 $0xF  }
0x396: {  	_ =	swait.ge [sflag:s15], $0x2000  }
0x397: {  	[sflag:s15] =	ssyncset.done $0x0  }
0x398: {  	s9 =	simm.s32 $0x7B20;
	[sflag:s15] =	ssyncadd.s32 $0xFFFFE000  }
0x399: {  	s22 =	simm.s32 $0x0;
	v0 =	vld [tilespmem:s9+$0xFFFFFFE0]  }
0x39a: {  	v1 =	vld [tilespmem:s22+$0xD940];
	_ =	sdelay $0x2  }
0x39b: {  	s28 =	simm.s32 $0xAB20  }
0x39c: {  	v2 =	vld [tilespmem:s28+$0xFFFFFFE0]  }
0x39d: {  	v0 =	vmul.f32 v0, v1;
	_ =	sdelay $0x1  }
0x39e: {  	v0 =	vmul.f32 $8.999999760e-01, v0;
	_ =	sdelay $0x1  }
0x39f: {  	v0 =	vadd.f32 v0, v2;
	_ =	sdelay $0x1  }
0x3a0: {  	v2 =	vld [tilespmem:s9+$0xFFFFFFF0];
	v3 =	vmul.f32 v0, v1;
	_ =	sdelay $0x1  }
0x3a1: {  	v0 =	vpsel p2, v0, v3  }
0x3a2: {  	[tilespmem:s9+$0xFFFFFFE0] =	vst v0  }
0x3a3: {  	v0 =	vld [tilespmem:s28+$0xFFFFFFF0]  }
0x3a4: {  	v2 =	vmul.f32 v2, v1;
	_ =	sdelay $0x1  }
0x3a5: {  	v2 =	vmul.f32 $8.999999760e-01, v2;
	_ =	sdelay $0x1  }
0x3a6: {  	v0 =	vadd.f32 v2, v0;
	_ =	sdelay $0x1  }
0x3a7: {  	v3 =	vld [tilespmem:s9+$0x0];
	v2 =	vmul.f32 v0, v1;
	_ =	sdelay $0x1  }
0x3a8: {  	v0 =	vpsel p2, v0, v2  }
0x3a9: {  	[tilespmem:s9+$0xFFFFFFF0] =	vst v0  }
0x3aa: {  	v0 =	vld [tilespmem:s28+$0x0]  }
0x3ab: {  	v2 =	vmul.f32 v3, v1;
	_ =	sdelay $0x1  }
0x3ac: {  	v2 =	vmul.f32 $8.999999760e-01, v2;
	_ =	sdelay $0x1  }
0x3ad: {  	v2 =	vadd.f32 v2, v0;
	_ =	sdelay $0x1  }
0x3ae: {  	v1 =	vmul.f32 v2, v1  }
0x3af: {  	s15 =	simm.s32 $0x7B50  }
0x3b0: {  	s30 =	simm.s32 $0x40;
	s29 =	simm.s32 $0x80;
	s13 =	simm.s32 $0x6300;
	v0 =	vld [tilespmem:s15+$0xFFFFFFF0];
	v1 =	vpsel p2, v2, v1  }
.LBB2_23:
0x3b1: {  	s22 =	sshra.s32 s30, $0x2;
	s28 =	sadd.s32 $0x40, s28  }
0x3b2: {  	v2 =	vld [tilespmem:s15+$0xFFFFFFE0];
	[tilespmem:s9+$0x0] =	vst v1;
	s30 =	smov.u32 s29;
	s3 =	sadd.s32 $0x40, s29;
	s9 =	smov.u32 s15  }
0x3b3: {  	p3 =	sne.s32 s29, $0x1FC0;
	v1 =	vld [tilespmem:s22+$0xD940];
	_ =	sdelay $0x3  }
0x3b4: {  	v3 =	vld [tilespmem:s28+$0xFFFFFFE0]  }
0x3b5: {  	v2 =	vmul.f32 v2, v1;
	v0 =	vmul.f32 v0, v1;
	_ =	sdelay $0x1  }
0x3b6: {  	v2 =	vmul.f32 $8.999999760e-01, v2;
	_ =	sdelay $0x1  }
0x3b7: {  	v2 =	vadd.f32 v2, v3;
	_ =	sdelay $0x1  }
0x3b8: {  	v3 =	vmul.f32 v2, v1;
	_ =	sdelay $0x1  }
0x3b9: {  	v2 =	vpsel p2, v2, v3  }
0x3ba: {  	[tilespmem:s15+$0xFFFFFFE0] =	vst v2  }
0x3bb: {  	v2 =	vld [tilespmem:s28+$0xFFFFFFF0];
	_ =	sdelay $0x2  }
0x3bc: {  	v0 =	vmul.f32 $8.999999760e-01, v0;
	_ =	sdelay $0x1  }
0x3bd: {  	v0 =	vadd.f32 v0, v2;
	_ =	sdelay $0x1  }
0x3be: {  	v2 =	vmul.f32 v0, v1;
	v3 =	vld [tilespmem:s15+$0x0];
	_ =	sdelay $0x1  }
0x3bf: {  	v0 =	vpsel p2, v0, v2  }
0x3c0: {  	[tilespmem:s15+$0xFFFFFFF0] =	vst v0  }
0x3c1: {  	v0 =	vld [tilespmem:s28+$0x0]  }
0x3c2: {  	v2 =	vmul.f32 v3, v1;
	_ =	sdelay $0x1  }
0x3c3: {  	v2 =	vmul.f32 $8.999999760e-01, v2;
	_ =	sdelay $0x1  }
.Ltmp16:
0x3c4: {  	v2 =	vadd.f32 v2, v0;
	(pc) =	sbr.rel @p3 .LBB2_23-.Ltmp16, $4  }
0x3c5: {  	_ = 	snop  }
0x3c6: {  	v1 =	vmul.f32 v2, v1  }
0x3c7: {  	s15 =	sadd.s32 $0x30, s15  }
0x3c8: {  	s29 =	smov.u32 s3;
	v0 =	vld [tilespmem:s15+$0xFFFFFFF0];
	v1 =	vpsel p2, v2, v1  }
0x3c9: {  	v2 =	vld [tilespmem:s15+$0xFFFFFFE0];
	s3 =	sshra.s32 s30, $0x2;
	[tilespmem:s9+$0x0] =	vst v1  }
0x3ca: {  	v1 =	vld [tilespmem:s3+$0xD940];
	_ =	sdelay $0x2  }
0x3cb: {  	s9 =	sadd.s32 $0x40, s28  }
0x3cc: {  	v3 =	vld [tilespmem:s9+$0xFFFFFFE0]  }
0x3cd: {  	v2 =	vmul.f32 v2, v1;
	_ =	sdelay $0x1  }
0x3ce: {  	v2 =	vmul.f32 $8.999999760e-01, v2;
	_ =	sdelay $0x1  }
0x3cf: {  	v2 =	vadd.f32 v2, v3;
	_ =	sdelay $0x1  }
0x3d0: {  	v3 =	vmul.f32 v2, v1;
	_ =	sdelay $0x1  }
0x3d1: {  	v2 =	vpsel p2, v2, v3  }
0x3d2: {  	[tilespmem:s15+$0xFFFFFFE0] =	vst v2  }
0x3d3: {  	v2 =	vld [tilespmem:s9+$0xFFFFFFF0]  }
0x3d4: {  	v0 =	vmul.f32 v0, v1;
	_ =	sdelay $0x1  }
0x3d5: {  	v0 =	vmul.f32 $8.999999760e-01, v0;
	_ =	sdelay $0x1  }
0x3d6: {  	v0 =	vadd.f32 v0, v2;
	_ =	sdelay $0x1  }
0x3d7: {  	v3 =	vld [tilespmem:s15+$0x0];
	v2 =	vmul.f32 v0, v1;
	_ =	sdelay $0x1  }
0x3d8: {  	v0 =	vpsel p2, v0, v2  }
0x3d9: {  	[tilespmem:s15+$0xFFFFFFF0] =	vst v0  }
0x3da: {  	v0 =	vld [tilespmem:s9+$0x0]  }
0x3db: {  	v2 =	vmul.f32 v3, v1;
	_ =	sdelay $0x1  }
0x3dc: {  	v2 =	vmul.f32 $8.999999760e-01, v2;
	_ =	sdelay $0x1  }
0x3dd: {  	v0 =	vadd.f32 v2, v0;
	_ =	sdelay $0x1  }
0x3de: {  	v1 =	vmul.f32 v0, v1  }
0x3df: {  	s22 =	sld [smem:$0x7E6]  }
0x3e0: {  	v0 =	vpsel p2, v0, v1  }
0x3e1: {  	s3 =	simm.s32 $0x0;
	[tilespmem:s15+$0x0] =	vst v0;
	s15 =	sld [smem:$0x7DF]  }
0x3e2: {  	[hbm4b:s22+s3] =	stream.linear.scatter [tilespmem:s14], [sflag:$0x11], $0x1800, $0x38;
	[tilespmem:$0x1F940] =	vst v63  }
0x3e3: {  	s22 =	simm.s32 $0x10  }
0x3e4: {  	[spmem:s15] =	stream.linear.scatter [tilespmem:s14], [sflag:$0x13], $0x1800, $0x38;
	[tilespmem:$0x1F940] =	vst v63  }
0x3e5: {  	_ =	swait.ge [sflag:s22], $0x1800  }
0x3e6: {  	[sflag:s22] =	ssyncset.done $0x0  }
0x3e7: {  	s15 =	simm.s32 $0x12;
	[sflag:s22] =	ssyncadd.s32 $0xFFFFE800  }
0x3e8: {  	_ =	swait.ge [sflag:s15], $0x1800  }
0x3e9: {  	s22 =	sld [smem:$0x7E0]  }
0x3ea: {  	[sflag:s15] =	ssyncset.done $0x0  }
0x3eb: {  	[sflag:s15] =	ssyncadd.s32 $0xFFFFE800;
	s15 =	simm.s32 $0x14  }
0x3ec: {  	[tilespmem:s13], [sflag:$0x14] =	stream.linear.gather [spmem:s22], $0x1800, $0x38;
	[tilespmem:$0x1F940] =	vst v63  }
0x3ed: {  	_ =	swait.ge [sflag:s15], $0x1800  }
0x3ee: {  	s13 =	sld [smem:$0x7DC]  }
0x3ef: {  	[sflag:s15] =	ssyncset.done $0x0  }
0x3f0: {  	s22 =	simm.s32 $0xAB00;
	[sflag:s15] =	ssyncadd.s32 $0xFFFFE800  }
0x3f1: {  	[tilespmem:s22], [sflag:$0xF] =	stream.linear.gather [hbm4b:s13+s3], $0x2000, $0x38;
	[tilespmem:$0x1F940] =	vst v63  }
0x3f2: {  	s13 =	rddreg [dreg:$0xf];
	s22 =	simm.s32 $0xD940  }
0x3f3: {  	[tilespmem:s22], [sflag:$0x14] =	stream.linear.gather [hbm4b:s13+s3], $0x800, $0x38;
	[tilespmem:$0x1F940] =	vst v63  }
0x3f4: {  	_ =	swait.ge [sflag:s15], $0x800  }
0x3f5: {  	[sflag:s15] =	ssyncset.done $0x0  }
0x3f6: {  	[sflag:s15] =	ssyncadd.s32 $0xFFFFF800;
	s15 =	simm.s32 $0xE  }
0x3f7: {  	_ =	swait.ge [sflag:s15], $0x2000  }
0x3f8: {  	[sflag:s15] =	ssyncset.done $0x0  }
0x3f9: {  	s9 =	simm.s32 $0x6320;
	[sflag:s15] =	ssyncadd.s32 $0xFFFFE000  }
0x3fa: {  	s22 =	simm.s32 $0x0;
	v0 =	vld [tilespmem:s9+$0xFFFFFFE0]  }
0x3fb: {  	v1 =	vld [tilespmem:s22+$0xD940];
	_ =	sdelay $0x2  }
0x3fc: {  	s28 =	simm.s32 $0x4320  }
0x3fd: {  	v2 =	vld [tilespmem:s28+$0xFFFFFFE0]  }
0x3fe: {  	v0 =	vmul.f32 v0, v1;
	_ =	sdelay $0x1  }
0x3ff: {  	v0 =	vmul.f32 $8.999999760e-01, v0;
	_ =	sdelay $0x1  }
0x400: {  	v0 =	vadd.f32 v0, v2;
	_ =	sdelay $0x1  }
0x401: {  	v2 =	vld [tilespmem:s9+$0xFFFFFFF0];
	v3 =	vmul.f32 v0, v1;
	_ =	sdelay $0x1  }
0x402: {  	v0 =	vpsel p2, v0, v3  }
0x403: {  	[tilespmem:s9+$0xFFFFFFE0] =	vst v0  }
0x404: {  	v0 =	vld [tilespmem:s28+$0xFFFFFFF0]  }
0x405: {  	v2 =	vmul.f32 v2, v1;
	_ =	sdelay $0x1  }
0x406: {  	v2 =	vmul.f32 $8.999999760e-01, v2;
	_ =	sdelay $0x1  }
0x407: {  	v0 =	vadd.f32 v2, v0;
	_ =	sdelay $0x1  }
0x408: {  	v3 =	vld [tilespmem:s9+$0x0];
	v2 =	vmul.f32 v0, v1;
	_ =	sdelay $0x1  }
0x409: {  	v0 =	vpsel p2, v0, v2  }
0x40a: {  	[tilespmem:s9+$0xFFFFFFF0] =	vst v0  }
0x40b: {  	v0 =	vld [tilespmem:s28+$0x0]  }
0x40c: {  	v2 =	vmul.f32 v3, v1;
	_ =	sdelay $0x1  }
0x40d: {  	v2 =	vmul.f32 $8.999999760e-01, v2;
	_ =	sdelay $0x1  }
0x40e: {  	v2 =	vadd.f32 v2, v0;
	_ =	sdelay $0x1  }
0x40f: {  	v1 =	vmul.f32 v2, v1  }
0x410: {  	s15 =	simm.s32 $0x6350  }
0x411: {  	s30 =	simm.s32 $0x40;
	s29 =	simm.s32 $0x80;
	v0 =	vld [tilespmem:s15+$0xFFFFFFF0];
	v1 =	vpsel p2, v2, v1  }
.LBB2_25:
0x412: {  	s22 =	sshra.s32 s30, $0x2;
	s28 =	sadd.s32 $0x40, s28  }
0x413: {  	v2 =	vld [tilespmem:s15+$0xFFFFFFE0];
	[tilespmem:s9+$0x0] =	vst v1;
	s30 =	smov.u32 s29;
	s3 =	sadd.s32 $0x40, s29;
	s9 =	smov.u32 s15  }
0x414: {  	p3 =	sne.s32 s29, $0x1FC0;
	v1 =	vld [tilespmem:s22+$0xD940];
	_ =	sdelay $0x3  }
0x415: {  	v3 =	vld [tilespmem:s28+$0xFFFFFFE0]  }
0x416: {  	v2 =	vmul.f32 v2, v1;
	v0 =	vmul.f32 v0, v1;
	_ =	sdelay $0x1  }
0x417: {  	v2 =	vmul.f32 $8.999999760e-01, v2;
	_ =	sdelay $0x1  }
0x418: {  	v2 =	vadd.f32 v2, v3;
	_ =	sdelay $0x1  }
0x419: {  	v3 =	vmul.f32 v2, v1;
	_ =	sdelay $0x1  }
0x41a: {  	v2 =	vpsel p2, v2, v3  }
0x41b: {  	[tilespmem:s15+$0xFFFFFFE0] =	vst v2  }
0x41c: {  	v2 =	vld [tilespmem:s28+$0xFFFFFFF0];
	_ =	sdelay $0x2  }
0x41d: {  	v0 =	vmul.f32 $8.999999760e-01, v0;
	_ =	sdelay $0x1  }
0x41e: {  	v0 =	vadd.f32 v0, v2;
	_ =	sdelay $0x1  }
0x41f: {  	v2 =	vmul.f32 v0, v1;
	v3 =	vld [tilespmem:s15+$0x0];
	_ =	sdelay $0x1  }
0x420: {  	v0 =	vpsel p2, v0, v2  }
0x421: {  	[tilespmem:s15+$0xFFFFFFF0] =	vst v0  }
0x422: {  	v0 =	vld [tilespmem:s28+$0x0]  }
0x423: {  	v2 =	vmul.f32 v3, v1;
	_ =	sdelay $0x1  }
0x424: {  	v2 =	vmul.f32 $8.999999760e-01, v2;
	_ =	sdelay $0x1  }
.Ltmp17:
0x425: {  	v2 =	vadd.f32 v2, v0;
	(pc) =	sbr.rel @p3 .LBB2_25-.Ltmp17, $4  }
0x426: {  	_ = 	snop  }
0x427: {  	v1 =	vmul.f32 v2, v1  }
0x428: {  	s15 =	sadd.s32 $0x30, s15  }
0x429: {  	s29 =	smov.u32 s3;
	v0 =	vld [tilespmem:s15+$0xFFFFFFF0];
	v1 =	vpsel p2, v2, v1  }
0x42a: {  	v2 =	vld [tilespmem:s15+$0xFFFFFFE0];
	s3 =	sshra.s32 s30, $0x2;
	[tilespmem:s9+$0x0] =	vst v1  }
0x42b: {  	v1 =	vld [tilespmem:s3+$0xD940];
	_ =	sdelay $0x2  }
0x42c: {  	s9 =	sadd.s32 $0x40, s28  }
0x42d: {  	v3 =	vld [tilespmem:s9+$0xFFFFFFE0]  }
0x42e: {  	v2 =	vmul.f32 v2, v1;
	_ =	sdelay $0x1  }
0x42f: {  	v2 =	vmul.f32 $8.999999760e-01, v2;
	_ =	sdelay $0x1  }
0x430: {  	v2 =	vadd.f32 v2, v3;
	_ =	sdelay $0x1  }
0x431: {  	v3 =	vmul.f32 v2, v1;
	_ =	sdelay $0x1  }
0x432: {  	v2 =	vpsel p2, v2, v3  }
0x433: {  	[tilespmem:s15+$0xFFFFFFE0] =	vst v2  }
0x434: {  	v2 =	vld [tilespmem:s9+$0xFFFFFFF0]  }
0x435: {  	v0 =	vmul.f32 v0, v1;
	_ =	sdelay $0x1  }
0x436: {  	v0 =	vmul.f32 $8.999999760e-01, v0;
	_ =	sdelay $0x1  }
0x437: {  	v0 =	vadd.f32 v0, v2;
	_ =	sdelay $0x1  }
0x438: {  	v3 =	vld [tilespmem:s15+$0x0];
	v2 =	vmul.f32 v0, v1;
	_ =	sdelay $0x1  }
0x439: {  	v0 =	vpsel p2, v0, v2  }
0x43a: {  	[tilespmem:s15+$0xFFFFFFF0] =	vst v0  }
0x43b: {  	v0 =	vld [tilespmem:s9+$0x0]  }
0x43c: {  	v2 =	vmul.f32 v3, v1;
	_ =	sdelay $0x1  }
0x43d: {  	v2 =	vmul.f32 $8.999999760e-01, v2;
	_ =	sdelay $0x1  }
0x43e: {  	v0 =	vadd.f32 v2, v0;
	_ =	sdelay $0x1  }
0x43f: {  	v1 =	vmul.f32 v0, v1  }
0x440: {  	s13 =	sld [smem:$0x7E8]  }
0x441: {  	v0 =	vpsel p2, v0, v1  }
0x442: {  	s22 =	sld [smem:$0x7E0];
	s3 =	simm.s32 $0x0;
	[tilespmem:s15+$0x0] =	vst v0;
	s15 =	simm.s32 $0x6300  }
0x443: {  	[hbm4b:s13+s3] =	stream.linear.scatter [tilespmem:s15], [sflag:$0x10], $0x1800, $0x38;
	[tilespmem:$0x1F940] =	vst v63  }
0x444: {  	_ = 	snop  }
0x445: {  	[spmem:s22] =	stream.linear.scatter [tilespmem:s15], [sflag:$0x12], $0x1800, $0x38;
	[tilespmem:$0x1F940] =	vst v63  }
0x446: {  	s22 =	simm.s32 $0x11  }
0x447: {  	_ =	swait.ge [sflag:s22], $0x1800  }
0x448: {  	[sflag:s22] =	ssyncset.done $0x0  }
0x449: {  	s15 =	simm.s32 $0x13;
	[sflag:s22] =	ssyncadd.s32 $0xFFFFE800  }
0x44a: {  	_ =	swait.ge [sflag:s15], $0x1800  }
0x44b: {  	s22 =	sld [smem:$0x7E2]  }
0x44c: {  	[sflag:s15] =	ssyncset.done $0x0  }
0x44d: {  	[sflag:s15] =	ssyncadd.s32 $0xFFFFE800;
	s15 =	simm.s32 $0x14  }
0x44e: {  	[tilespmem:s14], [sflag:$0x14] =	stream.linear.gather [spmem:s22], $0x1800, $0x38;
	[tilespmem:$0x1F940] =	vst v63  }
0x44f: {  	_ =	swait.ge [sflag:s15], $0x1800  }
0x450: {  	s9 =	sld [smem:$0x7DD]  }
0x451: {  	[sflag:s15] =	ssyncset.done $0x0  }
0x452: {  	s22 =	simm.s32 $0x4300;
	[sflag:s15] =	ssyncadd.s32 $0xFFFFE800  }
0x453: {  	[tilespmem:s22], [sflag:$0xE] =	stream.linear.gather [hbm4b:s9+s3], $0x2000, $0x38;
	[tilespmem:$0x1F940] =	vst v63  }
0x454: {  	s9 =	rddreg [dreg:$0x10];
	s22 =	simm.s32 $0xD940  }
0x455: {  	[tilespmem:s22], [sflag:$0x14] =	stream.linear.gather [hbm4b:s9+s3], $0x800, $0x38;
	[tilespmem:$0x1F940] =	vst v63  }
0x456: {  	_ =	swait.ge [sflag:s15], $0x800  }
0x457: {  	[sflag:s15] =	ssyncset.done $0x0  }
0x458: {  	[sflag:s15] =	ssyncadd.s32 $0xFFFFF800;
	s15 =	simm.s32 $0xF  }
0x459: {  	_ =	swait.ge [sflag:s15], $0x2000  }
0x45a: {  	[sflag:s15] =	ssyncset.done $0x0  }
0x45b: {  	s9 =	simm.s32 $0x7B20;
	[sflag:s15] =	ssyncadd.s32 $0xFFFFE000  }
0x45c: {  	s22 =	simm.s32 $0x0;
	v0 =	vld [tilespmem:s9+$0xFFFFFFE0]  }
0x45d: {  	v1 =	vld [tilespmem:s22+$0xD940];
	_ =	sdelay $0x2  }
0x45e: {  	s28 =	simm.s32 $0xAB20  }
0x45f: {  	v2 =	vld [tilespmem:s28+$0xFFFFFFE0]  }
0x460: {  	v0 =	vmul.f32 v0, v1;
	_ =	sdelay $0x1  }
0x461: {  	v0 =	vmul.f32 $8.999999760e-01, v0;
	_ =	sdelay $0x1  }
0x462: {  	v0 =	vadd.f32 v0, v2;
	_ =	sdelay $0x1  }
0x463: {  	v2 =	vld [tilespmem:s9+$0xFFFFFFF0];
	v3 =	vmul.f32 v0, v1;
	_ =	sdelay $0x1  }
0x464: {  	v0 =	vpsel p2, v0, v3  }
0x465: {  	[tilespmem:s9+$0xFFFFFFE0] =	vst v0  }
0x466: {  	v0 =	vld [tilespmem:s28+$0xFFFFFFF0]  }
0x467: {  	v2 =	vmul.f32 v2, v1;
	_ =	sdelay $0x1  }
0x468: {  	v2 =	vmul.f32 $8.999999760e-01, v2;
	_ =	sdelay $0x1  }
0x469: {  	v0 =	vadd.f32 v2, v0;
	_ =	sdelay $0x1  }
0x46a: {  	v3 =	vld [tilespmem:s9+$0x0];
	v2 =	vmul.f32 v0, v1;
	_ =	sdelay $0x1  }
0x46b: {  	v0 =	vpsel p2, v0, v2  }
0x46c: {  	[tilespmem:s9+$0xFFFFFFF0] =	vst v0  }
0x46d: {  	v0 =	vld [tilespmem:s28+$0x0]  }
0x46e: {  	v2 =	vmul.f32 v3, v1;
	_ =	sdelay $0x1  }
0x46f: {  	v2 =	vmul.f32 $8.999999760e-01, v2;
	_ =	sdelay $0x1  }
0x470: {  	v2 =	vadd.f32 v2, v0;
	_ =	sdelay $0x1  }
0x471: {  	v1 =	vmul.f32 v2, v1  }
0x472: {  	s15 =	simm.s32 $0x7B50  }
0x473: {  	s30 =	simm.s32 $0x40;
	s29 =	simm.s32 $0x80;
	s13 =	simm.s32 $0x6300;
	v0 =	vld [tilespmem:s15+$0xFFFFFFF0];
	v1 =	vpsel p2, v2, v1  }
.LBB2_27:
0x474: {  	s22 =	sshra.s32 s30, $0x2;
	s28 =	sadd.s32 $0x40, s28  }
0x475: {  	v2 =	vld [tilespmem:s15+$0xFFFFFFE0];
	[tilespmem:s9+$0x0] =	vst v1;
	s30 =	smov.u32 s29;
	s3 =	sadd.s32 $0x40, s29;
	s9 =	smov.u32 s15  }
0x476: {  	p3 =	sne.s32 s29, $0x1FC0;
	v1 =	vld [tilespmem:s22+$0xD940];
	_ =	sdelay $0x3  }
0x477: {  	v3 =	vld [tilespmem:s28+$0xFFFFFFE0]  }
0x478: {  	v2 =	vmul.f32 v2, v1;
	v0 =	vmul.f32 v0, v1;
	_ =	sdelay $0x1  }
0x479: {  	v2 =	vmul.f32 $8.999999760e-01, v2;
	_ =	sdelay $0x1  }
0x47a: {  	v2 =	vadd.f32 v2, v3;
	_ =	sdelay $0x1  }
0x47b: {  	v3 =	vmul.f32 v2, v1;
	_ =	sdelay $0x1  }
0x47c: {  	v2 =	vpsel p2, v2, v3  }
0x47d: {  	[tilespmem:s15+$0xFFFFFFE0] =	vst v2  }
0x47e: {  	v2 =	vld [tilespmem:s28+$0xFFFFFFF0];
	_ =	sdelay $0x2  }
0x47f: {  	v0 =	vmul.f32 $8.999999760e-01, v0;
	_ =	sdelay $0x1  }
0x480: {  	v0 =	vadd.f32 v0, v2;
	_ =	sdelay $0x1  }
0x481: {  	v2 =	vmul.f32 v0, v1;
	v3 =	vld [tilespmem:s15+$0x0];
	_ =	sdelay $0x1  }
0x482: {  	v0 =	vpsel p2, v0, v2  }
0x483: {  	[tilespmem:s15+$0xFFFFFFF0] =	vst v0  }
0x484: {  	v0 =	vld [tilespmem:s28+$0x0]  }
0x485: {  	v2 =	vmul.f32 v3, v1;
	_ =	sdelay $0x1  }
0x486: {  	v2 =	vmul.f32 $8.999999760e-01, v2;
	_ =	sdelay $0x1  }
.Ltmp18:
0x487: {  	v2 =	vadd.f32 v2, v0;
	(pc) =	sbr.rel @p3 .LBB2_27-.Ltmp18, $4  }
0x488: {  	_ = 	snop  }
0x489: {  	v1 =	vmul.f32 v2, v1  }
0x48a: {  	s15 =	sadd.s32 $0x30, s15  }
0x48b: {  	s29 =	smov.u32 s3;
	v0 =	vld [tilespmem:s15+$0xFFFFFFF0];
	v1 =	vpsel p2, v2, v1  }
0x48c: {  	v2 =	vld [tilespmem:s15+$0xFFFFFFE0];
	s3 =	sshra.s32 s30, $0x2;
	[tilespmem:s9+$0x0] =	vst v1  }
0x48d: {  	v1 =	vld [tilespmem:s3+$0xD940];
	_ =	sdelay $0x2  }
0x48e: {  	s9 =	sadd.s32 $0x40, s28  }
0x48f: {  	v3 =	vld [tilespmem:s9+$0xFFFFFFE0]  }
0x490: {  	v2 =	vmul.f32 v2, v1;
	_ =	sdelay $0x1  }
0x491: {  	v2 =	vmul.f32 $8.999999760e-01, v2;
	_ =	sdelay $0x1  }
0x492: {  	v2 =	vadd.f32 v2, v3;
	_ =	sdelay $0x1  }
0x493: {  	v3 =	vmul.f32 v2, v1;
	_ =	sdelay $0x1  }
0x494: {  	v2 =	vpsel p2, v2, v3  }
0x495: {  	[tilespmem:s15+$0xFFFFFFE0] =	vst v2  }
0x496: {  	v2 =	vld [tilespmem:s9+$0xFFFFFFF0]  }
0x497: {  	v0 =	vmul.f32 v0, v1;
	_ =	sdelay $0x1  }
0x498: {  	v0 =	vmul.f32 $8.999999760e-01, v0;
	_ =	sdelay $0x1  }
0x499: {  	v0 =	vadd.f32 v0, v2;
	_ =	sdelay $0x1  }
0x49a: {  	v3 =	vld [tilespmem:s15+$0x0];
	v2 =	vmul.f32 v0, v1;
	_ =	sdelay $0x1  }
0x49b: {  	v0 =	vpsel p2, v0, v2  }
0x49c: {  	[tilespmem:s15+$0xFFFFFFF0] =	vst v0  }
0x49d: {  	v0 =	vld [tilespmem:s9+$0x0]  }
0x49e: {  	v2 =	vmul.f32 v3, v1;
	_ =	sdelay $0x1  }
0x49f: {  	v2 =	vmul.f32 $8.999999760e-01, v2;
	_ =	sdelay $0x1  }
0x4a0: {  	v0 =	vadd.f32 v2, v0;
	_ =	sdelay $0x1  }
0x4a1: {  	v1 =	vmul.f32 v0, v1  }
0x4a2: {  	s22 =	sld [smem:$0x7EA]  }
0x4a3: {  	v0 =	vpsel p2, v0, v1  }
0x4a4: {  	s3 =	simm.s32 $0x0;
	[tilespmem:s15+$0x0] =	vst v0;
	s15 =	sld [smem:$0x7E2]  }
0x4a5: {  	[hbm4b:s22+s3] =	stream.linear.scatter [tilespmem:s14], [sflag:$0x11], $0x1800, $0x38;
	[tilespmem:$0x1F940] =	vst v63  }
0x4a6: {  	s22 =	simm.s32 $0x10  }
0x4a7: {  	[spmem:s15] =	stream.linear.scatter [tilespmem:s14], [sflag:$0x13], $0x1800, $0x38;
	[tilespmem:$0x1F940] =	vst v63  }
0x4a8: {  	_ =	swait.ge [sflag:s22], $0x1800  }
0x4a9: {  	[sflag:s22] =	ssyncset.done $0x0  }
0x4aa: {  	s15 =	simm.s32 $0x12;
	[sflag:s22] =	ssyncadd.s32 $0xFFFFE800  }
0x4ab: {  	_ =	swait.ge [sflag:s15], $0x1800  }
0x4ac: {  	s22 =	sld [smem:$0x7E3]  }
0x4ad: {  	[sflag:s15] =	ssyncset.done $0x0  }
0x4ae: {  	[sflag:s15] =	ssyncadd.s32 $0xFFFFE800;
	s15 =	simm.s32 $0x14  }
0x4af: {  	[tilespmem:s13], [sflag:$0x14] =	stream.linear.gather [spmem:s22], $0x1800, $0x38;
	[tilespmem:$0x1F940] =	vst v63  }
0x4b0: {  	_ =	swait.ge [sflag:s15], $0x1800  }
0x4b1: {  	[sflag:s15] =	ssyncset.done $0x0  }
0x4b2: {  	s22 =	simm.s32 $0xD940;
	s13 =	rddreg [dreg:$0x11];
	[sflag:s15] =	ssyncadd.s32 $0xFFFFE800  }
0x4b3: {  	[tilespmem:s22], [sflag:$0x14] =	stream.linear.gather [hbm4b:s13+s3], $0x800, $0x38;
	[tilespmem:$0x1F940] =	vst v63  }
0x4b4: {  	_ =	swait.ge [sflag:s15], $0x800  }
0x4b5: {  	[sflag:s15] =	ssyncset.done $0x0  }
0x4b6: {  	[sflag:s15] =	ssyncadd.s32 $0xFFFFF800;
	s15 =	simm.s32 $0xE  }
0x4b7: {  	_ =	swait.ge [sflag:s15], $0x2000  }
0x4b8: {  	[sflag:s15] =	ssyncset.done $0x0  }
0x4b9: {  	s9 =	simm.s32 $0x6320;
	[sflag:s15] =	ssyncadd.s32 $0xFFFFE000  }
0x4ba: {  	s22 =	simm.s32 $0x0;
	v0 =	vld [tilespmem:s9+$0xFFFFFFE0]  }
0x4bb: {  	v1 =	vld [tilespmem:s22+$0xD940];
	_ =	sdelay $0x2  }
0x4bc: {  	s28 =	simm.s32 $0x4320  }
0x4bd: {  	v2 =	vld [tilespmem:s28+$0xFFFFFFE0]  }
0x4be: {  	v0 =	vmul.f32 v0, v1;
	_ =	sdelay $0x1  }
0x4bf: {  	v0 =	vmul.f32 $8.999999760e-01, v0;
	_ =	sdelay $0x1  }
0x4c0: {  	v0 =	vadd.f32 v0, v2;
	_ =	sdelay $0x1  }
0x4c1: {  	v2 =	vld [tilespmem:s9+$0xFFFFFFF0];
	v3 =	vmul.f32 v0, v1;
	_ =	sdelay $0x1  }
0x4c2: {  	v0 =	vpsel p2, v0, v3  }
0x4c3: {  	[tilespmem:s9+$0xFFFFFFE0] =	vst v0  }
0x4c4: {  	v0 =	vld [tilespmem:s28+$0xFFFFFFF0]  }
0x4c5: {  	v2 =	vmul.f32 v2, v1;
	_ =	sdelay $0x1  }
0x4c6: {  	v2 =	vmul.f32 $8.999999760e-01, v2;
	_ =	sdelay $0x1  }
0x4c7: {  	v0 =	vadd.f32 v2, v0;
	_ =	sdelay $0x1  }
0x4c8: {  	v3 =	vld [tilespmem:s9+$0x0];
	v2 =	vmul.f32 v0, v1;
	_ =	sdelay $0x1  }
0x4c9: {  	v0 =	vpsel p2, v0, v2  }
0x4ca: {  	[tilespmem:s9+$0xFFFFFFF0] =	vst v0  }
0x4cb: {  	v0 =	vld [tilespmem:s28+$0x0]  }
0x4cc: {  	v2 =	vmul.f32 v3, v1;
	_ =	sdelay $0x1  }
0x4cd: {  	v2 =	vmul.f32 $8.999999760e-01, v2;
	_ =	sdelay $0x1  }
0x4ce: {  	v2 =	vadd.f32 v2, v0;
	_ =	sdelay $0x1  }
0x4cf: {  	v1 =	vmul.f32 v2, v1  }
0x4d0: {  	s15 =	simm.s32 $0x6350  }
0x4d1: {  	s30 =	simm.s32 $0x40;
	s29 =	simm.s32 $0x80;
	v0 =	vld [tilespmem:s15+$0xFFFFFFF0];
	v1 =	vpsel p2, v2, v1  }
.LBB2_29:
0x4d2: {  	s22 =	sshra.s32 s30, $0x2;
	s28 =	sadd.s32 $0x40, s28  }
0x4d3: {  	v2 =	vld [tilespmem:s15+$0xFFFFFFE0];
	[tilespmem:s9+$0x0] =	vst v1;
	s30 =	smov.u32 s29;
	s3 =	sadd.s32 $0x40, s29;
	s9 =	smov.u32 s15  }
0x4d4: {  	p3 =	sne.s32 s29, $0x1FC0;
	v1 =	vld [tilespmem:s22+$0xD940];
	_ =	sdelay $0x3  }
0x4d5: {  	v3 =	vld [tilespmem:s28+$0xFFFFFFE0]  }
0x4d6: {  	v2 =	vmul.f32 v2, v1;
	v0 =	vmul.f32 v0, v1;
	_ =	sdelay $0x1  }
0x4d7: {  	v2 =	vmul.f32 $8.999999760e-01, v2;
	_ =	sdelay $0x1  }
0x4d8: {  	v2 =	vadd.f32 v2, v3;
	_ =	sdelay $0x1  }
0x4d9: {  	v3 =	vmul.f32 v2, v1;
	_ =	sdelay $0x1  }
0x4da: {  	v2 =	vpsel p2, v2, v3  }
0x4db: {  	[tilespmem:s15+$0xFFFFFFE0] =	vst v2  }
0x4dc: {  	v2 =	vld [tilespmem:s28+$0xFFFFFFF0];
	_ =	sdelay $0x2  }
0x4dd: {  	v0 =	vmul.f32 $8.999999760e-01, v0;
	_ =	sdelay $0x1  }
0x4de: {  	v0 =	vadd.f32 v0, v2;
	_ =	sdelay $0x1  }
0x4df: {  	v2 =	vmul.f32 v0, v1;
	v3 =	vld [tilespmem:s15+$0x0];
	_ =	sdelay $0x1  }
0x4e0: {  	v0 =	vpsel p2, v0, v2  }
0x4e1: {  	[tilespmem:s15+$0xFFFFFFF0] =	vst v0  }
0x4e2: {  	v0 =	vld [tilespmem:s28+$0x0]  }
0x4e3: {  	v2 =	vmul.f32 v3, v1;
	_ =	sdelay $0x1  }
0x4e4: {  	v2 =	vmul.f32 $8.999999760e-01, v2;
	_ =	sdelay $0x1  }
.Ltmp19:
0x4e5: {  	v2 =	vadd.f32 v2, v0;
	(pc) =	sbr.rel @p3 .LBB2_29-.Ltmp19, $4  }
0x4e6: {  	_ = 	snop  }
0x4e7: {  	v1 =	vmul.f32 v2, v1  }
0x4e8: {  	s15 =	sadd.s32 $0x30, s15  }
0x4e9: {  	s29 =	smov.u32 s3;
	v0 =	vld [tilespmem:s15+$0xFFFFFFF0];
	v1 =	vpsel p2, v2, v1  }
.Ltmp20:
0x4ea: {  	_ = 	snop;
	(pc) =	sbr.rel .LBB2_30-.Ltmp20, $1  }
0x4eb: {  	_ =	sdelay $0x3  }
.LBB2_33:
0x4ec: {  	_ =	sfence.sel $0x180000  }
0x4ed: {  	[bflag:$0x0] =	sbarrier.arrive $0xFFFF  }
0x4ee: {  	_ =	strace $0x9000004A  }
0x4ef: {  	s0 =	stileid.u32;
	[bflag:$0x2] =	sbarrier.arrive $0xFFFF  }
0x4f0: {  	p0 =	sne.s32 s0, $0x0;
	s0 =	rddreg [dreg:$0x6]  }
0x4f1: {  	s0 =	sadd.s32 @!p0 $0x100000, s0  }
0x4f2: {  	[sflag:s0] =	ssyncadd.tile.s32 @!p0 $0x1;
	_ =	shalt  }
.Lfunc_end2:
_tile_overlayer_lowered:
.L_overlay_start_2:
0x4f3: {  	(tag) =	ssettag $0x2  }
0x4f4: {  	s0 =	rddreg [dreg:$0x0];
	s2 =	stileid.u32  }
0x4f5: {  	s1 =	rddreg [dreg:$0x1];
	p0 =	sne.s32 s2, $0x0  }
0x4f6: {  	s3 =	rddreg [dreg:$0x2];
	[bflag:$0x3] =	sbarrier.arrive $0xFFFF;
	s2 =	simm.s32 @!p0 $0x1C14  }
0x4f7: {  	[timem:s3], [sflag:s2] =	dma.local @!p0 [hbm:s0], s1  }
0x4f8: {  	s0 =	simm.s32 @!p0 $0x14  }
0x4f9: {  	_ =	swait.ge @!p0 [sflag:s0], s1  }
0x4fa: {  	s1 =	ssub.s32 @!p0 $0x0, s1;
	[sflag:s0] =	ssyncset.done @!p0 $0x0  }
0x4fb: {  	[sflag:s0] =	ssyncadd.s32 @!p0 s1  }
0x4fc: {  	[bflag:$0x3] =	sbarrier.arrive $0xFFFF  }
0x4fd: {  	_ =	shalt  }

</sc_bundles>
